<compile_context>
chip_gen: v7x
topology: tpu7x:2x2x1
jax: 0.10.2.dev20260603
libtpu: 0.0.44.dev20260713+nightly
codegen_flags: <defaults>
</compile_context>

<pallas_src>
import functools

import jax
import jax.numpy as jnp
from jax import lax
from jax.experimental import pallas as pl
from jax.experimental.pallas import tpu as pltpu
from jax.experimental.pallas import tpu_sc as plsc

N = 50000
E = 800000
RAW = 153
TASK = 384
HID = 64
OUT = 32
EDIM = 16
H1, D1 = 4, 16
H2, D2 = 4, 8

NBLK = 400
EBLK = 1024

NW = 32
E_PAD = 819200
EW = E_PAD // NW
RT = 50048
RPT = RT // 16
ST_R = 50048

CA = 1024
KA = CA // 128
NCA = E_PAD // CA
CB = 256
KB = CB // 128
NCB = E_PAD // CB



def _inproj_body(nf_ref, wr_ref, wt_ref, task_ref, b_ref, o_ref):
    c = jnp.dot(task_ref[...], wt_ref[...], preferred_element_type=jnp.float32)
    acc = jnp.dot(nf_ref[...], wr_ref[...], preferred_element_type=jnp.float32)
    o_ref[...] = jnp.maximum(acc + c + b_ref[...], 0.0)


def _input_projection(nf, W_in, task, b_in):
    return pl.pallas_call(
        _inproj_body,
        grid=(N // NBLK,),
        in_specs=[
            pl.BlockSpec((NBLK, RAW), lambda i: (i, 0)),
            pl.BlockSpec((RAW, HID), lambda i: (0, 0)),
            pl.BlockSpec((TASK, HID), lambda i: (0, 0)),
            pl.BlockSpec((1, TASK), lambda i: (0, 0)),
            pl.BlockSpec((1, HID), lambda i: (0, 0)),
        ],
        out_specs=pl.BlockSpec((NBLK, HID), lambda i: (i, 0)),
        out_shape=jax.ShapeDtypeStruct((N, HID), jnp.float32),
    )(nf, W_in[:RAW], W_in[RAW:], task.reshape(1, TASK), b_in.reshape(1, HID))


def _nodeproj1_body(x_ref, w_ref, b_ref, a2_ref, ha_ref, hb_ref, s_ref):
    h = jnp.dot(x_ref[...], w_ref[...], preferred_element_type=jnp.float32) + b_ref[...]
    ha_ref[...] = h[:, :32]
    hb_ref[...] = h[:, 32:]
    s_ref[...] = jnp.dot(h, a2_ref[...], preferred_element_type=jnp.float32)


def _node_projection1(x, W, b, A2):
    return pl.pallas_call(
        _nodeproj1_body,
        grid=(N // NBLK,),
        in_specs=[
            pl.BlockSpec((NBLK, HID), lambda i: (i, 0)),
            pl.BlockSpec((HID, H1 * D1), lambda i: (0, 0)),
            pl.BlockSpec((1, H1 * D1), lambda i: (0, 0)),
            pl.BlockSpec((H1 * D1, 16), lambda i: (0, 0)),
        ],
        out_specs=[
            pl.BlockSpec((NBLK, 32), lambda i: (i, 0)),
            pl.BlockSpec((NBLK, 32), lambda i: (i, 0)),
            pl.BlockSpec((NBLK, 16), lambda i: (i, 0)),
        ],
        out_shape=[
            jax.ShapeDtypeStruct((N, 32), jnp.float32),
            jax.ShapeDtypeStruct((N, 32), jnp.float32),
            jax.ShapeDtypeStruct((N, 16), jnp.float32),
        ],
    )(x, W, b.reshape(1, -1), A2)


def _nodeproj2_body(p_ref, w_ref, b_ref, a2_ref, h_ref, s_ref):
    x = jnp.concatenate(
        [jnp.maximum(p_ref[0, q] + p_ref[1, q], 0.0) for q in range(2)], axis=1)
    h = jnp.dot(x, w_ref[...], preferred_element_type=jnp.float32) + b_ref[...]
    h_ref[...] = h
    s_ref[...] = jnp.dot(h, a2_ref[...], preferred_element_type=jnp.float32)


def _node_projection2(out1_p, W, b, A2):
    return pl.pallas_call(
        _nodeproj2_body,
        grid=(N // NBLK,),
        in_specs=[
            pl.BlockSpec((2, 2, NBLK, 32), lambda i: (0, 0, i, 0)),
            pl.BlockSpec((HID, H2 * D2), lambda i: (0, 0)),
            pl.BlockSpec((1, H2 * D2), lambda i: (0, 0)),
            pl.BlockSpec((H2 * D2, 16), lambda i: (0, 0)),
        ],
        out_specs=[
            pl.BlockSpec((NBLK, 32), lambda i: (i, 0)),
            pl.BlockSpec((NBLK, 16), lambda i: (i, 0)),
        ],
        out_shape=[
            jax.ShapeDtypeStruct((N, 32), jnp.float32),
            jax.ShapeDtypeStruct((N, 16), jnp.float32),
        ],
    )(out1_p, W, b.reshape(1, -1), A2)


def _edgeproj_body(ef_ref, w1_ref, b1_ref, a1_ref, w2_ref, b2_ref, a2_ref,
                   eh1a_ref, eh1b_ref, se1_ref, eh2_ref, se2_ref):
    eh1 = jnp.dot(ef_ref[...], w1_ref[...], preferred_element_type=jnp.float32) + b1_ref[...]
    eh1a_ref[...] = eh1[:, :32]
    eh1b_ref[...] = eh1[:, 32:]
    se1_ref[...] = jnp.dot(eh1, a1_ref[...], preferred_element_type=jnp.float32)
    eh2 = jnp.dot(ef_ref[...], w2_ref[...], preferred_element_type=jnp.float32) + b2_ref[...]
    eh2_ref[...] = eh2
    se2_ref[...] = jnp.dot(eh2, a2_ref[...], preferred_element_type=jnp.float32)


def _edge_projection(ef, We1, be1, Ae1, We2, be2, Ae2):
    return pl.pallas_call(
        _edgeproj_body,
        grid=(E_PAD // EBLK,),
        in_specs=[
            pl.BlockSpec((EBLK, EDIM), lambda i: (i, 0)),
            pl.BlockSpec((EDIM, H1 * D1), lambda i: (0, 0)),
            pl.BlockSpec((1, H1 * D1), lambda i: (0, 0)),
            pl.BlockSpec((H1 * D1, H1), lambda i: (0, 0)),
            pl.BlockSpec((EDIM, H2 * D2), lambda i: (0, 0)),
            pl.BlockSpec((1, H2 * D2), lambda i: (0, 0)),
            pl.BlockSpec((H2 * D2, H2), lambda i: (0, 0)),
        ],
        out_specs=[
            pl.BlockSpec((EBLK, 32), lambda i: (i, 0)),
            pl.BlockSpec((EBLK, 32), lambda i: (i, 0)),
            pl.BlockSpec((EBLK, H1), lambda i: (i, 0)),
            pl.BlockSpec((EBLK, 32), lambda i: (i, 0)),
            pl.BlockSpec((EBLK, H2), lambda i: (i, 0)),
        ],
        out_shape=[
            jax.ShapeDtypeStruct((E_PAD, 32), jnp.float32),
            jax.ShapeDtypeStruct((E_PAD, 32), jnp.float32),
            jax.ShapeDtypeStruct((E_PAD, H1), jnp.float32),
            jax.ShapeDtypeStruct((E_PAD, 32), jnp.float32),
            jax.ShapeDtypeStruct((E_PAD, H2), jnp.float32),
        ],
    )(ef, We1, be1.reshape(1, -1), Ae1, We2, be2.reshape(1, -1), Ae2)


def _combine_body(p_ref, o_ref):
    o_ref[...] = p_ref[0] + p_ref[1]


def _combine_den(den_p):
    return pl.pallas_call(
        _combine_body,
        grid=(16,),
        in_specs=[pl.BlockSpec((2, RPT, 16), lambda i: (0, i, 0))],
        out_specs=pl.BlockSpec((RPT, 16), lambda i: (i, 0)),
        out_shape=jax.ShapeDtypeStruct((RT, 16), jnp.float32),
    )(den_p)


def _final_body(p_ref, w1_ref, b1_ref, w2_ref, b2_ref, x_ref, sc_ref):
    x = p_ref[0] + p_ref[1]
    x_ref[...] = x
    hsc = jnp.maximum(jnp.dot(x, w1_ref[...], preferred_element_type=jnp.float32) + b1_ref[...], 0.0)
    sc_ref[...] = jnp.dot(hsc, w2_ref[...], preferred_element_type=jnp.float32) + b2_ref[...]


def _final(out2_p, Ws1, bs1, Ws2, bs2):
    return pl.pallas_call(
        _final_body,
        grid=(N // NBLK,),
        in_specs=[
            pl.BlockSpec((2, NBLK, 32), lambda i: (0, i, 0)),
            pl.BlockSpec((OUT, 32), lambda i: (0, 0)),
            pl.BlockSpec((1, 32), lambda i: (0, 0)),
            pl.BlockSpec((32, 1), lambda i: (0, 0)),
            pl.BlockSpec((1, 1), lambda i: (0, 0)),
        ],
        out_specs=[
            pl.BlockSpec((NBLK, OUT), lambda i: (i, 0)),
            pl.BlockSpec((NBLK, 1), lambda i: (i, 0)),
        ],
        out_shape=[
            jax.ShapeDtypeStruct((N, OUT), jnp.float32),
            jax.ShapeDtypeStruct((N, 1), jnp.float32),
        ],
    )(out2_p, Ws1, bs1.reshape(1, -1), Ws2, bs2.reshape(1, -1))


def _blockdiag(a):
    nh, hd = a.shape
    eye = jnp.eye(nh, dtype=a.dtype)
    return (a[:, :, None] * eye[:, None, :]).reshape(nh * hd, nh)



_MESH = plsc.VectorSubcoreMesh(core_axis_name="c", subcore_axis_name="s")
_CP = pltpu.CompilerParams(use_tc_tiling_on_sc=False)


def _vtake(x, idx):
    return lax.gather(
        x, idx[:, None],
        lax.GatherDimensionNumbers(offset_dims=(), collapsed_slice_dims=(0,),
                                   start_index_map=(0,)),
        (1,), mode=lax.GatherScatterMode.PROMISE_IN_BOUNDS)


def _tile_slice(ref, s):
    return ref.at[pl.ds(pl.multiple_of(s * RPT, 8), RPT)]



def _stage_a_body(src4, dst4, s_t, se_c, z16,
                  den_out, ex_out,
                  srcv, dstv, tsrc, tdst, sev, ex3, den_s,
                  sem_i, sem_d, sem_g, sem_s):
    c = lax.axis_index("c")
    s = lax.axis_index("s")
    w = c * 16 + s
    pltpu.sync_copy(z16, _tile_slice(den_s, s))
    sev[pl.ds(CA * 4, 16)] = jnp.zeros((16,), jnp.float32)
    plsc.subcore_barrier()

    iota = lax.iota(jnp.int32, 16)
    rot4 = jnp.where(iota < 12, iota + 4, iota - 12)

    def chunk(it, _):
        t = w * (EW // CA) + it
        d1 = pltpu.async_copy(src4.at[t], srcv, sem_i)
        d2 = pltpu.async_copy(dst4.at[t], dstv, sem_i)
        d3 = pltpu.async_copy(se_c.at[t], sev.at[pl.ds(0, CA * 4)], sem_s)
        d1.wait()
        d2.wait()
        d3.wait()
        gg = []
        for j in range(KA):
            gg.append(pltpu.async_copy(s_t.at[srcv.at[j]], tsrc.at[j], sem_d))
            gg.append(pltpu.async_copy(s_t.at[dstv.at[j]], tdst.at[j], sem_g))
        for g in gg:
            g.wait()

        def step(q, _):
            j = q // 128
            r = q % 128
            tt = tsrc[j, r, :] + _vtake(tdst[j, r, :], rot4) + sev[pl.ds(4 * q, 16)]
            ex3[j, r, :] = jnp.exp(jnp.maximum(tt, 0.2 * tt))
            return 0

        lax.fori_loop(0, CA, step, 0)

        ss = [pltpu.async_copy(ex3.at[j], den_s.at[dstv.at[j]], sem_s, add=True)
              for j in range(KA)]
        d4 = pltpu.async_copy(ex3, ex_out.at[t], sem_i)
        for d in ss:
            d.wait()
        d4.wait()
        return 0

    lax.fori_loop(0, EW // CA, chunk, 0)

    plsc.subcore_barrier()
    pltpu.sync_copy(_tile_slice(den_s, s), _tile_slice(den_out.at[c], s))


def _stage_a(src4, dst4, s_t, se_c, z16):
    f = functools.partial(
        pl.kernel, _stage_a_body, mesh=_MESH, compiler_params=_CP,
        out_type=[
            jax.ShapeDtypeStruct((2, RT, 16), jnp.float32),
            jax.ShapeDtypeStruct((NCA, KA, 128, 16), jnp.float32),
        ],
        scratch_types=[
            pltpu.VMEM((KA, 128), jnp.int32),
            pltpu.VMEM((KA, 128), jnp.int32),
            pltpu.VMEM((KA, 128, 16), jnp.float32),
            pltpu.VMEM((KA, 128, 16), jnp.float32),
            pltpu.VMEM((CA * 4 + 16,), jnp.float32),
            pltpu.VMEM((KA, 128, 16), jnp.float32),
            pltpu.VMEM_SHARED((RT, 16), jnp.float32),
            pltpu.SemaphoreType.DMA,
            pltpu.SemaphoreType.DMA,
            pltpu.SemaphoreType.DMA,
            pltpu.SemaphoreType.DMA,
        ],
    )()
    return f(src4, dst4, s_t, se_c, z16)



def _stage_b1_body(src4, dst4, ha_t, hb_t, eh_a, eh_b, den_t, ex_c, z32,
                   out_p,
                   srcv, dstv, hs3, ehv, denv, exv, out_s,
                   sem_i, sem_d, sem_g, sem_s):
    c = lax.axis_index("c")
    s = lax.axis_index("s")
    w = c * 16 + s

    for p in range(2):
        h_t = ha_t if p == 0 else hb_t
        eh_t = eh_a if p == 0 else eh_b
        pltpu.sync_copy(z32, _tile_slice(out_s, s))
        plsc.subcore_barrier()

        i0 = jnp.full((16,), 2 * p, jnp.int32)
        i1 = jnp.full((16,), 2 * p + 1, jnp.int32)

        def chunk(it, _):
            t = w * (EW // CB) + it
            d1 = pltpu.async_copy(src4.at[t], srcv, sem_i)
            d2 = pltpu.async_copy(dst4.at[t], dstv, sem_i)
            d3 = pltpu.async_copy(ex_c.at[t], exv, sem_s)
            d4 = pltpu.async_copy(eh_t.at[t], ehv, sem_s)
            d1.wait()
            d2.wait()
            g0 = pltpu.async_copy(h_t.at[srcv.at[0]], hs3.at[0], sem_d)
            g1 = pltpu.async_copy(h_t.at[srcv.at[1]], hs3.at[1], sem_d)
            g2 = pltpu.async_copy(den_t.at[dstv.at[0]], denv.at[0], sem_g)
            g3 = pltpu.async_copy(den_t.at[dstv.at[1]], denv.at[1], sem_g)
            d3.wait()
            d4.wait()
            g0.wait()
            g1.wait()
            g2.wait()
            g3.wait()

            def mstep(q, _):
                j = q // 128
                r = q % 128
                alpha = exv[j, r, :] / (denv[j, r, :] + 1e-16)
                m0 = _vtake(alpha, i0)
                m1 = _vtake(alpha, i1)
                ehv[j, r, pl.ds(0, 16)] = m0 * (hs3[j, r, pl.ds(0, 16)] + ehv[j, r, pl.ds(0, 16)])
                ehv[j, r, pl.ds(16, 16)] = m1 * (hs3[j, r, pl.ds(16, 16)] + ehv[j, r, pl.ds(16, 16)])
                return 0

            lax.fori_loop(0, CB, mstep, 0)

            ss = [pltpu.async_copy(ehv.at[j], out_s.at[dstv.at[j]], sem_s, add=True)
                  for j in range(KB)]
            for d in ss:
                d.wait()
            return 0

        lax.fori_loop(0, EW // CB, chunk, 0)

        plsc.subcore_barrier()
        pltpu.sync_copy(_tile_slice(out_s, s), _tile_slice(out_p.at[c, p], s))
        plsc.subcore_barrier()


def _stage_b1(src4, dst4, ha_t, hb_t, eh_a, eh_b, den_t, ex_c, z32):
    f = functools.partial(
        pl.kernel, _stage_b1_body, mesh=_MESH, compiler_params=_CP,
        out_type=jax.ShapeDtypeStruct((2, 2, RT, 32), jnp.float32),
        scratch_types=[
            pltpu.VMEM((KB, 128), jnp.int32),
            pltpu.VMEM((KB, 128), jnp.int32),
            pltpu.VMEM((KB, 128, 32), jnp.float32),
            pltpu.VMEM((KB, 128, 32), jnp.float32),
            pltpu.VMEM((KB, 128, 16), jnp.float32),
            pltpu.VMEM((KB, 128, 16), jnp.float32),
            pltpu.VMEM_SHARED((RT, 32), jnp.float32),
            pltpu.SemaphoreType.DMA,
            pltpu.SemaphoreType.DMA,
            pltpu.SemaphoreType.DMA,
            pltpu.SemaphoreType.DMA,
        ],
    )()
    return f(src4, dst4, ha_t, hb_t, eh_a, eh_b, den_t, ex_c, z32)


def _stage_b2_body(src4, dst4, h_t, eh_c, den_t, ex_c, z32,
                   out_p,
                   srcv, dstv, hs3, ehv, denv, exv, out_s,
                   sem_i, sem_d, sem_g, sem_s):
    c = lax.axis_index("c")
    s = lax.axis_index("s")
    w = c * 16 + s

    pltpu.sync_copy(z32, _tile_slice(out_s, s))
    plsc.subcore_barrier()

    iota = lax.iota(jnp.int32, 16)
    pat01 = jnp.where(iota >= 8, 1, 0)
    pat23 = pat01 + 2

    def chunk(it, _):
        t = w * (EW // CB) + it
        d1 = pltpu.async_copy(src4.at[t], srcv, sem_i)
        d2 = pltpu.async_copy(dst4.at[t], dstv, sem_i)
        d3 = pltpu.async_copy(ex_c.at[t], exv, sem_s)
        d4 = pltpu.async_copy(eh_c.at[t], ehv, sem_s)
        d1.wait()
        d2.wait()
        g0 = pltpu.async_copy(h_t.at[srcv.at[0]], hs3.at[0], sem_d)
        g1 = pltpu.async_copy(h_t.at[srcv.at[1]], hs3.at[1], sem_d)
        g2 = pltpu.async_copy(den_t.at[dstv.at[0]], denv.at[0], sem_g)
        g3 = pltpu.async_copy(den_t.at[dstv.at[1]], denv.at[1], sem_g)
        d3.wait()
        d4.wait()
        g0.wait()
        g1.wait()
        g2.wait()
        g3.wait()

        def mstep(q, _):
            j = q // 128
            r = q % 128
            alpha = exv[j, r, :] / (denv[j, r, :] + 1e-16)
            ma = _vtake(alpha, pat01)
            mb = _vtake(alpha, pat23)
            ehv[j, r, pl.ds(0, 16)] = ma * (hs3[j, r, pl.ds(0, 16)] + ehv[j, r, pl.ds(0, 16)])
            ehv[j, r, pl.ds(16, 16)] = mb * (hs3[j, r, pl.ds(16, 16)] + ehv[j, r, pl.ds(16, 16)])
            return 0

        lax.fori_loop(0, CB, mstep, 0)

        ss = [pltpu.async_copy(ehv.at[j], out_s.at[dstv.at[j]], sem_s, add=True)
              for j in range(KB)]
        for d in ss:
            d.wait()
        return 0

    lax.fori_loop(0, EW // CB, chunk, 0)

    plsc.subcore_barrier()
    pltpu.sync_copy(_tile_slice(out_s, s), _tile_slice(out_p.at[c], s))


def _stage_b2(src4, dst4, h_t, eh_c, den_t, ex_c, z32):
    f = functools.partial(
        pl.kernel, _stage_b2_body, mesh=_MESH, compiler_params=_CP,
        out_type=jax.ShapeDtypeStruct((2, RT, 32), jnp.float32),
        scratch_types=[
            pltpu.VMEM((KB, 128), jnp.int32),
            pltpu.VMEM((KB, 128), jnp.int32),
            pltpu.VMEM((KB, 128, 32), jnp.float32),
            pltpu.VMEM((KB, 128, 32), jnp.float32),
            pltpu.VMEM((KB, 128, 16), jnp.float32),
            pltpu.VMEM((KB, 128, 16), jnp.float32),
            pltpu.VMEM_SHARED((RT, 32), jnp.float32),
            pltpu.SemaphoreType.DMA,
            pltpu.SemaphoreType.DMA,
            pltpu.SemaphoreType.DMA,
            pltpu.SemaphoreType.DMA,
        ],
    )()
    return f(src4, dst4, h_t, eh_c, den_t, ex_c, z32)



def kernel(node_features, edge_index, edge_features, task_embedding,
           W_in, b_in,
           Wx1, bx1, We1, be1, a_src1, a_dst1, a_edge1,
           Wx2, bx2, We2, be2, a_src2, a_dst2, a_edge2,
           Ws1, bs1, Ws2, bs2):
    src = edge_index[0].astype(jnp.int32)
    dst = edge_index[1].astype(jnp.int32)
    npad = E_PAD - E
    src_p = jnp.concatenate([src, jnp.zeros((npad,), jnp.int32)])
    dst_p = jnp.concatenate([dst, jnp.full((npad,), N, jnp.int32)])
    srcA = src_p.reshape(NCA, KA, 128)
    dstA = dst_p.reshape(NCA, KA, 128)
    srcB = src_p.reshape(NCB, KB, 128)
    dstB = dst_p.reshape(NCB, KB, 128)
    ef_p = jnp.concatenate([edge_features, jnp.zeros((npad, EDIM), jnp.float32)])

    z16 = jnp.zeros((RPT, 16), jnp.float32)
    z32 = jnp.zeros((RPT, 32), jnp.float32)

    x0 = _input_projection(node_features, W_in, task_embedding, b_in)

    A1 = jnp.concatenate([_blockdiag(a_src1), _blockdiag(a_dst1),
                          jnp.zeros((H1 * D1, 8), jnp.float32)], axis=1)
    A2 = jnp.concatenate([_blockdiag(a_src2), _blockdiag(a_dst2),
                          jnp.zeros((H2 * D2, 8), jnp.float32)], axis=1)
    eh1a, eh1b, se1, eh2, se2 = _edge_projection(
        ef_p, We1, be1, _blockdiag(a_edge1), We2, be2, _blockdiag(a_edge2))
    eh1aB = eh1a.reshape(NCB, KB, 128, 32)
    eh1bB = eh1b.reshape(NCB, KB, 128, 32)
    eh2B = eh2.reshape(NCB, KB, 128, 32)
    se1c = se1.reshape(NCA, CA * 4)
    se2c = se2.reshape(NCA, CA * 4)

    h1a, h1b, s1 = _node_projection1(x0, Wx1, bx1, A1)
    s1t = jnp.pad(s1, ((0, ST_R - N), (0, 0)))
    den1_p, ex1 = _stage_a(srcA, dstA, s1t, se1c, z16)
    den1 = _combine_den(den1_p)
    ex1B = ex1.reshape(NCB, KB, 128, 16)
    out1_p = _stage_b1(srcB, dstB, h1a, h1b, eh1aB, eh1bB, den1, ex1B, z32)

    h2, s2 = _node_projection2(out1_p, Wx2, bx2, A2)
    s2t = jnp.pad(s2, ((0, ST_R - N), (0, 0)))
    den2_p, ex2 = _stage_a(srcA, dstA, s2t, se2c, z16)
    den2 = _combine_den(den2_p)
    ex2B = ex2.reshape(NCB, KB, 128, 16)
    out2_p = _stage_b2(srcB, dstB, h2, eh2B, den2, ex2B, z32)

    x2, scores = _final(out2_p, Ws1, bs1, Ws2, bs2)
    return scores[:, 0], x2

# --- scband reference (transcript-rebuilt; emitter-appended) ---
"""Pipeline reference for scband-task-conditioned-gnn-1022202216760 (READ-ONLY COPY).

The authoritative reference and input builder live on the scoring server;
editing this copy changes nothing except your own understanding.
"""

import jax, jax.numpy as jnp
import numpy as np

N = 50000
E = 800000
RAW = 153
TASK = 384
HID = 64
OUT = 32
EDIM = 16
H1, D1 = 4, 16
H2, D2 = 4, 8


def setup_inputs(seed: int = 0) -> dict:
    key = jax.random.key(seed)
    ks = [jax.random.fold_in(key, i) for i in range(32)]
    s = 0.05
    inp = {}
    inp['node_features'] = jax.random.normal(ks[0], (N, RAW), dtype=jnp.float32)
    inp['edge_index'] = jax.random.randint(ks[1], (2, E), 0, N)
    inp['edge_features'] = jax.random.normal(ks[2], (E, EDIM), dtype=jnp.float32)
    inp['task_embedding'] = jax.random.normal(ks[3], (TASK,), dtype=jnp.float32)
    # input projection (raw+task -> hidden)
    inp['W_in'] = jax.random.normal(ks[4], (RAW + TASK, HID), dtype=jnp.float32) * s
    inp['b_in'] = jnp.zeros((HID,), dtype=jnp.float32)
    # GAT layer 1: in 64 -> out 64, 4 heads x 16
    inp['Wx1'] = jax.random.normal(ks[5], (HID, H1 * D1), dtype=jnp.float32) * s
    inp['bx1'] = jnp.zeros((H1 * D1,), dtype=jnp.float32)
    inp['We1'] = jax.random.normal(ks[6], (EDIM, H1 * D1), dtype=jnp.float32) * s
    inp['be1'] = jnp.zeros((H1 * D1,), dtype=jnp.float32)
    inp['a_src1'] = jax.random.normal(ks[7], (H1, D1), dtype=jnp.float32) * s
    inp['a_dst1'] = jax.random.normal(ks[8], (H1, D1), dtype=jnp.float32) * s
    inp['a_edge1'] = jax.random.normal(ks[9], (H1, D1), dtype=jnp.float32) * s
    # GAT layer 2: in 64 -> out 32, 4 heads x 8
    inp['Wx2'] = jax.random.normal(ks[10], (HID, H2 * D2), dtype=jnp.float32) * s
    inp['bx2'] = jnp.zeros((H2 * D2,), dtype=jnp.float32)
    inp['We2'] = jax.random.normal(ks[11], (EDIM, H2 * D2), dtype=jnp.float32) * s
    inp['be2'] = jnp.zeros((H2 * D2,), dtype=jnp.float32)
    inp['a_src2'] = jax.random.normal(ks[12], (H2, D2), dtype=jnp.float32) * s
    inp['a_dst2'] = jax.random.normal(ks[13], (H2, D2), dtype=jnp.float32) * s
    inp['a_edge2'] = jax.random.normal(ks[14], (H2, D2), dtype=jnp.float32) * s
    # scorer MLP: out_dim -> 32 -> 1
    inp['Ws1'] = jax.random.normal(ks[15], (OUT, 32), dtype=jnp.float32) * s
    inp['bs1'] = jnp.zeros((32,), dtype=jnp.float32)
    inp['Ws2'] = jax.random.normal(ks[16], (32, 1), dtype=jnp.float32) * s
    inp['bs2'] = jnp.zeros((1,), dtype=jnp.float32)
    return inp


def _gat_layer(x, edge_index, ef, Wx, bx, We, be, a_src, a_dst, a_edge, nh, hd):
    n = x.shape[0]
    e = ef.shape[0]
    src = edge_index[0]
    dst = edge_index[1]
    h = (x @ Wx + bx).reshape(n, nh, hd)
    eh = (ef @ We + be).reshape(e, nh, hd)
    hs = jnp.take(h, src, axis=0)
    hd_ = jnp.take(h, dst, axis=0)
    logit = (hs * a_src).sum(-1) + (hd_ * a_dst).sum(-1) + (eh * a_edge).sum(-1)
    logit = jax.nn.leaky_relu(logit, 0.2)
    m = jax.ops.segment_max(logit, dst, num_segments=n)
    m = jnp.where(jnp.isfinite(m), m, 0.0)
    ex = jnp.exp(logit - jnp.take(m, dst, axis=0))
    den = jax.ops.segment_sum(ex, dst, num_segments=n)
    alpha = ex / (jnp.take(den, dst, axis=0) + 1e-16)
    msg = (alpha[..., None] * (hs + eh)).reshape(e, nh * hd)
    return jax.ops.segment_sum(msg, dst, num_segments=n)


def reference(node_features, edge_index, edge_features, task_embedding,
              W_in, b_in,
              Wx1, bx1, We1, be1, a_src1, a_dst1, a_edge1,
              Wx2, bx2, We2, be2, a_src2, a_dst2, a_edge2,
              Ws1, bs1, Ws2, bs2):
    n = node_features.shape[0]
    task_expanded = jnp.broadcast_to(task_embedding[None, :], (n, task_embedding.shape[0]))
    x = jnp.concatenate([node_features, task_expanded], axis=-1)
    x = jax.nn.relu(x @ W_in + b_in)
    x = jax.nn.relu(_gat_layer(x, edge_index, edge_features, Wx1, bx1, We1, be1, a_src1, a_dst1, a_edge1, H1, D1))
    x = _gat_layer(x, edge_index, edge_features, Wx2, bx2, We2, be2, a_src2, a_dst2, a_edge2, H2, D2)
    hsc = jax.nn.relu(x @ Ws1 + bs1)
    scores = (hsc @ Ws2 + bs2).squeeze(-1)
    return scores, x

if __name__ == "__main__":
    import jax
    _d = setup_inputs()
    print(jax.jit(kernel)(*tuple(_d.values())))

</pallas_src>

<mosaic_0001>
#map = affine_map<(d0, d1) -> (0, 0, 0)>
#map1 = affine_map<(d0, d1) -> (0, 0)>
#map2 = affine_map<(d0, d1) -> (0, 0, 0, 0)>
module attributes {stable_mosaic.version = 14 : i64} {
  func.func @_stage_b1_body(%arg0: i32, %arg1: i32, %arg2: memref<3200x2x128xi32, #tpu.memory_space<hbm>>, %arg3: memref<3200x2x128xi32, #tpu.memory_space<hbm>>, %arg4: memref<50000x32xf32, #tpu.memory_space<hbm>>, %arg5: memref<50000x32xf32, #tpu.memory_space<hbm>>, %arg6: memref<3200x2x128x32xf32, #tpu.memory_space<hbm>>, %arg7: memref<3200x2x128x32xf32, #tpu.memory_space<hbm>>, %arg8: memref<50048x16xf32, #tpu.memory_space<hbm>>, %arg9: memref<3200x2x128x16xf32, #tpu.memory_space<hbm>>, %arg10: memref<3128x32xf32, #tpu.memory_space<hbm>>, %arg11: memref<2x2x50048x32xf32, #tpu.memory_space<hbm>>, %arg12: memref<2x128xi32, #tpu.memory_space<vmem>>, %arg13: memref<2x128xi32, #tpu.memory_space<vmem>>, %arg14: memref<2x128x32xf32, #tpu.memory_space<vmem>>, %arg15: memref<2x128x32xf32, #tpu.memory_space<vmem>>, %arg16: memref<2x128x16xf32, #tpu.memory_space<vmem>>, %arg17: memref<2x128x16xf32, #tpu.memory_space<vmem>>, %arg18: memref<50048x32xf32, #tpu.memory_space<vmem_shared>>, %arg19: memref<!tpu.dma_semaphore, #tpu.memory_space<semaphore_mem>>, %arg20: memref<!tpu.dma_semaphore, #tpu.memory_space<semaphore_mem>>, %arg21: memref<!tpu.dma_semaphore, #tpu.memory_space<semaphore_mem>>, %arg22: memref<!tpu.dma_semaphore, #tpu.memory_space<semaphore_mem>>) attributes {dimension_semantics = [#tpu.dimension_semantics<core_parallel>, #tpu.dimension_semantics<subcore_parallel>], iteration_bounds = array<i64: 2, 16>, scalar_prefetch = 0 : i64, scratch_operands = 11 : i64, tpu.core_type = #tpu.core_type<sc_vector_subcore>, window_params = [{transform_indices = #map}, {transform_indices = #map}, {transform_indices = #map1}, {transform_indices = #map1}, {transform_indices = #map2}, {transform_indices = #map2}, {transform_indices = #map1}, {transform_indices = #map2}, {transform_indices = #map1}, {transform_indices = #map2}]} {
    %mul3A = arith.constant 16 : i32
    %mul3A_0 = arith.muli %arg0, %mul3A : i32
    %add3A = arith.addi %mul3A_0, %arg1 : i32
    %mul3A_1 = arith.constant 3128 : i32
    %mul3A_2 = arith.muli %arg1, %mul3A_1 : i32
    %multiple_of3A = tpu.assume_multiple %mul3A_2, 8 : i32
    "tpu.region"() ({
      %run_scoped3A_44 = tpu.sem_alloc : memref<!tpu.dma_semaphore, #tpu.memory_space<semaphore_mem>>
      %dma_start3A = arith.constant 0 : i32
      %dma_start3A_45 = tpu.memref_slice %arg18[%multiple_of3A, %dma_start3A] : memref<50048x32xf32, #tpu.memory_space<vmem_shared>> -> memref<3128x32xf32, #tpu.memory_space<vmem_shared>>
      tpu.enqueue_dma source(%arg10 : memref<3128x32xf32, #tpu.memory_space<hbm>>) target(%dma_start3A_45 : memref<3128x32xf32, #tpu.memory_space<vmem_shared>>) target_semaphore(%run_scoped3A_44 : memref<!tpu.dma_semaphore, #tpu.memory_space<semaphore_mem>>)
      %dma_wait3A = arith.constant 0 : i32
      %dma_wait3A_46 = tpu.memref_slice %arg18[%multiple_of3A, %dma_wait3A] : memref<50048x32xf32, #tpu.memory_space<vmem_shared>> -> memref<3128x32xf32, #tpu.memory_space<vmem_shared>>
      tpu.wait_dma2 semaphore(%run_scoped3A_44 : memref<!tpu.dma_semaphore, #tpu.memory_space<semaphore_mem>>) src(%arg10 : memref<3128x32xf32, #tpu.memory_space<hbm>>) dst(%dma_wait3A_46 : memref<3128x32xf32, #tpu.memory_space<vmem_shared>>)
      tpu.yield
    }) : () -> ()
    %barrier3A = arith.constant 0 : index
    tpu.barrier barrier_id(%barrier3A)
    %broadcast_in_dim3A = arith.constant 0 : i32
    %broadcast_in_dim3A_3 = vector.broadcast %broadcast_in_dim3A : i32 to vector<16xi32>
    %broadcast_in_dim3A_4 = arith.constant 1 : i32
    %broadcast_in_dim3A_5 = vector.broadcast %broadcast_in_dim3A_4 : i32 to vector<16xi32>
    %scan3A = arith.constant 0 : i32
    %scan3A_6 = arith.constant 0 : i32
    %scan3A_7 = arith.constant 100 : i32
    %scan3A_8 = arith.addi %scan3A_6, %scan3A_7 : i32
    %scan3A_9 = arith.constant 1 : i32
    %scan3A_10 = scf.for %scan3A_44 = %scan3A_6 to %scan3A_8 step %scan3A_9 iter_args(%scan3A_45 = %scan3A) -> (i32)  : i32 {
      %mul3A_46 = arith.constant 100 : i32
      %mul3A_47 = arith.muli %add3A, %mul3A_46 : i32
      %add3A_48 = arith.addi %mul3A_47, %scan3A_44 : i32
      %dma_start3A = arith.constant 0 : i32
      %dma_start3A_49 = arith.constant 0 : i32
      %dma_start3A_50 = tpu.memref_slice %arg2[%add3A_48, %dma_start3A, %dma_start3A_49] : memref<3200x2x128xi32, #tpu.memory_space<hbm>> -> memref<1x2x128xi32, #tpu.memory_space<hbm>>
      %dma_start3A_51 = tpu.memref_squeeze %dma_start3A_50 : memref<1x2x128xi32, #tpu.memory_space<hbm>> -> memref<2x128xi32, #tpu.memory_space<hbm>>
      %dma_start3A_52 = arith.constant 0 : i32
      %dma_start3A_53 = arith.constant 0 : i32
      %dma_start3A_54 = tpu.memref_slice %arg2[%add3A_48, %dma_start3A_52, %dma_start3A_53] : memref<3200x2x128xi32, #tpu.memory_space<hbm>> -> memref<1x2x128xi32, #tpu.memory_space<hbm>>
      %dma_start3A_55 = tpu.memref_squeeze %dma_start3A_54 : memref<1x2x128xi32, #tpu.memory_space<hbm>> -> memref<2x128xi32, #tpu.memory_space<hbm>>
      tpu.enqueue_dma source(%dma_start3A_55 : memref<2x128xi32, #tpu.memory_space<hbm>>) target(%arg12 : memref<2x128xi32, #tpu.memory_space<vmem>>) target_semaphore(%arg19 : memref<!tpu.dma_semaphore, #tpu.memory_space<semaphore_mem>>)
      %dma_start3A_56 = arith.constant 0 : i32
      %dma_start3A_57 = arith.constant 0 : i32
      %dma_start3A_58 = tpu.memref_slice %arg3[%add3A_48, %dma_start3A_56, %dma_start3A_57] : memref<3200x2x128xi32, #tpu.memory_space<hbm>> -> memref<1x2x128xi32, #tpu.memory_space<hbm>>
      %dma_start3A_59 = tpu.memref_squeeze %dma_start3A_58 : memref<1x2x128xi32, #tpu.memory_space<hbm>> -> memref<2x128xi32, #tpu.memory_space<hbm>>
      %dma_start3A_60 = arith.constant 0 : i32
      %dma_start3A_61 = arith.constant 0 : i32
      %dma_start3A_62 = tpu.memref_slice %arg3[%add3A_48, %dma_start3A_60, %dma_start3A_61] : memref<3200x2x128xi32, #tpu.memory_space<hbm>> -> memref<1x2x128xi32, #tpu.memory_space<hbm>>
      %dma_start3A_63 = tpu.memref_squeeze %dma_start3A_62 : memref<1x2x128xi32, #tpu.memory_space<hbm>> -> memref<2x128xi32, #tpu.memory_space<hbm>>
      tpu.enqueue_dma source(%dma_start3A_63 : memref<2x128xi32, #tpu.memory_space<hbm>>) target(%arg13 : memref<2x128xi32, #tpu.memory_space<vmem>>) target_semaphore(%arg19 : memref<!tpu.dma_semaphore, #tpu.memory_space<semaphore_mem>>)
      %dma_start3A_64 = arith.constant 0 : i32
      %dma_start3A_65 = arith.constant 0 : i32
      %dma_start3A_66 = arith.constant 0 : i32
      %dma_start3A_67 = tpu.memref_slice %arg9[%add3A_48, %dma_start3A_64, %dma_start3A_65, %dma_start3A_66] : memref<3200x2x128x16xf32, #tpu.memory_space<hbm>> -> memref<1x2x128x16xf32, #tpu.memory_space<hbm>>
      %dma_start3A_68 = tpu.memref_squeeze %dma_start3A_67 : memref<1x2x128x16xf32, #tpu.memory_space<hbm>> -> memref<2x128x16xf32, #tpu.memory_space<hbm>>
      %dma_start3A_69 = arith.constant 0 : i32
      %dma_start3A_70 = arith.constant 0 : i32
      %dma_start3A_71 = arith.constant 0 : i32
      %dma_start3A_72 = tpu.memref_slice %arg9[%add3A_48, %dma_start3A_69, %dma_start3A_70, %dma_start3A_71] : memref<3200x2x128x16xf32, #tpu.memory_space<hbm>> -> memref<1x2x128x16xf32, #tpu.memory_space<hbm>>
      %dma_start3A_73 = tpu.memref_squeeze %dma_start3A_72 : memref<1x2x128x16xf32, #tpu.memory_space<hbm>> -> memref<2x128x16xf32, #tpu.memory_space<hbm>>
      tpu.enqueue_dma source(%dma_start3A_73 : memref<2x128x16xf32, #tpu.memory_space<hbm>>) target(%arg17 : memref<2x128x16xf32, #tpu.memory_space<vmem>>) target_semaphore(%arg22 : memref<!tpu.dma_semaphore, #tpu.memory_space<semaphore_mem>>)
      %dma_start3A_74 = arith.constant 0 : i32
      %dma_start3A_75 = arith.constant 0 : i32
      %dma_start3A_76 = arith.constant 0 : i32
      %dma_start3A_77 = tpu.memref_slice %arg6[%add3A_48, %dma_start3A_74, %dma_start3A_75, %dma_start3A_76] : memref<3200x2x128x32xf32, #tpu.memory_space<hbm>> -> memref<1x2x128x32xf32, #tpu.memory_space<hbm>>
      %dma_start3A_78 = tpu.memref_squeeze %dma_start3A_77 : memref<1x2x128x32xf32, #tpu.memory_space<hbm>> -> memref<2x128x32xf32, #tpu.memory_space<hbm>>
      %dma_start3A_79 = arith.constant 0 : i32
      %dma_start3A_80 = arith.constant 0 : i32
      %dma_start3A_81 = arith.constant 0 : i32
      %dma_start3A_82 = tpu.memref_slice %arg6[%add3A_48, %dma_start3A_79, %dma_start3A_80, %dma_start3A_81] : memref<3200x2x128x32xf32, #tpu.memory_space<hbm>> -> memref<1x2x128x32xf32, #tpu.memory_space<hbm>>
      %dma_start3A_83 = tpu.memref_squeeze %dma_start3A_82 : memref<1x2x128x32xf32, #tpu.memory_space<hbm>> -> memref<2x128x32xf32, #tpu.memory_space<hbm>>
      tpu.enqueue_dma source(%dma_start3A_83 : memref<2x128x32xf32, #tpu.memory_space<hbm>>) target(%arg15 : memref<2x128x32xf32, #tpu.memory_space<vmem>>) target_semaphore(%arg22 : memref<!tpu.dma_semaphore, #tpu.memory_space<semaphore_mem>>)
      %dma_wait3A = arith.constant 0 : i32
      %dma_wait3A_84 = arith.constant 0 : i32
      %dma_wait3A_85 = tpu.memref_slice %arg2[%add3A_48, %dma_wait3A, %dma_wait3A_84] : memref<3200x2x128xi32, #tpu.memory_space<hbm>> -> memref<1x2x128xi32, #tpu.memory_space<hbm>>
      %dma_wait3A_86 = tpu.memref_squeeze %dma_wait3A_85 : memref<1x2x128xi32, #tpu.memory_space<hbm>> -> memref<2x128xi32, #tpu.memory_space<hbm>>
      %dma_wait3A_87 = arith.constant 0 : i32
      %dma_wait3A_88 = arith.constant 0 : i32
      %dma_wait3A_89 = tpu.memref_slice %arg2[%add3A_48, %dma_wait3A_87, %dma_wait3A_88] : memref<3200x2x128xi32, #tpu.memory_space<hbm>> -> memref<1x2x128xi32, #tpu.memory_space<hbm>>
      %dma_wait3A_90 = tpu.memref_squeeze %dma_wait3A_89 : memref<1x2x128xi32, #tpu.memory_space<hbm>> -> memref<2x128xi32, #tpu.memory_space<hbm>>
      tpu.wait_dma2 semaphore(%arg19 : memref<!tpu.dma_semaphore, #tpu.memory_space<semaphore_mem>>) src(%dma_wait3A_90 : memref<2x128xi32, #tpu.memory_space<hbm>>) dst(%arg12 : memref<2x128xi32, #tpu.memory_space<vmem>>)
      %dma_wait3A_91 = arith.constant 0 : i32
      %dma_wait3A_92 = arith.constant 0 : i32
      %dma_wait3A_93 = tpu.memref_slice %arg3[%add3A_48, %dma_wait3A_91, %dma_wait3A_92] : memref<3200x2x128xi32, #tpu.memory_space<hbm>> -> memref<1x2x128xi32, #tpu.memory_space<hbm>>
      %dma_wait3A_94 = tpu.memref_squeeze %dma_wait3A_93 : memref<1x2x128xi32, #tpu.memory_space<hbm>> -> memref<2x128xi32, #tpu.memory_space<hbm>>
      %dma_wait3A_95 = arith.constant 0 : i32
      %dma_wait3A_96 = arith.constant 0 : i32
      %dma_wait3A_97 = tpu.memref_slice %arg3[%add3A_48, %dma_wait3A_95, %dma_wait3A_96] : memref<3200x2x128xi32, #tpu.memory_space<hbm>> -> memref<1x2x128xi32, #tpu.memory_space<hbm>>
      %dma_wait3A_98 = tpu.memref_squeeze %dma_wait3A_97 : memref<1x2x128xi32, #tpu.memory_space<hbm>> -> memref<2x128xi32, #tpu.memory_space<hbm>>
      tpu.wait_dma2 semaphore(%arg19 : memref<!tpu.dma_semaphore, #tpu.memory_space<semaphore_mem>>) src(%dma_wait3A_98 : memref<2x128xi32, #tpu.memory_space<hbm>>) dst(%arg13 : memref<2x128xi32, #tpu.memory_space<vmem>>)
      %dma_start3A_99 = arith.constant 0 : i32
      %dma_start3A_100 = arith.constant 0 : i32
      %dma_start3A_101 = arith.constant 0 : i32
      %dma_start3A_102 = arith.constant 0 : i32
      %dma_start3A_103 = tpu.memref_slice %arg14[%dma_start3A_100, %dma_start3A_101, %dma_start3A_102] : memref<2x128x32xf32, #tpu.memory_space<vmem>> -> memref<1x128x32xf32, #tpu.memory_space<vmem>>
      %dma_start3A_104 = tpu.memref_squeeze %dma_start3A_103 : memref<1x128x32xf32, #tpu.memory_space<vmem>> -> memref<128x32xf32, #tpu.memory_space<vmem>>
      %dma_start3A_105 = arith.constant 0 : i32
      %dma_start3A_106 = tpu.memref_slice %arg12[%dma_start3A_99, %dma_start3A_105] : memref<2x128xi32, #tpu.memory_space<vmem>> -> memref<1x128xi32, #tpu.memory_space<vmem>>
      %dma_start3A_107 = tpu.memref_squeeze %dma_start3A_106 : memref<1x128xi32, #tpu.memory_space<vmem>> -> memref<128xi32, #tpu.memory_space<vmem>>
      %dma_start3A_108 = arith.constant 0 : i32
      %dma_start3A_109 = arith.constant 0 : i32
      %dma_start3A_110 = tpu.memref_slice %arg4[%dma_start3A_108, %dma_start3A_109] : memref<50000x32xf32, #tpu.memory_space<hbm>> -> memref<50000x32xf32, #tpu.memory_space<hbm>>
      tpu.enqueue_indirect_dma source(%dma_start3A_110 : memref<50000x32xf32, #tpu.memory_space<hbm>>) target(%dma_start3A_104 : memref<128x32xf32, #tpu.memory_space<vmem>>) offsets(%dma_start3A_107 : memref<128xi32, #tpu.memory_space<vmem>>) semaphore(%arg20 : memref<!tpu.dma_semaphore, #tpu.memory_space<semaphore_mem>>)
      %dma_start3A_111 = arith.constant 1 : i32
      %dma_start3A_112 = arith.constant 1 : i32
      %dma_start3A_113 = arith.constant 0 : i32
      %dma_start3A_114 = arith.constant 0 : i32
      %dma_start3A_115 = tpu.memref_slice %arg14[%dma_start3A_112, %dma_start3A_113, %dma_start3A_114] : memref<2x128x32xf32, #tpu.memory_space<vmem>> -> memref<1x128x32xf32, #tpu.memory_space<vmem>>
      %dma_start3A_116 = tpu.memref_squeeze %dma_start3A_115 : memref<1x128x32xf32, #tpu.memory_space<vmem>> -> memref<128x32xf32, #tpu.memory_space<vmem>>
      %dma_start3A_117 = arith.constant 0 : i32
      %dma_start3A_118 = tpu.memref_slice %arg12[%dma_start3A_111, %dma_start3A_117] : memref<2x128xi32, #tpu.memory_space<vmem>> -> memref<1x128xi32, #tpu.memory_space<vmem>>
      %dma_start3A_119 = tpu.memref_squeeze %dma_start3A_118 : memref<1x128xi32, #tpu.memory_space<vmem>> -> memref<128xi32, #tpu.memory_space<vmem>>
      %dma_start3A_120 = arith.constant 0 : i32
      %dma_start3A_121 = arith.constant 0 : i32
      %dma_start3A_122 = tpu.memref_slice %arg4[%dma_start3A_120, %dma_start3A_121] : memref<50000x32xf32, #tpu.memory_space<hbm>> -> memref<50000x32xf32, #tpu.memory_space<hbm>>
      tpu.enqueue_indirect_dma source(%dma_start3A_122 : memref<50000x32xf32, #tpu.memory_space<hbm>>) target(%dma_start3A_116 : memref<128x32xf32, #tpu.memory_space<vmem>>) offsets(%dma_start3A_119 : memref<128xi32, #tpu.memory_space<vmem>>) semaphore(%arg20 : memref<!tpu.dma_semaphore, #tpu.memory_space<semaphore_mem>>)
      %dma_start3A_123 = arith.constant 0 : i32
      %dma_start3A_124 = arith.constant 0 : i32
      %dma_start3A_125 = arith.constant 0 : i32
      %dma_start3A_126 = arith.constant 0 : i32
      %dma_start3A_127 = tpu.memref_slice %arg16[%dma_start3A_124, %dma_start3A_125, %dma_start3A_126] : memref<2x128x16xf32, #tpu.memory_space<vmem>> -> memref<1x128x16xf32, #tpu.memory_space<vmem>>
      %dma_start3A_128 = tpu.memref_squeeze %dma_start3A_127 : memref<1x128x16xf32, #tpu.memory_space<vmem>> -> memref<128x16xf32, #tpu.memory_space<vmem>>
      %dma_start3A_129 = arith.constant 0 : i32
      %dma_start3A_130 = tpu.memref_slice %arg13[%dma_start3A_123, %dma_start3A_129] : memref<2x128xi32, #tpu.memory_space<vmem>> -> memref<1x128xi32, #tpu.memory_space<vmem>>
      %dma_start3A_131 = tpu.memref_squeeze %dma_start3A_130 : memref<1x128xi32, #tpu.memory_space<vmem>> -> memref<128xi32, #tpu.memory_space<vmem>>
      %dma_start3A_132 = arith.constant 0 : i32
      %dma_start3A_133 = arith.constant 0 : i32
      %dma_start3A_134 = tpu.memref_slice %arg8[%dma_start3A_132, %dma_start3A_133] : memref<50048x16xf32, #tpu.memory_space<hbm>> -> memref<50048x16xf32, #tpu.memory_space<hbm>>
      tpu.enqueue_indirect_dma source(%dma_start3A_134 : memref<50048x16xf32, #tpu.memory_space<hbm>>) target(%dma_start3A_128 : memref<128x16xf32, #tpu.memory_space<vmem>>) offsets(%dma_start3A_131 : memref<128xi32, #tpu.memory_space<vmem>>) semaphore(%arg21 : memref<!tpu.dma_semaphore, #tpu.memory_space<semaphore_mem>>)
      %dma_start3A_135 = arith.constant 1 : i32
      %dma_start3A_136 = arith.constant 1 : i32
      %dma_start3A_137 = arith.constant 0 : i32
      %dma_start3A_138 = arith.constant 0 : i32
      %dma_start3A_139 = tpu.memref_slice %arg16[%dma_start3A_136, %dma_start3A_137, %dma_start3A_138] : memref<2x128x16xf32, #tpu.memory_space<vmem>> -> memref<1x128x16xf32, #tpu.memory_space<vmem>>
      %dma_start3A_140 = tpu.memref_squeeze %dma_start3A_139 : memref<1x128x16xf32, #tpu.memory_space<vmem>> -> memref<128x16xf32, #tpu.memory_space<vmem>>
      %dma_start3A_141 = arith.constant 0 : i32
      %dma_start3A_142 = tpu.memref_slice %arg13[%dma_start3A_135, %dma_start3A_141] : memref<2x128xi32, #tpu.memory_space<vmem>> -> memref<1x128xi32, #tpu.memory_space<vmem>>
      %dma_start3A_143 = tpu.memref_squeeze %dma_start3A_142 : memref<1x128xi32, #tpu.memory_space<vmem>> -> memref<128xi32, #tpu.memory_space<vmem>>
      %dma_start3A_144 = arith.constant 0 : i32
      %dma_start3A_145 = arith.constant 0 : i32
      %dma_start3A_146 = tpu.memref_slice %arg8[%dma_start3A_144, %dma_start3A_145] : memref<50048x16xf32, #tpu.memory_space<hbm>> -> memref<50048x16xf32, #tpu.memory_space<hbm>>
      tpu.enqueue_indirect_dma source(%dma_start3A_146 : memref<50048x16xf32, #tpu.memory_space<hbm>>) target(%dma_start3A_140 : memref<128x16xf32, #tpu.memory_space<vmem>>) offsets(%dma_start3A_143 : memref<128xi32, #tpu.memory_space<vmem>>) semaphore(%arg21 : memref<!tpu.dma_semaphore, #tpu.memory_space<semaphore_mem>>)
      %dma_wait3A_147 = arith.constant 0 : i32
      %dma_wait3A_148 = arith.constant 0 : i32
      %dma_wait3A_149 = arith.constant 0 : i32
      %dma_wait3A_150 = tpu.memref_slice %arg9[%add3A_48, %dma_wait3A_147, %dma_wait3A_148, %dma_wait3A_149] : memref<3200x2x128x16xf32, #tpu.memory_space<hbm>> -> memref<1x2x128x16xf32, #tpu.memory_space<hbm>>
      %dma_wait3A_151 = tpu.memref_squeeze %dma_wait3A_150 : memref<1x2x128x16xf32, #tpu.memory_space<hbm>> -> memref<2x128x16xf32, #tpu.memory_space<hbm>>
      %dma_wait3A_152 = arith.constant 0 : i32
      %dma_wait3A_153 = arith.constant 0 : i32
      %dma_wait3A_154 = arith.constant 0 : i32
      %dma_wait3A_155 = tpu.memref_slice %arg9[%add3A_48, %dma_wait3A_152, %dma_wait3A_153, %dma_wait3A_154] : memref<3200x2x128x16xf32, #tpu.memory_space<hbm>> -> memref<1x2x128x16xf32, #tpu.memory_space<hbm>>
      %dma_wait3A_156 = tpu.memref_squeeze %dma_wait3A_155 : memref<1x2x128x16xf32, #tpu.memory_space<hbm>> -> memref<2x128x16xf32, #tpu.memory_space<hbm>>
      tpu.wait_dma2 semaphore(%arg22 : memref<!tpu.dma_semaphore, #tpu.memory_space<semaphore_mem>>) src(%dma_wait3A_156 : memref<2x128x16xf32, #tpu.memory_space<hbm>>) dst(%arg17 : memref<2x128x16xf32, #tpu.memory_space<vmem>>)
      %dma_wait3A_157 = arith.constant 0 : i32
      %dma_wait3A_158 = arith.constant 0 : i32
      %dma_wait3A_159 = arith.constant 0 : i32
      %dma_wait3A_160 = tpu.memref_slice %arg6[%add3A_48, %dma_wait3A_157, %dma_wait3A_158, %dma_wait3A_159] : memref<3200x2x128x32xf32, #tpu.memory_space<hbm>> -> memref<1x2x128x32xf32, #tpu.memory_space<hbm>>
      %dma_wait3A_161 = tpu.memref_squeeze %dma_wait3A_160 : memref<1x2x128x32xf32, #tpu.memory_space<hbm>> -> memref<2x128x32xf32, #tpu.memory_space<hbm>>
      %dma_wait3A_162 = arith.constant 0 : i32
      %dma_wait3A_163 = arith.constant 0 : i32
      %dma_wait3A_164 = arith.constant 0 : i32
      %dma_wait3A_165 = tpu.memref_slice %arg6[%add3A_48, %dma_wait3A_162, %dma_wait3A_163, %dma_wait3A_164] : memref<3200x2x128x32xf32, #tpu.memory_space<hbm>> -> memref<1x2x128x32xf32, #tpu.memory_space<hbm>>
      %dma_wait3A_166 = tpu.memref_squeeze %dma_wait3A_165 : memref<1x2x128x32xf32, #tpu.memory_space<hbm>> -> memref<2x128x32xf32, #tpu.memory_space<hbm>>
      tpu.wait_dma2 semaphore(%arg22 : memref<!tpu.dma_semaphore, #tpu.memory_space<semaphore_mem>>) src(%dma_wait3A_166 : memref<2x128x32xf32, #tpu.memory_space<hbm>>) dst(%arg15 : memref<2x128x32xf32, #tpu.memory_space<vmem>>)
      %dma_wait3A_167 = arith.constant 0 : i32
      %dma_wait3A_168 = arith.constant 0 : i32
      %dma_wait3A_169 = arith.constant 0 : i32
      %dma_wait3A_170 = arith.constant 0 : i32
      %dma_wait3A_171 = tpu.memref_slice %arg14[%dma_wait3A_168, %dma_wait3A_169, %dma_wait3A_170] : memref<2x128x32xf32, #tpu.memory_space<vmem>> -> memref<1x128x32xf32, #tpu.memory_space<vmem>>
      %dma_wait3A_172 = tpu.memref_squeeze %dma_wait3A_171 : memref<1x128x32xf32, #tpu.memory_space<vmem>> -> memref<128x32xf32, #tpu.memory_space<vmem>>
      %dma_wait3A_173 = arith.constant 0 : i32
      %dma_wait3A_174 = tpu.memref_slice %arg12[%dma_wait3A_167, %dma_wait3A_173] : memref<2x128xi32, #tpu.memory_space<vmem>> -> memref<1x128xi32, #tpu.memory_space<vmem>>
      %dma_wait3A_175 = tpu.memref_squeeze %dma_wait3A_174 : memref<1x128xi32, #tpu.memory_space<vmem>> -> memref<128xi32, #tpu.memory_space<vmem>>
      %dma_wait3A_176 = arith.constant 0 : i32
      %dma_wait3A_177 = arith.constant 0 : i32
      %dma_wait3A_178 = tpu.memref_slice %arg4[%dma_wait3A_176, %dma_wait3A_177] : memref<50000x32xf32, #tpu.memory_space<hbm>> -> memref<50000x32xf32, #tpu.memory_space<hbm>>
      tpu.wait_indirect_dma semaphore(%arg20 : memref<!tpu.dma_semaphore, #tpu.memory_space<semaphore_mem>>) src(%dma_wait3A_178 : memref<50000x32xf32, #tpu.memory_space<hbm>>) dst(%dma_wait3A_172 : memref<128x32xf32, #tpu.memory_space<vmem>>)
      %dma_wait3A_179 = arith.constant 1 : i32
      %dma_wait3A_180 = arith.constant 1 : i32
      %dma_wait3A_181 = arith.constant 0 : i32
      %dma_wait3A_182 = arith.constant 0 : i32
      %dma_wait3A_183 = tpu.memref_slice %arg14[%dma_wait3A_180, %dma_wait3A_181, %dma_wait3A_182] : memref<2x128x32xf32, #tpu.memory_space<vmem>> -> memref<1x128x32xf32, #tpu.memory_space<vmem>>
      %dma_wait3A_184 = tpu.memref_squeeze %dma_wait3A_183 : memref<1x128x32xf32, #tpu.memory_space<vmem>> -> memref<128x32xf32, #tpu.memory_space<vmem>>
      %dma_wait3A_185 = arith.constant 0 : i32
      %dma_wait3A_186 = tpu.memref_slice %arg12[%dma_wait3A_179, %dma_wait3A_185] : memref<2x128xi32, #tpu.memory_space<vmem>> -> memref<1x128xi32, #tpu.memory_space<vmem>>
      %dma_wait3A_187 = tpu.memref_squeeze %dma_wait3A_186 : memref<1x128xi32, #tpu.memory_space<vmem>> -> memref<128xi32, #tpu.memory_space<vmem>>
      %dma_wait3A_188 = arith.constant 0 : i32
      %dma_wait3A_189 = arith.constant 0 : i32
      %dma_wait3A_190 = tpu.memref_slice %arg4[%dma_wait3A_188, %dma_wait3A_189] : memref<50000x32xf32, #tpu.memory_space<hbm>> -> memref<50000x32xf32, #tpu.memory_space<hbm>>
      tpu.wait_indirect_dma semaphore(%arg20 : memref<!tpu.dma_semaphore, #tpu.memory_space<semaphore_mem>>) src(%dma_wait3A_190 : memref<50000x32xf32, #tpu.memory_space<hbm>>) dst(%dma_wait3A_184 : memref<128x32xf32, #tpu.memory_space<vmem>>)
      %dma_wait3A_191 = arith.constant 0 : i32
      %dma_wait3A_192 = arith.constant 0 : i32
      %dma_wait3A_193 = arith.constant 0 : i32
      %dma_wait3A_194 = arith.constant 0 : i32
      %dma_wait3A_195 = tpu.memref_slice %arg16[%dma_wait3A_192, %dma_wait3A_193, %dma_wait3A_194] : memref<2x128x16xf32, #tpu.memory_space<vmem>> -> memref<1x128x16xf32, #tpu.memory_space<vmem>>
      %dma_wait3A_196 = tpu.memref_squeeze %dma_wait3A_195 : memref<1x128x16xf32, #tpu.memory_space<vmem>> -> memref<128x16xf32, #tpu.memory_space<vmem>>
      %dma_wait3A_197 = arith.constant 0 : i32
      %dma_wait3A_198 = tpu.memref_slice %arg13[%dma_wait3A_191, %dma_wait3A_197] : memref<2x128xi32, #tpu.memory_space<vmem>> -> memref<1x128xi32, #tpu.memory_space<vmem>>
      %dma_wait3A_199 = tpu.memref_squeeze %dma_wait3A_198 : memref<1x128xi32, #tpu.memory_space<vmem>> -> memref<128xi32, #tpu.memory_space<vmem>>
      %dma_wait3A_200 = arith.constant 0 : i32
      %dma_wait3A_201 = arith.constant 0 : i32
      %dma_wait3A_202 = tpu.memref_slice %arg8[%dma_wait3A_200, %dma_wait3A_201] : memref<50048x16xf32, #tpu.memory_space<hbm>> -> memref<50048x16xf32, #tpu.memory_space<hbm>>
      tpu.wait_indirect_dma semaphore(%arg21 : memref<!tpu.dma_semaphore, #tpu.memory_space<semaphore_mem>>) src(%dma_wait3A_202 : memref<50048x16xf32, #tpu.memory_space<hbm>>) dst(%dma_wait3A_196 : memref<128x16xf32, #tpu.memory_space<vmem>>)
      %dma_wait3A_203 = arith.constant 1 : i32
      %dma_wait3A_204 = arith.constant 1 : i32
      %dma_wait3A_205 = arith.constant 0 : i32
      %dma_wait3A_206 = arith.constant 0 : i32
      %dma_wait3A_207 = tpu.memref_slice %arg16[%dma_wait3A_204, %dma_wait3A_205, %dma_wait3A_206] : memref<2x128x16xf32, #tpu.memory_space<vmem>> -> memref<1x128x16xf32, #tpu.memory_space<vmem>>
      %dma_wait3A_208 = tpu.memref_squeeze %dma_wait3A_207 : memref<1x128x16xf32, #tpu.memory_space<vmem>> -> memref<128x16xf32, #tpu.memory_space<vmem>>
      %dma_wait3A_209 = arith.constant 0 : i32
      %dma_wait3A_210 = tpu.memref_slice %arg13[%dma_wait3A_203, %dma_wait3A_209] : memref<2x128xi32, #tpu.memory_space<vmem>> -> memref<1x128xi32, #tpu.memory_space<vmem>>
      %dma_wait3A_211 = tpu.memref_squeeze %dma_wait3A_210 : memref<1x128xi32, #tpu.memory_space<vmem>> -> memref<128xi32, #tpu.memory_space<vmem>>
      %dma_wait3A_212 = arith.constant 0 : i32
      %dma_wait3A_213 = arith.constant 0 : i32
      %dma_wait3A_214 = tpu.memref_slice %arg8[%dma_wait3A_212, %dma_wait3A_213] : memref<50048x16xf32, #tpu.memory_space<hbm>> -> memref<50048x16xf32, #tpu.memory_space<hbm>>
      tpu.wait_indirect_dma semaphore(%arg21 : memref<!tpu.dma_semaphore, #tpu.memory_space<semaphore_mem>>) src(%dma_wait3A_214 : memref<50048x16xf32, #tpu.memory_space<hbm>>) dst(%dma_wait3A_208 : memref<128x16xf32, #tpu.memory_space<vmem>>)
      %scan3A_215 = arith.constant 0 : i32
      %scan3A_216 = arith.constant 0 : i32
      %scan3A_217 = arith.constant 256 : i32
      %scan3A_218 = arith.addi %scan3A_216, %scan3A_217 : i32
      %scan3A_219 = arith.constant 1 : i32
      %scan3A_220 = scf.for %scan3A_271 = %scan3A_216 to %scan3A_218 step %scan3A_219 iter_args(%scan3A_272 = %scan3A_215) -> (i32)  : i32 {
        %jit3A = arith.constant 128 : i32
        %div3A = arith.divsi %scan3A_271, %jit3A : i32
        %sign3A = arith.constant 0 : i32
        %sign3A_273 = arith.cmpi sgt, %scan3A_271, %sign3A : i32
        %sign3A_274 = arith.extui %sign3A_273 : i1 to i32
        %sign3A_275 = arith.constant 0 : i32
        %sign3A_276 = arith.cmpi slt, %scan3A_271, %sign3A_275 : i32
        %sign3A_277 = arith.extui %sign3A_276 : i1 to i32
        %sign3A_278 = arith.subi %sign3A_274, %sign3A_277 : i32
        %sign3A_279 = arith.constant 0 : i32
        %sign3A_280 = arith.cmpi sgt, %jit3A, %sign3A_279 : i32
        %sign3A_281 = arith.extui %sign3A_280 : i1 to i32
        %sign3A_282 = arith.constant 0 : i32
        %sign3A_283 = arith.cmpi slt, %jit3A, %sign3A_282 : i32
        %sign3A_284 = arith.extui %sign3A_283 : i1 to i32
        %sign3A_285 = arith.subi %sign3A_281, %sign3A_284 : i32
        %ne3A = arith.cmpi ne, %sign3A_278, %sign3A_285 : i32
        %rem3A = arith.remsi %scan3A_271, %jit3A : i32
        %ne3A_286 = arith.constant 0 : i32
        %ne3A_287 = arith.cmpi ne, %rem3A, %ne3A_286 : i32
        %and3A = arith.andi %ne3A, %ne3A_287 : i1
        %sub3A = arith.constant 1 : i32
        %sub3A_288 = arith.subi %div3A, %sub3A : i32
        %select_n3A = arith.select %and3A, %sub3A_288, %div3A : i32
        %jit3A_289 = arith.constant 128 : i32
        %eq3A = arith.constant 0 : i32
        %eq3A_290 = arith.cmpi eq, %jit3A_289, %eq3A : i32
        %jit3A_291 = arith.constant 1 : i32
        %select_n3A_292 = arith.select %eq3A_290, %jit3A_291, %jit3A_289 : i32
        %rem3A_293 = arith.remsi %scan3A_271, %select_n3A_292 : i32
        %ne3A_294 = arith.constant 0 : i32
        %ne3A_295 = arith.cmpi ne, %rem3A_293, %ne3A_294 : i32
        %lt3A = arith.constant 0 : i32
        %lt3A_296 = arith.cmpi slt, %rem3A_293, %lt3A : i32
        %lt3A_297 = arith.constant 0 : i32
        %lt3A_298 = arith.cmpi slt, %select_n3A_292, %lt3A_297 : i32
        %ne3A_299 = arith.xori %lt3A_296, %lt3A_298 : i1
        %and3A_300 = arith.andi %ne3A_299, %ne3A_295 : i1
        %add3A_301 = arith.addi %rem3A_293, %select_n3A_292 : i32
        %select_n3A_302 = arith.select %and3A_300, %add3A_301, %rem3A_293 : i32
        %get3A = arith.index_cast %select_n3A : i32 to index
        %get3A_303 = arith.index_cast %select_n3A_302 : i32 to index
        %get3A_304 = arith.constant 0 : index
        %get3A_305 = tpu.vector_load %arg17[%get3A, %get3A_303, %get3A_304] {strides = array<i32>} : memref<2x128x16xf32, #tpu.memory_space<vmem>>, vector<1x1x16xf32>,
        %get3A_306 = vector.shape_cast %get3A_305 : vector<1x1x16xf32> to vector<16xf32>
        %get3A_307 = arith.index_cast %select_n3A : i32 to index
        %get3A_308 = arith.index_cast %select_n3A_302 : i32 to index
        %get3A_309 = arith.constant 0 : index
        %get3A_310 = tpu.vector_load %arg16[%get3A_307, %get3A_308, %get3A_309] {strides = array<i32>} : memref<2x128x16xf32, #tpu.memory_space<vmem>>, vector<1x1x16xf32>,
        %get3A_311 = vector.shape_cast %get3A_310 : vector<1x1x16xf32> to vector<16xf32>
        %add3A_312 = arith.constant 1.000000e-16 : f32
        %add3A_313 = vector.broadcast %add3A_312 : f32 to vector<16xf32>
        %add3A_314 = arith.addf %get3A_311, %add3A_313 : vector<16xf32>
        %div3A_315 = arith.divf %get3A_306, %add3A_314 : vector<16xf32>
        %broadcast_in_dim3A_316 = vector.shape_cast %broadcast_in_dim3A_3 : vector<16xi32> to vector<16x1xi32>
        %gather3A = vector.shape_cast %broadcast_in_dim3A_316 : vector<16x1xi32> to vector<16xi32>
        %gather3A_317 = tpu.dynamic_gather %div3A_315[%gather3A] in [0] : vector<16xf32>, vector<16xi32> -> vector<16xf32>
        %broadcast_in_dim3A_318 = vector.shape_cast %broadcast_in_dim3A_5 : vector<16xi32> to vector<16x1xi32>
        %gather3A_319 = vector.shape_cast %broadcast_in_dim3A_318 : vector<16x1xi32> to vector<16xi32>
        %gather3A_320 = tpu.dynamic_gather %div3A_315[%gather3A_319] in [0] : vector<16xf32>, vector<16xi32> -> vector<16xf32>
        %get3A_321 = arith.index_cast %select_n3A : i32 to index
        %get3A_322 = arith.index_cast %select_n3A_302 : i32 to index
        %get3A_323 = arith.constant 0 : index
        %get3A_324 = tpu.vector_load %arg14[%get3A_321, %get3A_322, %get3A_323] {strides = array<i32>} : memref<2x128x32xf32, #tpu.memory_space<vmem>>, vector<1x1x16xf32>,
        %get3A_325 = vector.shape_cast %get3A_324 : vector<1x1x16xf32> to vector<16xf32>
        %get3A_326 = arith.index_cast %select_n3A : i32 to index
        %get3A_327 = arith.index_cast %select_n3A_302 : i32 to index
        %get3A_328 = arith.constant 0 : index
        %get3A_329 = tpu.vector_load %arg15[%get3A_326, %get3A_327, %get3A_328] {strides = array<i32>} : memref<2x128x32xf32, #tpu.memory_space<vmem>>, vector<1x1x16xf32>,
        %get3A_330 = vector.shape_cast %get3A_329 : vector<1x1x16xf32> to vector<16xf32>
        %add3A_331 = arith.addf %get3A_325, %get3A_330 : vector<16xf32>
        %mul3A_332 = arith.mulf %gather3A_317, %add3A_331 : vector<16xf32>
        %swap3A = arith.index_cast %select_n3A : i32 to index
        %swap3A_333 = arith.index_cast %select_n3A_302 : i32 to index
        %swap3A_334 = arith.constant 0 : index
        %swap3A_335 = tpu.vector_load %arg15[%swap3A, %swap3A_333, %swap3A_334] {strides = array<i32>} : memref<2x128x32xf32, #tpu.memory_space<vmem>>, vector<1x1x16xf32>,
        %swap3A_336 = vector.shape_cast %swap3A_335 : vector<1x1x16xf32> to vector<16xf32>
        %swap3A_337 = vector.shape_cast %mul3A_332 : vector<16xf32> to vector<1x1x16xf32>
        tpu.vector_store %arg15[%swap3A, %swap3A_333, %swap3A_334], %swap3A_337 {strides = array<i32>} : memref<2x128x32xf32, #tpu.memory_space<vmem>>, vector<1x1x16xf32>,
        %get3A_338 = arith.index_cast %select_n3A : i32 to index
        %get3A_339 = arith.index_cast %select_n3A_302 : i32 to index
        %get3A_340 = arith.constant 16 : index
        %get3A_341 = tpu.vector_load %arg14[%get3A_338, %get3A_339, %get3A_340] {strides = array<i32>} : memref<2x128x32xf32, #tpu.memory_space<vmem>>, vector<1x1x16xf32>,
        %get3A_342 = vector.shape_cast %get3A_341 : vector<1x1x16xf32> to vector<16xf32>
        %get3A_343 = arith.index_cast %select_n3A : i32 to index
        %get3A_344 = arith.index_cast %select_n3A_302 : i32 to index
        %get3A_345 = arith.constant 16 : index
        %get3A_346 = tpu.vector_load %arg15[%get3A_343, %get3A_344, %get3A_345] {strides = array<i32>} : memref<2x128x32xf32, #tpu.memory_space<vmem>>, vector<1x1x16xf32>,
        %get3A_347 = vector.shape_cast %get3A_346 : vector<1x1x16xf32> to vector<16xf32>
        %add3A_348 = arith.addf %get3A_342, %get3A_347 : vector<16xf32>
        %mul3A_349 = arith.mulf %gather3A_320, %add3A_348 : vector<16xf32>
        %swap3A_350 = arith.index_cast %select_n3A : i32 to index
        %swap3A_351 = arith.index_cast %select_n3A_302 : i32 to index
        %swap3A_352 = arith.constant 16 : index
        %swap3A_353 = tpu.vector_load %arg15[%swap3A_350, %swap3A_351, %swap3A_352] {strides = array<i32>} : memref<2x128x32xf32, #tpu.memory_space<vmem>>, vector<1x1x16xf32>,
        %swap3A_354 = vector.shape_cast %swap3A_353 : vector<1x1x16xf32> to vector<16xf32>
        %swap3A_355 = vector.shape_cast %mul3A_349 : vector<16xf32> to vector<1x1x16xf32>
        tpu.vector_store %arg15[%swap3A_350, %swap3A_351, %swap3A_352], %swap3A_355 {strides = array<i32>} : memref<2x128x32xf32, #tpu.memory_space<vmem>>, vector<1x1x16xf32>,
        %scan3A_356 = arith.constant 0 : i32
        scf.yield %scan3A_356 : i32
      }
      %scan3A_221 = arith.constant 256 : i32
      %dma_start3A_222 = arith.constant 0 : i32
      %dma_start3A_223 = arith.constant 0 : i32
      %dma_start3A_224 = arith.constant 0 : i32
      %dma_start3A_225 = arith.constant 0 : i32
      %dma_start3A_226 = tpu.memref_slice %arg15[%dma_start3A_222, %dma_start3A_224, %dma_start3A_225] : memref<2x128x32xf32, #tpu.memory_space<vmem>> -> memref<1x128x32xf32, #tpu.memory_space<vmem>>
      %dma_start3A_227 = tpu.memref_squeeze %dma_start3A_226 : memref<1x128x32xf32, #tpu.memory_space<vmem>> -> memref<128x32xf32, #tpu.memory_space<vmem>>
      %dma_start3A_228 = arith.constant 0 : i32
      %dma_start3A_229 = tpu.memref_slice %arg13[%dma_start3A_223, %dma_start3A_228] : memref<2x128xi32, #tpu.memory_space<vmem>> -> memref<1x128xi32, #tpu.memory_space<vmem>>
      %dma_start3A_230 = tpu.memref_squeeze %dma_start3A_229 : memref<1x128xi32, #tpu.memory_space<vmem>> -> memref<128xi32, #tpu.memory_space<vmem>>
      %dma_start3A_231 = arith.constant 0 : i32
      %dma_start3A_232 = arith.constant 0 : i32
      %dma_start3A_233 = tpu.memref_slice %arg18[%dma_start3A_231, %dma_start3A_232] : memref<50048x32xf32, #tpu.memory_space<vmem_shared>> -> memref<50048x32xf32, #tpu.memory_space<vmem_shared>>
      tpu.enqueue_indirect_dma source(%dma_start3A_227 : memref<128x32xf32, #tpu.memory_space<vmem>>) target(%dma_start3A_233 : memref<50048x32xf32, #tpu.memory_space<vmem_shared>>) offsets(%dma_start3A_230 : memref<128xi32, #tpu.memory_space<vmem>>) semaphore(%arg22 : memref<!tpu.dma_semaphore, #tpu.memory_space<semaphore_mem>>) {add = true}
      %dma_start3A_234 = arith.constant 1 : i32
      %dma_start3A_235 = arith.constant 1 : i32
      %dma_start3A_236 = arith.constant 0 : i32
      %dma_start3A_237 = arith.constant 0 : i32
      %dma_start3A_238 = tpu.memref_slice %arg15[%dma_start3A_234, %dma_start3A_236, %dma_start3A_237] : memref<2x128x32xf32, #tpu.memory_space<vmem>> -> memref<1x128x32xf32, #tpu.memory_space<vmem>>
      %dma_start3A_239 = tpu.memref_squeeze %dma_start3A_238 : memref<1x128x32xf32, #tpu.memory_space<vmem>> -> memref<128x32xf32, #tpu.memory_space<vmem>>
      %dma_start3A_240 = arith.constant 0 : i32
      %dma_start3A_241 = tpu.memref_slice %arg13[%dma_start3A_235, %dma_start3A_240] : memref<2x128xi32, #tpu.memory_space<vmem>> -> memref<1x128xi32, #tpu.memory_space<vmem>>
      %dma_start3A_242 = tpu.memref_squeeze %dma_start3A_241 : memref<1x128xi32, #tpu.memory_space<vmem>> -> memref<128xi32, #tpu.memory_space<vmem>>
      %dma_start3A_243 = arith.constant 0 : i32
      %dma_start3A_244 = arith.constant 0 : i32
      %dma_start3A_245 = tpu.memref_slice %arg18[%dma_start3A_243, %dma_start3A_244] : memref<50048x32xf32, #tpu.memory_space<vmem_shared>> -> memref<50048x32xf32, #tpu.memory_space<vmem_shared>>
      tpu.enqueue_indirect_dma source(%dma_start3A_239 : memref<128x32xf32, #tpu.memory_space<vmem>>) target(%dma_start3A_245 : memref<50048x32xf32, #tpu.memory_space<vmem_shared>>) offsets(%dma_start3A_242 : memref<128xi32, #tpu.memory_space<vmem>>) semaphore(%arg22 : memref<!tpu.dma_semaphore, #tpu.memory_space<semaphore_mem>>) {add = true}
      %dma_wait3A_246 = arith.constant 0 : i32
      %dma_wait3A_247 = arith.constant 0 : i32
      %dma_wait3A_248 = arith.constant 0 : i32
      %dma_wait3A_249 = arith.constant 0 : i32
      %dma_wait3A_250 = tpu.memref_slice %arg15[%dma_wait3A_246, %dma_wait3A_248, %dma_wait3A_249] : memref<2x128x32xf32, #tpu.memory_space<vmem>> -> memref<1x128x32xf32, #tpu.memory_space<vmem>>
      %dma_wait3A_251 = tpu.memref_squeeze %dma_wait3A_250 : memref<1x128x32xf32, #tpu.memory_space<vmem>> -> memref<128x32xf32, #tpu.memory_space<vmem>>
      %dma_wait3A_252 = arith.constant 0 : i32
      %dma_wait3A_253 = tpu.memref_slice %arg13[%dma_wait3A_247, %dma_wait3A_252] : memref<2x128xi32, #tpu.memory_space<vmem>> -> memref<1x128xi32, #tpu.memory_space<vmem>>
      %dma_wait3A_254 = tpu.memref_squeeze %dma_wait3A_253 : memref<1x128xi32, #tpu.memory_space<vmem>> -> memref<128xi32, #tpu.memory_space<vmem>>
      %dma_wait3A_255 = arith.constant 0 : i32
      %dma_wait3A_256 = arith.constant 0 : i32
      %dma_wait3A_257 = tpu.memref_slice %arg18[%dma_wait3A_255, %dma_wait3A_256] : memref<50048x32xf32, #tpu.memory_space<vmem_shared>> -> memref<50048x32xf32, #tpu.memory_space<vmem_shared>>
      tpu.wait_indirect_dma semaphore(%arg22 : memref<!tpu.dma_semaphore, #tpu.memory_space<semaphore_mem>>) src(%dma_wait3A_251 : memref<128x32xf32, #tpu.memory_space<vmem>>) dst(%dma_wait3A_257 : memref<50048x32xf32, #tpu.memory_space<vmem_shared>>)
      %dma_wait3A_258 = arith.constant 1 : i32
      %dma_wait3A_259 = arith.constant 1 : i32
      %dma_wait3A_260 = arith.constant 0 : i32
      %dma_wait3A_261 = arith.constant 0 : i32
      %dma_wait3A_262 = tpu.memref_slice %arg15[%dma_wait3A_258, %dma_wait3A_260, %dma_wait3A_261] : memref<2x128x32xf32, #tpu.memory_space<vmem>> -> memref<1x128x32xf32, #tpu.memory_space<vmem>>
      %dma_wait3A_263 = tpu.memref_squeeze %dma_wait3A_262 : memref<1x128x32xf32, #tpu.memory_space<vmem>> -> memref<128x32xf32, #tpu.memory_space<vmem>>
      %dma_wait3A_264 = arith.constant 0 : i32
      %dma_wait3A_265 = tpu.memref_slice %arg13[%dma_wait3A_259, %dma_wait3A_264] : memref<2x128xi32, #tpu.memory_space<vmem>> -> memref<1x128xi32, #tpu.memory_space<vmem>>
      %dma_wait3A_266 = tpu.memref_squeeze %dma_wait3A_265 : memref<1x128xi32, #tpu.memory_space<vmem>> -> memref<128xi32, #tpu.memory_space<vmem>>
      %dma_wait3A_267 = arith.constant 0 : i32
      %dma_wait3A_268 = arith.constant 0 : i32
      %dma_wait3A_269 = tpu.memref_slice %arg18[%dma_wait3A_267, %dma_wait3A_268] : memref<50048x32xf32, #tpu.memory_space<vmem_shared>> -> memref<50048x32xf32, #tpu.memory_space<vmem_shared>>
      tpu.wait_indirect_dma semaphore(%arg22 : memref<!tpu.dma_semaphore, #tpu.memory_space<semaphore_mem>>) src(%dma_wait3A_263 : memref<128x32xf32, #tpu.memory_space<vmem>>) dst(%dma_wait3A_269 : memref<50048x32xf32, #tpu.memory_space<vmem_shared>>)
      %scan3A_270 = arith.constant 0 : i32
      scf.yield %scan3A_270 : i32
    }
    %scan3A_11 = arith.constant 100 : i32
    %barrier3A_12 = arith.constant 0 : index
    tpu.barrier barrier_id(%barrier3A_12)
    %mul3A_13 = arith.constant 3128 : i32
    %mul3A_14 = arith.muli %arg1, %mul3A_13 : i32
    %multiple_of3A_15 = tpu.assume_multiple %mul3A_14, 8 : i32
    %mul3A_16 = arith.constant 3128 : i32
    %mul3A_17 = arith.muli %arg1, %mul3A_16 : i32
    %multiple_of3A_18 = tpu.assume_multiple %mul3A_17, 8 : i32
    %run_scoped3A = arith.constant 0 : i32
    "tpu.region"() ({
      %run_scoped3A_44 = tpu.sem_alloc : memref<!tpu.dma_semaphore, #tpu.memory_space<semaphore_mem>>
      %dma_start3A = arith.constant 0 : i32
      %dma_start3A_45 = arith.constant 0 : i32
      %dma_start3A_46 = tpu.memref_slice %arg11[%arg0, %run_scoped3A, %dma_start3A, %dma_start3A_45] : memref<2x2x50048x32xf32, #tpu.memory_space<hbm>> -> memref<1x1x50048x32xf32, #tpu.memory_space<hbm>>
      %dma_start3A_47 = tpu.memref_squeeze %dma_start3A_46 : memref<1x1x50048x32xf32, #tpu.memory_space<hbm>> -> memref<50048x32xf32, #tpu.memory_space<hbm>>
      %dma_start3A_48 = arith.constant 0 : i32
      %dma_start3A_49 = tpu.memref_slice %dma_start3A_47[%multiple_of3A_18, %dma_start3A_48] : memref<50048x32xf32, #tpu.memory_space<hbm>> -> memref<3128x32xf32, #tpu.memory_space<hbm>>
      %dma_start3A_50 = arith.constant 0 : i32
      %dma_start3A_51 = tpu.memref_slice %arg18[%multiple_of3A_15, %dma_start3A_50] : memref<50048x32xf32, #tpu.memory_space<vmem_shared>> -> memref<3128x32xf32, #tpu.memory_space<vmem_shared>>
      tpu.enqueue_dma source(%dma_start3A_51 : memref<3128x32xf32, #tpu.memory_space<vmem_shared>>) target(%dma_start3A_49 : memref<3128x32xf32, #tpu.memory_space<hbm>>) target_semaphore(%run_scoped3A_44 : memref<!tpu.dma_semaphore, #tpu.memory_space<semaphore_mem>>)
      %dma_wait3A = arith.constant 0 : i32
      %dma_wait3A_52 = arith.constant 0 : i32
      %dma_wait3A_53 = tpu.memref_slice %arg11[%arg0, %run_scoped3A, %dma_wait3A, %dma_wait3A_52] : memref<2x2x50048x32xf32, #tpu.memory_space<hbm>> -> memref<1x1x50048x32xf32, #tpu.memory_space<hbm>>
      %dma_wait3A_54 = tpu.memref_squeeze %dma_wait3A_53 : memref<1x1x50048x32xf32, #tpu.memory_space<hbm>> -> memref<50048x32xf32, #tpu.memory_space<hbm>>
      %dma_wait3A_55 = arith.constant 0 : i32
      %dma_wait3A_56 = tpu.memref_slice %dma_wait3A_54[%multiple_of3A_18, %dma_wait3A_55] : memref<50048x32xf32, #tpu.memory_space<hbm>> -> memref<3128x32xf32, #tpu.memory_space<hbm>>
      %dma_wait3A_57 = arith.constant 0 : i32
      %dma_wait3A_58 = tpu.memref_slice %arg18[%multiple_of3A_15, %dma_wait3A_57] : memref<50048x32xf32, #tpu.memory_space<vmem_shared>> -> memref<3128x32xf32, #tpu.memory_space<vmem_shared>>
      tpu.wait_dma2 semaphore(%run_scoped3A_44 : memref<!tpu.dma_semaphore, #tpu.memory_space<semaphore_mem>>) src(%dma_wait3A_58 : memref<3128x32xf32, #tpu.memory_space<vmem_shared>>) dst(%dma_wait3A_56 : memref<3128x32xf32, #tpu.memory_space<hbm>>)
      tpu.yield
    }) : () -> ()
    %barrier3A_19 = arith.constant 0 : index
    tpu.barrier barrier_id(%barrier3A_19)
    %mul3A_20 = arith.constant 3128 : i32
    %mul3A_21 = arith.muli %arg1, %mul3A_20 : i32
    %multiple_of3A_22 = tpu.assume_multiple %mul3A_21, 8 : i32
    "tpu.region"() ({
      %run_scoped3A_44 = tpu.sem_alloc : memref<!tpu.dma_semaphore, #tpu.memory_space<semaphore_mem>>
      %dma_start3A = arith.constant 0 : i32
      %dma_start3A_45 = tpu.memref_slice %arg18[%multiple_of3A_22, %dma_start3A] : memref<50048x32xf32, #tpu.memory_space<vmem_shared>> -> memref<3128x32xf32, #tpu.memory_space<vmem_shared>>
      tpu.enqueue_dma source(%arg10 : memref<3128x32xf32, #tpu.memory_space<hbm>>) target(%dma_start3A_45 : memref<3128x32xf32, #tpu.memory_space<vmem_shared>>) target_semaphore(%run_scoped3A_44 : memref<!tpu.dma_semaphore, #tpu.memory_space<semaphore_mem>>)
      %dma_wait3A = arith.constant 0 : i32
      %dma_wait3A_46 = tpu.memref_slice %arg18[%multiple_of3A_22, %dma_wait3A] : memref<50048x32xf32, #tpu.memory_space<vmem_shared>> -> memref<3128x32xf32, #tpu.memory_space<vmem_shared>>
      tpu.wait_dma2 semaphore(%run_scoped3A_44 : memref<!tpu.dma_semaphore, #tpu.memory_space<semaphore_mem>>) src(%arg10 : memref<3128x32xf32, #tpu.memory_space<hbm>>) dst(%dma_wait3A_46 : memref<3128x32xf32, #tpu.memory_space<vmem_shared>>)
      tpu.yield
    }) : () -> ()
    %barrier3A_23 = arith.constant 0 : index
    tpu.barrier barrier_id(%barrier3A_23)
    %broadcast_in_dim3A_24 = arith.constant 2 : i32
    %broadcast_in_dim3A_25 = vector.broadcast %broadcast_in_dim3A_24 : i32 to vector<16xi32>
    %broadcast_in_dim3A_26 = arith.constant 3 : i32
    %broadcast_in_dim3A_27 = vector.broadcast %broadcast_in_dim3A_26 : i32 to vector<16xi32>
    %scan3A_28 = arith.constant 0 : i32
    %scan3A_29 = arith.constant 0 : i32
    %scan3A_30 = arith.constant 100 : i32
    %scan3A_31 = arith.addi %scan3A_29, %scan3A_30 : i32
    %scan3A_32 = arith.constant 1 : i32
    %scan3A_33 = scf.for %scan3A_44 = %scan3A_29 to %scan3A_31 step %scan3A_32 iter_args(%scan3A_45 = %scan3A_28) -> (i32)  : i32 {
      %mul3A_46 = arith.constant 100 : i32
      %mul3A_47 = arith.muli %add3A, %mul3A_46 : i32
      %add3A_48 = arith.addi %mul3A_47, %scan3A_44 : i32
      %dma_start3A = arith.constant 0 : i32
      %dma_start3A_49 = arith.constant 0 : i32
      %dma_start3A_50 = tpu.memref_slice %arg2[%add3A_48, %dma_start3A, %dma_start3A_49] : memref<3200x2x128xi32, #tpu.memory_space<hbm>> -> memref<1x2x128xi32, #tpu.memory_space<hbm>>
      %dma_start3A_51 = tpu.memref_squeeze %dma_start3A_50 : memref<1x2x128xi32, #tpu.memory_space<hbm>> -> memref<2x128xi32, #tpu.memory_space<hbm>>
      %dma_start3A_52 = arith.constant 0 : i32
      %dma_start3A_53 = arith.constant 0 : i32
      %dma_start3A_54 = tpu.memref_slice %arg2[%add3A_48, %dma_start3A_52, %dma_start3A_53] : memref<3200x2x128xi32, #tpu.memory_space<hbm>> -> memref<1x2x128xi32, #tpu.memory_space<hbm>>
      %dma_start3A_55 = tpu.memref_squeeze %dma_start3A_54 : memref<1x2x128xi32, #tpu.memory_space<hbm>> -> memref<2x128xi32, #tpu.memory_space<hbm>>
      tpu.enqueue_dma source(%dma_start3A_55 : memref<2x128xi32, #tpu.memory_space<hbm>>) target(%arg12 : memref<2x128xi32, #tpu.memory_space<vmem>>) target_semaphore(%arg19 : memref<!tpu.dma_semaphore, #tpu.memory_space<semaphore_mem>>)
      %dma_start3A_56 = arith.constant 0 : i32
      %dma_start3A_57 = arith.constant 0 : i32
      %dma_start3A_58 = tpu.memref_slice %arg3[%add3A_48, %dma_start3A_56, %dma_start3A_57] : memref<3200x2x128xi32, #tpu.memory_space<hbm>> -> memref<1x2x128xi32, #tpu.memory_space<hbm>>
      %dma_start3A_59 = tpu.memref_squeeze %dma_start3A_58 : memref<1x2x128xi32, #tpu.memory_space<hbm>> -> memref<2x128xi32, #tpu.memory_space<hbm>>
      %dma_start3A_60 = arith.constant 0 : i32
      %dma_start3A_61 = arith.constant 0 : i32
      %dma_start3A_62 = tpu.memref_slice %arg3[%add3A_48, %dma_start3A_60, %dma_start3A_61] : memref<3200x2x128xi32, #tpu.memory_space<hbm>> -> memref<1x2x128xi32, #tpu.memory_space<hbm>>
      %dma_start3A_63 = tpu.memref_squeeze %dma_start3A_62 : memref<1x2x128xi32, #tpu.memory_space<hbm>> -> memref<2x128xi32, #tpu.memory_space<hbm>>
      tpu.enqueue_dma source(%dma_start3A_63 : memref<2x128xi32, #tpu.memory_space<hbm>>) target(%arg13 : memref<2x128xi32, #tpu.memory_space<vmem>>) target_semaphore(%arg19 : memref<!tpu.dma_semaphore, #tpu.memory_space<semaphore_mem>>)
      %dma_start3A_64 = arith.constant 0 : i32
      %dma_start3A_65 = arith.constant 0 : i32
      %dma_start3A_66 = arith.constant 0 : i32
      %dma_start3A_67 = tpu.memref_slice %arg9[%add3A_48, %dma_start3A_64, %dma_start3A_65, %dma_start3A_66] : memref<3200x2x128x16xf32, #tpu.memory_space<hbm>> -> memref<1x2x128x16xf32, #tpu.memory_space<hbm>>
      %dma_start3A_68 = tpu.memref_squeeze %dma_start3A_67 : memref<1x2x128x16xf32, #tpu.memory_space<hbm>> -> memref<2x128x16xf32, #tpu.memory_space<hbm>>
      %dma_start3A_69 = arith.constant 0 : i32
      %dma_start3A_70 = arith.constant 0 : i32
      %dma_start3A_71 = arith.constant 0 : i32
      %dma_start3A_72 = tpu.memref_slice %arg9[%add3A_48, %dma_start3A_69, %dma_start3A_70, %dma_start3A_71] : memref<3200x2x128x16xf32, #tpu.memory_space<hbm>> -> memref<1x2x128x16xf32, #tpu.memory_space<hbm>>
      %dma_start3A_73 = tpu.memref_squeeze %dma_start3A_72 : memref<1x2x128x16xf32, #tpu.memory_space<hbm>> -> memref<2x128x16xf32, #tpu.memory_space<hbm>>
      tpu.enqueue_dma source(%dma_start3A_73 : memref<2x128x16xf32, #tpu.memory_space<hbm>>) target(%arg17 : memref<2x128x16xf32, #tpu.memory_space<vmem>>) target_semaphore(%arg22 : memref<!tpu.dma_semaphore, #tpu.memory_space<semaphore_mem>>)
      %dma_start3A_74 = arith.constant 0 : i32
      %dma_start3A_75 = arith.constant 0 : i32
      %dma_start3A_76 = arith.constant 0 : i32
      %dma_start3A_77 = tpu.memref_slice %arg7[%add3A_48, %dma_start3A_74, %dma_start3A_75, %dma_start3A_76] : memref<3200x2x128x32xf32, #tpu.memory_space<hbm>> -> memref<1x2x128x32xf32, #tpu.memory_space<hbm>>
      %dma_start3A_78 = tpu.memref_squeeze %dma_start3A_77 : memref<1x2x128x32xf32, #tpu.memory_space<hbm>> -> memref<2x128x32xf32, #tpu.memory_space<hbm>>
      %dma_start3A_79 = arith.constant 0 : i32
      %dma_start3A_80 = arith.constant 0 : i32
      %dma_start3A_81 = arith.constant 0 : i32
      %dma_start3A_82 = tpu.memref_slice %arg7[%add3A_48, %dma_start3A_79, %dma_start3A_80, %dma_start3A_81] : memref<3200x2x128x32xf32, #tpu.memory_space<hbm>> -> memref<1x2x128x32xf32, #tpu.memory_space<hbm>>
      %dma_start3A_83 = tpu.memref_squeeze %dma_start3A_82 : memref<1x2x128x32xf32, #tpu.memory_space<hbm>> -> memref<2x128x32xf32, #tpu.memory_space<hbm>>
      tpu.enqueue_dma source(%dma_start3A_83 : memref<2x128x32xf32, #tpu.memory_space<hbm>>) target(%arg15 : memref<2x128x32xf32, #tpu.memory_space<vmem>>) target_semaphore(%arg22 : memref<!tpu.dma_semaphore, #tpu.memory_space<semaphore_mem>>)
      %dma_wait3A = arith.constant 0 : i32
      %dma_wait3A_84 = arith.constant 0 : i32
      %dma_wait3A_85 = tpu.memref_slice %arg2[%add3A_48, %dma_wait3A, %dma_wait3A_84] : memref<3200x2x128xi32, #tpu.memory_space<hbm>> -> memref<1x2x128xi32, #tpu.memory_space<hbm>>
      %dma_wait3A_86 = tpu.memref_squeeze %dma_wait3A_85 : memref<1x2x128xi32, #tpu.memory_space<hbm>> -> memref<2x128xi32, #tpu.memory_space<hbm>>
      %dma_wait3A_87 = arith.constant 0 : i32
      %dma_wait3A_88 = arith.constant 0 : i32
      %dma_wait3A_89 = tpu.memref_slice %arg2[%add3A_48, %dma_wait3A_87, %dma_wait3A_88] : memref<3200x2x128xi32, #tpu.memory_space<hbm>> -> memref<1x2x128xi32, #tpu.memory_space<hbm>>
      %dma_wait3A_90 = tpu.memref_squeeze %dma_wait3A_89 : memref<1x2x128xi32, #tpu.memory_space<hbm>> -> memref<2x128xi32, #tpu.memory_space<hbm>>
      tpu.wait_dma2 semaphore(%arg19 : memref<!tpu.dma_semaphore, #tpu.memory_space<semaphore_mem>>) src(%dma_wait3A_90 : memref<2x128xi32, #tpu.memory_space<hbm>>) dst(%arg12 : memref<2x128xi32, #tpu.memory_space<vmem>>)
      %dma_wait3A_91 = arith.constant 0 : i32
      %dma_wait3A_92 = arith.constant 0 : i32
      %dma_wait3A_93 = tpu.memref_slice %arg3[%add3A_48, %dma_wait3A_91, %dma_wait3A_92] : memref<3200x2x128xi32, #tpu.memory_space<hbm>> -> memref<1x2x128xi32, #tpu.memory_space<hbm>>
      %dma_wait3A_94 = tpu.memref_squeeze %dma_wait3A_93 : memref<1x2x128xi32, #tpu.memory_space<hbm>> -> memref<2x128xi32, #tpu.memory_space<hbm>>
      %dma_wait3A_95 = arith.constant 0 : i32
      %dma_wait3A_96 = arith.constant 0 : i32
      %dma_wait3A_97 = tpu.memref_slice %arg3[%add3A_48, %dma_wait3A_95, %dma_wait3A_96] : memref<3200x2x128xi32, #tpu.memory_space<hbm>> -> memref<1x2x128xi32, #tpu.memory_space<hbm>>
      %dma_wait3A_98 = tpu.memref_squeeze %dma_wait3A_97 : memref<1x2x128xi32, #tpu.memory_space<hbm>> -> memref<2x128xi32, #tpu.memory_space<hbm>>
      tpu.wait_dma2 semaphore(%arg19 : memref<!tpu.dma_semaphore, #tpu.memory_space<semaphore_mem>>) src(%dma_wait3A_98 : memref<2x128xi32, #tpu.memory_space<hbm>>) dst(%arg13 : memref<2x128xi32, #tpu.memory_space<vmem>>)
      %dma_start3A_99 = arith.constant 0 : i32
      %dma_start3A_100 = arith.constant 0 : i32
      %dma_start3A_101 = arith.constant 0 : i32
      %dma_start3A_102 = arith.constant 0 : i32
      %dma_start3A_103 = tpu.memref_slice %arg14[%dma_start3A_100, %dma_start3A_101, %dma_start3A_102] : memref<2x128x32xf32, #tpu.memory_space<vmem>> -> memref<1x128x32xf32, #tpu.memory_space<vmem>>
      %dma_start3A_104 = tpu.memref_squeeze %dma_start3A_103 : memref<1x128x32xf32, #tpu.memory_space<vmem>> -> memref<128x32xf32, #tpu.memory_space<vmem>>
      %dma_start3A_105 = arith.constant 0 : i32
      %dma_start3A_106 = tpu.memref_slice %arg12[%dma_start3A_99, %dma_start3A_105] : memref<2x128xi32, #tpu.memory_space<vmem>> -> memref<1x128xi32, #tpu.memory_space<vmem>>
      %dma_start3A_107 = tpu.memref_squeeze %dma_start3A_106 : memref<1x128xi32, #tpu.memory_space<vmem>> -> memref<128xi32, #tpu.memory_space<vmem>>
      %dma_start3A_108 = arith.constant 0 : i32
      %dma_start3A_109 = arith.constant 0 : i32
      %dma_start3A_110 = tpu.memref_slice %arg5[%dma_start3A_108, %dma_start3A_109] : memref<50000x32xf32, #tpu.memory_space<hbm>> -> memref<50000x32xf32, #tpu.memory_space<hbm>>
      tpu.enqueue_indirect_dma source(%dma_start3A_110 : memref<50000x32xf32, #tpu.memory_space<hbm>>) target(%dma_start3A_104 : memref<128x32xf32, #tpu.memory_space<vmem>>) offsets(%dma_start3A_107 : memref<128xi32, #tpu.memory_space<vmem>>) semaphore(%arg20 : memref<!tpu.dma_semaphore, #tpu.memory_space<semaphore_mem>>)
      %dma_start3A_111 = arith.constant 1 : i32
      %dma_start3A_112 = arith.constant 1 : i32
      %dma_start3A_113 = arith.constant 0 : i32
      %dma_start3A_114 = arith.constant 0 : i32
      %dma_start3A_115 = tpu.memref_slice %arg14[%dma_start3A_112, %dma_start3A_113, %dma_start3A_114] : memref<2x128x32xf32, #tpu.memory_space<vmem>> -> memref<1x128x32xf32, #tpu.memory_space<vmem>>
      %dma_start3A_116 = tpu.memref_squeeze %dma_start3A_115 : memref<1x128x32xf32, #tpu.memory_space<vmem>> -> memref<128x32xf32, #tpu.memory_space<vmem>>
      %dma_start3A_117 = arith.constant 0 : i32
      %dma_start3A_118 = tpu.memref_slice %arg12[%dma_start3A_111, %dma_start3A_117] : memref<2x128xi32, #tpu.memory_space<vmem>> -> memref<1x128xi32, #tpu.memory_space<vmem>>
      %dma_start3A_119 = tpu.memref_squeeze %dma_start3A_118 : memref<1x128xi32, #tpu.memory_space<vmem>> -> memref<128xi32, #tpu.memory_space<vmem>>
      %dma_start3A_120 = arith.constant 0 : i32
      %dma_start3A_121 = arith.constant 0 : i32
      %dma_start3A_122 = tpu.memref_slice %arg5[%dma_start3A_120, %dma_start3A_121] : memref<50000x32xf32, #tpu.memory_space<hbm>> -> memref<50000x32xf32, #tpu.memory_space<hbm>>
      tpu.enqueue_indirect_dma source(%dma_start3A_122 : memref<50000x32xf32, #tpu.memory_space<hbm>>) target(%dma_start3A_116 : memref<128x32xf32, #tpu.memory_space<vmem>>) offsets(%dma_start3A_119 : memref<128xi32, #tpu.memory_space<vmem>>) semaphore(%arg20 : memref<!tpu.dma_semaphore, #tpu.memory_space<semaphore_mem>>)
      %dma_start3A_123 = arith.constant 0 : i32
      %dma_start3A_124 = arith.constant 0 : i32
      %dma_start3A_125 = arith.constant 0 : i32
      %dma_start3A_126 = arith.constant 0 : i32
      %dma_start3A_127 = tpu.memref_slice %arg16[%dma_start3A_124, %dma_start3A_125, %dma_start3A_126] : memref<2x128x16xf32, #tpu.memory_space<vmem>> -> memref<1x128x16xf32, #tpu.memory_space<vmem>>
      %dma_start3A_128 = tpu.memref_squeeze %dma_start3A_127 : memref<1x128x16xf32, #tpu.memory_space<vmem>> -> memref<128x16xf32, #tpu.memory_space<vmem>>
      %dma_start3A_129 = arith.constant 0 : i32
      %dma_start3A_130 = tpu.memref_slice %arg13[%dma_start3A_123, %dma_start3A_129] : memref<2x128xi32, #tpu.memory_space<vmem>> -> memref<1x128xi32, #tpu.memory_space<vmem>>
      %dma_start3A_131 = tpu.memref_squeeze %dma_start3A_130 : memref<1x128xi32, #tpu.memory_space<vmem>> -> memref<128xi32, #tpu.memory_space<vmem>>
      %dma_start3A_132 = arith.constant 0 : i32
      %dma_start3A_133 = arith.constant 0 : i32
      %dma_start3A_134 = tpu.memref_slice %arg8[%dma_start3A_132, %dma_start3A_133] : memref<50048x16xf32, #tpu.memory_space<hbm>> -> memref<50048x16xf32, #tpu.memory_space<hbm>>
      tpu.enqueue_indirect_dma source(%dma_start3A_134 : memref<50048x16xf32, #tpu.memory_space<hbm>>) target(%dma_start3A_128 : memref<128x16xf32, #tpu.memory_space<vmem>>) offsets(%dma_start3A_131 : memref<128xi32, #tpu.memory_space<vmem>>) semaphore(%arg21 : memref<!tpu.dma_semaphore, #tpu.memory_space<semaphore_mem>>)
      %dma_start3A_135 = arith.constant 1 : i32
      %dma_start3A_136 = arith.constant 1 : i32
      %dma_start3A_137 = arith.constant 0 : i32
      %dma_start3A_138 = arith.constant 0 : i32
      %dma_start3A_139 = tpu.memref_slice %arg16[%dma_start3A_136, %dma_start3A_137, %dma_start3A_138] : memref<2x128x16xf32, #tpu.memory_space<vmem>> -> memref<1x128x16xf32, #tpu.memory_space<vmem>>
      %dma_start3A_140 = tpu.memref_squeeze %dma_start3A_139 : memref<1x128x16xf32, #tpu.memory_space<vmem>> -> memref<128x16xf32, #tpu.memory_space<vmem>>
      %dma_start3A_141 = arith.constant 0 : i32
      %dma_start3A_142 = tpu.memref_slice %arg13[%dma_start3A_135, %dma_start3A_141] : memref<2x128xi32, #tpu.memory_space<vmem>> -> memref<1x128xi32, #tpu.memory_space<vmem>>
      %dma_start3A_143 = tpu.memref_squeeze %dma_start3A_142 : memref<1x128xi32, #tpu.memory_space<vmem>> -> memref<128xi32, #tpu.memory_space<vmem>>
      %dma_start3A_144 = arith.constant 0 : i32
      %dma_start3A_145 = arith.constant 0 : i32
      %dma_start3A_146 = tpu.memref_slice %arg8[%dma_start3A_144, %dma_start3A_145] : memref<50048x16xf32, #tpu.memory_space<hbm>> -> memref<50048x16xf32, #tpu.memory_space<hbm>>
      tpu.enqueue_indirect_dma source(%dma_start3A_146 : memref<50048x16xf32, #tpu.memory_space<hbm>>) target(%dma_start3A_140 : memref<128x16xf32, #tpu.memory_space<vmem>>) offsets(%dma_start3A_143 : memref<128xi32, #tpu.memory_space<vmem>>) semaphore(%arg21 : memref<!tpu.dma_semaphore, #tpu.memory_space<semaphore_mem>>)
      %dma_wait3A_147 = arith.constant 0 : i32
      %dma_wait3A_148 = arith.constant 0 : i32
      %dma_wait3A_149 = arith.constant 0 : i32
      %dma_wait3A_150 = tpu.memref_slice %arg9[%add3A_48, %dma_wait3A_147, %dma_wait3A_148, %dma_wait3A_149] : memref<3200x2x128x16xf32, #tpu.memory_space<hbm>> -> memref<1x2x128x16xf32, #tpu.memory_space<hbm>>
      %dma_wait3A_151 = tpu.memref_squeeze %dma_wait3A_150 : memref<1x2x128x16xf32, #tpu.memory_space<hbm>> -> memref<2x128x16xf32, #tpu.memory_space<hbm>>
      %dma_wait3A_152 = arith.constant 0 : i32
      %dma_wait3A_153 = arith.constant 0 : i32
      %dma_wait3A_154 = arith.constant 0 : i32
      %dma_wait3A_155 = tpu.memref_slice %arg9[%add3A_48, %dma_wait3A_152, %dma_wait3A_153, %dma_wait3A_154] : memref<3200x2x128x16xf32, #tpu.memory_space<hbm>> -> memref<1x2x128x16xf32, #tpu.memory_space<hbm>>
      %dma_wait3A_156 = tpu.memref_squeeze %dma_wait3A_155 : memref<1x2x128x16xf32, #tpu.memory_space<hbm>> -> memref<2x128x16xf32, #tpu.memory_space<hbm>>
      tpu.wait_dma2 semaphore(%arg22 : memref<!tpu.dma_semaphore, #tpu.memory_space<semaphore_mem>>) src(%dma_wait3A_156 : memref<2x128x16xf32, #tpu.memory_space<hbm>>) dst(%arg17 : memref<2x128x16xf32, #tpu.memory_space<vmem>>)
      %dma_wait3A_157 = arith.constant 0 : i32
      %dma_wait3A_158 = arith.constant 0 : i32
      %dma_wait3A_159 = arith.constant 0 : i32
      %dma_wait3A_160 = tpu.memref_slice %arg7[%add3A_48, %dma_wait3A_157, %dma_wait3A_158, %dma_wait3A_159] : memref<3200x2x128x32xf32, #tpu.memory_space<hbm>> -> memref<1x2x128x32xf32, #tpu.memory_space<hbm>>
      %dma_wait3A_161 = tpu.memref_squeeze %dma_wait3A_160 : memref<1x2x128x32xf32, #tpu.memory_space<hbm>> -> memref<2x128x32xf32, #tpu.memory_space<hbm>>
      %dma_wait3A_162 = arith.constant 0 : i32
      %dma_wait3A_163 = arith.constant 0 : i32
      %dma_wait3A_164 = arith.constant 0 : i32
      %dma_wait3A_165 = tpu.memref_slice %arg7[%add3A_48, %dma_wait3A_162, %dma_wait3A_163, %dma_wait3A_164] : memref<3200x2x128x32xf32, #tpu.memory_space<hbm>> -> memref<1x2x128x32xf32, #tpu.memory_space<hbm>>
      %dma_wait3A_166 = tpu.memref_squeeze %dma_wait3A_165 : memref<1x2x128x32xf32, #tpu.memory_space<hbm>> -> memref<2x128x32xf32, #tpu.memory_space<hbm>>
      tpu.wait_dma2 semaphore(%arg22 : memref<!tpu.dma_semaphore, #tpu.memory_space<semaphore_mem>>) src(%dma_wait3A_166 : memref<2x128x32xf32, #tpu.memory_space<hbm>>) dst(%arg15 : memref<2x128x32xf32, #tpu.memory_space<vmem>>)
      %dma_wait3A_167 = arith.constant 0 : i32
      %dma_wait3A_168 = arith.constant 0 : i32
      %dma_wait3A_169 = arith.constant 0 : i32
      %dma_wait3A_170 = arith.constant 0 : i32
      %dma_wait3A_171 = tpu.memref_slice %arg14[%dma_wait3A_168, %dma_wait3A_169, %dma_wait3A_170] : memref<2x128x32xf32, #tpu.memory_space<vmem>> -> memref<1x128x32xf32, #tpu.memory_space<vmem>>
      %dma_wait3A_172 = tpu.memref_squeeze %dma_wait3A_171 : memref<1x128x32xf32, #tpu.memory_space<vmem>> -> memref<128x32xf32, #tpu.memory_space<vmem>>
      %dma_wait3A_173 = arith.constant 0 : i32
      %dma_wait3A_174 = tpu.memref_slice %arg12[%dma_wait3A_167, %dma_wait3A_173] : memref<2x128xi32, #tpu.memory_space<vmem>> -> memref<1x128xi32, #tpu.memory_space<vmem>>
      %dma_wait3A_175 = tpu.memref_squeeze %dma_wait3A_174 : memref<1x128xi32, #tpu.memory_space<vmem>> -> memref<128xi32, #tpu.memory_space<vmem>>
      %dma_wait3A_176 = arith.constant 0 : i32
      %dma_wait3A_177 = arith.constant 0 : i32
      %dma_wait3A_178 = tpu.memref_slice %arg5[%dma_wait3A_176, %dma_wait3A_177] : memref<50000x32xf32, #tpu.memory_space<hbm>> -> memref<50000x32xf32, #tpu.memory_space<hbm>>
      tpu.wait_indirect_dma semaphore(%arg20 : memref<!tpu.dma_semaphore, #tpu.memory_space<semaphore_mem>>) src(%dma_wait3A_178 : memref<50000x32xf32, #tpu.memory_space<hbm>>) dst(%dma_wait3A_172 : memref<128x32xf32, #tpu.memory_space<vmem>>)
      %dma_wait3A_179 = arith.constant 1 : i32
      %dma_wait3A_180 = arith.constant 1 : i32
      %dma_wait3A_181 = arith.constant 0 : i32
      %dma_wait3A_182 = arith.constant 0 : i32
      %dma_wait3A_183 = tpu.memref_slice %arg14[%dma_wait3A_180, %dma_wait3A_181, %dma_wait3A_182] : memref<2x128x32xf32, #tpu.memory_space<vmem>> -> memref<1x128x32xf32, #tpu.memory_space<vmem>>
      %dma_wait3A_184 = tpu.memref_squeeze %dma_wait3A_183 : memref<1x128x32xf32, #tpu.memory_space<vmem>> -> memref<128x32xf32, #tpu.memory_space<vmem>>
      %dma_wait3A_185 = arith.constant 0 : i32
      %dma_wait3A_186 = tpu.memref_slice %arg12[%dma_wait3A_179, %dma_wait3A_185] : memref<2x128xi32, #tpu.memory_space<vmem>> -> memref<1x128xi32, #tpu.memory_space<vmem>>
      %dma_wait3A_187 = tpu.memref_squeeze %dma_wait3A_186 : memref<1x128xi32, #tpu.memory_space<vmem>> -> memref<128xi32, #tpu.memory_space<vmem>>
      %dma_wait3A_188 = arith.constant 0 : i32
      %dma_wait3A_189 = arith.constant 0 : i32
      %dma_wait3A_190 = tpu.memref_slice %arg5[%dma_wait3A_188, %dma_wait3A_189] : memref<50000x32xf32, #tpu.memory_space<hbm>> -> memref<50000x32xf32, #tpu.memory_space<hbm>>
      tpu.wait_indirect_dma semaphore(%arg20 : memref<!tpu.dma_semaphore, #tpu.memory_space<semaphore_mem>>) src(%dma_wait3A_190 : memref<50000x32xf32, #tpu.memory_space<hbm>>) dst(%dma_wait3A_184 : memref<128x32xf32, #tpu.memory_space<vmem>>)
      %dma_wait3A_191 = arith.constant 0 : i32
      %dma_wait3A_192 = arith.constant 0 : i32
      %dma_wait3A_193 = arith.constant 0 : i32
      %dma_wait3A_194 = arith.constant 0 : i32
      %dma_wait3A_195 = tpu.memref_slice %arg16[%dma_wait3A_192, %dma_wait3A_193, %dma_wait3A_194] : memref<2x128x16xf32, #tpu.memory_space<vmem>> -> memref<1x128x16xf32, #tpu.memory_space<vmem>>
      %dma_wait3A_196 = tpu.memref_squeeze %dma_wait3A_195 : memref<1x128x16xf32, #tpu.memory_space<vmem>> -> memref<128x16xf32, #tpu.memory_space<vmem>>
      %dma_wait3A_197 = arith.constant 0 : i32
      %dma_wait3A_198 = tpu.memref_slice %arg13[%dma_wait3A_191, %dma_wait3A_197] : memref<2x128xi32, #tpu.memory_space<vmem>> -> memref<1x128xi32, #tpu.memory_space<vmem>>
      %dma_wait3A_199 = tpu.memref_squeeze %dma_wait3A_198 : memref<1x128xi32, #tpu.memory_space<vmem>> -> memref<128xi32, #tpu.memory_space<vmem>>
      %dma_wait3A_200 = arith.constant 0 : i32
      %dma_wait3A_201 = arith.constant 0 : i32
      %dma_wait3A_202 = tpu.memref_slice %arg8[%dma_wait3A_200, %dma_wait3A_201] : memref<50048x16xf32, #tpu.memory_space<hbm>> -> memref<50048x16xf32, #tpu.memory_space<hbm>>
      tpu.wait_indirect_dma semaphore(%arg21 : memref<!tpu.dma_semaphore, #tpu.memory_space<semaphore_mem>>) src(%dma_wait3A_202 : memref<50048x16xf32, #tpu.memory_space<hbm>>) dst(%dma_wait3A_196 : memref<128x16xf32, #tpu.memory_space<vmem>>)
      %dma_wait3A_203 = arith.constant 1 : i32
      %dma_wait3A_204 = arith.constant 1 : i32
      %dma_wait3A_205 = arith.constant 0 : i32
      %dma_wait3A_206 = arith.constant 0 : i32
      %dma_wait3A_207 = tpu.memref_slice %arg16[%dma_wait3A_204, %dma_wait3A_205, %dma_wait3A_206] : memref<2x128x16xf32, #tpu.memory_space<vmem>> -> memref<1x128x16xf32, #tpu.memory_space<vmem>>
      %dma_wait3A_208 = tpu.memref_squeeze %dma_wait3A_207 : memref<1x128x16xf32, #tpu.memory_space<vmem>> -> memref<128x16xf32, #tpu.memory_space<vmem>>
      %dma_wait3A_209 = arith.constant 0 : i32
      %dma_wait3A_210 = tpu.memref_slice %arg13[%dma_wait3A_203, %dma_wait3A_209] : memref<2x128xi32, #tpu.memory_space<vmem>> -> memref<1x128xi32, #tpu.memory_space<vmem>>
      %dma_wait3A_211 = tpu.memref_squeeze %dma_wait3A_210 : memref<1x128xi32, #tpu.memory_space<vmem>> -> memref<128xi32, #tpu.memory_space<vmem>>
      %dma_wait3A_212 = arith.constant 0 : i32
      %dma_wait3A_213 = arith.constant 0 : i32
      %dma_wait3A_214 = tpu.memref_slice %arg8[%dma_wait3A_212, %dma_wait3A_213] : memref<50048x16xf32, #tpu.memory_space<hbm>> -> memref<50048x16xf32, #tpu.memory_space<hbm>>
      tpu.wait_indirect_dma semaphore(%arg21 : memref<!tpu.dma_semaphore, #tpu.memory_space<semaphore_mem>>) src(%dma_wait3A_214 : memref<50048x16xf32, #tpu.memory_space<hbm>>) dst(%dma_wait3A_208 : memref<128x16xf32, #tpu.memory_space<vmem>>)
      %scan3A_215 = arith.constant 0 : i32
      %scan3A_216 = arith.constant 0 : i32
      %scan3A_217 = arith.constant 256 : i32
      %scan3A_218 = arith.addi %scan3A_216, %scan3A_217 : i32
      %scan3A_219 = arith.constant 1 : i32
      %scan3A_220 = scf.for %scan3A_271 = %scan3A_216 to %scan3A_218 step %scan3A_219 iter_args(%scan3A_272 = %scan3A_215) -> (i32)  : i32 {
        %jit3A = arith.constant 128 : i32
        %div3A = arith.divsi %scan3A_271, %jit3A : i32
        %sign3A = arith.constant 0 : i32
        %sign3A_273 = arith.cmpi sgt, %scan3A_271, %sign3A : i32
        %sign3A_274 = arith.extui %sign3A_273 : i1 to i32
        %sign3A_275 = arith.constant 0 : i32
        %sign3A_276 = arith.cmpi slt, %scan3A_271, %sign3A_275 : i32
        %sign3A_277 = arith.extui %sign3A_276 : i1 to i32
        %sign3A_278 = arith.subi %sign3A_274, %sign3A_277 : i32
        %sign3A_279 = arith.constant 0 : i32
        %sign3A_280 = arith.cmpi sgt, %jit3A, %sign3A_279 : i32
        %sign3A_281 = arith.extui %sign3A_280 : i1 to i32
        %sign3A_282 = arith.constant 0 : i32
        %sign3A_283 = arith.cmpi slt, %jit3A, %sign3A_282 : i32
        %sign3A_284 = arith.extui %sign3A_283 : i1 to i32
        %sign3A_285 = arith.subi %sign3A_281, %sign3A_284 : i32
        %ne3A = arith.cmpi ne, %sign3A_278, %sign3A_285 : i32
        %rem3A = arith.remsi %scan3A_271, %jit3A : i32
        %ne3A_286 = arith.constant 0 : i32
        %ne3A_287 = arith.cmpi ne, %rem3A, %ne3A_286 : i32
        %and3A = arith.andi %ne3A, %ne3A_287 : i1
        %sub3A = arith.constant 1 : i32
        %sub3A_288 = arith.subi %div3A, %sub3A : i32
        %select_n3A = arith.select %and3A, %sub3A_288, %div3A : i32
        %jit3A_289 = arith.constant 128 : i32
        %eq3A = arith.constant 0 : i32
        %eq3A_290 = arith.cmpi eq, %jit3A_289, %eq3A : i32
        %jit3A_291 = arith.constant 1 : i32
        %select_n3A_292 = arith.select %eq3A_290, %jit3A_291, %jit3A_289 : i32
        %rem3A_293 = arith.remsi %scan3A_271, %select_n3A_292 : i32
        %ne3A_294 = arith.constant 0 : i32
        %ne3A_295 = arith.cmpi ne, %rem3A_293, %ne3A_294 : i32
        %lt3A = arith.constant 0 : i32
        %lt3A_296 = arith.cmpi slt, %rem3A_293, %lt3A : i32
        %lt3A_297 = arith.constant 0 : i32
        %lt3A_298 = arith.cmpi slt, %select_n3A_292, %lt3A_297 : i32
        %ne3A_299 = arith.xori %lt3A_296, %lt3A_298 : i1
        %and3A_300 = arith.andi %ne3A_299, %ne3A_295 : i1
        %add3A_301 = arith.addi %rem3A_293, %select_n3A_292 : i32
        %select_n3A_302 = arith.select %and3A_300, %add3A_301, %rem3A_293 : i32
        %get3A = arith.index_cast %select_n3A : i32 to index
        %get3A_303 = arith.index_cast %select_n3A_302 : i32 to index
        %get3A_304 = arith.constant 0 : index
        %get3A_305 = tpu.vector_load %arg17[%get3A, %get3A_303, %get3A_304] {strides = array<i32>} : memref<2x128x16xf32, #tpu.memory_space<vmem>>, vector<1x1x16xf32>,
        %get3A_306 = vector.shape_cast %get3A_305 : vector<1x1x16xf32> to vector<16xf32>
        %get3A_307 = arith.index_cast %select_n3A : i32 to index
        %get3A_308 = arith.index_cast %select_n3A_302 : i32 to index
        %get3A_309 = arith.constant 0 : index
        %get3A_310 = tpu.vector_load %arg16[%get3A_307, %get3A_308, %get3A_309] {strides = array<i32>} : memref<2x128x16xf32, #tpu.memory_space<vmem>>, vector<1x1x16xf32>,
        %get3A_311 = vector.shape_cast %get3A_310 : vector<1x1x16xf32> to vector<16xf32>
        %add3A_312 = arith.constant 1.000000e-16 : f32
        %add3A_313 = vector.broadcast %add3A_312 : f32 to vector<16xf32>
        %add3A_314 = arith.addf %get3A_311, %add3A_313 : vector<16xf32>
        %div3A_315 = arith.divf %get3A_306, %add3A_314 : vector<16xf32>
        %broadcast_in_dim3A_316 = vector.shape_cast %broadcast_in_dim3A_25 : vector<16xi32> to vector<16x1xi32>
        %gather3A = vector.shape_cast %broadcast_in_dim3A_316 : vector<16x1xi32> to vector<16xi32>
        %gather3A_317 = tpu.dynamic_gather %div3A_315[%gather3A] in [0] : vector<16xf32>, vector<16xi32> -> vector<16xf32>
        %broadcast_in_dim3A_318 = vector.shape_cast %broadcast_in_dim3A_27 : vector<16xi32> to vector<16x1xi32>
        %gather3A_319 = vector.shape_cast %broadcast_in_dim3A_318 : vector<16x1xi32> to vector<16xi32>
        %gather3A_320 = tpu.dynamic_gather %div3A_315[%gather3A_319] in [0] : vector<16xf32>, vector<16xi32> -> vector<16xf32>
        %get3A_321 = arith.index_cast %select_n3A : i32 to index
        %get3A_322 = arith.index_cast %select_n3A_302 : i32 to index
        %get3A_323 = arith.constant 0 : index
        %get3A_324 = tpu.vector_load %arg14[%get3A_321, %get3A_322, %get3A_323] {strides = array<i32>} : memref<2x128x32xf32, #tpu.memory_space<vmem>>, vector<1x1x16xf32>,
        %get3A_325 = vector.shape_cast %get3A_324 : vector<1x1x16xf32> to vector<16xf32>
        %get3A_326 = arith.index_cast %select_n3A : i32 to index
        %get3A_327 = arith.index_cast %select_n3A_302 : i32 to index
        %get3A_328 = arith.constant 0 : index
        %get3A_329 = tpu.vector_load %arg15[%get3A_326, %get3A_327, %get3A_328] {strides = array<i32>} : memref<2x128x32xf32, #tpu.memory_space<vmem>>, vector<1x1x16xf32>,
        %get3A_330 = vector.shape_cast %get3A_329 : vector<1x1x16xf32> to vector<16xf32>
        %add3A_331 = arith.addf %get3A_325, %get3A_330 : vector<16xf32>
        %mul3A_332 = arith.mulf %gather3A_317, %add3A_331 : vector<16xf32>
        %swap3A = arith.index_cast %select_n3A : i32 to index
        %swap3A_333 = arith.index_cast %select_n3A_302 : i32 to index
        %swap3A_334 = arith.constant 0 : index
        %swap3A_335 = tpu.vector_load %arg15[%swap3A, %swap3A_333, %swap3A_334] {strides = array<i32>} : memref<2x128x32xf32, #tpu.memory_space<vmem>>, vector<1x1x16xf32>,
        %swap3A_336 = vector.shape_cast %swap3A_335 : vector<1x1x16xf32> to vector<16xf32>
        %swap3A_337 = vector.shape_cast %mul3A_332 : vector<16xf32> to vector<1x1x16xf32>
        tpu.vector_store %arg15[%swap3A, %swap3A_333, %swap3A_334], %swap3A_337 {strides = array<i32>} : memref<2x128x32xf32, #tpu.memory_space<vmem>>, vector<1x1x16xf32>,
        %get3A_338 = arith.index_cast %select_n3A : i32 to index
        %get3A_339 = arith.index_cast %select_n3A_302 : i32 to index
        %get3A_340 = arith.constant 16 : index
        %get3A_341 = tpu.vector_load %arg14[%get3A_338, %get3A_339, %get3A_340] {strides = array<i32>} : memref<2x128x32xf32, #tpu.memory_space<vmem>>, vector<1x1x16xf32>,
        %get3A_342 = vector.shape_cast %get3A_341 : vector<1x1x16xf32> to vector<16xf32>
        %get3A_343 = arith.index_cast %select_n3A : i32 to index
        %get3A_344 = arith.index_cast %select_n3A_302 : i32 to index
        %get3A_345 = arith.constant 16 : index
        %get3A_346 = tpu.vector_load %arg15[%get3A_343, %get3A_344, %get3A_345] {strides = array<i32>} : memref<2x128x32xf32, #tpu.memory_space<vmem>>, vector<1x1x16xf32>,
        %get3A_347 = vector.shape_cast %get3A_346 : vector<1x1x16xf32> to vector<16xf32>
        %add3A_348 = arith.addf %get3A_342, %get3A_347 : vector<16xf32>
        %mul3A_349 = arith.mulf %gather3A_320, %add3A_348 : vector<16xf32>
        %swap3A_350 = arith.index_cast %select_n3A : i32 to index
        %swap3A_351 = arith.index_cast %select_n3A_302 : i32 to index
        %swap3A_352 = arith.constant 16 : index
        %swap3A_353 = tpu.vector_load %arg15[%swap3A_350, %swap3A_351, %swap3A_352] {strides = array<i32>} : memref<2x128x32xf32, #tpu.memory_space<vmem>>, vector<1x1x16xf32>,
        %swap3A_354 = vector.shape_cast %swap3A_353 : vector<1x1x16xf32> to vector<16xf32>
        %swap3A_355 = vector.shape_cast %mul3A_349 : vector<16xf32> to vector<1x1x16xf32>
        tpu.vector_store %arg15[%swap3A_350, %swap3A_351, %swap3A_352], %swap3A_355 {strides = array<i32>} : memref<2x128x32xf32, #tpu.memory_space<vmem>>, vector<1x1x16xf32>,
        %scan3A_356 = arith.constant 0 : i32
        scf.yield %scan3A_356 : i32
      }
      %scan3A_221 = arith.constant 256 : i32
      %dma_start3A_222 = arith.constant 0 : i32
      %dma_start3A_223 = arith.constant 0 : i32
      %dma_start3A_224 = arith.constant 0 : i32
      %dma_start3A_225 = arith.constant 0 : i32
      %dma_start3A_226 = tpu.memref_slice %arg15[%dma_start3A_222, %dma_start3A_224, %dma_start3A_225] : memref<2x128x32xf32, #tpu.memory_space<vmem>> -> memref<1x128x32xf32, #tpu.memory_space<vmem>>
      %dma_start3A_227 = tpu.memref_squeeze %dma_start3A_226 : memref<1x128x32xf32, #tpu.memory_space<vmem>> -> memref<128x32xf32, #tpu.memory_space<vmem>>
      %dma_start3A_228 = arith.constant 0 : i32
      %dma_start3A_229 = tpu.memref_slice %arg13[%dma_start3A_223, %dma_start3A_228] : memref<2x128xi32, #tpu.memory_space<vmem>> -> memref<1x128xi32, #tpu.memory_space<vmem>>
      %dma_start3A_230 = tpu.memref_squeeze %dma_start3A_229 : memref<1x128xi32, #tpu.memory_space<vmem>> -> memref<128xi32, #tpu.memory_space<vmem>>
      %dma_start3A_231 = arith.constant 0 : i32
      %dma_start3A_232 = arith.constant 0 : i32
      %dma_start3A_233 = tpu.memref_slice %arg18[%dma_start3A_231, %dma_start3A_232] : memref<50048x32xf32, #tpu.memory_space<vmem_shared>> -> memref<50048x32xf32, #tpu.memory_space<vmem_shared>>
      tpu.enqueue_indirect_dma source(%dma_start3A_227 : memref<128x32xf32, #tpu.memory_space<vmem>>) target(%dma_start3A_233 : memref<50048x32xf32, #tpu.memory_space<vmem_shared>>) offsets(%dma_start3A_230 : memref<128xi32, #tpu.memory_space<vmem>>) semaphore(%arg22 : memref<!tpu.dma_semaphore, #tpu.memory_space<semaphore_mem>>) {add = true}
      %dma_start3A_234 = arith.constant 1 : i32
      %dma_start3A_235 = arith.constant 1 : i32
      %dma_start3A_236 = arith.constant 0 : i32
      %dma_start3A_237 = arith.constant 0 : i32
      %dma_start3A_238 = tpu.memref_slice %arg15[%dma_start3A_234, %dma_start3A_236, %dma_start3A_237] : memref<2x128x32xf32, #tpu.memory_space<vmem>> -> memref<1x128x32xf32, #tpu.memory_space<vmem>>
      %dma_start3A_239 = tpu.memref_squeeze %dma_start3A_238 : memref<1x128x32xf32, #tpu.memory_space<vmem>> -> memref<128x32xf32, #tpu.memory_space<vmem>>
      %dma_start3A_240 = arith.constant 0 : i32
      %dma_start3A_241 = tpu.memref_slice %arg13[%dma_start3A_235, %dma_start3A_240] : memref<2x128xi32, #tpu.memory_space<vmem>> -> memref<1x128xi32, #tpu.memory_space<vmem>>
      %dma_start3A_242 = tpu.memref_squeeze %dma_start3A_241 : memref<1x128xi32, #tpu.memory_space<vmem>> -> memref<128xi32, #tpu.memory_space<vmem>>
      %dma_start3A_243 = arith.constant 0 : i32
      %dma_start3A_244 = arith.constant 0 : i32
      %dma_start3A_245 = tpu.memref_slice %arg18[%dma_start3A_243, %dma_start3A_244] : memref<50048x32xf32, #tpu.memory_space<vmem_shared>> -> memref<50048x32xf32, #tpu.memory_space<vmem_shared>>
      tpu.enqueue_indirect_dma source(%dma_start3A_239 : memref<128x32xf32, #tpu.memory_space<vmem>>) target(%dma_start3A_245 : memref<50048x32xf32, #tpu.memory_space<vmem_shared>>) offsets(%dma_start3A_242 : memref<128xi32, #tpu.memory_space<vmem>>) semaphore(%arg22 : memref<!tpu.dma_semaphore, #tpu.memory_space<semaphore_mem>>) {add = true}
      %dma_wait3A_246 = arith.constant 0 : i32
      %dma_wait3A_247 = arith.constant 0 : i32
      %dma_wait3A_248 = arith.constant 0 : i32
      %dma_wait3A_249 = arith.constant 0 : i32
      %dma_wait3A_250 = tpu.memref_slice %arg15[%dma_wait3A_246, %dma_wait3A_248, %dma_wait3A_249] : memref<2x128x32xf32, #tpu.memory_space<vmem>> -> memref<1x128x32xf32, #tpu.memory_space<vmem>>
      %dma_wait3A_251 = tpu.memref_squeeze %dma_wait3A_250 : memref<1x128x32xf32, #tpu.memory_space<vmem>> -> memref<128x32xf32, #tpu.memory_space<vmem>>
      %dma_wait3A_252 = arith.constant 0 : i32
      %dma_wait3A_253 = tpu.memref_slice %arg13[%dma_wait3A_247, %dma_wait3A_252] : memref<2x128xi32, #tpu.memory_space<vmem>> -> memref<1x128xi32, #tpu.memory_space<vmem>>
      %dma_wait3A_254 = tpu.memref_squeeze %dma_wait3A_253 : memref<1x128xi32, #tpu.memory_space<vmem>> -> memref<128xi32, #tpu.memory_space<vmem>>
      %dma_wait3A_255 = arith.constant 0 : i32
      %dma_wait3A_256 = arith.constant 0 : i32
      %dma_wait3A_257 = tpu.memref_slice %arg18[%dma_wait3A_255, %dma_wait3A_256] : memref<50048x32xf32, #tpu.memory_space<vmem_shared>> -> memref<50048x32xf32, #tpu.memory_space<vmem_shared>>
      tpu.wait_indirect_dma semaphore(%arg22 : memref<!tpu.dma_semaphore, #tpu.memory_space<semaphore_mem>>) src(%dma_wait3A_251 : memref<128x32xf32, #tpu.memory_space<vmem>>) dst(%dma_wait3A_257 : memref<50048x32xf32, #tpu.memory_space<vmem_shared>>)
      %dma_wait3A_258 = arith.constant 1 : i32
      %dma_wait3A_259 = arith.constant 1 : i32
      %dma_wait3A_260 = arith.constant 0 : i32
      %dma_wait3A_261 = arith.constant 0 : i32
      %dma_wait3A_262 = tpu.memref_slice %arg15[%dma_wait3A_258, %dma_wait3A_260, %dma_wait3A_261] : memref<2x128x32xf32, #tpu.memory_space<vmem>> -> memref<1x128x32xf32, #tpu.memory_space<vmem>>
      %dma_wait3A_263 = tpu.memref_squeeze %dma_wait3A_262 : memref<1x128x32xf32, #tpu.memory_space<vmem>> -> memref<128x32xf32, #tpu.memory_space<vmem>>
      %dma_wait3A_264 = arith.constant 0 : i32
      %dma_wait3A_265 = tpu.memref_slice %arg13[%dma_wait3A_259, %dma_wait3A_264] : memref<2x128xi32, #tpu.memory_space<vmem>> -> memref<1x128xi32, #tpu.memory_space<vmem>>
      %dma_wait3A_266 = tpu.memref_squeeze %dma_wait3A_265 : memref<1x128xi32, #tpu.memory_space<vmem>> -> memref<128xi32, #tpu.memory_space<vmem>>
      %dma_wait3A_267 = arith.constant 0 : i32
      %dma_wait3A_268 = arith.constant 0 : i32
      %dma_wait3A_269 = tpu.memref_slice %arg18[%dma_wait3A_267, %dma_wait3A_268] : memref<50048x32xf32, #tpu.memory_space<vmem_shared>> -> memref<50048x32xf32, #tpu.memory_space<vmem_shared>>
      tpu.wait_indirect_dma semaphore(%arg22 : memref<!tpu.dma_semaphore, #tpu.memory_space<semaphore_mem>>) src(%dma_wait3A_263 : memref<128x32xf32, #tpu.memory_space<vmem>>) dst(%dma_wait3A_269 : memref<50048x32xf32, #tpu.memory_space<vmem_shared>>)
      %scan3A_270 = arith.constant 0 : i32
      scf.yield %scan3A_270 : i32
    }
    %scan3A_34 = arith.constant 100 : i32
    %barrier3A_35 = arith.constant 0 : index
    tpu.barrier barrier_id(%barrier3A_35)
    %mul3A_36 = arith.constant 3128 : i32
    %mul3A_37 = arith.muli %arg1, %mul3A_36 : i32
    %multiple_of3A_38 = tpu.assume_multiple %mul3A_37, 8 : i32
    %mul3A_39 = arith.constant 3128 : i32
    %mul3A_40 = arith.muli %arg1, %mul3A_39 : i32
    %multiple_of3A_41 = tpu.assume_multiple %mul3A_40, 8 : i32
    %run_scoped3A_42 = arith.constant 1 : i32
    "tpu.region"() ({
      %run_scoped3A_44 = tpu.sem_alloc : memref<!tpu.dma_semaphore, #tpu.memory_space<semaphore_mem>>
      %dma_start3A = arith.constant 0 : i32
      %dma_start3A_45 = arith.constant 0 : i32
      %dma_start3A_46 = tpu.memref_slice %arg11[%arg0, %run_scoped3A_42, %dma_start3A, %dma_start3A_45] : memref<2x2x50048x32xf32, #tpu.memory_space<hbm>> -> memref<1x1x50048x32xf32, #tpu.memory_space<hbm>>
      %dma_start3A_47 = tpu.memref_squeeze %dma_start3A_46 : memref<1x1x50048x32xf32, #tpu.memory_space<hbm>> -> memref<50048x32xf32, #tpu.memory_space<hbm>>
      %dma_start3A_48 = arith.constant 0 : i32
      %dma_start3A_49 = tpu.memref_slice %dma_start3A_47[%multiple_of3A_41, %dma_start3A_48] : memref<50048x32xf32, #tpu.memory_space<hbm>> -> memref<3128x32xf32, #tpu.memory_space<hbm>>
      %dma_start3A_50 = arith.constant 0 : i32
      %dma_start3A_51 = tpu.memref_slice %arg18[%multiple_of3A_38, %dma_start3A_50] : memref<50048x32xf32, #tpu.memory_space<vmem_shared>> -> memref<3128x32xf32, #tpu.memory_space<vmem_shared>>
      tpu.enqueue_dma source(%dma_start3A_51 : memref<3128x32xf32, #tpu.memory_space<vmem_shared>>) target(%dma_start3A_49 : memref<3128x32xf32, #tpu.memory_space<hbm>>) target_semaphore(%run_scoped3A_44 : memref<!tpu.dma_semaphore, #tpu.memory_space<semaphore_mem>>)
      %dma_wait3A = arith.constant 0 : i32
      %dma_wait3A_52 = arith.constant 0 : i32
      %dma_wait3A_53 = tpu.memref_slice %arg11[%arg0, %run_scoped3A_42, %dma_wait3A, %dma_wait3A_52] : memref<2x2x50048x32xf32, #tpu.memory_space<hbm>> -> memref<1x1x50048x32xf32, #tpu.memory_space<hbm>>
      %dma_wait3A_54 = tpu.memref_squeeze %dma_wait3A_53 : memref<1x1x50048x32xf32, #tpu.memory_space<hbm>> -> memref<50048x32xf32, #tpu.memory_space<hbm>>
      %dma_wait3A_55 = arith.constant 0 : i32
      %dma_wait3A_56 = tpu.memref_slice %dma_wait3A_54[%multiple_of3A_41, %dma_wait3A_55] : memref<50048x32xf32, #tpu.memory_space<hbm>> -> memref<3128x32xf32, #tpu.memory_space<hbm>>
      %dma_wait3A_57 = arith.constant 0 : i32
      %dma_wait3A_58 = tpu.memref_slice %arg18[%multiple_of3A_38, %dma_wait3A_57] : memref<50048x32xf32, #tpu.memory_space<vmem_shared>> -> memref<3128x32xf32, #tpu.memory_space<vmem_shared>>
      tpu.wait_dma2 semaphore(%run_scoped3A_44 : memref<!tpu.dma_semaphore, #tpu.memory_space<semaphore_mem>>) src(%dma_wait3A_58 : memref<3128x32xf32, #tpu.memory_space<vmem_shared>>) dst(%dma_wait3A_56 : memref<3128x32xf32, #tpu.memory_space<hbm>>)
      tpu.yield
    }) : () -> ()
    %barrier3A_43 = arith.constant 0 : index
    tpu.barrier barrier_id(%barrier3A_43)
    return
  }
}

#map = affine_map<(d0, d1) -> (0, 0, 0)>
#map1 = affine_map<(d0, d1) -> (0, 0)>
#map2 = affine_map<(d0, d1) -> (0, 0, 0, 0)>
module attributes {stable_mosaic.version = 14 : i64} {
  func.func @_stage_a_body(%arg0: i32, %arg1: i32, %arg2: memref<800x8x128xi32, #tpu.memory_space<hbm>>, %arg3: memref<800x8x128xi32, #tpu.memory_space<hbm>>, %arg4: memref<50048x16xf32, #tpu.memory_space<hbm>>, %arg5: memref<800x4096xf32, #tpu.memory_space<hbm>>, %arg6: memref<3128x16xf32, #tpu.memory_space<hbm>>, %arg7: memref<2x50048x16xf32, #tpu.memory_space<hbm>>, %arg8: memref<800x8x128x16xf32, #tpu.memory_space<hbm>>, %arg9: memref<8x128xi32, #tpu.memory_space<vmem>>, %arg10: memref<8x128xi32, #tpu.memory_space<vmem>>, %arg11: memref<8x128x16xf32, #tpu.memory_space<vmem>>, %arg12: memref<8x128x16xf32, #tpu.memory_space<vmem>>, %arg13: memref<4112xf32, #tpu.memory_space<vmem>>, %arg14: memref<8x128x16xf32, #tpu.memory_space<vmem>>, %arg15: memref<50048x16xf32, #tpu.memory_space<vmem_shared>>, %arg16: memref<!tpu.dma_semaphore, #tpu.memory_space<semaphore_mem>>, %arg17: memref<!tpu.dma_semaphore, #tpu.memory_space<semaphore_mem>>, %arg18: memref<!tpu.dma_semaphore, #tpu.memory_space<semaphore_mem>>, %arg19: memref<!tpu.dma_semaphore, #tpu.memory_space<semaphore_mem>>) attributes {dimension_semantics = [#tpu.dimension_semantics<core_parallel>, #tpu.dimension_semantics<subcore_parallel>], iteration_bounds = array<i64: 2, 16>, scalar_prefetch = 0 : i64, scratch_operands = 11 : i64, tpu.core_type = #tpu.core_type<sc_vector_subcore>, window_params = [{transform_indices = #map}, {transform_indices = #map}, {transform_indices = #map1}, {transform_indices = #map1}, {transform_indices = #map1}, {transform_indices = #map}, {transform_indices = #map2}]} {
    %mul3A = arith.constant 16 : i32
    %mul3A_0 = arith.muli %arg0, %mul3A : i32
    %add3A = arith.addi %mul3A_0, %arg1 : i32
    %mul3A_1 = arith.constant 3128 : i32
    %mul3A_2 = arith.muli %arg1, %mul3A_1 : i32
    %multiple_of3A = tpu.assume_multiple %mul3A_2, 8 : i32
    "tpu.region"() ({
      %run_scoped3A = tpu.sem_alloc : memref<!tpu.dma_semaphore, #tpu.memory_space<semaphore_mem>>
      %dma_start3A = arith.constant 0 : i32
      %dma_start3A_27 = tpu.memref_slice %arg15[%multiple_of3A, %dma_start3A] : memref<50048x16xf32, #tpu.memory_space<vmem_shared>> -> memref<3128x16xf32, #tpu.memory_space<vmem_shared>>
      tpu.enqueue_dma source(%arg6 : memref<3128x16xf32, #tpu.memory_space<hbm>>) target(%dma_start3A_27 : memref<3128x16xf32, #tpu.memory_space<vmem_shared>>) target_semaphore(%run_scoped3A : memref<!tpu.dma_semaphore, #tpu.memory_space<semaphore_mem>>)
      %dma_wait3A = arith.constant 0 : i32
      %dma_wait3A_28 = tpu.memref_slice %arg15[%multiple_of3A, %dma_wait3A] : memref<50048x16xf32, #tpu.memory_space<vmem_shared>> -> memref<3128x16xf32, #tpu.memory_space<vmem_shared>>
      tpu.wait_dma2 semaphore(%run_scoped3A : memref<!tpu.dma_semaphore, #tpu.memory_space<semaphore_mem>>) src(%arg6 : memref<3128x16xf32, #tpu.memory_space<hbm>>) dst(%dma_wait3A_28 : memref<3128x16xf32, #tpu.memory_space<vmem_shared>>)
      tpu.yield
    }) : () -> ()
    %broadcast_in_dim3A = arith.constant 0.000000e+00 : f32
    %broadcast_in_dim3A_3 = vector.broadcast %broadcast_in_dim3A : f32 to vector<16xf32>
    %swap3A = arith.constant 4096 : index
    %swap3A_4 = tpu.vector_load %arg13[%swap3A] {strides = array<i32>} : memref<4112xf32, #tpu.memory_space<vmem>>, vector<16xf32>,
    %swap3A_5 = vector.shape_cast %swap3A_4 : vector<16xf32> to vector<16xf32>
    %swap3A_6 = vector.shape_cast %broadcast_in_dim3A_3 : vector<16xf32> to vector<16xf32>
    tpu.vector_store %arg13[%swap3A], %swap3A_6 {strides = array<i32>} : memref<4112xf32, #tpu.memory_space<vmem>>, vector<16xf32>,
    %barrier3A = arith.constant 0 : index
    tpu.barrier barrier_id(%barrier3A)
    %iota3A = tpu.iota {dimensions = array<i32: 0>} : vector<16xi32>
    %lt3A = arith.constant 12 : i32
    %lt3A_7 = vector.broadcast %lt3A : i32 to vector<16xi32>
    %lt3A_8 = arith.cmpi slt, %iota3A, %lt3A_7 : vector<16xi32>
    %add3A_9 = arith.constant 4 : i32
    %add3A_10 = vector.broadcast %add3A_9 : i32 to vector<16xi32>
    %add3A_11 = arith.addi %iota3A, %add3A_10 : vector<16xi32>
    %sub3A = arith.constant 12 : i32
    %sub3A_12 = vector.broadcast %sub3A : i32 to vector<16xi32>
    %sub3A_13 = arith.subi %iota3A, %sub3A_12 : vector<16xi32>
    %select_n3A = arith.select %lt3A_8, %add3A_11, %sub3A_13 : vector<16xi1>, vector<16xi32>
    %scan3A = arith.constant 0 : i32
    %scan3A_14 = arith.constant 0 : i32
    %scan3A_15 = arith.constant 25 : i32
    %scan3A_16 = arith.addi %scan3A_14, %scan3A_15 : i32
    %scan3A_17 = arith.constant 1 : i32
    %scan3A_18 = scf.for %scan3A_27 = %scan3A_14 to %scan3A_16 step %scan3A_17 iter_args(%scan3A_28 = %scan3A) -> (i32)  : i32 {
      %mul3A_29 = arith.constant 25 : i32
      %mul3A_30 = arith.muli %add3A, %mul3A_29 : i32
      %add3A_31 = arith.addi %mul3A_30, %scan3A_27 : i32
      %dma_start3A = arith.constant 0 : i32
      %dma_start3A_32 = arith.constant 0 : i32
      %dma_start3A_33 = tpu.memref_slice %arg2[%add3A_31, %dma_start3A, %dma_start3A_32] : memref<800x8x128xi32, #tpu.memory_space<hbm>> -> memref<1x8x128xi32, #tpu.memory_space<hbm>>
      %dma_start3A_34 = tpu.memref_squeeze %dma_start3A_33 : memref<1x8x128xi32, #tpu.memory_space<hbm>> -> memref<8x128xi32, #tpu.memory_space<hbm>>
      %dma_start3A_35 = arith.constant 0 : i32
      %dma_start3A_36 = arith.constant 0 : i32
      %dma_start3A_37 = tpu.memref_slice %arg2[%add3A_31, %dma_start3A_35, %dma_start3A_36] : memref<800x8x128xi32, #tpu.memory_space<hbm>> -> memref<1x8x128xi32, #tpu.memory_space<hbm>>
      %dma_start3A_38 = tpu.memref_squeeze %dma_start3A_37 : memref<1x8x128xi32, #tpu.memory_space<hbm>> -> memref<8x128xi32, #tpu.memory_space<hbm>>
      tpu.enqueue_dma source(%dma_start3A_38 : memref<8x128xi32, #tpu.memory_space<hbm>>) target(%arg9 : memref<8x128xi32, #tpu.memory_space<vmem>>) target_semaphore(%arg16 : memref<!tpu.dma_semaphore, #tpu.memory_space<semaphore_mem>>)
      %dma_start3A_39 = arith.constant 0 : i32
      %dma_start3A_40 = arith.constant 0 : i32
      %dma_start3A_41 = tpu.memref_slice %arg3[%add3A_31, %dma_start3A_39, %dma_start3A_40] : memref<800x8x128xi32, #tpu.memory_space<hbm>> -> memref<1x8x128xi32, #tpu.memory_space<hbm>>
      %dma_start3A_42 = tpu.memref_squeeze %dma_start3A_41 : memref<1x8x128xi32, #tpu.memory_space<hbm>> -> memref<8x128xi32, #tpu.memory_space<hbm>>
      %dma_start3A_43 = arith.constant 0 : i32
      %dma_start3A_44 = arith.constant 0 : i32
      %dma_start3A_45 = tpu.memref_slice %arg3[%add3A_31, %dma_start3A_43, %dma_start3A_44] : memref<800x8x128xi32, #tpu.memory_space<hbm>> -> memref<1x8x128xi32, #tpu.memory_space<hbm>>
      %dma_start3A_46 = tpu.memref_squeeze %dma_start3A_45 : memref<1x8x128xi32, #tpu.memory_space<hbm>> -> memref<8x128xi32, #tpu.memory_space<hbm>>
      tpu.enqueue_dma source(%dma_start3A_46 : memref<8x128xi32, #tpu.memory_space<hbm>>) target(%arg10 : memref<8x128xi32, #tpu.memory_space<vmem>>) target_semaphore(%arg16 : memref<!tpu.dma_semaphore, #tpu.memory_space<semaphore_mem>>)
      %dma_start3A_47 = arith.constant 0 : i32
      %dma_start3A_48 = tpu.memref_slice %arg13[%dma_start3A_47] : memref<4112xf32, #tpu.memory_space<vmem>> -> memref<4096xf32, #tpu.memory_space<vmem>>
      %dma_start3A_49 = arith.constant 0 : i32
      %dma_start3A_50 = tpu.memref_slice %arg5[%add3A_31, %dma_start3A_49] : memref<800x4096xf32, #tpu.memory_space<hbm>> -> memref<1x4096xf32, #tpu.memory_space<hbm>>
      %dma_start3A_51 = tpu.memref_squeeze %dma_start3A_50 : memref<1x4096xf32, #tpu.memory_space<hbm>> -> memref<4096xf32, #tpu.memory_space<hbm>>
      %dma_start3A_52 = arith.constant 0 : i32
      %dma_start3A_53 = tpu.memref_slice %arg13[%dma_start3A_52] : memref<4112xf32, #tpu.memory_space<vmem>> -> memref<4096xf32, #tpu.memory_space<vmem>>
      %dma_start3A_54 = arith.constant 0 : i32
      %dma_start3A_55 = tpu.memref_slice %arg5[%add3A_31, %dma_start3A_54] : memref<800x4096xf32, #tpu.memory_space<hbm>> -> memref<1x4096xf32, #tpu.memory_space<hbm>>
      %dma_start3A_56 = tpu.memref_squeeze %dma_start3A_55 : memref<1x4096xf32, #tpu.memory_space<hbm>> -> memref<4096xf32, #tpu.memory_space<hbm>>
      tpu.enqueue_dma source(%dma_start3A_56 : memref<4096xf32, #tpu.memory_space<hbm>>) target(%dma_start3A_53 : memref<4096xf32, #tpu.memory_space<vmem>>) target_semaphore(%arg19 : memref<!tpu.dma_semaphore, #tpu.memory_space<semaphore_mem>>)
      %dma_wait3A = arith.constant 0 : i32
      %dma_wait3A_57 = arith.constant 0 : i32
      %dma_wait3A_58 = tpu.memref_slice %arg2[%add3A_31, %dma_wait3A, %dma_wait3A_57] : memref<800x8x128xi32, #tpu.memory_space<hbm>> -> memref<1x8x128xi32, #tpu.memory_space<hbm>>
      %dma_wait3A_59 = tpu.memref_squeeze %dma_wait3A_58 : memref<1x8x128xi32, #tpu.memory_space<hbm>> -> memref<8x128xi32, #tpu.memory_space<hbm>>
      %dma_wait3A_60 = arith.constant 0 : i32
      %dma_wait3A_61 = arith.constant 0 : i32
      %dma_wait3A_62 = tpu.memref_slice %arg2[%add3A_31, %dma_wait3A_60, %dma_wait3A_61] : memref<800x8x128xi32, #tpu.memory_space<hbm>> -> memref<1x8x128xi32, #tpu.memory_space<hbm>>
      %dma_wait3A_63 = tpu.memref_squeeze %dma_wait3A_62 : memref<1x8x128xi32, #tpu.memory_space<hbm>> -> memref<8x128xi32, #tpu.memory_space<hbm>>
      tpu.wait_dma2 semaphore(%arg16 : memref<!tpu.dma_semaphore, #tpu.memory_space<semaphore_mem>>) src(%dma_wait3A_63 : memref<8x128xi32, #tpu.memory_space<hbm>>) dst(%arg9 : memref<8x128xi32, #tpu.memory_space<vmem>>)
      %dma_wait3A_64 = arith.constant 0 : i32
      %dma_wait3A_65 = arith.constant 0 : i32
      %dma_wait3A_66 = tpu.memref_slice %arg3[%add3A_31, %dma_wait3A_64, %dma_wait3A_65] : memref<800x8x128xi32, #tpu.memory_space<hbm>> -> memref<1x8x128xi32, #tpu.memory_space<hbm>>
      %dma_wait3A_67 = tpu.memref_squeeze %dma_wait3A_66 : memref<1x8x128xi32, #tpu.memory_space<hbm>> -> memref<8x128xi32, #tpu.memory_space<hbm>>
      %dma_wait3A_68 = arith.constant 0 : i32
      %dma_wait3A_69 = arith.constant 0 : i32
      %dma_wait3A_70 = tpu.memref_slice %arg3[%add3A_31, %dma_wait3A_68, %dma_wait3A_69] : memref<800x8x128xi32, #tpu.memory_space<hbm>> -> memref<1x8x128xi32, #tpu.memory_space<hbm>>
      %dma_wait3A_71 = tpu.memref_squeeze %dma_wait3A_70 : memref<1x8x128xi32, #tpu.memory_space<hbm>> -> memref<8x128xi32, #tpu.memory_space<hbm>>
      tpu.wait_dma2 semaphore(%arg16 : memref<!tpu.dma_semaphore, #tpu.memory_space<semaphore_mem>>) src(%dma_wait3A_71 : memref<8x128xi32, #tpu.memory_space<hbm>>) dst(%arg10 : memref<8x128xi32, #tpu.memory_space<vmem>>)
      %dma_wait3A_72 = arith.constant 0 : i32
      %dma_wait3A_73 = tpu.memref_slice %arg13[%dma_wait3A_72] : memref<4112xf32, #tpu.memory_space<vmem>> -> memref<4096xf32, #tpu.memory_space<vmem>>
      %dma_wait3A_74 = arith.constant 0 : i32
      %dma_wait3A_75 = tpu.memref_slice %arg5[%add3A_31, %dma_wait3A_74] : memref<800x4096xf32, #tpu.memory_space<hbm>> -> memref<1x4096xf32, #tpu.memory_space<hbm>>
      %dma_wait3A_76 = tpu.memref_squeeze %dma_wait3A_75 : memref<1x4096xf32, #tpu.memory_space<hbm>> -> memref<4096xf32, #tpu.memory_space<hbm>>
      %dma_wait3A_77 = arith.constant 0 : i32
      %dma_wait3A_78 = tpu.memref_slice %arg13[%dma_wait3A_77] : memref<4112xf32, #tpu.memory_space<vmem>> -> memref<4096xf32, #tpu.memory_space<vmem>>
      %dma_wait3A_79 = arith.constant 0 : i32
      %dma_wait3A_80 = tpu.memref_slice %arg5[%add3A_31, %dma_wait3A_79] : memref<800x4096xf32, #tpu.memory_space<hbm>> -> memref<1x4096xf32, #tpu.memory_space<hbm>>
      %dma_wait3A_81 = tpu.memref_squeeze %dma_wait3A_80 : memref<1x4096xf32, #tpu.memory_space<hbm>> -> memref<4096xf32, #tpu.memory_space<hbm>>
      tpu.wait_dma2 semaphore(%arg19 : memref<!tpu.dma_semaphore, #tpu.memory_space<semaphore_mem>>) src(%dma_wait3A_81 : memref<4096xf32, #tpu.memory_space<hbm>>) dst(%dma_wait3A_78 : memref<4096xf32, #tpu.memory_space<vmem>>)
      %dma_start3A_82 = arith.constant 0 : i32
      %dma_start3A_83 = arith.constant 0 : i32
      %dma_start3A_84 = arith.constant 0 : i32
      %dma_start3A_85 = arith.constant 0 : i32
      %dma_start3A_86 = tpu.memref_slice %arg11[%dma_start3A_83, %dma_start3A_84, %dma_start3A_85] : memref<8x128x16xf32, #tpu.memory_space<vmem>> -> memref<1x128x16xf32, #tpu.memory_space<vmem>>
      %dma_start3A_87 = tpu.memref_squeeze %dma_start3A_86 : memref<1x128x16xf32, #tpu.memory_space<vmem>> -> memref<128x16xf32, #tpu.memory_space<vmem>>
      %dma_start3A_88 = arith.constant 0 : i32
      %dma_start3A_89 = tpu.memref_slice %arg9[%dma_start3A_82, %dma_start3A_88] : memref<8x128xi32, #tpu.memory_space<vmem>> -> memref<1x128xi32, #tpu.memory_space<vmem>>
      %dma_start3A_90 = tpu.memref_squeeze %dma_start3A_89 : memref<1x128xi32, #tpu.memory_space<vmem>> -> memref<128xi32, #tpu.memory_space<vmem>>
      %dma_start3A_91 = arith.constant 0 : i32
      %dma_start3A_92 = arith.constant 0 : i32
      %dma_start3A_93 = tpu.memref_slice %arg4[%dma_start3A_91, %dma_start3A_92] : memref<50048x16xf32, #tpu.memory_space<hbm>> -> memref<50048x16xf32, #tpu.memory_space<hbm>>
      tpu.enqueue_indirect_dma source(%dma_start3A_93 : memref<50048x16xf32, #tpu.memory_space<hbm>>) target(%dma_start3A_87 : memref<128x16xf32, #tpu.memory_space<vmem>>) offsets(%dma_start3A_90 : memref<128xi32, #tpu.memory_space<vmem>>) semaphore(%arg17 : memref<!tpu.dma_semaphore, #tpu.memory_space<semaphore_mem>>)
      %dma_start3A_94 = arith.constant 0 : i32
      %dma_start3A_95 = arith.constant 0 : i32
      %dma_start3A_96 = arith.constant 0 : i32
      %dma_start3A_97 = arith.constant 0 : i32
      %dma_start3A_98 = tpu.memref_slice %arg12[%dma_start3A_95, %dma_start3A_96, %dma_start3A_97] : memref<8x128x16xf32, #tpu.memory_space<vmem>> -> memref<1x128x16xf32, #tpu.memory_space<vmem>>
      %dma_start3A_99 = tpu.memref_squeeze %dma_start3A_98 : memref<1x128x16xf32, #tpu.memory_space<vmem>> -> memref<128x16xf32, #tpu.memory_space<vmem>>
      %dma_start3A_100 = arith.constant 0 : i32
      %dma_start3A_101 = tpu.memref_slice %arg10[%dma_start3A_94, %dma_start3A_100] : memref<8x128xi32, #tpu.memory_space<vmem>> -> memref<1x128xi32, #tpu.memory_space<vmem>>
      %dma_start3A_102 = tpu.memref_squeeze %dma_start3A_101 : memref<1x128xi32, #tpu.memory_space<vmem>> -> memref<128xi32, #tpu.memory_space<vmem>>
      %dma_start3A_103 = arith.constant 0 : i32
      %dma_start3A_104 = arith.constant 0 : i32
      %dma_start3A_105 = tpu.memref_slice %arg4[%dma_start3A_103, %dma_start3A_104] : memref<50048x16xf32, #tpu.memory_space<hbm>> -> memref<50048x16xf32, #tpu.memory_space<hbm>>
      tpu.enqueue_indirect_dma source(%dma_start3A_105 : memref<50048x16xf32, #tpu.memory_space<hbm>>) target(%dma_start3A_99 : memref<128x16xf32, #tpu.memory_space<vmem>>) offsets(%dma_start3A_102 : memref<128xi32, #tpu.memory_space<vmem>>) semaphore(%arg18 : memref<!tpu.dma_semaphore, #tpu.memory_space<semaphore_mem>>)
      %dma_start3A_106 = arith.constant 1 : i32
      %dma_start3A_107 = arith.constant 1 : i32
      %dma_start3A_108 = arith.constant 0 : i32
      %dma_start3A_109 = arith.constant 0 : i32
      %dma_start3A_110 = tpu.memref_slice %arg11[%dma_start3A_107, %dma_start3A_108, %dma_start3A_109] : memref<8x128x16xf32, #tpu.memory_space<vmem>> -> memref<1x128x16xf32, #tpu.memory_space<vmem>>
      %dma_start3A_111 = tpu.memref_squeeze %dma_start3A_110 : memref<1x128x16xf32, #tpu.memory_space<vmem>> -> memref<128x16xf32, #tpu.memory_space<vmem>>
      %dma_start3A_112 = arith.constant 0 : i32
      %dma_start3A_113 = tpu.memref_slice %arg9[%dma_start3A_106, %dma_start3A_112] : memref<8x128xi32, #tpu.memory_space<vmem>> -> memref<1x128xi32, #tpu.memory_space<vmem>>
      %dma_start3A_114 = tpu.memref_squeeze %dma_start3A_113 : memref<1x128xi32, #tpu.memory_space<vmem>> -> memref<128xi32, #tpu.memory_space<vmem>>
      %dma_start3A_115 = arith.constant 0 : i32
      %dma_start3A_116 = arith.constant 0 : i32
      %dma_start3A_117 = tpu.memref_slice %arg4[%dma_start3A_115, %dma_start3A_116] : memref<50048x16xf32, #tpu.memory_space<hbm>> -> memref<50048x16xf32, #tpu.memory_space<hbm>>
      tpu.enqueue_indirect_dma source(%dma_start3A_117 : memref<50048x16xf32, #tpu.memory_space<hbm>>) target(%dma_start3A_111 : memref<128x16xf32, #tpu.memory_space<vmem>>) offsets(%dma_start3A_114 : memref<128xi32, #tpu.memory_space<vmem>>) semaphore(%arg17 : memref<!tpu.dma_semaphore, #tpu.memory_space<semaphore_mem>>)
      %dma_start3A_118 = arith.constant 1 : i32
      %dma_start3A_119 = arith.constant 1 : i32
      %dma_start3A_120 = arith.constant 0 : i32
      %dma_start3A_121 = arith.constant 0 : i32
      %dma_start3A_122 = tpu.memref_slice %arg12[%dma_start3A_119, %dma_start3A_120, %dma_start3A_121] : memref<8x128x16xf32, #tpu.memory_space<vmem>> -> memref<1x128x16xf32, #tpu.memory_space<vmem>>
      %dma_start3A_123 = tpu.memref_squeeze %dma_start3A_122 : memref<1x128x16xf32, #tpu.memory_space<vmem>> -> memref<128x16xf32, #tpu.memory_space<vmem>>
      %dma_start3A_124 = arith.constant 0 : i32
      %dma_start3A_125 = tpu.memref_slice %arg10[%dma_start3A_118, %dma_start3A_124] : memref<8x128xi32, #tpu.memory_space<vmem>> -> memref<1x128xi32, #tpu.memory_space<vmem>>
      %dma_start3A_126 = tpu.memref_squeeze %dma_start3A_125 : memref<1x128xi32, #tpu.memory_space<vmem>> -> memref<128xi32, #tpu.memory_space<vmem>>
      %dma_start3A_127 = arith.constant 0 : i32
      %dma_start3A_128 = arith.constant 0 : i32
      %dma_start3A_129 = tpu.memref_slice %arg4[%dma_start3A_127, %dma_start3A_128] : memref<50048x16xf32, #tpu.memory_space<hbm>> -> memref<50048x16xf32, #tpu.memory_space<hbm>>
      tpu.enqueue_indirect_dma source(%dma_start3A_129 : memref<50048x16xf32, #tpu.memory_space<hbm>>) target(%dma_start3A_123 : memref<128x16xf32, #tpu.memory_space<vmem>>) offsets(%dma_start3A_126 : memref<128xi32, #tpu.memory_space<vmem>>) semaphore(%arg18 : memref<!tpu.dma_semaphore, #tpu.memory_space<semaphore_mem>>)
      %dma_start3A_130 = arith.constant 2 : i32
      %dma_start3A_131 = arith.constant 2 : i32
      %dma_start3A_132 = arith.constant 0 : i32
      %dma_start3A_133 = arith.constant 0 : i32
      %dma_start3A_134 = tpu.memref_slice %arg11[%dma_start3A_131, %dma_start3A_132, %dma_start3A_133] : memref<8x128x16xf32, #tpu.memory_space<vmem>> -> memref<1x128x16xf32, #tpu.memory_space<vmem>>
      %dma_start3A_135 = tpu.memref_squeeze %dma_start3A_134 : memref<1x128x16xf32, #tpu.memory_space<vmem>> -> memref<128x16xf32, #tpu.memory_space<vmem>>
      %dma_start3A_136 = arith.constant 0 : i32
      %dma_start3A_137 = tpu.memref_slice %arg9[%dma_start3A_130, %dma_start3A_136] : memref<8x128xi32, #tpu.memory_space<vmem>> -> memref<1x128xi32, #tpu.memory_space<vmem>>
      %dma_start3A_138 = tpu.memref_squeeze %dma_start3A_137 : memref<1x128xi32, #tpu.memory_space<vmem>> -> memref<128xi32, #tpu.memory_space<vmem>>
      %dma_start3A_139 = arith.constant 0 : i32
      %dma_start3A_140 = arith.constant 0 : i32
      %dma_start3A_141 = tpu.memref_slice %arg4[%dma_start3A_139, %dma_start3A_140] : memref<50048x16xf32, #tpu.memory_space<hbm>> -> memref<50048x16xf32, #tpu.memory_space<hbm>>
      tpu.enqueue_indirect_dma source(%dma_start3A_141 : memref<50048x16xf32, #tpu.memory_space<hbm>>) target(%dma_start3A_135 : memref<128x16xf32, #tpu.memory_space<vmem>>) offsets(%dma_start3A_138 : memref<128xi32, #tpu.memory_space<vmem>>) semaphore(%arg17 : memref<!tpu.dma_semaphore, #tpu.memory_space<semaphore_mem>>)
      %dma_start3A_142 = arith.constant 2 : i32
      %dma_start3A_143 = arith.constant 2 : i32
      %dma_start3A_144 = arith.constant 0 : i32
      %dma_start3A_145 = arith.constant 0 : i32
      %dma_start3A_146 = tpu.memref_slice %arg12[%dma_start3A_143, %dma_start3A_144, %dma_start3A_145] : memref<8x128x16xf32, #tpu.memory_space<vmem>> -> memref<1x128x16xf32, #tpu.memory_space<vmem>>
      %dma_start3A_147 = tpu.memref_squeeze %dma_start3A_146 : memref<1x128x16xf32, #tpu.memory_space<vmem>> -> memref<128x16xf32, #tpu.memory_space<vmem>>
      %dma_start3A_148 = arith.constant 0 : i32
      %dma_start3A_149 = tpu.memref_slice %arg10[%dma_start3A_142, %dma_start3A_148] : memref<8x128xi32, #tpu.memory_space<vmem>> -> memref<1x128xi32, #tpu.memory_space<vmem>>
      %dma_start3A_150 = tpu.memref_squeeze %dma_start3A_149 : memref<1x128xi32, #tpu.memory_space<vmem>> -> memref<128xi32, #tpu.memory_space<vmem>>
      %dma_start3A_151 = arith.constant 0 : i32
      %dma_start3A_152 = arith.constant 0 : i32
      %dma_start3A_153 = tpu.memref_slice %arg4[%dma_start3A_151, %dma_start3A_152] : memref<50048x16xf32, #tpu.memory_space<hbm>> -> memref<50048x16xf32, #tpu.memory_space<hbm>>
      tpu.enqueue_indirect_dma source(%dma_start3A_153 : memref<50048x16xf32, #tpu.memory_space<hbm>>) target(%dma_start3A_147 : memref<128x16xf32, #tpu.memory_space<vmem>>) offsets(%dma_start3A_150 : memref<128xi32, #tpu.memory_space<vmem>>) semaphore(%arg18 : memref<!tpu.dma_semaphore, #tpu.memory_space<semaphore_mem>>)
      %dma_start3A_154 = arith.constant 3 : i32
      %dma_start3A_155 = arith.constant 3 : i32
      %dma_start3A_156 = arith.constant 0 : i32
      %dma_start3A_157 = arith.constant 0 : i32
      %dma_start3A_158 = tpu.memref_slice %arg11[%dma_start3A_155, %dma_start3A_156, %dma_start3A_157] : memref<8x128x16xf32, #tpu.memory_space<vmem>> -> memref<1x128x16xf32, #tpu.memory_space<vmem>>
      %dma_start3A_159 = tpu.memref_squeeze %dma_start3A_158 : memref<1x128x16xf32, #tpu.memory_space<vmem>> -> memref<128x16xf32, #tpu.memory_space<vmem>>
      %dma_start3A_160 = arith.constant 0 : i32
      %dma_start3A_161 = tpu.memref_slice %arg9[%dma_start3A_154, %dma_start3A_160] : memref<8x128xi32, #tpu.memory_space<vmem>> -> memref<1x128xi32, #tpu.memory_space<vmem>>
      %dma_start3A_162 = tpu.memref_squeeze %dma_start3A_161 : memref<1x128xi32, #tpu.memory_space<vmem>> -> memref<128xi32, #tpu.memory_space<vmem>>
      %dma_start3A_163 = arith.constant 0 : i32
      %dma_start3A_164 = arith.constant 0 : i32
      %dma_start3A_165 = tpu.memref_slice %arg4[%dma_start3A_163, %dma_start3A_164] : memref<50048x16xf32, #tpu.memory_space<hbm>> -> memref<50048x16xf32, #tpu.memory_space<hbm>>
      tpu.enqueue_indirect_dma source(%dma_start3A_165 : memref<50048x16xf32, #tpu.memory_space<hbm>>) target(%dma_start3A_159 : memref<128x16xf32, #tpu.memory_space<vmem>>) offsets(%dma_start3A_162 : memref<128xi32, #tpu.memory_space<vmem>>) semaphore(%arg17 : memref<!tpu.dma_semaphore, #tpu.memory_space<semaphore_mem>>)
      %dma_start3A_166 = arith.constant 3 : i32
      %dma_start3A_167 = arith.constant 3 : i32
      %dma_start3A_168 = arith.constant 0 : i32
      %dma_start3A_169 = arith.constant 0 : i32
      %dma_start3A_170 = tpu.memref_slice %arg12[%dma_start3A_167, %dma_start3A_168, %dma_start3A_169] : memref<8x128x16xf32, #tpu.memory_space<vmem>> -> memref<1x128x16xf32, #tpu.memory_space<vmem>>
      %dma_start3A_171 = tpu.memref_squeeze %dma_start3A_170 : memref<1x128x16xf32, #tpu.memory_space<vmem>> -> memref<128x16xf32, #tpu.memory_space<vmem>>
      %dma_start3A_172 = arith.constant 0 : i32
      %dma_start3A_173 = tpu.memref_slice %arg10[%dma_start3A_166, %dma_start3A_172] : memref<8x128xi32, #tpu.memory_space<vmem>> -> memref<1x128xi32, #tpu.memory_space<vmem>>
      %dma_start3A_174 = tpu.memref_squeeze %dma_start3A_173 : memref<1x128xi32, #tpu.memory_space<vmem>> -> memref<128xi32, #tpu.memory_space<vmem>>
      %dma_start3A_175 = arith.constant 0 : i32
      %dma_start3A_176 = arith.constant 0 : i32
      %dma_start3A_177 = tpu.memref_slice %arg4[%dma_start3A_175, %dma_start3A_176] : memref<50048x16xf32, #tpu.memory_space<hbm>> -> memref<50048x16xf32, #tpu.memory_space<hbm>>
      tpu.enqueue_indirect_dma source(%dma_start3A_177 : memref<50048x16xf32, #tpu.memory_space<hbm>>) target(%dma_start3A_171 : memref<128x16xf32, #tpu.memory_space<vmem>>) offsets(%dma_start3A_174 : memref<128xi32, #tpu.memory_space<vmem>>) semaphore(%arg18 : memref<!tpu.dma_semaphore, #tpu.memory_space<semaphore_mem>>)
      %dma_start3A_178 = arith.constant 4 : i32
      %dma_start3A_179 = arith.constant 4 : i32
      %dma_start3A_180 = arith.constant 0 : i32
      %dma_start3A_181 = arith.constant 0 : i32
      %dma_start3A_182 = tpu.memref_slice %arg11[%dma_start3A_179, %dma_start3A_180, %dma_start3A_181] : memref<8x128x16xf32, #tpu.memory_space<vmem>> -> memref<1x128x16xf32, #tpu.memory_space<vmem>>
      %dma_start3A_183 = tpu.memref_squeeze %dma_start3A_182 : memref<1x128x16xf32, #tpu.memory_space<vmem>> -> memref<128x16xf32, #tpu.memory_space<vmem>>
      %dma_start3A_184 = arith.constant 0 : i32
      %dma_start3A_185 = tpu.memref_slice %arg9[%dma_start3A_178, %dma_start3A_184] : memref<8x128xi32, #tpu.memory_space<vmem>> -> memref<1x128xi32, #tpu.memory_space<vmem>>
      %dma_start3A_186 = tpu.memref_squeeze %dma_start3A_185 : memref<1x128xi32, #tpu.memory_space<vmem>> -> memref<128xi32, #tpu.memory_space<vmem>>
      %dma_start3A_187 = arith.constant 0 : i32
      %dma_start3A_188 = arith.constant 0 : i32
      %dma_start3A_189 = tpu.memref_slice %arg4[%dma_start3A_187, %dma_start3A_188] : memref<50048x16xf32, #tpu.memory_space<hbm>> -> memref<50048x16xf32, #tpu.memory_space<hbm>>
      tpu.enqueue_indirect_dma source(%dma_start3A_189 : memref<50048x16xf32, #tpu.memory_space<hbm>>) target(%dma_start3A_183 : memref<128x16xf32, #tpu.memory_space<vmem>>) offsets(%dma_start3A_186 : memref<128xi32, #tpu.memory_space<vmem>>) semaphore(%arg17 : memref<!tpu.dma_semaphore, #tpu.memory_space<semaphore_mem>>)
      %dma_start3A_190 = arith.constant 4 : i32
      %dma_start3A_191 = arith.constant 4 : i32
      %dma_start3A_192 = arith.constant 0 : i32
      %dma_start3A_193 = arith.constant 0 : i32
      %dma_start3A_194 = tpu.memref_slice %arg12[%dma_start3A_191, %dma_start3A_192, %dma_start3A_193] : memref<8x128x16xf32, #tpu.memory_space<vmem>> -> memref<1x128x16xf32, #tpu.memory_space<vmem>>
      %dma_start3A_195 = tpu.memref_squeeze %dma_start3A_194 : memref<1x128x16xf32, #tpu.memory_space<vmem>> -> memref<128x16xf32, #tpu.memory_space<vmem>>
      %dma_start3A_196 = arith.constant 0 : i32
      %dma_start3A_197 = tpu.memref_slice %arg10[%dma_start3A_190, %dma_start3A_196] : memref<8x128xi32, #tpu.memory_space<vmem>> -> memref<1x128xi32, #tpu.memory_space<vmem>>
      %dma_start3A_198 = tpu.memref_squeeze %dma_start3A_197 : memref<1x128xi32, #tpu.memory_space<vmem>> -> memref<128xi32, #tpu.memory_space<vmem>>
      %dma_start3A_199 = arith.constant 0 : i32
      %dma_start3A_200 = arith.constant 0 : i32
      %dma_start3A_201 = tpu.memref_slice %arg4[%dma_start3A_199, %dma_start3A_200] : memref<50048x16xf32, #tpu.memory_space<hbm>> -> memref<50048x16xf32, #tpu.memory_space<hbm>>
      tpu.enqueue_indirect_dma source(%dma_start3A_201 : memref<50048x16xf32, #tpu.memory_space<hbm>>) target(%dma_start3A_195 : memref<128x16xf32, #tpu.memory_space<vmem>>) offsets(%dma_start3A_198 : memref<128xi32, #tpu.memory_space<vmem>>) semaphore(%arg18 : memref<!tpu.dma_semaphore, #tpu.memory_space<semaphore_mem>>)
      %dma_start3A_202 = arith.constant 5 : i32
      %dma_start3A_203 = arith.constant 5 : i32
      %dma_start3A_204 = arith.constant 0 : i32
      %dma_start3A_205 = arith.constant 0 : i32
      %dma_start3A_206 = tpu.memref_slice %arg11[%dma_start3A_203, %dma_start3A_204, %dma_start3A_205] : memref<8x128x16xf32, #tpu.memory_space<vmem>> -> memref<1x128x16xf32, #tpu.memory_space<vmem>>
      %dma_start3A_207 = tpu.memref_squeeze %dma_start3A_206 : memref<1x128x16xf32, #tpu.memory_space<vmem>> -> memref<128x16xf32, #tpu.memory_space<vmem>>
      %dma_start3A_208 = arith.constant 0 : i32
      %dma_start3A_209 = tpu.memref_slice %arg9[%dma_start3A_202, %dma_start3A_208] : memref<8x128xi32, #tpu.memory_space<vmem>> -> memref<1x128xi32, #tpu.memory_space<vmem>>
      %dma_start3A_210 = tpu.memref_squeeze %dma_start3A_209 : memref<1x128xi32, #tpu.memory_space<vmem>> -> memref<128xi32, #tpu.memory_space<vmem>>
      %dma_start3A_211 = arith.constant 0 : i32
      %dma_start3A_212 = arith.constant 0 : i32
      %dma_start3A_213 = tpu.memref_slice %arg4[%dma_start3A_211, %dma_start3A_212] : memref<50048x16xf32, #tpu.memory_space<hbm>> -> memref<50048x16xf32, #tpu.memory_space<hbm>>
      tpu.enqueue_indirect_dma source(%dma_start3A_213 : memref<50048x16xf32, #tpu.memory_space<hbm>>) target(%dma_start3A_207 : memref<128x16xf32, #tpu.memory_space<vmem>>) offsets(%dma_start3A_210 : memref<128xi32, #tpu.memory_space<vmem>>) semaphore(%arg17 : memref<!tpu.dma_semaphore, #tpu.memory_space<semaphore_mem>>)
      %dma_start3A_214 = arith.constant 5 : i32
      %dma_start3A_215 = arith.constant 5 : i32
      %dma_start3A_216 = arith.constant 0 : i32
      %dma_start3A_217 = arith.constant 0 : i32
      %dma_start3A_218 = tpu.memref_slice %arg12[%dma_start3A_215, %dma_start3A_216, %dma_start3A_217] : memref<8x128x16xf32, #tpu.memory_space<vmem>> -> memref<1x128x16xf32, #tpu.memory_space<vmem>>
      %dma_start3A_219 = tpu.memref_squeeze %dma_start3A_218 : memref<1x128x16xf32, #tpu.memory_space<vmem>> -> memref<128x16xf32, #tpu.memory_space<vmem>>
      %dma_start3A_220 = arith.constant 0 : i32
      %dma_start3A_221 = tpu.memref_slice %arg10[%dma_start3A_214, %dma_start3A_220] : memref<8x128xi32, #tpu.memory_space<vmem>> -> memref<1x128xi32, #tpu.memory_space<vmem>>
      %dma_start3A_222 = tpu.memref_squeeze %dma_start3A_221 : memref<1x128xi32, #tpu.memory_space<vmem>> -> memref<128xi32, #tpu.memory_space<vmem>>
      %dma_start3A_223 = arith.constant 0 : i32
      %dma_start3A_224 = arith.constant 0 : i32
      %dma_start3A_225 = tpu.memref_slice %arg4[%dma_start3A_223, %dma_start3A_224] : memref<50048x16xf32, #tpu.memory_space<hbm>> -> memref<50048x16xf32, #tpu.memory_space<hbm>>
      tpu.enqueue_indirect_dma source(%dma_start3A_225 : memref<50048x16xf32, #tpu.memory_space<hbm>>) target(%dma_start3A_219 : memref<128x16xf32, #tpu.memory_space<vmem>>) offsets(%dma_start3A_222 : memref<128xi32, #tpu.memory_space<vmem>>) semaphore(%arg18 : memref<!tpu.dma_semaphore, #tpu.memory_space<semaphore_mem>>)
      %dma_start3A_226 = arith.constant 6 : i32
      %dma_start3A_227 = arith.constant 6 : i32
      %dma_start3A_228 = arith.constant 0 : i32
      %dma_start3A_229 = arith.constant 0 : i32
      %dma_start3A_230 = tpu.memref_slice %arg11[%dma_start3A_227, %dma_start3A_228, %dma_start3A_229] : memref<8x128x16xf32, #tpu.memory_space<vmem>> -> memref<1x128x16xf32, #tpu.memory_space<vmem>>
      %dma_start3A_231 = tpu.memref_squeeze %dma_start3A_230 : memref<1x128x16xf32, #tpu.memory_space<vmem>> -> memref<128x16xf32, #tpu.memory_space<vmem>>
      %dma_start3A_232 = arith.constant 0 : i32
      %dma_start3A_233 = tpu.memref_slice %arg9[%dma_start3A_226, %dma_start3A_232] : memref<8x128xi32, #tpu.memory_space<vmem>> -> memref<1x128xi32, #tpu.memory_space<vmem>>
      %dma_start3A_234 = tpu.memref_squeeze %dma_start3A_233 : memref<1x128xi32, #tpu.memory_space<vmem>> -> memref<128xi32, #tpu.memory_space<vmem>>
      %dma_start3A_235 = arith.constant 0 : i32
      %dma_start3A_236 = arith.constant 0 : i32
      %dma_start3A_237 = tpu.memref_slice %arg4[%dma_start3A_235, %dma_start3A_236] : memref<50048x16xf32, #tpu.memory_space<hbm>> -> memref<50048x16xf32, #tpu.memory_space<hbm>>
      tpu.enqueue_indirect_dma source(%dma_start3A_237 : memref<50048x16xf32, #tpu.memory_space<hbm>>) target(%dma_start3A_231 : memref<128x16xf32, #tpu.memory_space<vmem>>) offsets(%dma_start3A_234 : memref<128xi32, #tpu.memory_space<vmem>>) semaphore(%arg17 : memref<!tpu.dma_semaphore, #tpu.memory_space<semaphore_mem>>)
      %dma_start3A_238 = arith.constant 6 : i32
      %dma_start3A_239 = arith.constant 6 : i32
      %dma_start3A_240 = arith.constant 0 : i32
      %dma_start3A_241 = arith.constant 0 : i32
      %dma_start3A_242 = tpu.memref_slice %arg12[%dma_start3A_239, %dma_start3A_240, %dma_start3A_241] : memref<8x128x16xf32, #tpu.memory_space<vmem>> -> memref<1x128x16xf32, #tpu.memory_space<vmem>>
      %dma_start3A_243 = tpu.memref_squeeze %dma_start3A_242 : memref<1x128x16xf32, #tpu.memory_space<vmem>> -> memref<128x16xf32, #tpu.memory_space<vmem>>
      %dma_start3A_244 = arith.constant 0 : i32
      %dma_start3A_245 = tpu.memref_slice %arg10[%dma_start3A_238, %dma_start3A_244] : memref<8x128xi32, #tpu.memory_space<vmem>> -> memref<1x128xi32, #tpu.memory_space<vmem>>
      %dma_start3A_246 = tpu.memref_squeeze %dma_start3A_245 : memref<1x128xi32, #tpu.memory_space<vmem>> -> memref<128xi32, #tpu.memory_space<vmem>>
      %dma_start3A_247 = arith.constant 0 : i32
      %dma_start3A_248 = arith.constant 0 : i32
      %dma_start3A_249 = tpu.memref_slice %arg4[%dma_start3A_247, %dma_start3A_248] : memref<50048x16xf32, #tpu.memory_space<hbm>> -> memref<50048x16xf32, #tpu.memory_space<hbm>>
      tpu.enqueue_indirect_dma source(%dma_start3A_249 : memref<50048x16xf32, #tpu.memory_space<hbm>>) target(%dma_start3A_243 : memref<128x16xf32, #tpu.memory_space<vmem>>) offsets(%dma_start3A_246 : memref<128xi32, #tpu.memory_space<vmem>>) semaphore(%arg18 : memref<!tpu.dma_semaphore, #tpu.memory_space<semaphore_mem>>)
      %dma_start3A_250 = arith.constant 7 : i32
      %dma_start3A_251 = arith.constant 7 : i32
      %dma_start3A_252 = arith.constant 0 : i32
      %dma_start3A_253 = arith.constant 0 : i32
      %dma_start3A_254 = tpu.memref_slice %arg11[%dma_start3A_251, %dma_start3A_252, %dma_start3A_253] : memref<8x128x16xf32, #tpu.memory_space<vmem>> -> memref<1x128x16xf32, #tpu.memory_space<vmem>>
      %dma_start3A_255 = tpu.memref_squeeze %dma_start3A_254 : memref<1x128x16xf32, #tpu.memory_space<vmem>> -> memref<128x16xf32, #tpu.memory_space<vmem>>
      %dma_start3A_256 = arith.constant 0 : i32
      %dma_start3A_257 = tpu.memref_slice %arg9[%dma_start3A_250, %dma_start3A_256] : memref<8x128xi32, #tpu.memory_space<vmem>> -> memref<1x128xi32, #tpu.memory_space<vmem>>
      %dma_start3A_258 = tpu.memref_squeeze %dma_start3A_257 : memref<1x128xi32, #tpu.memory_space<vmem>> -> memref<128xi32, #tpu.memory_space<vmem>>
      %dma_start3A_259 = arith.constant 0 : i32
      %dma_start3A_260 = arith.constant 0 : i32
      %dma_start3A_261 = tpu.memref_slice %arg4[%dma_start3A_259, %dma_start3A_260] : memref<50048x16xf32, #tpu.memory_space<hbm>> -> memref<50048x16xf32, #tpu.memory_space<hbm>>
      tpu.enqueue_indirect_dma source(%dma_start3A_261 : memref<50048x16xf32, #tpu.memory_space<hbm>>) target(%dma_start3A_255 : memref<128x16xf32, #tpu.memory_space<vmem>>) offsets(%dma_start3A_258 : memref<128xi32, #tpu.memory_space<vmem>>) semaphore(%arg17 : memref<!tpu.dma_semaphore, #tpu.memory_space<semaphore_mem>>)
      %dma_start3A_262 = arith.constant 7 : i32
      %dma_start3A_263 = arith.constant 7 : i32
      %dma_start3A_264 = arith.constant 0 : i32
      %dma_start3A_265 = arith.constant 0 : i32
      %dma_start3A_266 = tpu.memref_slice %arg12[%dma_start3A_263, %dma_start3A_264, %dma_start3A_265] : memref<8x128x16xf32, #tpu.memory_space<vmem>> -> memref<1x128x16xf32, #tpu.memory_space<vmem>>
      %dma_start3A_267 = tpu.memref_squeeze %dma_start3A_266 : memref<1x128x16xf32, #tpu.memory_space<vmem>> -> memref<128x16xf32, #tpu.memory_space<vmem>>
      %dma_start3A_268 = arith.constant 0 : i32
      %dma_start3A_269 = tpu.memref_slice %arg10[%dma_start3A_262, %dma_start3A_268] : memref<8x128xi32, #tpu.memory_space<vmem>> -> memref<1x128xi32, #tpu.memory_space<vmem>>
      %dma_start3A_270 = tpu.memref_squeeze %dma_start3A_269 : memref<1x128xi32, #tpu.memory_space<vmem>> -> memref<128xi32, #tpu.memory_space<vmem>>
      %dma_start3A_271 = arith.constant 0 : i32
      %dma_start3A_272 = arith.constant 0 : i32
      %dma_start3A_273 = tpu.memref_slice %arg4[%dma_start3A_271, %dma_start3A_272] : memref<50048x16xf32, #tpu.memory_space<hbm>> -> memref<50048x16xf32, #tpu.memory_space<hbm>>
      tpu.enqueue_indirect_dma source(%dma_start3A_273 : memref<50048x16xf32, #tpu.memory_space<hbm>>) target(%dma_start3A_267 : memref<128x16xf32, #tpu.memory_space<vmem>>) offsets(%dma_start3A_270 : memref<128xi32, #tpu.memory_space<vmem>>) semaphore(%arg18 : memref<!tpu.dma_semaphore, #tpu.memory_space<semaphore_mem>>)
      %dma_wait3A_274 = arith.constant 0 : i32
      %dma_wait3A_275 = arith.constant 0 : i32
      %dma_wait3A_276 = arith.constant 0 : i32
      %dma_wait3A_277 = arith.constant 0 : i32
      %dma_wait3A_278 = tpu.memref_slice %arg11[%dma_wait3A_275, %dma_wait3A_276, %dma_wait3A_277] : memref<8x128x16xf32, #tpu.memory_space<vmem>> -> memref<1x128x16xf32, #tpu.memory_space<vmem>>
      %dma_wait3A_279 = tpu.memref_squeeze %dma_wait3A_278 : memref<1x128x16xf32, #tpu.memory_space<vmem>> -> memref<128x16xf32, #tpu.memory_space<vmem>>
      %dma_wait3A_280 = arith.constant 0 : i32
      %dma_wait3A_281 = tpu.memref_slice %arg9[%dma_wait3A_274, %dma_wait3A_280] : memref<8x128xi32, #tpu.memory_space<vmem>> -> memref<1x128xi32, #tpu.memory_space<vmem>>
      %dma_wait3A_282 = tpu.memref_squeeze %dma_wait3A_281 : memref<1x128xi32, #tpu.memory_space<vmem>> -> memref<128xi32, #tpu.memory_space<vmem>>
      %dma_wait3A_283 = arith.constant 0 : i32
      %dma_wait3A_284 = arith.constant 0 : i32
      %dma_wait3A_285 = tpu.memref_slice %arg4[%dma_wait3A_283, %dma_wait3A_284] : memref<50048x16xf32, #tpu.memory_space<hbm>> -> memref<50048x16xf32, #tpu.memory_space<hbm>>
      tpu.wait_indirect_dma semaphore(%arg17 : memref<!tpu.dma_semaphore, #tpu.memory_space<semaphore_mem>>) src(%dma_wait3A_285 : memref<50048x16xf32, #tpu.memory_space<hbm>>) dst(%dma_wait3A_279 : memref<128x16xf32, #tpu.memory_space<vmem>>)
      %dma_wait3A_286 = arith.constant 0 : i32
      %dma_wait3A_287 = arith.constant 0 : i32
      %dma_wait3A_288 = arith.constant 0 : i32
      %dma_wait3A_289 = arith.constant 0 : i32
      %dma_wait3A_290 = tpu.memref_slice %arg12[%dma_wait3A_287, %dma_wait3A_288, %dma_wait3A_289] : memref<8x128x16xf32, #tpu.memory_space<vmem>> -> memref<1x128x16xf32, #tpu.memory_space<vmem>>
      %dma_wait3A_291 = tpu.memref_squeeze %dma_wait3A_290 : memref<1x128x16xf32, #tpu.memory_space<vmem>> -> memref<128x16xf32, #tpu.memory_space<vmem>>
      %dma_wait3A_292 = arith.constant 0 : i32
      %dma_wait3A_293 = tpu.memref_slice %arg10[%dma_wait3A_286, %dma_wait3A_292] : memref<8x128xi32, #tpu.memory_space<vmem>> -> memref<1x128xi32, #tpu.memory_space<vmem>>
      %dma_wait3A_294 = tpu.memref_squeeze %dma_wait3A_293 : memref<1x128xi32, #tpu.memory_space<vmem>> -> memref<128xi32, #tpu.memory_space<vmem>>
      %dma_wait3A_295 = arith.constant 0 : i32
      %dma_wait3A_296 = arith.constant 0 : i32
      %dma_wait3A_297 = tpu.memref_slice %arg4[%dma_wait3A_295, %dma_wait3A_296] : memref<50048x16xf32, #tpu.memory_space<hbm>> -> memref<50048x16xf32, #tpu.memory_space<hbm>>
      tpu.wait_indirect_dma semaphore(%arg18 : memref<!tpu.dma_semaphore, #tpu.memory_space<semaphore_mem>>) src(%dma_wait3A_297 : memref<50048x16xf32, #tpu.memory_space<hbm>>) dst(%dma_wait3A_291 : memref<128x16xf32, #tpu.memory_space<vmem>>)
      %dma_wait3A_298 = arith.constant 1 : i32
      %dma_wait3A_299 = arith.constant 1 : i32
      %dma_wait3A_300 = arith.constant 0 : i32
      %dma_wait3A_301 = arith.constant 0 : i32
      %dma_wait3A_302 = tpu.memref_slice %arg11[%dma_wait3A_299, %dma_wait3A_300, %dma_wait3A_301] : memref<8x128x16xf32, #tpu.memory_space<vmem>> -> memref<1x128x16xf32, #tpu.memory_space<vmem>>
      %dma_wait3A_303 = tpu.memref_squeeze %dma_wait3A_302 : memref<1x128x16xf32, #tpu.memory_space<vmem>> -> memref<128x16xf32, #tpu.memory_space<vmem>>
      %dma_wait3A_304 = arith.constant 0 : i32
      %dma_wait3A_305 = tpu.memref_slice %arg9[%dma_wait3A_298, %dma_wait3A_304] : memref<8x128xi32, #tpu.memory_space<vmem>> -> memref<1x128xi32, #tpu.memory_space<vmem>>
      %dma_wait3A_306 = tpu.memref_squeeze %dma_wait3A_305 : memref<1x128xi32, #tpu.memory_space<vmem>> -> memref<128xi32, #tpu.memory_space<vmem>>
      %dma_wait3A_307 = arith.constant 0 : i32
      %dma_wait3A_308 = arith.constant 0 : i32
      %dma_wait3A_309 = tpu.memref_slice %arg4[%dma_wait3A_307, %dma_wait3A_308] : memref<50048x16xf32, #tpu.memory_space<hbm>> -> memref<50048x16xf32, #tpu.memory_space<hbm>>
      tpu.wait_indirect_dma semaphore(%arg17 : memref<!tpu.dma_semaphore, #tpu.memory_space<semaphore_mem>>) src(%dma_wait3A_309 : memref<50048x16xf32, #tpu.memory_space<hbm>>) dst(%dma_wait3A_303 : memref<128x16xf32, #tpu.memory_space<vmem>>)
      %dma_wait3A_310 = arith.constant 1 : i32
      %dma_wait3A_311 = arith.constant 1 : i32
      %dma_wait3A_312 = arith.constant 0 : i32
      %dma_wait3A_313 = arith.constant 0 : i32
      %dma_wait3A_314 = tpu.memref_slice %arg12[%dma_wait3A_311, %dma_wait3A_312, %dma_wait3A_313] : memref<8x128x16xf32, #tpu.memory_space<vmem>> -> memref<1x128x16xf32, #tpu.memory_space<vmem>>
      %dma_wait3A_315 = tpu.memref_squeeze %dma_wait3A_314 : memref<1x128x16xf32, #tpu.memory_space<vmem>> -> memref<128x16xf32, #tpu.memory_space<vmem>>
      %dma_wait3A_316 = arith.constant 0 : i32
      %dma_wait3A_317 = tpu.memref_slice %arg10[%dma_wait3A_310, %dma_wait3A_316] : memref<8x128xi32, #tpu.memory_space<vmem>> -> memref<1x128xi32, #tpu.memory_space<vmem>>
      %dma_wait3A_318 = tpu.memref_squeeze %dma_wait3A_317 : memref<1x128xi32, #tpu.memory_space<vmem>> -> memref<128xi32, #tpu.memory_space<vmem>>
      %dma_wait3A_319 = arith.constant 0 : i32
      %dma_wait3A_320 = arith.constant 0 : i32
      %dma_wait3A_321 = tpu.memref_slice %arg4[%dma_wait3A_319, %dma_wait3A_320] : memref<50048x16xf32, #tpu.memory_space<hbm>> -> memref<50048x16xf32, #tpu.memory_space<hbm>>
      tpu.wait_indirect_dma semaphore(%arg18 : memref<!tpu.dma_semaphore, #tpu.memory_space<semaphore_mem>>) src(%dma_wait3A_321 : memref<50048x16xf32, #tpu.memory_space<hbm>>) dst(%dma_wait3A_315 : memref<128x16xf32, #tpu.memory_space<vmem>>)
      %dma_wait3A_322 = arith.constant 2 : i32
      %dma_wait3A_323 = arith.constant 2 : i32
      %dma_wait3A_324 = arith.constant 0 : i32
      %dma_wait3A_325 = arith.constant 0 : i32
      %dma_wait3A_326 = tpu.memref_slice %arg11[%dma_wait3A_323, %dma_wait3A_324, %dma_wait3A_325] : memref<8x128x16xf32, #tpu.memory_space<vmem>> -> memref<1x128x16xf32, #tpu.memory_space<vmem>>
      %dma_wait3A_327 = tpu.memref_squeeze %dma_wait3A_326 : memref<1x128x16xf32, #tpu.memory_space<vmem>> -> memref<128x16xf32, #tpu.memory_space<vmem>>
      %dma_wait3A_328 = arith.constant 0 : i32
      %dma_wait3A_329 = tpu.memref_slice %arg9[%dma_wait3A_322, %dma_wait3A_328] : memref<8x128xi32, #tpu.memory_space<vmem>> -> memref<1x128xi32, #tpu.memory_space<vmem>>
      %dma_wait3A_330 = tpu.memref_squeeze %dma_wait3A_329 : memref<1x128xi32, #tpu.memory_space<vmem>> -> memref<128xi32, #tpu.memory_space<vmem>>
      %dma_wait3A_331 = arith.constant 0 : i32
      %dma_wait3A_332 = arith.constant 0 : i32
      %dma_wait3A_333 = tpu.memref_slice %arg4[%dma_wait3A_331, %dma_wait3A_332] : memref<50048x16xf32, #tpu.memory_space<hbm>> -> memref<50048x16xf32, #tpu.memory_space<hbm>>
      tpu.wait_indirect_dma semaphore(%arg17 : memref<!tpu.dma_semaphore, #tpu.memory_space<semaphore_mem>>) src(%dma_wait3A_333 : memref<50048x16xf32, #tpu.memory_space<hbm>>) dst(%dma_wait3A_327 : memref<128x16xf32, #tpu.memory_space<vmem>>)
      %dma_wait3A_334 = arith.constant 2 : i32
      %dma_wait3A_335 = arith.constant 2 : i32
      %dma_wait3A_336 = arith.constant 0 : i32
      %dma_wait3A_337 = arith.constant 0 : i32
      %dma_wait3A_338 = tpu.memref_slice %arg12[%dma_wait3A_335, %dma_wait3A_336, %dma_wait3A_337] : memref<8x128x16xf32, #tpu.memory_space<vmem>> -> memref<1x128x16xf32, #tpu.memory_space<vmem>>
      %dma_wait3A_339 = tpu.memref_squeeze %dma_wait3A_338 : memref<1x128x16xf32, #tpu.memory_space<vmem>> -> memref<128x16xf32, #tpu.memory_space<vmem>>
      %dma_wait3A_340 = arith.constant 0 : i32
      %dma_wait3A_341 = tpu.memref_slice %arg10[%dma_wait3A_334, %dma_wait3A_340] : memref<8x128xi32, #tpu.memory_space<vmem>> -> memref<1x128xi32, #tpu.memory_space<vmem>>
      %dma_wait3A_342 = tpu.memref_squeeze %dma_wait3A_341 : memref<1x128xi32, #tpu.memory_space<vmem>> -> memref<128xi32, #tpu.memory_space<vmem>>
      %dma_wait3A_343 = arith.constant 0 : i32
      %dma_wait3A_344 = arith.constant 0 : i32
      %dma_wait3A_345 = tpu.memref_slice %arg4[%dma_wait3A_343, %dma_wait3A_344] : memref<50048x16xf32, #tpu.memory_space<hbm>> -> memref<50048x16xf32, #tpu.memory_space<hbm>>
      tpu.wait_indirect_dma semaphore(%arg18 : memref<!tpu.dma_semaphore, #tpu.memory_space<semaphore_mem>>) src(%dma_wait3A_345 : memref<50048x16xf32, #tpu.memory_space<hbm>>) dst(%dma_wait3A_339 : memref<128x16xf32, #tpu.memory_space<vmem>>)
      %dma_wait3A_346 = arith.constant 3 : i32
      %dma_wait3A_347 = arith.constant 3 : i32
      %dma_wait3A_348 = arith.constant 0 : i32
      %dma_wait3A_349 = arith.constant 0 : i32
      %dma_wait3A_350 = tpu.memref_slice %arg11[%dma_wait3A_347, %dma_wait3A_348, %dma_wait3A_349] : memref<8x128x16xf32, #tpu.memory_space<vmem>> -> memref<1x128x16xf32, #tpu.memory_space<vmem>>
      %dma_wait3A_351 = tpu.memref_squeeze %dma_wait3A_350 : memref<1x128x16xf32, #tpu.memory_space<vmem>> -> memref<128x16xf32, #tpu.memory_space<vmem>>
      %dma_wait3A_352 = arith.constant 0 : i32
      %dma_wait3A_353 = tpu.memref_slice %arg9[%dma_wait3A_346, %dma_wait3A_352] : memref<8x128xi32, #tpu.memory_space<vmem>> -> memref<1x128xi32, #tpu.memory_space<vmem>>
      %dma_wait3A_354 = tpu.memref_squeeze %dma_wait3A_353 : memref<1x128xi32, #tpu.memory_space<vmem>> -> memref<128xi32, #tpu.memory_space<vmem>>
      %dma_wait3A_355 = arith.constant 0 : i32
      %dma_wait3A_356 = arith.constant 0 : i32
      %dma_wait3A_357 = tpu.memref_slice %arg4[%dma_wait3A_355, %dma_wait3A_356] : memref<50048x16xf32, #tpu.memory_space<hbm>> -> memref<50048x16xf32, #tpu.memory_space<hbm>>
      tpu.wait_indirect_dma semaphore(%arg17 : memref<!tpu.dma_semaphore, #tpu.memory_space<semaphore_mem>>) src(%dma_wait3A_357 : memref<50048x16xf32, #tpu.memory_space<hbm>>) dst(%dma_wait3A_351 : memref<128x16xf32, #tpu.memory_space<vmem>>)
      %dma_wait3A_358 = arith.constant 3 : i32
      %dma_wait3A_359 = arith.constant 3 : i32
      %dma_wait3A_360 = arith.constant 0 : i32
      %dma_wait3A_361 = arith.constant 0 : i32
      %dma_wait3A_362 = tpu.memref_slice %arg12[%dma_wait3A_359, %dma_wait3A_360, %dma_wait3A_361] : memref<8x128x16xf32, #tpu.memory_space<vmem>> -> memref<1x128x16xf32, #tpu.memory_space<vmem>>
      %dma_wait3A_363 = tpu.memref_squeeze %dma_wait3A_362 : memref<1x128x16xf32, #tpu.memory_space<vmem>> -> memref<128x16xf32, #tpu.memory_space<vmem>>
      %dma_wait3A_364 = arith.constant 0 : i32
      %dma_wait3A_365 = tpu.memref_slice %arg10[%dma_wait3A_358, %dma_wait3A_364] : memref<8x128xi32, #tpu.memory_space<vmem>> -> memref<1x128xi32, #tpu.memory_space<vmem>>
      %dma_wait3A_366 = tpu.memref_squeeze %dma_wait3A_365 : memref<1x128xi32, #tpu.memory_space<vmem>> -> memref<128xi32, #tpu.memory_space<vmem>>
      %dma_wait3A_367 = arith.constant 0 : i32
      %dma_wait3A_368 = arith.constant 0 : i32
      %dma_wait3A_369 = tpu.memref_slice %arg4[%dma_wait3A_367, %dma_wait3A_368] : memref<50048x16xf32, #tpu.memory_space<hbm>> -> memref<50048x16xf32, #tpu.memory_space<hbm>>
      tpu.wait_indirect_dma semaphore(%arg18 : memref<!tpu.dma_semaphore, #tpu.memory_space<semaphore_mem>>) src(%dma_wait3A_369 : memref<50048x16xf32, #tpu.memory_space<hbm>>) dst(%dma_wait3A_363 : memref<128x16xf32, #tpu.memory_space<vmem>>)
      %dma_wait3A_370 = arith.constant 4 : i32
      %dma_wait3A_371 = arith.constant 4 : i32
      %dma_wait3A_372 = arith.constant 0 : i32
      %dma_wait3A_373 = arith.constant 0 : i32
      %dma_wait3A_374 = tpu.memref_slice %arg11[%dma_wait3A_371, %dma_wait3A_372, %dma_wait3A_373] : memref<8x128x16xf32, #tpu.memory_space<vmem>> -> memref<1x128x16xf32, #tpu.memory_space<vmem>>
      %dma_wait3A_375 = tpu.memref_squeeze %dma_wait3A_374 : memref<1x128x16xf32, #tpu.memory_space<vmem>> -> memref<128x16xf32, #tpu.memory_space<vmem>>
      %dma_wait3A_376 = arith.constant 0 : i32
      %dma_wait3A_377 = tpu.memref_slice %arg9[%dma_wait3A_370, %dma_wait3A_376] : memref<8x128xi32, #tpu.memory_space<vmem>> -> memref<1x128xi32, #tpu.memory_space<vmem>>
      %dma_wait3A_378 = tpu.memref_squeeze %dma_wait3A_377 : memref<1x128xi32, #tpu.memory_space<vmem>> -> memref<128xi32, #tpu.memory_space<vmem>>
      %dma_wait3A_379 = arith.constant 0 : i32
      %dma_wait3A_380 = arith.constant 0 : i32
      %dma_wait3A_381 = tpu.memref_slice %arg4[%dma_wait3A_379, %dma_wait3A_380] : memref<50048x16xf32, #tpu.memory_space<hbm>> -> memref<50048x16xf32, #tpu.memory_space<hbm>>
      tpu.wait_indirect_dma semaphore(%arg17 : memref<!tpu.dma_semaphore, #tpu.memory_space<semaphore_mem>>) src(%dma_wait3A_381 : memref<50048x16xf32, #tpu.memory_space<hbm>>) dst(%dma_wait3A_375 : memref<128x16xf32, #tpu.memory_space<vmem>>)
      %dma_wait3A_382 = arith.constant 4 : i32
      %dma_wait3A_383 = arith.constant 4 : i32
      %dma_wait3A_384 = arith.constant 0 : i32
      %dma_wait3A_385 = arith.constant 0 : i32
      %dma_wait3A_386 = tpu.memref_slice %arg12[%dma_wait3A_383, %dma_wait3A_384, %dma_wait3A_385] : memref<8x128x16xf32, #tpu.memory_space<vmem>> -> memref<1x128x16xf32, #tpu.memory_space<vmem>>
      %dma_wait3A_387 = tpu.memref_squeeze %dma_wait3A_386 : memref<1x128x16xf32, #tpu.memory_space<vmem>> -> memref<128x16xf32, #tpu.memory_space<vmem>>
      %dma_wait3A_388 = arith.constant 0 : i32
      %dma_wait3A_389 = tpu.memref_slice %arg10[%dma_wait3A_382, %dma_wait3A_388] : memref<8x128xi32, #tpu.memory_space<vmem>> -> memref<1x128xi32, #tpu.memory_space<vmem>>
      %dma_wait3A_390 = tpu.memref_squeeze %dma_wait3A_389 : memref<1x128xi32, #tpu.memory_space<vmem>> -> memref<128xi32, #tpu.memory_space<vmem>>
      %dma_wait3A_391 = arith.constant 0 : i32
      %dma_wait3A_392 = arith.constant 0 : i32
      %dma_wait3A_393 = tpu.memref_slice %arg4[%dma_wait3A_391, %dma_wait3A_392] : memref<50048x16xf32, #tpu.memory_space<hbm>> -> memref<50048x16xf32, #tpu.memory_space<hbm>>
      tpu.wait_indirect_dma semaphore(%arg18 : memref<!tpu.dma_semaphore, #tpu.memory_space<semaphore_mem>>) src(%dma_wait3A_393 : memref<50048x16xf32, #tpu.memory_space<hbm>>) dst(%dma_wait3A_387 : memref<128x16xf32, #tpu.memory_space<vmem>>)
      %dma_wait3A_394 = arith.constant 5 : i32
      %dma_wait3A_395 = arith.constant 5 : i32
      %dma_wait3A_396 = arith.constant 0 : i32
      %dma_wait3A_397 = arith.constant 0 : i32
      %dma_wait3A_398 = tpu.memref_slice %arg11[%dma_wait3A_395, %dma_wait3A_396, %dma_wait3A_397] : memref<8x128x16xf32, #tpu.memory_space<vmem>> -> memref<1x128x16xf32, #tpu.memory_space<vmem>>
      %dma_wait3A_399 = tpu.memref_squeeze %dma_wait3A_398 : memref<1x128x16xf32, #tpu.memory_space<vmem>> -> memref<128x16xf32, #tpu.memory_space<vmem>>
      %dma_wait3A_400 = arith.constant 0 : i32
      %dma_wait3A_401 = tpu.memref_slice %arg9[%dma_wait3A_394, %dma_wait3A_400] : memref<8x128xi32, #tpu.memory_space<vmem>> -> memref<1x128xi32, #tpu.memory_space<vmem>>
      %dma_wait3A_402 = tpu.memref_squeeze %dma_wait3A_401 : memref<1x128xi32, #tpu.memory_space<vmem>> -> memref<128xi32, #tpu.memory_space<vmem>>
      %dma_wait3A_403 = arith.constant 0 : i32
      %dma_wait3A_404 = arith.constant 0 : i32
      %dma_wait3A_405 = tpu.memref_slice %arg4[%dma_wait3A_403, %dma_wait3A_404] : memref<50048x16xf32, #tpu.memory_space<hbm>> -> memref<50048x16xf32, #tpu.memory_space<hbm>>
      tpu.wait_indirect_dma semaphore(%arg17 : memref<!tpu.dma_semaphore, #tpu.memory_space<semaphore_mem>>) src(%dma_wait3A_405 : memref<50048x16xf32, #tpu.memory_space<hbm>>) dst(%dma_wait3A_399 : memref<128x16xf32, #tpu.memory_space<vmem>>)
      %dma_wait3A_406 = arith.constant 5 : i32
      %dma_wait3A_407 = arith.constant 5 : i32
      %dma_wait3A_408 = arith.constant 0 : i32
      %dma_wait3A_409 = arith.constant 0 : i32
      %dma_wait3A_410 = tpu.memref_slice %arg12[%dma_wait3A_407, %dma_wait3A_408, %dma_wait3A_409] : memref<8x128x16xf32, #tpu.memory_space<vmem>> -> memref<1x128x16xf32, #tpu.memory_space<vmem>>
      %dma_wait3A_411 = tpu.memref_squeeze %dma_wait3A_410 : memref<1x128x16xf32, #tpu.memory_space<vmem>> -> memref<128x16xf32, #tpu.memory_space<vmem>>
      %dma_wait3A_412 = arith.constant 0 : i32
      %dma_wait3A_413 = tpu.memref_slice %arg10[%dma_wait3A_406, %dma_wait3A_412] : memref<8x128xi32, #tpu.memory_space<vmem>> -> memref<1x128xi32, #tpu.memory_space<vmem>>
      %dma_wait3A_414 = tpu.memref_squeeze %dma_wait3A_413 : memref<1x128xi32, #tpu.memory_space<vmem>> -> memref<128xi32, #tpu.memory_space<vmem>>
      %dma_wait3A_415 = arith.constant 0 : i32
      %dma_wait3A_416 = arith.constant 0 : i32
      %dma_wait3A_417 = tpu.memref_slice %arg4[%dma_wait3A_415, %dma_wait3A_416] : memref<50048x16xf32, #tpu.memory_space<hbm>> -> memref<50048x16xf32, #tpu.memory_space<hbm>>
      tpu.wait_indirect_dma semaphore(%arg18 : memref<!tpu.dma_semaphore, #tpu.memory_space<semaphore_mem>>) src(%dma_wait3A_417 : memref<50048x16xf32, #tpu.memory_space<hbm>>) dst(%dma_wait3A_411 : memref<128x16xf32, #tpu.memory_space<vmem>>)
      %dma_wait3A_418 = arith.constant 6 : i32
      %dma_wait3A_419 = arith.constant 6 : i32
      %dma_wait3A_420 = arith.constant 0 : i32
      %dma_wait3A_421 = arith.constant 0 : i32
      %dma_wait3A_422 = tpu.memref_slice %arg11[%dma_wait3A_419, %dma_wait3A_420, %dma_wait3A_421] : memref<8x128x16xf32, #tpu.memory_space<vmem>> -> memref<1x128x16xf32, #tpu.memory_space<vmem>>
      %dma_wait3A_423 = tpu.memref_squeeze %dma_wait3A_422 : memref<1x128x16xf32, #tpu.memory_space<vmem>> -> memref<128x16xf32, #tpu.memory_space<vmem>>
      %dma_wait3A_424 = arith.constant 0 : i32
      %dma_wait3A_425 = tpu.memref_slice %arg9[%dma_wait3A_418, %dma_wait3A_424] : memref<8x128xi32, #tpu.memory_space<vmem>> -> memref<1x128xi32, #tpu.memory_space<vmem>>
      %dma_wait3A_426 = tpu.memref_squeeze %dma_wait3A_425 : memref<1x128xi32, #tpu.memory_space<vmem>> -> memref<128xi32, #tpu.memory_space<vmem>>
      %dma_wait3A_427 = arith.constant 0 : i32
      %dma_wait3A_428 = arith.constant 0 : i32
      %dma_wait3A_429 = tpu.memref_slice %arg4[%dma_wait3A_427, %dma_wait3A_428] : memref<50048x16xf32, #tpu.memory_space<hbm>> -> memref<50048x16xf32, #tpu.memory_space<hbm>>
      tpu.wait_indirect_dma semaphore(%arg17 : memref<!tpu.dma_semaphore, #tpu.memory_space<semaphore_mem>>) src(%dma_wait3A_429 : memref<50048x16xf32, #tpu.memory_space<hbm>>) dst(%dma_wait3A_423 : memref<128x16xf32, #tpu.memory_space<vmem>>)
      %dma_wait3A_430 = arith.constant 6 : i32
      %dma_wait3A_431 = arith.constant 6 : i32
      %dma_wait3A_432 = arith.constant 0 : i32
      %dma_wait3A_433 = arith.constant 0 : i32
      %dma_wait3A_434 = tpu.memref_slice %arg12[%dma_wait3A_431, %dma_wait3A_432, %dma_wait3A_433] : memref<8x128x16xf32, #tpu.memory_space<vmem>> -> memref<1x128x16xf32, #tpu.memory_space<vmem>>
      %dma_wait3A_435 = tpu.memref_squeeze %dma_wait3A_434 : memref<1x128x16xf32, #tpu.memory_space<vmem>> -> memref<128x16xf32, #tpu.memory_space<vmem>>
      %dma_wait3A_436 = arith.constant 0 : i32
      %dma_wait3A_437 = tpu.memref_slice %arg10[%dma_wait3A_430, %dma_wait3A_436] : memref<8x128xi32, #tpu.memory_space<vmem>> -> memref<1x128xi32, #tpu.memory_space<vmem>>
      %dma_wait3A_438 = tpu.memref_squeeze %dma_wait3A_437 : memref<1x128xi32, #tpu.memory_space<vmem>> -> memref<128xi32, #tpu.memory_space<vmem>>
      %dma_wait3A_439 = arith.constant 0 : i32
      %dma_wait3A_440 = arith.constant 0 : i32
      %dma_wait3A_441 = tpu.memref_slice %arg4[%dma_wait3A_439, %dma_wait3A_440] : memref<50048x16xf32, #tpu.memory_space<hbm>> -> memref<50048x16xf32, #tpu.memory_space<hbm>>
      tpu.wait_indirect_dma semaphore(%arg18 : memref<!tpu.dma_semaphore, #tpu.memory_space<semaphore_mem>>) src(%dma_wait3A_441 : memref<50048x16xf32, #tpu.memory_space<hbm>>) dst(%dma_wait3A_435 : memref<128x16xf32, #tpu.memory_space<vmem>>)
      %dma_wait3A_442 = arith.constant 7 : i32
      %dma_wait3A_443 = arith.constant 7 : i32
      %dma_wait3A_444 = arith.constant 0 : i32
      %dma_wait3A_445 = arith.constant 0 : i32
      %dma_wait3A_446 = tpu.memref_slice %arg11[%dma_wait3A_443, %dma_wait3A_444, %dma_wait3A_445] : memref<8x128x16xf32, #tpu.memory_space<vmem>> -> memref<1x128x16xf32, #tpu.memory_space<vmem>>
      %dma_wait3A_447 = tpu.memref_squeeze %dma_wait3A_446 : memref<1x128x16xf32, #tpu.memory_space<vmem>> -> memref<128x16xf32, #tpu.memory_space<vmem>>
      %dma_wait3A_448 = arith.constant 0 : i32
      %dma_wait3A_449 = tpu.memref_slice %arg9[%dma_wait3A_442, %dma_wait3A_448] : memref<8x128xi32, #tpu.memory_space<vmem>> -> memref<1x128xi32, #tpu.memory_space<vmem>>
      %dma_wait3A_450 = tpu.memref_squeeze %dma_wait3A_449 : memref<1x128xi32, #tpu.memory_space<vmem>> -> memref<128xi32, #tpu.memory_space<vmem>>
      %dma_wait3A_451 = arith.constant 0 : i32
      %dma_wait3A_452 = arith.constant 0 : i32
      %dma_wait3A_453 = tpu.memref_slice %arg4[%dma_wait3A_451, %dma_wait3A_452] : memref<50048x16xf32, #tpu.memory_space<hbm>> -> memref<50048x16xf32, #tpu.memory_space<hbm>>
      tpu.wait_indirect_dma semaphore(%arg17 : memref<!tpu.dma_semaphore, #tpu.memory_space<semaphore_mem>>) src(%dma_wait3A_453 : memref<50048x16xf32, #tpu.memory_space<hbm>>) dst(%dma_wait3A_447 : memref<128x16xf32, #tpu.memory_space<vmem>>)
      %dma_wait3A_454 = arith.constant 7 : i32
      %dma_wait3A_455 = arith.constant 7 : i32
      %dma_wait3A_456 = arith.constant 0 : i32
      %dma_wait3A_457 = arith.constant 0 : i32
      %dma_wait3A_458 = tpu.memref_slice %arg12[%dma_wait3A_455, %dma_wait3A_456, %dma_wait3A_457] : memref<8x128x16xf32, #tpu.memory_space<vmem>> -> memref<1x128x16xf32, #tpu.memory_space<vmem>>
      %dma_wait3A_459 = tpu.memref_squeeze %dma_wait3A_458 : memref<1x128x16xf32, #tpu.memory_space<vmem>> -> memref<128x16xf32, #tpu.memory_space<vmem>>
      %dma_wait3A_460 = arith.constant 0 : i32
      %dma_wait3A_461 = tpu.memref_slice %arg10[%dma_wait3A_454, %dma_wait3A_460] : memref<8x128xi32, #tpu.memory_space<vmem>> -> memref<1x128xi32, #tpu.memory_space<vmem>>
      %dma_wait3A_462 = tpu.memref_squeeze %dma_wait3A_461 : memref<1x128xi32, #tpu.memory_space<vmem>> -> memref<128xi32, #tpu.memory_space<vmem>>
      %dma_wait3A_463 = arith.constant 0 : i32
      %dma_wait3A_464 = arith.constant 0 : i32
      %dma_wait3A_465 = tpu.memref_slice %arg4[%dma_wait3A_463, %dma_wait3A_464] : memref<50048x16xf32, #tpu.memory_space<hbm>> -> memref<50048x16xf32, #tpu.memory_space<hbm>>
      tpu.wait_indirect_dma semaphore(%arg18 : memref<!tpu.dma_semaphore, #tpu.memory_space<semaphore_mem>>) src(%dma_wait3A_465 : memref<50048x16xf32, #tpu.memory_space<hbm>>) dst(%dma_wait3A_459 : memref<128x16xf32, #tpu.memory_space<vmem>>)
      %scan3A_466 = arith.constant 0 : i32
      %scan3A_467 = arith.constant 0 : i32
      %scan3A_468 = arith.constant 1024 : i32
      %scan3A_469 = arith.addi %scan3A_467, %scan3A_468 : i32
      %scan3A_470 = arith.constant 1 : i32
      %scan3A_471 = scf.for %scan3A_686 = %scan3A_467 to %scan3A_469 step %scan3A_470 iter_args(%scan3A_687 = %scan3A_466) -> (i32)  : i32 {
        %jit3A = arith.constant 128 : i32
        %div3A = arith.divsi %scan3A_686, %jit3A : i32
        %sign3A = arith.constant 0 : i32
        %sign3A_688 = arith.cmpi sgt, %scan3A_686, %sign3A : i32
        %sign3A_689 = arith.extui %sign3A_688 : i1 to i32
        %sign3A_690 = arith.constant 0 : i32
        %sign3A_691 = arith.cmpi slt, %scan3A_686, %sign3A_690 : i32
        %sign3A_692 = arith.extui %sign3A_691 : i1 to i32
        %sign3A_693 = arith.subi %sign3A_689, %sign3A_692 : i32
        %sign3A_694 = arith.constant 0 : i32
        %sign3A_695 = arith.cmpi sgt, %jit3A, %sign3A_694 : i32
        %sign3A_696 = arith.extui %sign3A_695 : i1 to i32
        %sign3A_697 = arith.constant 0 : i32
        %sign3A_698 = arith.cmpi slt, %jit3A, %sign3A_697 : i32
        %sign3A_699 = arith.extui %sign3A_698 : i1 to i32
        %sign3A_700 = arith.subi %sign3A_696, %sign3A_699 : i32
        %ne3A = arith.cmpi ne, %sign3A_693, %sign3A_700 : i32
        %rem3A = arith.remsi %scan3A_686, %jit3A : i32
        %ne3A_701 = arith.constant 0 : i32
        %ne3A_702 = arith.cmpi ne, %rem3A, %ne3A_701 : i32
        %and3A = arith.andi %ne3A, %ne3A_702 : i1
        %sub3A_703 = arith.constant 1 : i32
        %sub3A_704 = arith.subi %div3A, %sub3A_703 : i32
        %select_n3A_705 = arith.select %and3A, %sub3A_704, %div3A : i32
        %jit3A_706 = arith.constant 128 : i32
        %eq3A = arith.constant 0 : i32
        %eq3A_707 = arith.cmpi eq, %jit3A_706, %eq3A : i32
        %jit3A_708 = arith.constant 1 : i32
        %select_n3A_709 = arith.select %eq3A_707, %jit3A_708, %jit3A_706 : i32
        %rem3A_710 = arith.remsi %scan3A_686, %select_n3A_709 : i32
        %ne3A_711 = arith.constant 0 : i32
        %ne3A_712 = arith.cmpi ne, %rem3A_710, %ne3A_711 : i32
        %lt3A_713 = arith.constant 0 : i32
        %lt3A_714 = arith.cmpi slt, %rem3A_710, %lt3A_713 : i32
        %lt3A_715 = arith.constant 0 : i32
        %lt3A_716 = arith.cmpi slt, %select_n3A_709, %lt3A_715 : i32
        %ne3A_717 = arith.xori %lt3A_714, %lt3A_716 : i1
        %and3A_718 = arith.andi %ne3A_717, %ne3A_712 : i1
        %add3A_719 = arith.addi %rem3A_710, %select_n3A_709 : i32
        %select_n3A_720 = arith.select %and3A_718, %add3A_719, %rem3A_710 : i32
        %get3A = arith.index_cast %select_n3A_705 : i32 to index
        %get3A_721 = arith.index_cast %select_n3A_720 : i32 to index
        %get3A_722 = arith.constant 0 : index
        %get3A_723 = tpu.vector_load %arg11[%get3A, %get3A_721, %get3A_722] {strides = array<i32>} : memref<8x128x16xf32, #tpu.memory_space<vmem>>, vector<1x1x16xf32>,
        %get3A_724 = vector.shape_cast %get3A_723 : vector<1x1x16xf32> to vector<16xf32>
        %get3A_725 = arith.index_cast %select_n3A_705 : i32 to index
        %get3A_726 = arith.index_cast %select_n3A_720 : i32 to index
        %get3A_727 = arith.constant 0 : index
        %get3A_728 = tpu.vector_load %arg12[%get3A_725, %get3A_726, %get3A_727] {strides = array<i32>} : memref<8x128x16xf32, #tpu.memory_space<vmem>>, vector<1x1x16xf32>,
        %get3A_729 = vector.shape_cast %get3A_728 : vector<1x1x16xf32> to vector<16xf32>
        %broadcast_in_dim3A_730 = vector.shape_cast %select_n3A : vector<16xi32> to vector<16x1xi32>
        %gather3A = vector.shape_cast %broadcast_in_dim3A_730 : vector<16x1xi32> to vector<16xi32>
        %gather3A_731 = tpu.dynamic_gather %get3A_729[%gather3A] in [0] : vector<16xf32>, vector<16xi32> -> vector<16xf32>
        %add3A_732 = arith.addf %get3A_724, %gather3A_731 : vector<16xf32>
        %mul3A_733 = arith.constant 4 : i32
        %mul3A_734 = arith.muli %mul3A_733, %scan3A_686 : i32
        %get3A_735 = arith.index_cast %mul3A_734 : i32 to index
        %get3A_736 = tpu.vector_load %arg13[%get3A_735] {strides = array<i32>} : memref<4112xf32, #tpu.memory_space<vmem>>, vector<16xf32>,
        %get3A_737 = vector.shape_cast %get3A_736 : vector<16xf32> to vector<16xf32>
        %add3A_738 = arith.addf %add3A_732, %get3A_737 : vector<16xf32>
        %mul3A_739 = arith.constant 2.000000e-01 : f32
        %mul3A_740 = vector.broadcast %mul3A_739 : f32 to vector<16xf32>
        %mul3A_741 = arith.mulf %mul3A_740, %add3A_738 : vector<16xf32>
        %max3A = arith.maximumf %add3A_738, %mul3A_741 : vector<16xf32>
        %exp3A = math.exp %max3A : vector<16xf32>
        %swap3A_742 = arith.index_cast %select_n3A_705 : i32 to index
        %swap3A_743 = arith.index_cast %select_n3A_720 : i32 to index
        %swap3A_744 = arith.constant 0 : index
        %swap3A_745 = tpu.vector_load %arg14[%swap3A_742, %swap3A_743, %swap3A_744] {strides = array<i32>} : memref<8x128x16xf32, #tpu.memory_space<vmem>>, vector<1x1x16xf32>,
        %swap3A_746 = vector.shape_cast %swap3A_745 : vector<1x1x16xf32> to vector<16xf32>
        %swap3A_747 = vector.shape_cast %exp3A : vector<16xf32> to vector<1x1x16xf32>
        tpu.vector_store %arg14[%swap3A_742, %swap3A_743, %swap3A_744], %swap3A_747 {strides = array<i32>} : memref<8x128x16xf32, #tpu.memory_space<vmem>>, vector<1x1x16xf32>,
        %scan3A_748 = arith.constant 0 : i32
        scf.yield %scan3A_748 : i32
      }
      %scan3A_472 = arith.constant 1024 : i32
      %dma_start3A_473 = arith.constant 0 : i32
      %dma_start3A_474 = arith.constant 0 : i32
      %dma_start3A_475 = arith.constant 0 : i32
      %dma_start3A_476 = arith.constant 0 : i32
      %dma_start3A_477 = tpu.memref_slice %arg14[%dma_start3A_473, %dma_start3A_475, %dma_start3A_476] : memref<8x128x16xf32, #tpu.memory_space<vmem>> -> memref<1x128x16xf32, #tpu.memory_space<vmem>>
      %dma_start3A_478 = tpu.memref_squeeze %dma_start3A_477 : memref<1x128x16xf32, #tpu.memory_space<vmem>> -> memref<128x16xf32, #tpu.memory_space<vmem>>
      %dma_start3A_479 = arith.constant 0 : i32
      %dma_start3A_480 = tpu.memref_slice %arg10[%dma_start3A_474, %dma_start3A_479] : memref<8x128xi32, #tpu.memory_space<vmem>> -> memref<1x128xi32, #tpu.memory_space<vmem>>
      %dma_start3A_481 = tpu.memref_squeeze %dma_start3A_480 : memref<1x128xi32, #tpu.memory_space<vmem>> -> memref<128xi32, #tpu.memory_space<vmem>>
      %dma_start3A_482 = arith.constant 0 : i32
      %dma_start3A_483 = arith.constant 0 : i32
      %dma_start3A_484 = tpu.memref_slice %arg15[%dma_start3A_482, %dma_start3A_483] : memref<50048x16xf32, #tpu.memory_space<vmem_shared>> -> memref<50048x16xf32, #tpu.memory_space<vmem_shared>>
      tpu.enqueue_indirect_dma source(%dma_start3A_478 : memref<128x16xf32, #tpu.memory_space<vmem>>) target(%dma_start3A_484 : memref<50048x16xf32, #tpu.memory_space<vmem_shared>>) offsets(%dma_start3A_481 : memref<128xi32, #tpu.memory_space<vmem>>) semaphore(%arg19 : memref<!tpu.dma_semaphore, #tpu.memory_space<semaphore_mem>>) {add = true}
      %dma_start3A_485 = arith.constant 1 : i32
      %dma_start3A_486 = arith.constant 1 : i32
      %dma_start3A_487 = arith.constant 0 : i32
      %dma_start3A_488 = arith.constant 0 : i32
      %dma_start3A_489 = tpu.memref_slice %arg14[%dma_start3A_485, %dma_start3A_487, %dma_start3A_488] : memref<8x128x16xf32, #tpu.memory_space<vmem>> -> memref<1x128x16xf32, #tpu.memory_space<vmem>>
      %dma_start3A_490 = tpu.memref_squeeze %dma_start3A_489 : memref<1x128x16xf32, #tpu.memory_space<vmem>> -> memref<128x16xf32, #tpu.memory_space<vmem>>
      %dma_start3A_491 = arith.constant 0 : i32
      %dma_start3A_492 = tpu.memref_slice %arg10[%dma_start3A_486, %dma_start3A_491] : memref<8x128xi32, #tpu.memory_space<vmem>> -> memref<1x128xi32, #tpu.memory_space<vmem>>
      %dma_start3A_493 = tpu.memref_squeeze %dma_start3A_492 : memref<1x128xi32, #tpu.memory_space<vmem>> -> memref<128xi32, #tpu.memory_space<vmem>>
      %dma_start3A_494 = arith.constant 0 : i32
      %dma_start3A_495 = arith.constant 0 : i32
      %dma_start3A_496 = tpu.memref_slice %arg15[%dma_start3A_494, %dma_start3A_495] : memref<50048x16xf32, #tpu.memory_space<vmem_shared>> -> memref<50048x16xf32, #tpu.memory_space<vmem_shared>>
      tpu.enqueue_indirect_dma source(%dma_start3A_490 : memref<128x16xf32, #tpu.memory_space<vmem>>) target(%dma_start3A_496 : memref<50048x16xf32, #tpu.memory_space<vmem_shared>>) offsets(%dma_start3A_493 : memref<128xi32, #tpu.memory_space<vmem>>) semaphore(%arg19 : memref<!tpu.dma_semaphore, #tpu.memory_space<semaphore_mem>>) {add = true}
      %dma_start3A_497 = arith.constant 2 : i32
      %dma_start3A_498 = arith.constant 2 : i32
      %dma_start3A_499 = arith.constant 0 : i32
      %dma_start3A_500 = arith.constant 0 : i32
      %dma_start3A_501 = tpu.memref_slice %arg14[%dma_start3A_497, %dma_start3A_499, %dma_start3A_500] : memref<8x128x16xf32, #tpu.memory_space<vmem>> -> memref<1x128x16xf32, #tpu.memory_space<vmem>>
      %dma_start3A_502 = tpu.memref_squeeze %dma_start3A_501 : memref<1x128x16xf32, #tpu.memory_space<vmem>> -> memref<128x16xf32, #tpu.memory_space<vmem>>
      %dma_start3A_503 = arith.constant 0 : i32
      %dma_start3A_504 = tpu.memref_slice %arg10[%dma_start3A_498, %dma_start3A_503] : memref<8x128xi32, #tpu.memory_space<vmem>> -> memref<1x128xi32, #tpu.memory_space<vmem>>
      %dma_start3A_505 = tpu.memref_squeeze %dma_start3A_504 : memref<1x128xi32, #tpu.memory_space<vmem>> -> memref<128xi32, #tpu.memory_space<vmem>>
      %dma_start3A_506 = arith.constant 0 : i32
      %dma_start3A_507 = arith.constant 0 : i32
      %dma_start3A_508 = tpu.memref_slice %arg15[%dma_start3A_506, %dma_start3A_507] : memref<50048x16xf32, #tpu.memory_space<vmem_shared>> -> memref<50048x16xf32, #tpu.memory_space<vmem_shared>>
      tpu.enqueue_indirect_dma source(%dma_start3A_502 : memref<128x16xf32, #tpu.memory_space<vmem>>) target(%dma_start3A_508 : memref<50048x16xf32, #tpu.memory_space<vmem_shared>>) offsets(%dma_start3A_505 : memref<128xi32, #tpu.memory_space<vmem>>) semaphore(%arg19 : memref<!tpu.dma_semaphore, #tpu.memory_space<semaphore_mem>>) {add = true}
      %dma_start3A_509 = arith.constant 3 : i32
      %dma_start3A_510 = arith.constant 3 : i32
      %dma_start3A_511 = arith.constant 0 : i32
      %dma_start3A_512 = arith.constant 0 : i32
      %dma_start3A_513 = tpu.memref_slice %arg14[%dma_start3A_509, %dma_start3A_511, %dma_start3A_512] : memref<8x128x16xf32, #tpu.memory_space<vmem>> -> memref<1x128x16xf32, #tpu.memory_space<vmem>>
      %dma_start3A_514 = tpu.memref_squeeze %dma_start3A_513 : memref<1x128x16xf32, #tpu.memory_space<vmem>> -> memref<128x16xf32, #tpu.memory_space<vmem>>
      %dma_start3A_515 = arith.constant 0 : i32
      %dma_start3A_516 = tpu.memref_slice %arg10[%dma_start3A_510, %dma_start3A_515] : memref<8x128xi32, #tpu.memory_space<vmem>> -> memref<1x128xi32, #tpu.memory_space<vmem>>
      %dma_start3A_517 = tpu.memref_squeeze %dma_start3A_516 : memref<1x128xi32, #tpu.memory_space<vmem>> -> memref<128xi32, #tpu.memory_space<vmem>>
      %dma_start3A_518 = arith.constant 0 : i32
      %dma_start3A_519 = arith.constant 0 : i32
      %dma_start3A_520 = tpu.memref_slice %arg15[%dma_start3A_518, %dma_start3A_519] : memref<50048x16xf32, #tpu.memory_space<vmem_shared>> -> memref<50048x16xf32, #tpu.memory_space<vmem_shared>>
      tpu.enqueue_indirect_dma source(%dma_start3A_514 : memref<128x16xf32, #tpu.memory_space<vmem>>) target(%dma_start3A_520 : memref<50048x16xf32, #tpu.memory_space<vmem_shared>>) offsets(%dma_start3A_517 : memref<128xi32, #tpu.memory_space<vmem>>) semaphore(%arg19 : memref<!tpu.dma_semaphore, #tpu.memory_space<semaphore_mem>>) {add = true}
      %dma_start3A_521 = arith.constant 4 : i32
      %dma_start3A_522 = arith.constant 4 : i32
      %dma_start3A_523 = arith.constant 0 : i32
      %dma_start3A_524 = arith.constant 0 : i32
      %dma_start3A_525 = tpu.memref_slice %arg14[%dma_start3A_521, %dma_start3A_523, %dma_start3A_524] : memref<8x128x16xf32, #tpu.memory_space<vmem>> -> memref<1x128x16xf32, #tpu.memory_space<vmem>>
      %dma_start3A_526 = tpu.memref_squeeze %dma_start3A_525 : memref<1x128x16xf32, #tpu.memory_space<vmem>> -> memref<128x16xf32, #tpu.memory_space<vmem>>
      %dma_start3A_527 = arith.constant 0 : i32
      %dma_start3A_528 = tpu.memref_slice %arg10[%dma_start3A_522, %dma_start3A_527] : memref<8x128xi32, #tpu.memory_space<vmem>> -> memref<1x128xi32, #tpu.memory_space<vmem>>
      %dma_start3A_529 = tpu.memref_squeeze %dma_start3A_528 : memref<1x128xi32, #tpu.memory_space<vmem>> -> memref<128xi32, #tpu.memory_space<vmem>>
      %dma_start3A_530 = arith.constant 0 : i32
      %dma_start3A_531 = arith.constant 0 : i32
      %dma_start3A_532 = tpu.memref_slice %arg15[%dma_start3A_530, %dma_start3A_531] : memref<50048x16xf32, #tpu.memory_space<vmem_shared>> -> memref<50048x16xf32, #tpu.memory_space<vmem_shared>>
      tpu.enqueue_indirect_dma source(%dma_start3A_526 : memref<128x16xf32, #tpu.memory_space<vmem>>) target(%dma_start3A_532 : memref<50048x16xf32, #tpu.memory_space<vmem_shared>>) offsets(%dma_start3A_529 : memref<128xi32, #tpu.memory_space<vmem>>) semaphore(%arg19 : memref<!tpu.dma_semaphore, #tpu.memory_space<semaphore_mem>>) {add = true}
      %dma_start3A_533 = arith.constant 5 : i32
      %dma_start3A_534 = arith.constant 5 : i32
      %dma_start3A_535 = arith.constant 0 : i32
      %dma_start3A_536 = arith.constant 0 : i32
      %dma_start3A_537 = tpu.memref_slice %arg14[%dma_start3A_533, %dma_start3A_535, %dma_start3A_536] : memref<8x128x16xf32, #tpu.memory_space<vmem>> -> memref<1x128x16xf32, #tpu.memory_space<vmem>>
      %dma_start3A_538 = tpu.memref_squeeze %dma_start3A_537 : memref<1x128x16xf32, #tpu.memory_space<vmem>> -> memref<128x16xf32, #tpu.memory_space<vmem>>
      %dma_start3A_539 = arith.constant 0 : i32
      %dma_start3A_540 = tpu.memref_slice %arg10[%dma_start3A_534, %dma_start3A_539] : memref<8x128xi32, #tpu.memory_space<vmem>> -> memref<1x128xi32, #tpu.memory_space<vmem>>
      %dma_start3A_541 = tpu.memref_squeeze %dma_start3A_540 : memref<1x128xi32, #tpu.memory_space<vmem>> -> memref<128xi32, #tpu.memory_space<vmem>>
      %dma_start3A_542 = arith.constant 0 : i32
      %dma_start3A_543 = arith.constant 0 : i32
      %dma_start3A_544 = tpu.memref_slice %arg15[%dma_start3A_542, %dma_start3A_543] : memref<50048x16xf32, #tpu.memory_space<vmem_shared>> -> memref<50048x16xf32, #tpu.memory_space<vmem_shared>>
      tpu.enqueue_indirect_dma source(%dma_start3A_538 : memref<128x16xf32, #tpu.memory_space<vmem>>) target(%dma_start3A_544 : memref<50048x16xf32, #tpu.memory_space<vmem_shared>>) offsets(%dma_start3A_541 : memref<128xi32, #tpu.memory_space<vmem>>) semaphore(%arg19 : memref<!tpu.dma_semaphore, #tpu.memory_space<semaphore_mem>>) {add = true}
      %dma_start3A_545 = arith.constant 6 : i32
      %dma_start3A_546 = arith.constant 6 : i32
      %dma_start3A_547 = arith.constant 0 : i32
      %dma_start3A_548 = arith.constant 0 : i32
      %dma_start3A_549 = tpu.memref_slice %arg14[%dma_start3A_545, %dma_start3A_547, %dma_start3A_548] : memref<8x128x16xf32, #tpu.memory_space<vmem>> -> memref<1x128x16xf32, #tpu.memory_space<vmem>>
      %dma_start3A_550 = tpu.memref_squeeze %dma_start3A_549 : memref<1x128x16xf32, #tpu.memory_space<vmem>> -> memref<128x16xf32, #tpu.memory_space<vmem>>
      %dma_start3A_551 = arith.constant 0 : i32
      %dma_start3A_552 = tpu.memref_slice %arg10[%dma_start3A_546, %dma_start3A_551] : memref<8x128xi32, #tpu.memory_space<vmem>> -> memref<1x128xi32, #tpu.memory_space<vmem>>
      %dma_start3A_553 = tpu.memref_squeeze %dma_start3A_552 : memref<1x128xi32, #tpu.memory_space<vmem>> -> memref<128xi32, #tpu.memory_space<vmem>>
      %dma_start3A_554 = arith.constant 0 : i32
      %dma_start3A_555 = arith.constant 0 : i32
      %dma_start3A_556 = tpu.memref_slice %arg15[%dma_start3A_554, %dma_start3A_555] : memref<50048x16xf32, #tpu.memory_space<vmem_shared>> -> memref<50048x16xf32, #tpu.memory_space<vmem_shared>>
      tpu.enqueue_indirect_dma source(%dma_start3A_550 : memref<128x16xf32, #tpu.memory_space<vmem>>) target(%dma_start3A_556 : memref<50048x16xf32, #tpu.memory_space<vmem_shared>>) offsets(%dma_start3A_553 : memref<128xi32, #tpu.memory_space<vmem>>) semaphore(%arg19 : memref<!tpu.dma_semaphore, #tpu.memory_space<semaphore_mem>>) {add = true}
      %dma_start3A_557 = arith.constant 7 : i32
      %dma_start3A_558 = arith.constant 7 : i32
      %dma_start3A_559 = arith.constant 0 : i32
      %dma_start3A_560 = arith.constant 0 : i32
      %dma_start3A_561 = tpu.memref_slice %arg14[%dma_start3A_557, %dma_start3A_559, %dma_start3A_560] : memref<8x128x16xf32, #tpu.memory_space<vmem>> -> memref<1x128x16xf32, #tpu.memory_space<vmem>>
      %dma_start3A_562 = tpu.memref_squeeze %dma_start3A_561 : memref<1x128x16xf32, #tpu.memory_space<vmem>> -> memref<128x16xf32, #tpu.memory_space<vmem>>
      %dma_start3A_563 = arith.constant 0 : i32
      %dma_start3A_564 = tpu.memref_slice %arg10[%dma_start3A_558, %dma_start3A_563] : memref<8x128xi32, #tpu.memory_space<vmem>> -> memref<1x128xi32, #tpu.memory_space<vmem>>
      %dma_start3A_565 = tpu.memref_squeeze %dma_start3A_564 : memref<1x128xi32, #tpu.memory_space<vmem>> -> memref<128xi32, #tpu.memory_space<vmem>>
      %dma_start3A_566 = arith.constant 0 : i32
      %dma_start3A_567 = arith.constant 0 : i32
      %dma_start3A_568 = tpu.memref_slice %arg15[%dma_start3A_566, %dma_start3A_567] : memref<50048x16xf32, #tpu.memory_space<vmem_shared>> -> memref<50048x16xf32, #tpu.memory_space<vmem_shared>>
      tpu.enqueue_indirect_dma source(%dma_start3A_562 : memref<128x16xf32, #tpu.memory_space<vmem>>) target(%dma_start3A_568 : memref<50048x16xf32, #tpu.memory_space<vmem_shared>>) offsets(%dma_start3A_565 : memref<128xi32, #tpu.memory_space<vmem>>) semaphore(%arg19 : memref<!tpu.dma_semaphore, #tpu.memory_space<semaphore_mem>>) {add = true}
      %dma_start3A_569 = arith.constant 0 : i32
      %dma_start3A_570 = arith.constant 0 : i32
      %dma_start3A_571 = arith.constant 0 : i32
      %dma_start3A_572 = tpu.memref_slice %arg8[%add3A_31, %dma_start3A_569, %dma_start3A_570, %dma_start3A_571] : memref<800x8x128x16xf32, #tpu.memory_space<hbm>> -> memref<1x8x128x16xf32, #tpu.memory_space<hbm>>
      %dma_start3A_573 = tpu.memref_squeeze %dma_start3A_572 : memref<1x8x128x16xf32, #tpu.memory_space<hbm>> -> memref<8x128x16xf32, #tpu.memory_space<hbm>>
      %dma_start3A_574 = arith.constant 0 : i32
      %dma_start3A_575 = arith.constant 0 : i32
      %dma_start3A_576 = arith.constant 0 : i32
      %dma_start3A_577 = tpu.memref_slice %arg8[%add3A_31, %dma_start3A_574, %dma_start3A_575, %dma_start3A_576] : memref<800x8x128x16xf32, #tpu.memory_space<hbm>> -> memref<1x8x128x16xf32, #tpu.memory_space<hbm>>
      %dma_start3A_578 = tpu.memref_squeeze %dma_start3A_577 : memref<1x8x128x16xf32, #tpu.memory_space<hbm>> -> memref<8x128x16xf32, #tpu.memory_space<hbm>>
      tpu.enqueue_dma source(%arg14 : memref<8x128x16xf32, #tpu.memory_space<vmem>>) target(%dma_start3A_578 : memref<8x128x16xf32, #tpu.memory_space<hbm>>) target_semaphore(%arg16 : memref<!tpu.dma_semaphore, #tpu.memory_space<semaphore_mem>>)
      %dma_wait3A_579 = arith.constant 0 : i32
      %dma_wait3A_580 = arith.constant 0 : i32
      %dma_wait3A_581 = arith.constant 0 : i32
      %dma_wait3A_582 = arith.constant 0 : i32
      %dma_wait3A_583 = tpu.memref_slice %arg14[%dma_wait3A_579, %dma_wait3A_581, %dma_wait3A_582] : memref<8x128x16xf32, #tpu.memory_space<vmem>> -> memref<1x128x16xf32, #tpu.memory_space<vmem>>
      %dma_wait3A_584 = tpu.memref_squeeze %dma_wait3A_583 : memref<1x128x16xf32, #tpu.memory_space<vmem>> -> memref<128x16xf32, #tpu.memory_space<vmem>>
      %dma_wait3A_585 = arith.constant 0 : i32
      %dma_wait3A_586 = tpu.memref_slice %arg10[%dma_wait3A_580, %dma_wait3A_585] : memref<8x128xi32, #tpu.memory_space<vmem>> -> memref<1x128xi32, #tpu.memory_space<vmem>>
      %dma_wait3A_587 = tpu.memref_squeeze %dma_wait3A_586 : memref<1x128xi32, #tpu.memory_space<vmem>> -> memref<128xi32, #tpu.memory_space<vmem>>
      %dma_wait3A_588 = arith.constant 0 : i32
      %dma_wait3A_589 = arith.constant 0 : i32
      %dma_wait3A_590 = tpu.memref_slice %arg15[%dma_wait3A_588, %dma_wait3A_589] : memref<50048x16xf32, #tpu.memory_space<vmem_shared>> -> memref<50048x16xf32, #tpu.memory_space<vmem_shared>>
      tpu.wait_indirect_dma semaphore(%arg19 : memref<!tpu.dma_semaphore, #tpu.memory_space<semaphore_mem>>) src(%dma_wait3A_584 : memref<128x16xf32, #tpu.memory_space<vmem>>) dst(%dma_wait3A_590 : memref<50048x16xf32, #tpu.memory_space<vmem_shared>>)
      %dma_wait3A_591 = arith.constant 1 : i32
      %dma_wait3A_592 = arith.constant 1 : i32
      %dma_wait3A_593 = arith.constant 0 : i32
      %dma_wait3A_594 = arith.constant 0 : i32
      %dma_wait3A_595 = tpu.memref_slice %arg14[%dma_wait3A_591, %dma_wait3A_593, %dma_wait3A_594] : memref<8x128x16xf32, #tpu.memory_space<vmem>> -> memref<1x128x16xf32, #tpu.memory_space<vmem>>
      %dma_wait3A_596 = tpu.memref_squeeze %dma_wait3A_595 : memref<1x128x16xf32, #tpu.memory_space<vmem>> -> memref<128x16xf32, #tpu.memory_space<vmem>>
      %dma_wait3A_597 = arith.constant 0 : i32
      %dma_wait3A_598 = tpu.memref_slice %arg10[%dma_wait3A_592, %dma_wait3A_597] : memref<8x128xi32, #tpu.memory_space<vmem>> -> memref<1x128xi32, #tpu.memory_space<vmem>>
      %dma_wait3A_599 = tpu.memref_squeeze %dma_wait3A_598 : memref<1x128xi32, #tpu.memory_space<vmem>> -> memref<128xi32, #tpu.memory_space<vmem>>
      %dma_wait3A_600 = arith.constant 0 : i32
      %dma_wait3A_601 = arith.constant 0 : i32
      %dma_wait3A_602 = tpu.memref_slice %arg15[%dma_wait3A_600, %dma_wait3A_601] : memref<50048x16xf32, #tpu.memory_space<vmem_shared>> -> memref<50048x16xf32, #tpu.memory_space<vmem_shared>>
      tpu.wait_indirect_dma semaphore(%arg19 : memref<!tpu.dma_semaphore, #tpu.memory_space<semaphore_mem>>) src(%dma_wait3A_596 : memref<128x16xf32, #tpu.memory_space<vmem>>) dst(%dma_wait3A_602 : memref<50048x16xf32, #tpu.memory_space<vmem_shared>>)
      %dma_wait3A_603 = arith.constant 2 : i32
      %dma_wait3A_604 = arith.constant 2 : i32
      %dma_wait3A_605 = arith.constant 0 : i32
      %dma_wait3A_606 = arith.constant 0 : i32
      %dma_wait3A_607 = tpu.memref_slice %arg14[%dma_wait3A_603, %dma_wait3A_605, %dma_wait3A_606] : memref<8x128x16xf32, #tpu.memory_space<vmem>> -> memref<1x128x16xf32, #tpu.memory_space<vmem>>
      %dma_wait3A_608 = tpu.memref_squeeze %dma_wait3A_607 : memref<1x128x16xf32, #tpu.memory_space<vmem>> -> memref<128x16xf32, #tpu.memory_space<vmem>>
      %dma_wait3A_609 = arith.constant 0 : i32
      %dma_wait3A_610 = tpu.memref_slice %arg10[%dma_wait3A_604, %dma_wait3A_609] : memref<8x128xi32, #tpu.memory_space<vmem>> -> memref<1x128xi32, #tpu.memory_space<vmem>>
      %dma_wait3A_611 = tpu.memref_squeeze %dma_wait3A_610 : memref<1x128xi32, #tpu.memory_space<vmem>> -> memref<128xi32, #tpu.memory_space<vmem>>
      %dma_wait3A_612 = arith.constant 0 : i32
      %dma_wait3A_613 = arith.constant 0 : i32
      %dma_wait3A_614 = tpu.memref_slice %arg15[%dma_wait3A_612, %dma_wait3A_613] : memref<50048x16xf32, #tpu.memory_space<vmem_shared>> -> memref<50048x16xf32, #tpu.memory_space<vmem_shared>>
      tpu.wait_indirect_dma semaphore(%arg19 : memref<!tpu.dma_semaphore, #tpu.memory_space<semaphore_mem>>) src(%dma_wait3A_608 : memref<128x16xf32, #tpu.memory_space<vmem>>) dst(%dma_wait3A_614 : memref<50048x16xf32, #tpu.memory_space<vmem_shared>>)
      %dma_wait3A_615 = arith.constant 3 : i32
      %dma_wait3A_616 = arith.constant 3 : i32
      %dma_wait3A_617 = arith.constant 0 : i32
      %dma_wait3A_618 = arith.constant 0 : i32
      %dma_wait3A_619 = tpu.memref_slice %arg14[%dma_wait3A_615, %dma_wait3A_617, %dma_wait3A_618] : memref<8x128x16xf32, #tpu.memory_space<vmem>> -> memref<1x128x16xf32, #tpu.memory_space<vmem>>
      %dma_wait3A_620 = tpu.memref_squeeze %dma_wait3A_619 : memref<1x128x16xf32, #tpu.memory_space<vmem>> -> memref<128x16xf32, #tpu.memory_space<vmem>>
      %dma_wait3A_621 = arith.constant 0 : i32
      %dma_wait3A_622 = tpu.memref_slice %arg10[%dma_wait3A_616, %dma_wait3A_621] : memref<8x128xi32, #tpu.memory_space<vmem>> -> memref<1x128xi32, #tpu.memory_space<vmem>>
      %dma_wait3A_623 = tpu.memref_squeeze %dma_wait3A_622 : memref<1x128xi32, #tpu.memory_space<vmem>> -> memref<128xi32, #tpu.memory_space<vmem>>
      %dma_wait3A_624 = arith.constant 0 : i32
      %dma_wait3A_625 = arith.constant 0 : i32
      %dma_wait3A_626 = tpu.memref_slice %arg15[%dma_wait3A_624, %dma_wait3A_625] : memref<50048x16xf32, #tpu.memory_space<vmem_shared>> -> memref<50048x16xf32, #tpu.memory_space<vmem_shared>>
      tpu.wait_indirect_dma semaphore(%arg19 : memref<!tpu.dma_semaphore, #tpu.memory_space<semaphore_mem>>) src(%dma_wait3A_620 : memref<128x16xf32, #tpu.memory_space<vmem>>) dst(%dma_wait3A_626 : memref<50048x16xf32, #tpu.memory_space<vmem_shared>>)
      %dma_wait3A_627 = arith.constant 4 : i32
      %dma_wait3A_628 = arith.constant 4 : i32
      %dma_wait3A_629 = arith.constant 0 : i32
      %dma_wait3A_630 = arith.constant 0 : i32
      %dma_wait3A_631 = tpu.memref_slice %arg14[%dma_wait3A_627, %dma_wait3A_629, %dma_wait3A_630] : memref<8x128x16xf32, #tpu.memory_space<vmem>> -> memref<1x128x16xf32, #tpu.memory_space<vmem>>
      %dma_wait3A_632 = tpu.memref_squeeze %dma_wait3A_631 : memref<1x128x16xf32, #tpu.memory_space<vmem>> -> memref<128x16xf32, #tpu.memory_space<vmem>>
      %dma_wait3A_633 = arith.constant 0 : i32
      %dma_wait3A_634 = tpu.memref_slice %arg10[%dma_wait3A_628, %dma_wait3A_633] : memref<8x128xi32, #tpu.memory_space<vmem>> -> memref<1x128xi32, #tpu.memory_space<vmem>>
      %dma_wait3A_635 = tpu.memref_squeeze %dma_wait3A_634 : memref<1x128xi32, #tpu.memory_space<vmem>> -> memref<128xi32, #tpu.memory_space<vmem>>
      %dma_wait3A_636 = arith.constant 0 : i32
      %dma_wait3A_637 = arith.constant 0 : i32
      %dma_wait3A_638 = tpu.memref_slice %arg15[%dma_wait3A_636, %dma_wait3A_637] : memref<50048x16xf32, #tpu.memory_space<vmem_shared>> -> memref<50048x16xf32, #tpu.memory_space<vmem_shared>>
      tpu.wait_indirect_dma semaphore(%arg19 : memref<!tpu.dma_semaphore, #tpu.memory_space<semaphore_mem>>) src(%dma_wait3A_632 : memref<128x16xf32, #tpu.memory_space<vmem>>) dst(%dma_wait3A_638 : memref<50048x16xf32, #tpu.memory_space<vmem_shared>>)
      %dma_wait3A_639 = arith.constant 5 : i32
      %dma_wait3A_640 = arith.constant 5 : i32
      %dma_wait3A_641 = arith.constant 0 : i32
      %dma_wait3A_642 = arith.constant 0 : i32
      %dma_wait3A_643 = tpu.memref_slice %arg14[%dma_wait3A_639, %dma_wait3A_641, %dma_wait3A_642] : memref<8x128x16xf32, #tpu.memory_space<vmem>> -> memref<1x128x16xf32, #tpu.memory_space<vmem>>
      %dma_wait3A_644 = tpu.memref_squeeze %dma_wait3A_643 : memref<1x128x16xf32, #tpu.memory_space<vmem>> -> memref<128x16xf32, #tpu.memory_space<vmem>>
      %dma_wait3A_645 = arith.constant 0 : i32
      %dma_wait3A_646 = tpu.memref_slice %arg10[%dma_wait3A_640, %dma_wait3A_645] : memref<8x128xi32, #tpu.memory_space<vmem>> -> memref<1x128xi32, #tpu.memory_space<vmem>>
      %dma_wait3A_647 = tpu.memref_squeeze %dma_wait3A_646 : memref<1x128xi32, #tpu.memory_space<vmem>> -> memref<128xi32, #tpu.memory_space<vmem>>
      %dma_wait3A_648 = arith.constant 0 : i32
      %dma_wait3A_649 = arith.constant 0 : i32
      %dma_wait3A_650 = tpu.memref_slice %arg15[%dma_wait3A_648, %dma_wait3A_649] : memref<50048x16xf32, #tpu.memory_space<vmem_shared>> -> memref<50048x16xf32, #tpu.memory_space<vmem_shared>>
      tpu.wait_indirect_dma semaphore(%arg19 : memref<!tpu.dma_semaphore, #tpu.memory_space<semaphore_mem>>) src(%dma_wait3A_644 : memref<128x16xf32, #tpu.memory_space<vmem>>) dst(%dma_wait3A_650 : memref<50048x16xf32, #tpu.memory_space<vmem_shared>>)
      %dma_wait3A_651 = arith.constant 6 : i32
      %dma_wait3A_652 = arith.constant 6 : i32
      %dma_wait3A_653 = arith.constant 0 : i32
      %dma_wait3A_654 = arith.constant 0 : i32
      %dma_wait3A_655 = tpu.memref_slice %arg14[%dma_wait3A_651, %dma_wait3A_653, %dma_wait3A_654] : memref<8x128x16xf32, #tpu.memory_space<vmem>> -> memref<1x128x16xf32, #tpu.memory_space<vmem>>
      %dma_wait3A_656 = tpu.memref_squeeze %dma_wait3A_655 : memref<1x128x16xf32, #tpu.memory_space<vmem>> -> memref<128x16xf32, #tpu.memory_space<vmem>>
      %dma_wait3A_657 = arith.constant 0 : i32
      %dma_wait3A_658 = tpu.memref_slice %arg10[%dma_wait3A_652, %dma_wait3A_657] : memref<8x128xi32, #tpu.memory_space<vmem>> -> memref<1x128xi32, #tpu.memory_space<vmem>>
      %dma_wait3A_659 = tpu.memref_squeeze %dma_wait3A_658 : memref<1x128xi32, #tpu.memory_space<vmem>> -> memref<128xi32, #tpu.memory_space<vmem>>
      %dma_wait3A_660 = arith.constant 0 : i32
      %dma_wait3A_661 = arith.constant 0 : i32
      %dma_wait3A_662 = tpu.memref_slice %arg15[%dma_wait3A_660, %dma_wait3A_661] : memref<50048x16xf32, #tpu.memory_space<vmem_shared>> -> memref<50048x16xf32, #tpu.memory_space<vmem_shared>>
      tpu.wait_indirect_dma semaphore(%arg19 : memref<!tpu.dma_semaphore, #tpu.memory_space<semaphore_mem>>) src(%dma_wait3A_656 : memref<128x16xf32, #tpu.memory_space<vmem>>) dst(%dma_wait3A_662 : memref<50048x16xf32, #tpu.memory_space<vmem_shared>>)
      %dma_wait3A_663 = arith.constant 7 : i32
      %dma_wait3A_664 = arith.constant 7 : i32
      %dma_wait3A_665 = arith.constant 0 : i32
      %dma_wait3A_666 = arith.constant 0 : i32
      %dma_wait3A_667 = tpu.memref_slice %arg14[%dma_wait3A_663, %dma_wait3A_665, %dma_wait3A_666] : memref<8x128x16xf32, #tpu.memory_space<vmem>> -> memref<1x128x16xf32, #tpu.memory_space<vmem>>
      %dma_wait3A_668 = tpu.memref_squeeze %dma_wait3A_667 : memref<1x128x16xf32, #tpu.memory_space<vmem>> -> memref<128x16xf32, #tpu.memory_space<vmem>>
      %dma_wait3A_669 = arith.constant 0 : i32
      %dma_wait3A_670 = tpu.memref_slice %arg10[%dma_wait3A_664, %dma_wait3A_669] : memref<8x128xi32, #tpu.memory_space<vmem>> -> memref<1x128xi32, #tpu.memory_space<vmem>>
      %dma_wait3A_671 = tpu.memref_squeeze %dma_wait3A_670 : memref<1x128xi32, #tpu.memory_space<vmem>> -> memref<128xi32, #tpu.memory_space<vmem>>
      %dma_wait3A_672 = arith.constant 0 : i32
      %dma_wait3A_673 = arith.constant 0 : i32
      %dma_wait3A_674 = tpu.memref_slice %arg15[%dma_wait3A_672, %dma_wait3A_673] : memref<50048x16xf32, #tpu.memory_space<vmem_shared>> -> memref<50048x16xf32, #tpu.memory_space<vmem_shared>>
      tpu.wait_indirect_dma semaphore(%arg19 : memref<!tpu.dma_semaphore, #tpu.memory_space<semaphore_mem>>) src(%dma_wait3A_668 : memref<128x16xf32, #tpu.memory_space<vmem>>) dst(%dma_wait3A_674 : memref<50048x16xf32, #tpu.memory_space<vmem_shared>>)
      %dma_wait3A_675 = arith.constant 0 : i32
      %dma_wait3A_676 = arith.constant 0 : i32
      %dma_wait3A_677 = arith.constant 0 : i32
      %dma_wait3A_678 = tpu.memref_slice %arg8[%add3A_31, %dma_wait3A_675, %dma_wait3A_676, %dma_wait3A_677] : memref<800x8x128x16xf32, #tpu.memory_space<hbm>> -> memref<1x8x128x16xf32, #tpu.memory_space<hbm>>
      %dma_wait3A_679 = tpu.memref_squeeze %dma_wait3A_678 : memref<1x8x128x16xf32, #tpu.memory_space<hbm>> -> memref<8x128x16xf32, #tpu.memory_space<hbm>>
      %dma_wait3A_680 = arith.constant 0 : i32
      %dma_wait3A_681 = arith.constant 0 : i32
      %dma_wait3A_682 = arith.constant 0 : i32
      %dma_wait3A_683 = tpu.memref_slice %arg8[%add3A_31, %dma_wait3A_680, %dma_wait3A_681, %dma_wait3A_682] : memref<800x8x128x16xf32, #tpu.memory_space<hbm>> -> memref<1x8x128x16xf32, #tpu.memory_space<hbm>>
      %dma_wait3A_684 = tpu.memref_squeeze %dma_wait3A_683 : memref<1x8x128x16xf32, #tpu.memory_space<hbm>> -> memref<8x128x16xf32, #tpu.memory_space<hbm>>
      tpu.wait_dma2 semaphore(%arg16 : memref<!tpu.dma_semaphore, #tpu.memory_space<semaphore_mem>>) src(%arg14 : memref<8x128x16xf32, #tpu.memory_space<vmem>>) dst(%dma_wait3A_684 : memref<8x128x16xf32, #tpu.memory_space<hbm>>)
      %scan3A_685 = arith.constant 0 : i32
      scf.yield %scan3A_685 : i32
    }
    %scan3A_19 = arith.constant 25 : i32
    %barrier3A_20 = arith.constant 0 : index
    tpu.barrier barrier_id(%barrier3A_20)
    %mul3A_21 = arith.constant 3128 : i32
    %mul3A_22 = arith.muli %arg1, %mul3A_21 : i32
    %multiple_of3A_23 = tpu.assume_multiple %mul3A_22, 8 : i32
    %mul3A_24 = arith.constant 3128 : i32
    %mul3A_25 = arith.muli %arg1, %mul3A_24 : i32
    %multiple_of3A_26 = tpu.assume_multiple %mul3A_25, 8 : i32
    "tpu.region"() ({
      %run_scoped3A = tpu.sem_alloc : memref<!tpu.dma_semaphore, #tpu.memory_space<semaphore_mem>>
      %dma_start3A = arith.constant 0 : i32
      %dma_start3A_27 = arith.constant 0 : i32
      %dma_start3A_28 = tpu.memref_slice %arg7[%arg0, %dma_start3A, %dma_start3A_27] : memref<2x50048x16xf32, #tpu.memory_space<hbm>> -> memref<1x50048x16xf32, #tpu.memory_space<hbm>>
      %dma_start3A_29 = tpu.memref_squeeze %dma_start3A_28 : memref<1x50048x16xf32, #tpu.memory_space<hbm>> -> memref<50048x16xf32, #tpu.memory_space<hbm>>
      %dma_start3A_30 = arith.constant 0 : i32
      %dma_start3A_31 = tpu.memref_slice %dma_start3A_29[%multiple_of3A_26, %dma_start3A_30] : memref<50048x16xf32, #tpu.memory_space<hbm>> -> memref<3128x16xf32, #tpu.memory_space<hbm>>
      %dma_start3A_32 = arith.constant 0 : i32
      %dma_start3A_33 = tpu.memref_slice %arg15[%multiple_of3A_23, %dma_start3A_32] : memref<50048x16xf32, #tpu.memory_space<vmem_shared>> -> memref<3128x16xf32, #tpu.memory_space<vmem_shared>>
      tpu.enqueue_dma source(%dma_start3A_33 : memref<3128x16xf32, #tpu.memory_space<vmem_shared>>) target(%dma_start3A_31 : memref<3128x16xf32, #tpu.memory_space<hbm>>) target_semaphore(%run_scoped3A : memref<!tpu.dma_semaphore, #tpu.memory_space<semaphore_mem>>)
      %dma_wait3A = arith.constant 0 : i32
      %dma_wait3A_34 = arith.constant 0 : i32
      %dma_wait3A_35 = tpu.memref_slice %arg7[%arg0, %dma_wait3A, %dma_wait3A_34] : memref<2x50048x16xf32, #tpu.memory_space<hbm>> -> memref<1x50048x16xf32, #tpu.memory_space<hbm>>
      %dma_wait3A_36 = tpu.memref_squeeze %dma_wait3A_35 : memref<1x50048x16xf32, #tpu.memory_space<hbm>> -> memref<50048x16xf32, #tpu.memory_space<hbm>>
      %dma_wait3A_37 = arith.constant 0 : i32
      %dma_wait3A_38 = tpu.memref_slice %dma_wait3A_36[%multiple_of3A_26, %dma_wait3A_37] : memref<50048x16xf32, #tpu.memory_space<hbm>> -> memref<3128x16xf32, #tpu.memory_space<hbm>>
      %dma_wait3A_39 = arith.constant 0 : i32
      %dma_wait3A_40 = tpu.memref_slice %arg15[%multiple_of3A_23, %dma_wait3A_39] : memref<50048x16xf32, #tpu.memory_space<vmem_shared>> -> memref<3128x16xf32, #tpu.memory_space<vmem_shared>>
      tpu.wait_dma2 semaphore(%run_scoped3A : memref<!tpu.dma_semaphore, #tpu.memory_space<semaphore_mem>>) src(%dma_wait3A_40 : memref<3128x16xf32, #tpu.memory_space<vmem_shared>>) dst(%dma_wait3A_38 : memref<3128x16xf32, #tpu.memory_space<hbm>>)
      tpu.yield
    }) : () -> ()
    return
  }
}

#map = affine_map<(d0, d1) -> (0, 0, 0)>
#map1 = affine_map<(d0, d1) -> (0, 0)>
#map2 = affine_map<(d0, d1) -> (0, 0, 0, 0)>
module attributes {stable_mosaic.version = 14 : i64} {
  func.func @_stage_a_body(%arg0: i32, %arg1: i32, %arg2: memref<800x8x128xi32, #tpu.memory_space<hbm>>, %arg3: memref<800x8x128xi32, #tpu.memory_space<hbm>>, %arg4: memref<50048x16xf32, #tpu.memory_space<hbm>>, %arg5: memref<800x4096xf32, #tpu.memory_space<hbm>>, %arg6: memref<3128x16xf32, #tpu.memory_space<hbm>>, %arg7: memref<2x50048x16xf32, #tpu.memory_space<hbm>>, %arg8: memref<800x8x128x16xf32, #tpu.memory_space<hbm>>, %arg9: memref<8x128xi32, #tpu.memory_space<vmem>>, %arg10: memref<8x128xi32, #tpu.memory_space<vmem>>, %arg11: memref<8x128x16xf32, #tpu.memory_space<vmem>>, %arg12: memref<8x128x16xf32, #tpu.memory_space<vmem>>, %arg13: memref<4112xf32, #tpu.memory_space<vmem>>, %arg14: memref<8x128x16xf32, #tpu.memory_space<vmem>>, %arg15: memref<50048x16xf32, #tpu.memory_space<vmem_shared>>, %arg16: memref<!tpu.dma_semaphore, #tpu.memory_space<semaphore_mem>>, %arg17: memref<!tpu.dma_semaphore, #tpu.memory_space<semaphore_mem>>, %arg18: memref<!tpu.dma_semaphore, #tpu.memory_space<semaphore_mem>>, %arg19: memref<!tpu.dma_semaphore, #tpu.memory_space<semaphore_mem>>) attributes {dimension_semantics = [#tpu.dimension_semantics<core_parallel>, #tpu.dimension_semantics<subcore_parallel>], iteration_bounds = array<i64: 2, 16>, scalar_prefetch = 0 : i64, scratch_operands = 11 : i64, tpu.core_type = #tpu.core_type<sc_vector_subcore>, window_params = [{transform_indices = #map}, {transform_indices = #map}, {transform_indices = #map1}, {transform_indices = #map1}, {transform_indices = #map1}, {transform_indices = #map}, {transform_indices = #map2}]} {
    %mul3A = arith.constant 16 : i32
    %mul3A_0 = arith.muli %arg0, %mul3A : i32
    %add3A = arith.addi %mul3A_0, %arg1 : i32
    %mul3A_1 = arith.constant 3128 : i32
    %mul3A_2 = arith.muli %arg1, %mul3A_1 : i32
    %multiple_of3A = tpu.assume_multiple %mul3A_2, 8 : i32
    "tpu.region"() ({
      %run_scoped3A = tpu.sem_alloc : memref<!tpu.dma_semaphore, #tpu.memory_space<semaphore_mem>>
      %dma_start3A = arith.constant 0 : i32
      %dma_start3A_27 = tpu.memref_slice %arg15[%multiple_of3A, %dma_start3A] : memref<50048x16xf32, #tpu.memory_space<vmem_shared>> -> memref<3128x16xf32, #tpu.memory_space<vmem_shared>>
      tpu.enqueue_dma source(%arg6 : memref<3128x16xf32, #tpu.memory_space<hbm>>) target(%dma_start3A_27 : memref<3128x16xf32, #tpu.memory_space<vmem_shared>>) target_semaphore(%run_scoped3A : memref<!tpu.dma_semaphore, #tpu.memory_space<semaphore_mem>>)
      %dma_wait3A = arith.constant 0 : i32
      %dma_wait3A_28 = tpu.memref_slice %arg15[%multiple_of3A, %dma_wait3A] : memref<50048x16xf32, #tpu.memory_space<vmem_shared>> -> memref<3128x16xf32, #tpu.memory_space<vmem_shared>>
      tpu.wait_dma2 semaphore(%run_scoped3A : memref<!tpu.dma_semaphore, #tpu.memory_space<semaphore_mem>>) src(%arg6 : memref<3128x16xf32, #tpu.memory_space<hbm>>) dst(%dma_wait3A_28 : memref<3128x16xf32, #tpu.memory_space<vmem_shared>>)
      tpu.yield
    }) : () -> ()
    %broadcast_in_dim3A = arith.constant 0.000000e+00 : f32
    %broadcast_in_dim3A_3 = vector.broadcast %broadcast_in_dim3A : f32 to vector<16xf32>
    %swap3A = arith.constant 4096 : index
    %swap3A_4 = tpu.vector_load %arg13[%swap3A] {strides = array<i32>} : memref<4112xf32, #tpu.memory_space<vmem>>, vector<16xf32>,
    %swap3A_5 = vector.shape_cast %swap3A_4 : vector<16xf32> to vector<16xf32>
    %swap3A_6 = vector.shape_cast %broadcast_in_dim3A_3 : vector<16xf32> to vector<16xf32>
    tpu.vector_store %arg13[%swap3A], %swap3A_6 {strides = array<i32>} : memref<4112xf32, #tpu.memory_space<vmem>>, vector<16xf32>,
    %barrier3A = arith.constant 0 : index
    tpu.barrier barrier_id(%barrier3A)
    %iota3A = tpu.iota {dimensions = array<i32: 0>} : vector<16xi32>
    %lt3A = arith.constant 12 : i32
    %lt3A_7 = vector.broadcast %lt3A : i32 to vector<16xi32>
    %lt3A_8 = arith.cmpi slt, %iota3A, %lt3A_7 : vector<16xi32>
    %add3A_9 = arith.constant 4 : i32
    %add3A_10 = vector.broadcast %add3A_9 : i32 to vector<16xi32>
    %add3A_11 = arith.addi %iota3A, %add3A_10 : vector<16xi32>
    %sub3A = arith.constant 12 : i32
    %sub3A_12 = vector.broadcast %sub3A : i32 to vector<16xi32>
    %sub3A_13 = arith.subi %iota3A, %sub3A_12 : vector<16xi32>
    %select_n3A = arith.select %lt3A_8, %add3A_11, %sub3A_13 : vector<16xi1>, vector<16xi32>
    %scan3A = arith.constant 0 : i32
    %scan3A_14 = arith.constant 0 : i32
    %scan3A_15 = arith.constant 25 : i32
    %scan3A_16 = arith.addi %scan3A_14, %scan3A_15 : i32
    %scan3A_17 = arith.constant 1 : i32
    %scan3A_18 = scf.for %scan3A_27 = %scan3A_14 to %scan3A_16 step %scan3A_17 iter_args(%scan3A_28 = %scan3A) -> (i32)  : i32 {
      %mul3A_29 = arith.constant 25 : i32
      %mul3A_30 = arith.muli %add3A, %mul3A_29 : i32
      %add3A_31 = arith.addi %mul3A_30, %scan3A_27 : i32
      %dma_start3A = arith.constant 0 : i32
      %dma_start3A_32 = arith.constant 0 : i32
      %dma_start3A_33 = tpu.memref_slice %arg2[%add3A_31, %dma_start3A, %dma_start3A_32] : memref<800x8x128xi32, #tpu.memory_space<hbm>> -> memref<1x8x128xi32, #tpu.memory_space<hbm>>
      %dma_start3A_34 = tpu.memref_squeeze %dma_start3A_33 : memref<1x8x128xi32, #tpu.memory_space<hbm>> -> memref<8x128xi32, #tpu.memory_space<hbm>>
      %dma_start3A_35 = arith.constant 0 : i32
      %dma_start3A_36 = arith.constant 0 : i32
      %dma_start3A_37 = tpu.memref_slice %arg2[%add3A_31, %dma_start3A_35, %dma_start3A_36] : memref<800x8x128xi32, #tpu.memory_space<hbm>> -> memref<1x8x128xi32, #tpu.memory_space<hbm>>
      %dma_start3A_38 = tpu.memref_squeeze %dma_start3A_37 : memref<1x8x128xi32, #tpu.memory_space<hbm>> -> memref<8x128xi32, #tpu.memory_space<hbm>>
      tpu.enqueue_dma source(%dma_start3A_38 : memref<8x128xi32, #tpu.memory_space<hbm>>) target(%arg9 : memref<8x128xi32, #tpu.memory_space<vmem>>) target_semaphore(%arg16 : memref<!tpu.dma_semaphore, #tpu.memory_space<semaphore_mem>>)
      %dma_start3A_39 = arith.constant 0 : i32
      %dma_start3A_40 = arith.constant 0 : i32
      %dma_start3A_41 = tpu.memref_slice %arg3[%add3A_31, %dma_start3A_39, %dma_start3A_40] : memref<800x8x128xi32, #tpu.memory_space<hbm>> -> memref<1x8x128xi32, #tpu.memory_space<hbm>>
      %dma_start3A_42 = tpu.memref_squeeze %dma_start3A_41 : memref<1x8x128xi32, #tpu.memory_space<hbm>> -> memref<8x128xi32, #tpu.memory_space<hbm>>
      %dma_start3A_43 = arith.constant 0 : i32
      %dma_start3A_44 = arith.constant 0 : i32
      %dma_start3A_45 = tpu.memref_slice %arg3[%add3A_31, %dma_start3A_43, %dma_start3A_44] : memref<800x8x128xi32, #tpu.memory_space<hbm>> -> memref<1x8x128xi32, #tpu.memory_space<hbm>>
      %dma_start3A_46 = tpu.memref_squeeze %dma_start3A_45 : memref<1x8x128xi32, #tpu.memory_space<hbm>> -> memref<8x128xi32, #tpu.memory_space<hbm>>
      tpu.enqueue_dma source(%dma_start3A_46 : memref<8x128xi32, #tpu.memory_space<hbm>>) target(%arg10 : memref<8x128xi32, #tpu.memory_space<vmem>>) target_semaphore(%arg16 : memref<!tpu.dma_semaphore, #tpu.memory_space<semaphore_mem>>)
      %dma_start3A_47 = arith.constant 0 : i32
      %dma_start3A_48 = tpu.memref_slice %arg13[%dma_start3A_47] : memref<4112xf32, #tpu.memory_space<vmem>> -> memref<4096xf32, #tpu.memory_space<vmem>>
      %dma_start3A_49 = arith.constant 0 : i32
      %dma_start3A_50 = tpu.memref_slice %arg5[%add3A_31, %dma_start3A_49] : memref<800x4096xf32, #tpu.memory_space<hbm>> -> memref<1x4096xf32, #tpu.memory_space<hbm>>
      %dma_start3A_51 = tpu.memref_squeeze %dma_start3A_50 : memref<1x4096xf32, #tpu.memory_space<hbm>> -> memref<4096xf32, #tpu.memory_space<hbm>>
      %dma_start3A_52 = arith.constant 0 : i32
      %dma_start3A_53 = tpu.memref_slice %arg13[%dma_start3A_52] : memref<4112xf32, #tpu.memory_space<vmem>> -> memref<4096xf32, #tpu.memory_space<vmem>>
      %dma_start3A_54 = arith.constant 0 : i32
      %dma_start3A_55 = tpu.memref_slice %arg5[%add3A_31, %dma_start3A_54] : memref<800x4096xf32, #tpu.memory_space<hbm>> -> memref<1x4096xf32, #tpu.memory_space<hbm>>
      %dma_start3A_56 = tpu.memref_squeeze %dma_start3A_55 : memref<1x4096xf32, #tpu.memory_space<hbm>> -> memref<4096xf32, #tpu.memory_space<hbm>>
      tpu.enqueue_dma source(%dma_start3A_56 : memref<4096xf32, #tpu.memory_space<hbm>>) target(%dma_start3A_53 : memref<4096xf32, #tpu.memory_space<vmem>>) target_semaphore(%arg19 : memref<!tpu.dma_semaphore, #tpu.memory_space<semaphore_mem>>)
      %dma_wait3A = arith.constant 0 : i32
      %dma_wait3A_57 = arith.constant 0 : i32
      %dma_wait3A_58 = tpu.memref_slice %arg2[%add3A_31, %dma_wait3A, %dma_wait3A_57] : memref<800x8x128xi32, #tpu.memory_space<hbm>> -> memref<1x8x128xi32, #tpu.memory_space<hbm>>
      %dma_wait3A_59 = tpu.memref_squeeze %dma_wait3A_58 : memref<1x8x128xi32, #tpu.memory_space<hbm>> -> memref<8x128xi32, #tpu.memory_space<hbm>>
      %dma_wait3A_60 = arith.constant 0 : i32
      %dma_wait3A_61 = arith.constant 0 : i32
      %dma_wait3A_62 = tpu.memref_slice %arg2[%add3A_31, %dma_wait3A_60, %dma_wait3A_61] : memref<800x8x128xi32, #tpu.memory_space<hbm>> -> memref<1x8x128xi32, #tpu.memory_space<hbm>>
      %dma_wait3A_63 = tpu.memref_squeeze %dma_wait3A_62 : memref<1x8x128xi32, #tpu.memory_space<hbm>> -> memref<8x128xi32, #tpu.memory_space<hbm>>
      tpu.wait_dma2 semaphore(%arg16 : memref<!tpu.dma_semaphore, #tpu.memory_space<semaphore_mem>>) src(%dma_wait3A_63 : memref<8x128xi32, #tpu.memory_space<hbm>>) dst(%arg9 : memref<8x128xi32, #tpu.memory_space<vmem>>)
      %dma_wait3A_64 = arith.constant 0 : i32
      %dma_wait3A_65 = arith.constant 0 : i32
      %dma_wait3A_66 = tpu.memref_slice %arg3[%add3A_31, %dma_wait3A_64, %dma_wait3A_65] : memref<800x8x128xi32, #tpu.memory_space<hbm>> -> memref<1x8x128xi32, #tpu.memory_space<hbm>>
      %dma_wait3A_67 = tpu.memref_squeeze %dma_wait3A_66 : memref<1x8x128xi32, #tpu.memory_space<hbm>> -> memref<8x128xi32, #tpu.memory_space<hbm>>
      %dma_wait3A_68 = arith.constant 0 : i32
      %dma_wait3A_69 = arith.constant 0 : i32
      %dma_wait3A_70 = tpu.memref_slice %arg3[%add3A_31, %dma_wait3A_68, %dma_wait3A_69] : memref<800x8x128xi32, #tpu.memory_space<hbm>> -> memref<1x8x128xi32, #tpu.memory_space<hbm>>
      %dma_wait3A_71 = tpu.memref_squeeze %dma_wait3A_70 : memref<1x8x128xi32, #tpu.memory_space<hbm>> -> memref<8x128xi32, #tpu.memory_space<hbm>>
      tpu.wait_dma2 semaphore(%arg16 : memref<!tpu.dma_semaphore, #tpu.memory_space<semaphore_mem>>) src(%dma_wait3A_71 : memref<8x128xi32, #tpu.memory_space<hbm>>) dst(%arg10 : memref<8x128xi32, #tpu.memory_space<vmem>>)
      %dma_wait3A_72 = arith.constant 0 : i32
      %dma_wait3A_73 = tpu.memref_slice %arg13[%dma_wait3A_72] : memref<4112xf32, #tpu.memory_space<vmem>> -> memref<4096xf32, #tpu.memory_space<vmem>>
      %dma_wait3A_74 = arith.constant 0 : i32
      %dma_wait3A_75 = tpu.memref_slice %arg5[%add3A_31, %dma_wait3A_74] : memref<800x4096xf32, #tpu.memory_space<hbm>> -> memref<1x4096xf32, #tpu.memory_space<hbm>>
      %dma_wait3A_76 = tpu.memref_squeeze %dma_wait3A_75 : memref<1x4096xf32, #tpu.memory_space<hbm>> -> memref<4096xf32, #tpu.memory_space<hbm>>
      %dma_wait3A_77 = arith.constant 0 : i32
      %dma_wait3A_78 = tpu.memref_slice %arg13[%dma_wait3A_77] : memref<4112xf32, #tpu.memory_space<vmem>> -> memref<4096xf32, #tpu.memory_space<vmem>>
      %dma_wait3A_79 = arith.constant 0 : i32
      %dma_wait3A_80 = tpu.memref_slice %arg5[%add3A_31, %dma_wait3A_79] : memref<800x4096xf32, #tpu.memory_space<hbm>> -> memref<1x4096xf32, #tpu.memory_space<hbm>>
      %dma_wait3A_81 = tpu.memref_squeeze %dma_wait3A_80 : memref<1x4096xf32, #tpu.memory_space<hbm>> -> memref<4096xf32, #tpu.memory_space<hbm>>
      tpu.wait_dma2 semaphore(%arg19 : memref<!tpu.dma_semaphore, #tpu.memory_space<semaphore_mem>>) src(%dma_wait3A_81 : memref<4096xf32, #tpu.memory_space<hbm>>) dst(%dma_wait3A_78 : memref<4096xf32, #tpu.memory_space<vmem>>)
      %dma_start3A_82 = arith.constant 0 : i32
      %dma_start3A_83 = arith.constant 0 : i32
      %dma_start3A_84 = arith.constant 0 : i32
      %dma_start3A_85 = arith.constant 0 : i32
      %dma_start3A_86 = tpu.memref_slice %arg11[%dma_start3A_83, %dma_start3A_84, %dma_start3A_85] : memref<8x128x16xf32, #tpu.memory_space<vmem>> -> memref<1x128x16xf32, #tpu.memory_space<vmem>>
      %dma_start3A_87 = tpu.memref_squeeze %dma_start3A_86 : memref<1x128x16xf32, #tpu.memory_space<vmem>> -> memref<128x16xf32, #tpu.memory_space<vmem>>
      %dma_start3A_88 = arith.constant 0 : i32
      %dma_start3A_89 = tpu.memref_slice %arg9[%dma_start3A_82, %dma_start3A_88] : memref<8x128xi32, #tpu.memory_space<vmem>> -> memref<1x128xi32, #tpu.memory_space<vmem>>
      %dma_start3A_90 = tpu.memref_squeeze %dma_start3A_89 : memref<1x128xi32, #tpu.memory_space<vmem>> -> memref<128xi32, #tpu.memory_space<vmem>>
      %dma_start3A_91 = arith.constant 0 : i32
      %dma_start3A_92 = arith.constant 0 : i32
      %dma_start3A_93 = tpu.memref_slice %arg4[%dma_start3A_91, %dma_start3A_92] : memref<50048x16xf32, #tpu.memory_space<hbm>> -> memref<50048x16xf32, #tpu.memory_space<hbm>>
      tpu.enqueue_indirect_dma source(%dma_start3A_93 : memref<50048x16xf32, #tpu.memory_space<hbm>>) target(%dma_start3A_87 : memref<128x16xf32, #tpu.memory_space<vmem>>) offsets(%dma_start3A_90 : memref<128xi32, #tpu.memory_space<vmem>>) semaphore(%arg17 : memref<!tpu.dma_semaphore, #tpu.memory_space<semaphore_mem>>)
      %dma_start3A_94 = arith.constant 0 : i32
      %dma_start3A_95 = arith.constant 0 : i32
      %dma_start3A_96 = arith.constant 0 : i32
      %dma_start3A_97 = arith.constant 0 : i32
      %dma_start3A_98 = tpu.memref_slice %arg12[%dma_start3A_95, %dma_start3A_96, %dma_start3A_97] : memref<8x128x16xf32, #tpu.memory_space<vmem>> -> memref<1x128x16xf32, #tpu.memory_space<vmem>>
      %dma_start3A_99 = tpu.memref_squeeze %dma_start3A_98 : memref<1x128x16xf32, #tpu.memory_space<vmem>> -> memref<128x16xf32, #tpu.memory_space<vmem>>
      %dma_start3A_100 = arith.constant 0 : i32
      %dma_start3A_101 = tpu.memref_slice %arg10[%dma_start3A_94, %dma_start3A_100] : memref<8x128xi32, #tpu.memory_space<vmem>> -> memref<1x128xi32, #tpu.memory_space<vmem>>
      %dma_start3A_102 = tpu.memref_squeeze %dma_start3A_101 : memref<1x128xi32, #tpu.memory_space<vmem>> -> memref<128xi32, #tpu.memory_space<vmem>>
      %dma_start3A_103 = arith.constant 0 : i32
      %dma_start3A_104 = arith.constant 0 : i32
      %dma_start3A_105 = tpu.memref_slice %arg4[%dma_start3A_103, %dma_start3A_104] : memref<50048x16xf32, #tpu.memory_space<hbm>> -> memref<50048x16xf32, #tpu.memory_space<hbm>>
      tpu.enqueue_indirect_dma source(%dma_start3A_105 : memref<50048x16xf32, #tpu.memory_space<hbm>>) target(%dma_start3A_99 : memref<128x16xf32, #tpu.memory_space<vmem>>) offsets(%dma_start3A_102 : memref<128xi32, #tpu.memory_space<vmem>>) semaphore(%arg18 : memref<!tpu.dma_semaphore, #tpu.memory_space<semaphore_mem>>)
      %dma_start3A_106 = arith.constant 1 : i32
      %dma_start3A_107 = arith.constant 1 : i32
      %dma_start3A_108 = arith.constant 0 : i32
      %dma_start3A_109 = arith.constant 0 : i32
      %dma_start3A_110 = tpu.memref_slice %arg11[%dma_start3A_107, %dma_start3A_108, %dma_start3A_109] : memref<8x128x16xf32, #tpu.memory_space<vmem>> -> memref<1x128x16xf32, #tpu.memory_space<vmem>>
      %dma_start3A_111 = tpu.memref_squeeze %dma_start3A_110 : memref<1x128x16xf32, #tpu.memory_space<vmem>> -> memref<128x16xf32, #tpu.memory_space<vmem>>
      %dma_start3A_112 = arith.constant 0 : i32
      %dma_start3A_113 = tpu.memref_slice %arg9[%dma_start3A_106, %dma_start3A_112] : memref<8x128xi32, #tpu.memory_space<vmem>> -> memref<1x128xi32, #tpu.memory_space<vmem>>
      %dma_start3A_114 = tpu.memref_squeeze %dma_start3A_113 : memref<1x128xi32, #tpu.memory_space<vmem>> -> memref<128xi32, #tpu.memory_space<vmem>>
      %dma_start3A_115 = arith.constant 0 : i32
      %dma_start3A_116 = arith.constant 0 : i32
      %dma_start3A_117 = tpu.memref_slice %arg4[%dma_start3A_115, %dma_start3A_116] : memref<50048x16xf32, #tpu.memory_space<hbm>> -> memref<50048x16xf32, #tpu.memory_space<hbm>>
      tpu.enqueue_indirect_dma source(%dma_start3A_117 : memref<50048x16xf32, #tpu.memory_space<hbm>>) target(%dma_start3A_111 : memref<128x16xf32, #tpu.memory_space<vmem>>) offsets(%dma_start3A_114 : memref<128xi32, #tpu.memory_space<vmem>>) semaphore(%arg17 : memref<!tpu.dma_semaphore, #tpu.memory_space<semaphore_mem>>)
      %dma_start3A_118 = arith.constant 1 : i32
      %dma_start3A_119 = arith.constant 1 : i32
      %dma_start3A_120 = arith.constant 0 : i32
      %dma_start3A_121 = arith.constant 0 : i32
      %dma_start3A_122 = tpu.memref_slice %arg12[%dma_start3A_119, %dma_start3A_120, %dma_start3A_121] : memref<8x128x16xf32, #tpu.memory_space<vmem>> -> memref<1x128x16xf32, #tpu.memory_space<vmem>>
      %dma_start3A_123 = tpu.memref_squeeze %dma_start3A_122 : memref<1x128x16xf32, #tpu.memory_space<vmem>> -> memref<128x16xf32, #tpu.memory_space<vmem>>
      %dma_start3A_124 = arith.constant 0 : i32
      %dma_start3A_125 = tpu.memref_slice %arg10[%dma_start3A_118, %dma_start3A_124] : memref<8x128xi32, #tpu.memory_space<vmem>> -> memref<1x128xi32, #tpu.memory_space<vmem>>
      %dma_start3A_126 = tpu.memref_squeeze %dma_start3A_125 : memref<1x128xi32, #tpu.memory_space<vmem>> -> memref<128xi32, #tpu.memory_space<vmem>>
      %dma_start3A_127 = arith.constant 0 : i32
      %dma_start3A_128 = arith.constant 0 : i32
      %dma_start3A_129 = tpu.memref_slice %arg4[%dma_start3A_127, %dma_start3A_128] : memref<50048x16xf32, #tpu.memory_space<hbm>> -> memref<50048x16xf32, #tpu.memory_space<hbm>>
      tpu.enqueue_indirect_dma source(%dma_start3A_129 : memref<50048x16xf32, #tpu.memory_space<hbm>>) target(%dma_start3A_123 : memref<128x16xf32, #tpu.memory_space<vmem>>) offsets(%dma_start3A_126 : memref<128xi32, #tpu.memory_space<vmem>>) semaphore(%arg18 : memref<!tpu.dma_semaphore, #tpu.memory_space<semaphore_mem>>)
      %dma_start3A_130 = arith.constant 2 : i32
      %dma_start3A_131 = arith.constant 2 : i32
      %dma_start3A_132 = arith.constant 0 : i32
      %dma_start3A_133 = arith.constant 0 : i32
      %dma_start3A_134 = tpu.memref_slice %arg11[%dma_start3A_131, %dma_start3A_132, %dma_start3A_133] : memref<8x128x16xf32, #tpu.memory_space<vmem>> -> memref<1x128x16xf32, #tpu.memory_space<vmem>>
      %dma_start3A_135 = tpu.memref_squeeze %dma_start3A_134 : memref<1x128x16xf32, #tpu.memory_space<vmem>> -> memref<128x16xf32, #tpu.memory_space<vmem>>
      %dma_start3A_136 = arith.constant 0 : i32
      %dma_start3A_137 = tpu.memref_slice %arg9[%dma_start3A_130, %dma_start3A_136] : memref<8x128xi32, #tpu.memory_space<vmem>> -> memref<1x128xi32, #tpu.memory_space<vmem>>
      %dma_start3A_138 = tpu.memref_squeeze %dma_start3A_137 : memref<1x128xi32, #tpu.memory_space<vmem>> -> memref<128xi32, #tpu.memory_space<vmem>>
      %dma_start3A_139 = arith.constant 0 : i32
      %dma_start3A_140 = arith.constant 0 : i32
      %dma_start3A_141 = tpu.memref_slice %arg4[%dma_start3A_139, %dma_start3A_140] : memref<50048x16xf32, #tpu.memory_space<hbm>> -> memref<50048x16xf32, #tpu.memory_space<hbm>>
      tpu.enqueue_indirect_dma source(%dma_start3A_141 : memref<50048x16xf32, #tpu.memory_space<hbm>>) target(%dma_start3A_135 : memref<128x16xf32, #tpu.memory_space<vmem>>) offsets(%dma_start3A_138 : memref<128xi32, #tpu.memory_space<vmem>>) semaphore(%arg17 : memref<!tpu.dma_semaphore, #tpu.memory_space<semaphore_mem>>)
      %dma_start3A_142 = arith.constant 2 : i32
      %dma_start3A_143 = arith.constant 2 : i32
      %dma_start3A_144 = arith.constant 0 : i32
      %dma_start3A_145 = arith.constant 0 : i32
      %dma_start3A_146 = tpu.memref_slice %arg12[%dma_start3A_143, %dma_start3A_144, %dma_start3A_145] : memref<8x128x16xf32, #tpu.memory_space<vmem>> -> memref<1x128x16xf32, #tpu.memory_space<vmem>>
      %dma_start3A_147 = tpu.memref_squeeze %dma_start3A_146 : memref<1x128x16xf32, #tpu.memory_space<vmem>> -> memref<128x16xf32, #tpu.memory_space<vmem>>
      %dma_start3A_148 = arith.constant 0 : i32
      %dma_start3A_149 = tpu.memref_slice %arg10[%dma_start3A_142, %dma_start3A_148] : memref<8x128xi32, #tpu.memory_space<vmem>> -> memref<1x128xi32, #tpu.memory_space<vmem>>
      %dma_start3A_150 = tpu.memref_squeeze %dma_start3A_149 : memref<1x128xi32, #tpu.memory_space<vmem>> -> memref<128xi32, #tpu.memory_space<vmem>>
      %dma_start3A_151 = arith.constant 0 : i32
      %dma_start3A_152 = arith.constant 0 : i32
      %dma_start3A_153 = tpu.memref_slice %arg4[%dma_start3A_151, %dma_start3A_152] : memref<50048x16xf32, #tpu.memory_space<hbm>> -> memref<50048x16xf32, #tpu.memory_space<hbm>>
      tpu.enqueue_indirect_dma source(%dma_start3A_153 : memref<50048x16xf32, #tpu.memory_space<hbm>>) target(%dma_start3A_147 : memref<128x16xf32, #tpu.memory_space<vmem>>) offsets(%dma_start3A_150 : memref<128xi32, #tpu.memory_space<vmem>>) semaphore(%arg18 : memref<!tpu.dma_semaphore, #tpu.memory_space<semaphore_mem>>)
      %dma_start3A_154 = arith.constant 3 : i32
      %dma_start3A_155 = arith.constant 3 : i32
      %dma_start3A_156 = arith.constant 0 : i32
      %dma_start3A_157 = arith.constant 0 : i32
      %dma_start3A_158 = tpu.memref_slice %arg11[%dma_start3A_155, %dma_start3A_156, %dma_start3A_157] : memref<8x128x16xf32, #tpu.memory_space<vmem>> -> memref<1x128x16xf32, #tpu.memory_space<vmem>>
      %dma_start3A_159 = tpu.memref_squeeze %dma_start3A_158 : memref<1x128x16xf32, #tpu.memory_space<vmem>> -> memref<128x16xf32, #tpu.memory_space<vmem>>
      %dma_start3A_160 = arith.constant 0 : i32
      %dma_start3A_161 = tpu.memref_slice %arg9[%dma_start3A_154, %dma_start3A_160] : memref<8x128xi32, #tpu.memory_space<vmem>> -> memref<1x128xi32, #tpu.memory_space<vmem>>
      %dma_start3A_162 = tpu.memref_squeeze %dma_start3A_161 : memref<1x128xi32, #tpu.memory_space<vmem>> -> memref<128xi32, #tpu.memory_space<vmem>>
      %dma_start3A_163 = arith.constant 0 : i32
      %dma_start3A_164 = arith.constant 0 : i32
      %dma_start3A_165 = tpu.memref_slice %arg4[%dma_start3A_163, %dma_start3A_164] : memref<50048x16xf32, #tpu.memory_space<hbm>> -> memref<50048x16xf32, #tpu.memory_space<hbm>>
      tpu.enqueue_indirect_dma source(%dma_start3A_165 : memref<50048x16xf32, #tpu.memory_space<hbm>>) target(%dma_start3A_159 : memref<128x16xf32, #tpu.memory_space<vmem>>) offsets(%dma_start3A_162 : memref<128xi32, #tpu.memory_space<vmem>>) semaphore(%arg17 : memref<!tpu.dma_semaphore, #tpu.memory_space<semaphore_mem>>)
      %dma_start3A_166 = arith.constant 3 : i32
      %dma_start3A_167 = arith.constant 3 : i32
      %dma_start3A_168 = arith.constant 0 : i32
      %dma_start3A_169 = arith.constant 0 : i32
      %dma_start3A_170 = tpu.memref_slice %arg12[%dma_start3A_167, %dma_start3A_168, %dma_start3A_169] : memref<8x128x16xf32, #tpu.memory_space<vmem>> -> memref<1x128x16xf32, #tpu.memory_space<vmem>>
      %dma_start3A_171 = tpu.memref_squeeze %dma_start3A_170 : memref<1x128x16xf32, #tpu.memory_space<vmem>> -> memref<128x16xf32, #tpu.memory_space<vmem>>
      %dma_start3A_172 = arith.constant 0 : i32
      %dma_start3A_173 = tpu.memref_slice %arg10[%dma_start3A_166, %dma_start3A_172] : memref<8x128xi32, #tpu.memory_space<vmem>> -> memref<1x128xi32, #tpu.memory_space<vmem>>
      %dma_start3A_174 = tpu.memref_squeeze %dma_start3A_173 : memref<1x128xi32, #tpu.memory_space<vmem>> -> memref<128xi32, #tpu.memory_space<vmem>>
      %dma_start3A_175 = arith.constant 0 : i32
      %dma_start3A_176 = arith.constant 0 : i32
      %dma_start3A_177 = tpu.memref_slice %arg4[%dma_start3A_175, %dma_start3A_176] : memref<50048x16xf32, #tpu.memory_space<hbm>> -> memref<50048x16xf32, #tpu.memory_space<hbm>>
      tpu.enqueue_indirect_dma source(%dma_start3A_177 : memref<50048x16xf32, #tpu.memory_space<hbm>>) target(%dma_start3A_171 : memref<128x16xf32, #tpu.memory_space<vmem>>) offsets(%dma_start3A_174 : memref<128xi32, #tpu.memory_space<vmem>>) semaphore(%arg18 : memref<!tpu.dma_semaphore, #tpu.memory_space<semaphore_mem>>)
      %dma_start3A_178 = arith.constant 4 : i32
      %dma_start3A_179 = arith.constant 4 : i32
      %dma_start3A_180 = arith.constant 0 : i32
      %dma_start3A_181 = arith.constant 0 : i32
      %dma_start3A_182 = tpu.memref_slice %arg11[%dma_start3A_179, %dma_start3A_180, %dma_start3A_181] : memref<8x128x16xf32, #tpu.memory_space<vmem>> -> memref<1x128x16xf32, #tpu.memory_space<vmem>>
      %dma_start3A_183 = tpu.memref_squeeze %dma_start3A_182 : memref<1x128x16xf32, #tpu.memory_space<vmem>> -> memref<128x16xf32, #tpu.memory_space<vmem>>
      %dma_start3A_184 = arith.constant 0 : i32
      %dma_start3A_185 = tpu.memref_slice %arg9[%dma_start3A_178, %dma_start3A_184] : memref<8x128xi32, #tpu.memory_space<vmem>> -> memref<1x128xi32, #tpu.memory_space<vmem>>
      %dma_start3A_186 = tpu.memref_squeeze %dma_start3A_185 : memref<1x128xi32, #tpu.memory_space<vmem>> -> memref<128xi32, #tpu.memory_space<vmem>>
      %dma_start3A_187 = arith.constant 0 : i32
      %dma_start3A_188 = arith.constant 0 : i32
      %dma_start3A_189 = tpu.memref_slice %arg4[%dma_start3A_187, %dma_start3A_188] : memref<50048x16xf32, #tpu.memory_space<hbm>> -> memref<50048x16xf32, #tpu.memory_space<hbm>>
      tpu.enqueue_indirect_dma source(%dma_start3A_189 : memref<50048x16xf32, #tpu.memory_space<hbm>>) target(%dma_start3A_183 : memref<128x16xf32, #tpu.memory_space<vmem>>) offsets(%dma_start3A_186 : memref<128xi32, #tpu.memory_space<vmem>>) semaphore(%arg17 : memref<!tpu.dma_semaphore, #tpu.memory_space<semaphore_mem>>)
      %dma_start3A_190 = arith.constant 4 : i32
      %dma_start3A_191 = arith.constant 4 : i32
      %dma_start3A_192 = arith.constant 0 : i32
      %dma_start3A_193 = arith.constant 0 : i32
      %dma_start3A_194 = tpu.memref_slice %arg12[%dma_start3A_191, %dma_start3A_192, %dma_start3A_193] : memref<8x128x16xf32, #tpu.memory_space<vmem>> -> memref<1x128x16xf32, #tpu.memory_space<vmem>>
      %dma_start3A_195 = tpu.memref_squeeze %dma_start3A_194 : memref<1x128x16xf32, #tpu.memory_space<vmem>> -> memref<128x16xf32, #tpu.memory_space<vmem>>
      %dma_start3A_196 = arith.constant 0 : i32
      %dma_start3A_197 = tpu.memref_slice %arg10[%dma_start3A_190, %dma_start3A_196] : memref<8x128xi32, #tpu.memory_space<vmem>> -> memref<1x128xi32, #tpu.memory_space<vmem>>
      %dma_start3A_198 = tpu.memref_squeeze %dma_start3A_197 : memref<1x128xi32, #tpu.memory_space<vmem>> -> memref<128xi32, #tpu.memory_space<vmem>>
      %dma_start3A_199 = arith.constant 0 : i32
      %dma_start3A_200 = arith.constant 0 : i32
      %dma_start3A_201 = tpu.memref_slice %arg4[%dma_start3A_199, %dma_start3A_200] : memref<50048x16xf32, #tpu.memory_space<hbm>> -> memref<50048x16xf32, #tpu.memory_space<hbm>>
      tpu.enqueue_indirect_dma source(%dma_start3A_201 : memref<50048x16xf32, #tpu.memory_space<hbm>>) target(%dma_start3A_195 : memref<128x16xf32, #tpu.memory_space<vmem>>) offsets(%dma_start3A_198 : memref<128xi32, #tpu.memory_space<vmem>>) semaphore(%arg18 : memref<!tpu.dma_semaphore, #tpu.memory_space<semaphore_mem>>)
      %dma_start3A_202 = arith.constant 5 : i32
      %dma_start3A_203 = arith.constant 5 : i32
      %dma_start3A_204 = arith.constant 0 : i32
      %dma_start3A_205 = arith.constant 0 : i32
      %dma_start3A_206 = tpu.memref_slice %arg11[%dma_start3A_203, %dma_start3A_204, %dma_start3A_205] : memref<8x128x16xf32, #tpu.memory_space<vmem>> -> memref<1x128x16xf32, #tpu.memory_space<vmem>>
      %dma_start3A_207 = tpu.memref_squeeze %dma_start3A_206 : memref<1x128x16xf32, #tpu.memory_space<vmem>> -> memref<128x16xf32, #tpu.memory_space<vmem>>
      %dma_start3A_208 = arith.constant 0 : i32
      %dma_start3A_209 = tpu.memref_slice %arg9[%dma_start3A_202, %dma_start3A_208] : memref<8x128xi32, #tpu.memory_space<vmem>> -> memref<1x128xi32, #tpu.memory_space<vmem>>
      %dma_start3A_210 = tpu.memref_squeeze %dma_start3A_209 : memref<1x128xi32, #tpu.memory_space<vmem>> -> memref<128xi32, #tpu.memory_space<vmem>>
      %dma_start3A_211 = arith.constant 0 : i32
      %dma_start3A_212 = arith.constant 0 : i32
      %dma_start3A_213 = tpu.memref_slice %arg4[%dma_start3A_211, %dma_start3A_212] : memref<50048x16xf32, #tpu.memory_space<hbm>> -> memref<50048x16xf32, #tpu.memory_space<hbm>>
      tpu.enqueue_indirect_dma source(%dma_start3A_213 : memref<50048x16xf32, #tpu.memory_space<hbm>>) target(%dma_start3A_207 : memref<128x16xf32, #tpu.memory_space<vmem>>) offsets(%dma_start3A_210 : memref<128xi32, #tpu.memory_space<vmem>>) semaphore(%arg17 : memref<!tpu.dma_semaphore, #tpu.memory_space<semaphore_mem>>)
      %dma_start3A_214 = arith.constant 5 : i32
      %dma_start3A_215 = arith.constant 5 : i32
      %dma_start3A_216 = arith.constant 0 : i32
      %dma_start3A_217 = arith.constant 0 : i32
      %dma_start3A_218 = tpu.memref_slice %arg12[%dma_start3A_215, %dma_start3A_216, %dma_start3A_217] : memref<8x128x16xf32, #tpu.memory_space<vmem>> -> memref<1x128x16xf32, #tpu.memory_space<vmem>>
      %dma_start3A_219 = tpu.memref_squeeze %dma_start3A_218 : memref<1x128x16xf32, #tpu.memory_space<vmem>> -> memref<128x16xf32, #tpu.memory_space<vmem>>
      %dma_start3A_220 = arith.constant 0 : i32
      %dma_start3A_221 = tpu.memref_slice %arg10[%dma_start3A_214, %dma_start3A_220] : memref<8x128xi32, #tpu.memory_space<vmem>> -> memref<1x128xi32, #tpu.memory_space<vmem>>
      %dma_start3A_222 = tpu.memref_squeeze %dma_start3A_221 : memref<1x128xi32, #tpu.memory_space<vmem>> -> memref<128xi32, #tpu.memory_space<vmem>>
      %dma_start3A_223 = arith.constant 0 : i32
      %dma_start3A_224 = arith.constant 0 : i32
      %dma_start3A_225 = tpu.memref_slice %arg4[%dma_start3A_223, %dma_start3A_224] : memref<50048x16xf32, #tpu.memory_space<hbm>> -> memref<50048x16xf32, #tpu.memory_space<hbm>>
      tpu.enqueue_indirect_dma source(%dma_start3A_225 : memref<50048x16xf32, #tpu.memory_space<hbm>>) target(%dma_start3A_219 : memref<128x16xf32, #tpu.memory_space<vmem>>) offsets(%dma_start3A_222 : memref<128xi32, #tpu.memory_space<vmem>>) semaphore(%arg18 : memref<!tpu.dma_semaphore, #tpu.memory_space<semaphore_mem>>)
      %dma_start3A_226 = arith.constant 6 : i32
      %dma_start3A_227 = arith.constant 6 : i32
      %dma_start3A_228 = arith.constant 0 : i32
      %dma_start3A_229 = arith.constant 0 : i32
      %dma_start3A_230 = tpu.memref_slice %arg11[%dma_start3A_227, %dma_start3A_228, %dma_start3A_229] : memref<8x128x16xf32, #tpu.memory_space<vmem>> -> memref<1x128x16xf32, #tpu.memory_space<vmem>>
      %dma_start3A_231 = tpu.memref_squeeze %dma_start3A_230 : memref<1x128x16xf32, #tpu.memory_space<vmem>> -> memref<128x16xf32, #tpu.memory_space<vmem>>
      %dma_start3A_232 = arith.constant 0 : i32
      %dma_start3A_233 = tpu.memref_slice %arg9[%dma_start3A_226, %dma_start3A_232] : memref<8x128xi32, #tpu.memory_space<vmem>> -> memref<1x128xi32, #tpu.memory_space<vmem>>
      %dma_start3A_234 = tpu.memref_squeeze %dma_start3A_233 : memref<1x128xi32, #tpu.memory_space<vmem>> -> memref<128xi32, #tpu.memory_space<vmem>>
      %dma_start3A_235 = arith.constant 0 : i32
      %dma_start3A_236 = arith.constant 0 : i32
      %dma_start3A_237 = tpu.memref_slice %arg4[%dma_start3A_235, %dma_start3A_236] : memref<50048x16xf32, #tpu.memory_space<hbm>> -> memref<50048x16xf32, #tpu.memory_space<hbm>>
      tpu.enqueue_indirect_dma source(%dma_start3A_237 : memref<50048x16xf32, #tpu.memory_space<hbm>>) target(%dma_start3A_231 : memref<128x16xf32, #tpu.memory_space<vmem>>) offsets(%dma_start3A_234 : memref<128xi32, #tpu.memory_space<vmem>>) semaphore(%arg17 : memref<!tpu.dma_semaphore, #tpu.memory_space<semaphore_mem>>)
      %dma_start3A_238 = arith.constant 6 : i32
      %dma_start3A_239 = arith.constant 6 : i32
      %dma_start3A_240 = arith.constant 0 : i32
      %dma_start3A_241 = arith.constant 0 : i32
      %dma_start3A_242 = tpu.memref_slice %arg12[%dma_start3A_239, %dma_start3A_240, %dma_start3A_241] : memref<8x128x16xf32, #tpu.memory_space<vmem>> -> memref<1x128x16xf32, #tpu.memory_space<vmem>>
      %dma_start3A_243 = tpu.memref_squeeze %dma_start3A_242 : memref<1x128x16xf32, #tpu.memory_space<vmem>> -> memref<128x16xf32, #tpu.memory_space<vmem>>
      %dma_start3A_244 = arith.constant 0 : i32
      %dma_start3A_245 = tpu.memref_slice %arg10[%dma_start3A_238, %dma_start3A_244] : memref<8x128xi32, #tpu.memory_space<vmem>> -> memref<1x128xi32, #tpu.memory_space<vmem>>
      %dma_start3A_246 = tpu.memref_squeeze %dma_start3A_245 : memref<1x128xi32, #tpu.memory_space<vmem>> -> memref<128xi32, #tpu.memory_space<vmem>>
      %dma_start3A_247 = arith.constant 0 : i32
      %dma_start3A_248 = arith.constant 0 : i32
      %dma_start3A_249 = tpu.memref_slice %arg4[%dma_start3A_247, %dma_start3A_248] : memref<50048x16xf32, #tpu.memory_space<hbm>> -> memref<50048x16xf32, #tpu.memory_space<hbm>>
      tpu.enqueue_indirect_dma source(%dma_start3A_249 : memref<50048x16xf32, #tpu.memory_space<hbm>>) target(%dma_start3A_243 : memref<128x16xf32, #tpu.memory_space<vmem>>) offsets(%dma_start3A_246 : memref<128xi32, #tpu.memory_space<vmem>>) semaphore(%arg18 : memref<!tpu.dma_semaphore, #tpu.memory_space<semaphore_mem>>)
      %dma_start3A_250 = arith.constant 7 : i32
      %dma_start3A_251 = arith.constant 7 : i32
      %dma_start3A_252 = arith.constant 0 : i32
      %dma_start3A_253 = arith.constant 0 : i32
      %dma_start3A_254 = tpu.memref_slice %arg11[%dma_start3A_251, %dma_start3A_252, %dma_start3A_253] : memref<8x128x16xf32, #tpu.memory_space<vmem>> -> memref<1x128x16xf32, #tpu.memory_space<vmem>>
      %dma_start3A_255 = tpu.memref_squeeze %dma_start3A_254 : memref<1x128x16xf32, #tpu.memory_space<vmem>> -> memref<128x16xf32, #tpu.memory_space<vmem>>
      %dma_start3A_256 = arith.constant 0 : i32
      %dma_start3A_257 = tpu.memref_slice %arg9[%dma_start3A_250, %dma_start3A_256] : memref<8x128xi32, #tpu.memory_space<vmem>> -> memref<1x128xi32, #tpu.memory_space<vmem>>
      %dma_start3A_258 = tpu.memref_squeeze %dma_start3A_257 : memref<1x128xi32, #tpu.memory_space<vmem>> -> memref<128xi32, #tpu.memory_space<vmem>>
      %dma_start3A_259 = arith.constant 0 : i32
      %dma_start3A_260 = arith.constant 0 : i32
      %dma_start3A_261 = tpu.memref_slice %arg4[%dma_start3A_259, %dma_start3A_260] : memref<50048x16xf32, #tpu.memory_space<hbm>> -> memref<50048x16xf32, #tpu.memory_space<hbm>>
      tpu.enqueue_indirect_dma source(%dma_start3A_261 : memref<50048x16xf32, #tpu.memory_space<hbm>>) target(%dma_start3A_255 : memref<128x16xf32, #tpu.memory_space<vmem>>) offsets(%dma_start3A_258 : memref<128xi32, #tpu.memory_space<vmem>>) semaphore(%arg17 : memref<!tpu.dma_semaphore, #tpu.memory_space<semaphore_mem>>)
      %dma_start3A_262 = arith.constant 7 : i32
      %dma_start3A_263 = arith.constant 7 : i32
      %dma_start3A_264 = arith.constant 0 : i32
      %dma_start3A_265 = arith.constant 0 : i32
      %dma_start3A_266 = tpu.memref_slice %arg12[%dma_start3A_263, %dma_start3A_264, %dma_start3A_265] : memref<8x128x16xf32, #tpu.memory_space<vmem>> -> memref<1x128x16xf32, #tpu.memory_space<vmem>>
      %dma_start3A_267 = tpu.memref_squeeze %dma_start3A_266 : memref<1x128x16xf32, #tpu.memory_space<vmem>> -> memref<128x16xf32, #tpu.memory_space<vmem>>
      %dma_start3A_268 = arith.constant 0 : i32
      %dma_start3A_269 = tpu.memref_slice %arg10[%dma_start3A_262, %dma_start3A_268] : memref<8x128xi32, #tpu.memory_space<vmem>> -> memref<1x128xi32, #tpu.memory_space<vmem>>
      %dma_start3A_270 = tpu.memref_squeeze %dma_start3A_269 : memref<1x128xi32, #tpu.memory_space<vmem>> -> memref<128xi32, #tpu.memory_space<vmem>>
      %dma_start3A_271 = arith.constant 0 : i32
      %dma_start3A_272 = arith.constant 0 : i32
      %dma_start3A_273 = tpu.memref_slice %arg4[%dma_start3A_271, %dma_start3A_272] : memref<50048x16xf32, #tpu.memory_space<hbm>> -> memref<50048x16xf32, #tpu.memory_space<hbm>>
      tpu.enqueue_indirect_dma source(%dma_start3A_273 : memref<50048x16xf32, #tpu.memory_space<hbm>>) target(%dma_start3A_267 : memref<128x16xf32, #tpu.memory_space<vmem>>) offsets(%dma_start3A_270 : memref<128xi32, #tpu.memory_space<vmem>>) semaphore(%arg18 : memref<!tpu.dma_semaphore, #tpu.memory_space<semaphore_mem>>)
      %dma_wait3A_274 = arith.constant 0 : i32
      %dma_wait3A_275 = arith.constant 0 : i32
      %dma_wait3A_276 = arith.constant 0 : i32
      %dma_wait3A_277 = arith.constant 0 : i32
      %dma_wait3A_278 = tpu.memref_slice %arg11[%dma_wait3A_275, %dma_wait3A_276, %dma_wait3A_277] : memref<8x128x16xf32, #tpu.memory_space<vmem>> -> memref<1x128x16xf32, #tpu.memory_space<vmem>>
      %dma_wait3A_279 = tpu.memref_squeeze %dma_wait3A_278 : memref<1x128x16xf32, #tpu.memory_space<vmem>> -> memref<128x16xf32, #tpu.memory_space<vmem>>
      %dma_wait3A_280 = arith.constant 0 : i32
      %dma_wait3A_281 = tpu.memref_slice %arg9[%dma_wait3A_274, %dma_wait3A_280] : memref<8x128xi32, #tpu.memory_space<vmem>> -> memref<1x128xi32, #tpu.memory_space<vmem>>
      %dma_wait3A_282 = tpu.memref_squeeze %dma_wait3A_281 : memref<1x128xi32, #tpu.memory_space<vmem>> -> memref<128xi32, #tpu.memory_space<vmem>>
      %dma_wait3A_283 = arith.constant 0 : i32
      %dma_wait3A_284 = arith.constant 0 : i32
      %dma_wait3A_285 = tpu.memref_slice %arg4[%dma_wait3A_283, %dma_wait3A_284] : memref<50048x16xf32, #tpu.memory_space<hbm>> -> memref<50048x16xf32, #tpu.memory_space<hbm>>
      tpu.wait_indirect_dma semaphore(%arg17 : memref<!tpu.dma_semaphore, #tpu.memory_space<semaphore_mem>>) src(%dma_wait3A_285 : memref<50048x16xf32, #tpu.memory_space<hbm>>) dst(%dma_wait3A_279 : memref<128x16xf32, #tpu.memory_space<vmem>>)
      %dma_wait3A_286 = arith.constant 0 : i32
      %dma_wait3A_287 = arith.constant 0 : i32
      %dma_wait3A_288 = arith.constant 0 : i32
      %dma_wait3A_289 = arith.constant 0 : i32
      %dma_wait3A_290 = tpu.memref_slice %arg12[%dma_wait3A_287, %dma_wait3A_288, %dma_wait3A_289] : memref<8x128x16xf32, #tpu.memory_space<vmem>> -> memref<1x128x16xf32, #tpu.memory_space<vmem>>
      %dma_wait3A_291 = tpu.memref_squeeze %dma_wait3A_290 : memref<1x128x16xf32, #tpu.memory_space<vmem>> -> memref<128x16xf32, #tpu.memory_space<vmem>>
      %dma_wait3A_292 = arith.constant 0 : i32
      %dma_wait3A_293 = tpu.memref_slice %arg10[%dma_wait3A_286, %dma_wait3A_292] : memref<8x128xi32, #tpu.memory_space<vmem>> -> memref<1x128xi32, #tpu.memory_space<vmem>>
      %dma_wait3A_294 = tpu.memref_squeeze %dma_wait3A_293 : memref<1x128xi32, #tpu.memory_space<vmem>> -> memref<128xi32, #tpu.memory_space<vmem>>
      %dma_wait3A_295 = arith.constant 0 : i32
      %dma_wait3A_296 = arith.constant 0 : i32
      %dma_wait3A_297 = tpu.memref_slice %arg4[%dma_wait3A_295, %dma_wait3A_296] : memref<50048x16xf32, #tpu.memory_space<hbm>> -> memref<50048x16xf32, #tpu.memory_space<hbm>>
      tpu.wait_indirect_dma semaphore(%arg18 : memref<!tpu.dma_semaphore, #tpu.memory_space<semaphore_mem>>) src(%dma_wait3A_297 : memref<50048x16xf32, #tpu.memory_space<hbm>>) dst(%dma_wait3A_291 : memref<128x16xf32, #tpu.memory_space<vmem>>)
      %dma_wait3A_298 = arith.constant 1 : i32
      %dma_wait3A_299 = arith.constant 1 : i32
      %dma_wait3A_300 = arith.constant 0 : i32
      %dma_wait3A_301 = arith.constant 0 : i32
      %dma_wait3A_302 = tpu.memref_slice %arg11[%dma_wait3A_299, %dma_wait3A_300, %dma_wait3A_301] : memref<8x128x16xf32, #tpu.memory_space<vmem>> -> memref<1x128x16xf32, #tpu.memory_space<vmem>>
      %dma_wait3A_303 = tpu.memref_squeeze %dma_wait3A_302 : memref<1x128x16xf32, #tpu.memory_space<vmem>> -> memref<128x16xf32, #tpu.memory_space<vmem>>
      %dma_wait3A_304 = arith.constant 0 : i32
      %dma_wait3A_305 = tpu.memref_slice %arg9[%dma_wait3A_298, %dma_wait3A_304] : memref<8x128xi32, #tpu.memory_space<vmem>> -> memref<1x128xi32, #tpu.memory_space<vmem>>
      %dma_wait3A_306 = tpu.memref_squeeze %dma_wait3A_305 : memref<1x128xi32, #tpu.memory_space<vmem>> -> memref<128xi32, #tpu.memory_space<vmem>>
      %dma_wait3A_307 = arith.constant 0 : i32
      %dma_wait3A_308 = arith.constant 0 : i32
      %dma_wait3A_309 = tpu.memref_slice %arg4[%dma_wait3A_307, %dma_wait3A_308] : memref<50048x16xf32, #tpu.memory_space<hbm>> -> memref<50048x16xf32, #tpu.memory_space<hbm>>
      tpu.wait_indirect_dma semaphore(%arg17 : memref<!tpu.dma_semaphore, #tpu.memory_space<semaphore_mem>>) src(%dma_wait3A_309 : memref<50048x16xf32, #tpu.memory_space<hbm>>) dst(%dma_wait3A_303 : memref<128x16xf32, #tpu.memory_space<vmem>>)
      %dma_wait3A_310 = arith.constant 1 : i32
      %dma_wait3A_311 = arith.constant 1 : i32
      %dma_wait3A_312 = arith.constant 0 : i32
      %dma_wait3A_313 = arith.constant 0 : i32
      %dma_wait3A_314 = tpu.memref_slice %arg12[%dma_wait3A_311, %dma_wait3A_312, %dma_wait3A_313] : memref<8x128x16xf32, #tpu.memory_space<vmem>> -> memref<1x128x16xf32, #tpu.memory_space<vmem>>
      %dma_wait3A_315 = tpu.memref_squeeze %dma_wait3A_314 : memref<1x128x16xf32, #tpu.memory_space<vmem>> -> memref<128x16xf32, #tpu.memory_space<vmem>>
      %dma_wait3A_316 = arith.constant 0 : i32
      %dma_wait3A_317 = tpu.memref_slice %arg10[%dma_wait3A_310, %dma_wait3A_316] : memref<8x128xi32, #tpu.memory_space<vmem>> -> memref<1x128xi32, #tpu.memory_space<vmem>>
      %dma_wait3A_318 = tpu.memref_squeeze %dma_wait3A_317 : memref<1x128xi32, #tpu.memory_space<vmem>> -> memref<128xi32, #tpu.memory_space<vmem>>
      %dma_wait3A_319 = arith.constant 0 : i32
      %dma_wait3A_320 = arith.constant 0 : i32
      %dma_wait3A_321 = tpu.memref_slice %arg4[%dma_wait3A_319, %dma_wait3A_320] : memref<50048x16xf32, #tpu.memory_space<hbm>> -> memref<50048x16xf32, #tpu.memory_space<hbm>>
      tpu.wait_indirect_dma semaphore(%arg18 : memref<!tpu.dma_semaphore, #tpu.memory_space<semaphore_mem>>) src(%dma_wait3A_321 : memref<50048x16xf32, #tpu.memory_space<hbm>>) dst(%dma_wait3A_315 : memref<128x16xf32, #tpu.memory_space<vmem>>)
      %dma_wait3A_322 = arith.constant 2 : i32
      %dma_wait3A_323 = arith.constant 2 : i32
      %dma_wait3A_324 = arith.constant 0 : i32
      %dma_wait3A_325 = arith.constant 0 : i32
      %dma_wait3A_326 = tpu.memref_slice %arg11[%dma_wait3A_323, %dma_wait3A_324, %dma_wait3A_325] : memref<8x128x16xf32, #tpu.memory_space<vmem>> -> memref<1x128x16xf32, #tpu.memory_space<vmem>>
      %dma_wait3A_327 = tpu.memref_squeeze %dma_wait3A_326 : memref<1x128x16xf32, #tpu.memory_space<vmem>> -> memref<128x16xf32, #tpu.memory_space<vmem>>
      %dma_wait3A_328 = arith.constant 0 : i32
      %dma_wait3A_329 = tpu.memref_slice %arg9[%dma_wait3A_322, %dma_wait3A_328] : memref<8x128xi32, #tpu.memory_space<vmem>> -> memref<1x128xi32, #tpu.memory_space<vmem>>
      %dma_wait3A_330 = tpu.memref_squeeze %dma_wait3A_329 : memref<1x128xi32, #tpu.memory_space<vmem>> -> memref<128xi32, #tpu.memory_space<vmem>>
      %dma_wait3A_331 = arith.constant 0 : i32
      %dma_wait3A_332 = arith.constant 0 : i32
      %dma_wait3A_333 = tpu.memref_slice %arg4[%dma_wait3A_331, %dma_wait3A_332] : memref<50048x16xf32, #tpu.memory_space<hbm>> -> memref<50048x16xf32, #tpu.memory_space<hbm>>
      tpu.wait_indirect_dma semaphore(%arg17 : memref<!tpu.dma_semaphore, #tpu.memory_space<semaphore_mem>>) src(%dma_wait3A_333 : memref<50048x16xf32, #tpu.memory_space<hbm>>) dst(%dma_wait3A_327 : memref<128x16xf32, #tpu.memory_space<vmem>>)
      %dma_wait3A_334 = arith.constant 2 : i32
      %dma_wait3A_335 = arith.constant 2 : i32
      %dma_wait3A_336 = arith.constant 0 : i32
      %dma_wait3A_337 = arith.constant 0 : i32
      %dma_wait3A_338 = tpu.memref_slice %arg12[%dma_wait3A_335, %dma_wait3A_336, %dma_wait3A_337] : memref<8x128x16xf32, #tpu.memory_space<vmem>> -> memref<1x128x16xf32, #tpu.memory_space<vmem>>
      %dma_wait3A_339 = tpu.memref_squeeze %dma_wait3A_338 : memref<1x128x16xf32, #tpu.memory_space<vmem>> -> memref<128x16xf32, #tpu.memory_space<vmem>>
      %dma_wait3A_340 = arith.constant 0 : i32
      %dma_wait3A_341 = tpu.memref_slice %arg10[%dma_wait3A_334, %dma_wait3A_340] : memref<8x128xi32, #tpu.memory_space<vmem>> -> memref<1x128xi32, #tpu.memory_space<vmem>>
      %dma_wait3A_342 = tpu.memref_squeeze %dma_wait3A_341 : memref<1x128xi32, #tpu.memory_space<vmem>> -> memref<128xi32, #tpu.memory_space<vmem>>
      %dma_wait3A_343 = arith.constant 0 : i32
      %dma_wait3A_344 = arith.constant 0 : i32
      %dma_wait3A_345 = tpu.memref_slice %arg4[%dma_wait3A_343, %dma_wait3A_344] : memref<50048x16xf32, #tpu.memory_space<hbm>> -> memref<50048x16xf32, #tpu.memory_space<hbm>>
      tpu.wait_indirect_dma semaphore(%arg18 : memref<!tpu.dma_semaphore, #tpu.memory_space<semaphore_mem>>) src(%dma_wait3A_345 : memref<50048x16xf32, #tpu.memory_space<hbm>>) dst(%dma_wait3A_339 : memref<128x16xf32, #tpu.memory_space<vmem>>)
      %dma_wait3A_346 = arith.constant 3 : i32
      %dma_wait3A_347 = arith.constant 3 : i32
      %dma_wait3A_348 = arith.constant 0 : i32
      %dma_wait3A_349 = arith.constant 0 : i32
      %dma_wait3A_350 = tpu.memref_slice %arg11[%dma_wait3A_347, %dma_wait3A_348, %dma_wait3A_349] : memref<8x128x16xf32, #tpu.memory_space<vmem>> -> memref<1x128x16xf32, #tpu.memory_space<vmem>>
      %dma_wait3A_351 = tpu.memref_squeeze %dma_wait3A_350 : memref<1x128x16xf32, #tpu.memory_space<vmem>> -> memref<128x16xf32, #tpu.memory_space<vmem>>
      %dma_wait3A_352 = arith.constant 0 : i32
      %dma_wait3A_353 = tpu.memref_slice %arg9[%dma_wait3A_346, %dma_wait3A_352] : memref<8x128xi32, #tpu.memory_space<vmem>> -> memref<1x128xi32, #tpu.memory_space<vmem>>
      %dma_wait3A_354 = tpu.memref_squeeze %dma_wait3A_353 : memref<1x128xi32, #tpu.memory_space<vmem>> -> memref<128xi32, #tpu.memory_space<vmem>>
      %dma_wait3A_355 = arith.constant 0 : i32
      %dma_wait3A_356 = arith.constant 0 : i32
      %dma_wait3A_357 = tpu.memref_slice %arg4[%dma_wait3A_355, %dma_wait3A_356] : memref<50048x16xf32, #tpu.memory_space<hbm>> -> memref<50048x16xf32, #tpu.memory_space<hbm>>
      tpu.wait_indirect_dma semaphore(%arg17 : memref<!tpu.dma_semaphore, #tpu.memory_space<semaphore_mem>>) src(%dma_wait3A_357 : memref<50048x16xf32, #tpu.memory_space<hbm>>) dst(%dma_wait3A_351 : memref<128x16xf32, #tpu.memory_space<vmem>>)
      %dma_wait3A_358 = arith.constant 3 : i32
      %dma_wait3A_359 = arith.constant 3 : i32
      %dma_wait3A_360 = arith.constant 0 : i32
      %dma_wait3A_361 = arith.constant 0 : i32
      %dma_wait3A_362 = tpu.memref_slice %arg12[%dma_wait3A_359, %dma_wait3A_360, %dma_wait3A_361] : memref<8x128x16xf32, #tpu.memory_space<vmem>> -> memref<1x128x16xf32, #tpu.memory_space<vmem>>
      %dma_wait3A_363 = tpu.memref_squeeze %dma_wait3A_362 : memref<1x128x16xf32, #tpu.memory_space<vmem>> -> memref<128x16xf32, #tpu.memory_space<vmem>>
      %dma_wait3A_364 = arith.constant 0 : i32
      %dma_wait3A_365 = tpu.memref_slice %arg10[%dma_wait3A_358, %dma_wait3A_364] : memref<8x128xi32, #tpu.memory_space<vmem>> -> memref<1x128xi32, #tpu.memory_space<vmem>>
      %dma_wait3A_366 = tpu.memref_squeeze %dma_wait3A_365 : memref<1x128xi32, #tpu.memory_space<vmem>> -> memref<128xi32, #tpu.memory_space<vmem>>
      %dma_wait3A_367 = arith.constant 0 : i32
      %dma_wait3A_368 = arith.constant 0 : i32
      %dma_wait3A_369 = tpu.memref_slice %arg4[%dma_wait3A_367, %dma_wait3A_368] : memref<50048x16xf32, #tpu.memory_space<hbm>> -> memref<50048x16xf32, #tpu.memory_space<hbm>>
      tpu.wait_indirect_dma semaphore(%arg18 : memref<!tpu.dma_semaphore, #tpu.memory_space<semaphore_mem>>) src(%dma_wait3A_369 : memref<50048x16xf32, #tpu.memory_space<hbm>>) dst(%dma_wait3A_363 : memref<128x16xf32, #tpu.memory_space<vmem>>)
      %dma_wait3A_370 = arith.constant 4 : i32
      %dma_wait3A_371 = arith.constant 4 : i32
      %dma_wait3A_372 = arith.constant 0 : i32
      %dma_wait3A_373 = arith.constant 0 : i32
      %dma_wait3A_374 = tpu.memref_slice %arg11[%dma_wait3A_371, %dma_wait3A_372, %dma_wait3A_373] : memref<8x128x16xf32, #tpu.memory_space<vmem>> -> memref<1x128x16xf32, #tpu.memory_space<vmem>>
      %dma_wait3A_375 = tpu.memref_squeeze %dma_wait3A_374 : memref<1x128x16xf32, #tpu.memory_space<vmem>> -> memref<128x16xf32, #tpu.memory_space<vmem>>
      %dma_wait3A_376 = arith.constant 0 : i32
      %dma_wait3A_377 = tpu.memref_slice %arg9[%dma_wait3A_370, %dma_wait3A_376] : memref<8x128xi32, #tpu.memory_space<vmem>> -> memref<1x128xi32, #tpu.memory_space<vmem>>
      %dma_wait3A_378 = tpu.memref_squeeze %dma_wait3A_377 : memref<1x128xi32, #tpu.memory_space<vmem>> -> memref<128xi32, #tpu.memory_space<vmem>>
      %dma_wait3A_379 = arith.constant 0 : i32
      %dma_wait3A_380 = arith.constant 0 : i32
      %dma_wait3A_381 = tpu.memref_slice %arg4[%dma_wait3A_379, %dma_wait3A_380] : memref<50048x16xf32, #tpu.memory_space<hbm>> -> memref<50048x16xf32, #tpu.memory_space<hbm>>
      tpu.wait_indirect_dma semaphore(%arg17 : memref<!tpu.dma_semaphore, #tpu.memory_space<semaphore_mem>>) src(%dma_wait3A_381 : memref<50048x16xf32, #tpu.memory_space<hbm>>) dst(%dma_wait3A_375 : memref<128x16xf32, #tpu.memory_space<vmem>>)
      %dma_wait3A_382 = arith.constant 4 : i32
      %dma_wait3A_383 = arith.constant 4 : i32
      %dma_wait3A_384 = arith.constant 0 : i32
      %dma_wait3A_385 = arith.constant 0 : i32
      %dma_wait3A_386 = tpu.memref_slice %arg12[%dma_wait3A_383, %dma_wait3A_384, %dma_wait3A_385] : memref<8x128x16xf32, #tpu.memory_space<vmem>> -> memref<1x128x16xf32, #tpu.memory_space<vmem>>
      %dma_wait3A_387 = tpu.memref_squeeze %dma_wait3A_386 : memref<1x128x16xf32, #tpu.memory_space<vmem>> -> memref<128x16xf32, #tpu.memory_space<vmem>>
      %dma_wait3A_388 = arith.constant 0 : i32
      %dma_wait3A_389 = tpu.memref_slice %arg10[%dma_wait3A_382, %dma_wait3A_388] : memref<8x128xi32, #tpu.memory_space<vmem>> -> memref<1x128xi32, #tpu.memory_space<vmem>>
      %dma_wait3A_390 = tpu.memref_squeeze %dma_wait3A_389 : memref<1x128xi32, #tpu.memory_space<vmem>> -> memref<128xi32, #tpu.memory_space<vmem>>
      %dma_wait3A_391 = arith.constant 0 : i32
      %dma_wait3A_392 = arith.constant 0 : i32
      %dma_wait3A_393 = tpu.memref_slice %arg4[%dma_wait3A_391, %dma_wait3A_392] : memref<50048x16xf32, #tpu.memory_space<hbm>> -> memref<50048x16xf32, #tpu.memory_space<hbm>>
      tpu.wait_indirect_dma semaphore(%arg18 : memref<!tpu.dma_semaphore, #tpu.memory_space<semaphore_mem>>) src(%dma_wait3A_393 : memref<50048x16xf32, #tpu.memory_space<hbm>>) dst(%dma_wait3A_387 : memref<128x16xf32, #tpu.memory_space<vmem>>)
      %dma_wait3A_394 = arith.constant 5 : i32
      %dma_wait3A_395 = arith.constant 5 : i32
      %dma_wait3A_396 = arith.constant 0 : i32
      %dma_wait3A_397 = arith.constant 0 : i32
      %dma_wait3A_398 = tpu.memref_slice %arg11[%dma_wait3A_395, %dma_wait3A_396, %dma_wait3A_397] : memref<8x128x16xf32, #tpu.memory_space<vmem>> -> memref<1x128x16xf32, #tpu.memory_space<vmem>>
      %dma_wait3A_399 = tpu.memref_squeeze %dma_wait3A_398 : memref<1x128x16xf32, #tpu.memory_space<vmem>> -> memref<128x16xf32, #tpu.memory_space<vmem>>
      %dma_wait3A_400 = arith.constant 0 : i32
      %dma_wait3A_401 = tpu.memref_slice %arg9[%dma_wait3A_394, %dma_wait3A_400] : memref<8x128xi32, #tpu.memory_space<vmem>> -> memref<1x128xi32, #tpu.memory_space<vmem>>
      %dma_wait3A_402 = tpu.memref_squeeze %dma_wait3A_401 : memref<1x128xi32, #tpu.memory_space<vmem>> -> memref<128xi32, #tpu.memory_space<vmem>>
      %dma_wait3A_403 = arith.constant 0 : i32
      %dma_wait3A_404 = arith.constant 0 : i32
      %dma_wait3A_405 = tpu.memref_slice %arg4[%dma_wait3A_403, %dma_wait3A_404] : memref<50048x16xf32, #tpu.memory_space<hbm>> -> memref<50048x16xf32, #tpu.memory_space<hbm>>
      tpu.wait_indirect_dma semaphore(%arg17 : memref<!tpu.dma_semaphore, #tpu.memory_space<semaphore_mem>>) src(%dma_wait3A_405 : memref<50048x16xf32, #tpu.memory_space<hbm>>) dst(%dma_wait3A_399 : memref<128x16xf32, #tpu.memory_space<vmem>>)
      %dma_wait3A_406 = arith.constant 5 : i32
      %dma_wait3A_407 = arith.constant 5 : i32
      %dma_wait3A_408 = arith.constant 0 : i32
      %dma_wait3A_409 = arith.constant 0 : i32
      %dma_wait3A_410 = tpu.memref_slice %arg12[%dma_wait3A_407, %dma_wait3A_408, %dma_wait3A_409] : memref<8x128x16xf32, #tpu.memory_space<vmem>> -> memref<1x128x16xf32, #tpu.memory_space<vmem>>
      %dma_wait3A_411 = tpu.memref_squeeze %dma_wait3A_410 : memref<1x128x16xf32, #tpu.memory_space<vmem>> -> memref<128x16xf32, #tpu.memory_space<vmem>>
      %dma_wait3A_412 = arith.constant 0 : i32
      %dma_wait3A_413 = tpu.memref_slice %arg10[%dma_wait3A_406, %dma_wait3A_412] : memref<8x128xi32, #tpu.memory_space<vmem>> -> memref<1x128xi32, #tpu.memory_space<vmem>>
      %dma_wait3A_414 = tpu.memref_squeeze %dma_wait3A_413 : memref<1x128xi32, #tpu.memory_space<vmem>> -> memref<128xi32, #tpu.memory_space<vmem>>
      %dma_wait3A_415 = arith.constant 0 : i32
      %dma_wait3A_416 = arith.constant 0 : i32
      %dma_wait3A_417 = tpu.memref_slice %arg4[%dma_wait3A_415, %dma_wait3A_416] : memref<50048x16xf32, #tpu.memory_space<hbm>> -> memref<50048x16xf32, #tpu.memory_space<hbm>>
      tpu.wait_indirect_dma semaphore(%arg18 : memref<!tpu.dma_semaphore, #tpu.memory_space<semaphore_mem>>) src(%dma_wait3A_417 : memref<50048x16xf32, #tpu.memory_space<hbm>>) dst(%dma_wait3A_411 : memref<128x16xf32, #tpu.memory_space<vmem>>)
      %dma_wait3A_418 = arith.constant 6 : i32
      %dma_wait3A_419 = arith.constant 6 : i32
      %dma_wait3A_420 = arith.constant 0 : i32
      %dma_wait3A_421 = arith.constant 0 : i32
      %dma_wait3A_422 = tpu.memref_slice %arg11[%dma_wait3A_419, %dma_wait3A_420, %dma_wait3A_421] : memref<8x128x16xf32, #tpu.memory_space<vmem>> -> memref<1x128x16xf32, #tpu.memory_space<vmem>>
      %dma_wait3A_423 = tpu.memref_squeeze %dma_wait3A_422 : memref<1x128x16xf32, #tpu.memory_space<vmem>> -> memref<128x16xf32, #tpu.memory_space<vmem>>
      %dma_wait3A_424 = arith.constant 0 : i32
      %dma_wait3A_425 = tpu.memref_slice %arg9[%dma_wait3A_418, %dma_wait3A_424] : memref<8x128xi32, #tpu.memory_space<vmem>> -> memref<1x128xi32, #tpu.memory_space<vmem>>
      %dma_wait3A_426 = tpu.memref_squeeze %dma_wait3A_425 : memref<1x128xi32, #tpu.memory_space<vmem>> -> memref<128xi32, #tpu.memory_space<vmem>>
      %dma_wait3A_427 = arith.constant 0 : i32
      %dma_wait3A_428 = arith.constant 0 : i32
      %dma_wait3A_429 = tpu.memref_slice %arg4[%dma_wait3A_427, %dma_wait3A_428] : memref<50048x16xf32, #tpu.memory_space<hbm>> -> memref<50048x16xf32, #tpu.memory_space<hbm>>
      tpu.wait_indirect_dma semaphore(%arg17 : memref<!tpu.dma_semaphore, #tpu.memory_space<semaphore_mem>>) src(%dma_wait3A_429 : memref<50048x16xf32, #tpu.memory_space<hbm>>) dst(%dma_wait3A_423 : memref<128x16xf32, #tpu.memory_space<vmem>>)
      %dma_wait3A_430 = arith.constant 6 : i32
      %dma_wait3A_431 = arith.constant 6 : i32
      %dma_wait3A_432 = arith.constant 0 : i32
      %dma_wait3A_433 = arith.constant 0 : i32
      %dma_wait3A_434 = tpu.memref_slice %arg12[%dma_wait3A_431, %dma_wait3A_432, %dma_wait3A_433] : memref<8x128x16xf32, #tpu.memory_space<vmem>> -> memref<1x128x16xf32, #tpu.memory_space<vmem>>
      %dma_wait3A_435 = tpu.memref_squeeze %dma_wait3A_434 : memref<1x128x16xf32, #tpu.memory_space<vmem>> -> memref<128x16xf32, #tpu.memory_space<vmem>>
      %dma_wait3A_436 = arith.constant 0 : i32
      %dma_wait3A_437 = tpu.memref_slice %arg10[%dma_wait3A_430, %dma_wait3A_436] : memref<8x128xi32, #tpu.memory_space<vmem>> -> memref<1x128xi32, #tpu.memory_space<vmem>>
      %dma_wait3A_438 = tpu.memref_squeeze %dma_wait3A_437 : memref<1x128xi32, #tpu.memory_space<vmem>> -> memref<128xi32, #tpu.memory_space<vmem>>
      %dma_wait3A_439 = arith.constant 0 : i32
      %dma_wait3A_440 = arith.constant 0 : i32
      %dma_wait3A_441 = tpu.memref_slice %arg4[%dma_wait3A_439, %dma_wait3A_440] : memref<50048x16xf32, #tpu.memory_space<hbm>> -> memref<50048x16xf32, #tpu.memory_space<hbm>>
      tpu.wait_indirect_dma semaphore(%arg18 : memref<!tpu.dma_semaphore, #tpu.memory_space<semaphore_mem>>) src(%dma_wait3A_441 : memref<50048x16xf32, #tpu.memory_space<hbm>>) dst(%dma_wait3A_435 : memref<128x16xf32, #tpu.memory_space<vmem>>)
      %dma_wait3A_442 = arith.constant 7 : i32
      %dma_wait3A_443 = arith.constant 7 : i32
      %dma_wait3A_444 = arith.constant 0 : i32
      %dma_wait3A_445 = arith.constant 0 : i32
      %dma_wait3A_446 = tpu.memref_slice %arg11[%dma_wait3A_443, %dma_wait3A_444, %dma_wait3A_445] : memref<8x128x16xf32, #tpu.memory_space<vmem>> -> memref<1x128x16xf32, #tpu.memory_space<vmem>>
      %dma_wait3A_447 = tpu.memref_squeeze %dma_wait3A_446 : memref<1x128x16xf32, #tpu.memory_space<vmem>> -> memref<128x16xf32, #tpu.memory_space<vmem>>
      %dma_wait3A_448 = arith.constant 0 : i32
      %dma_wait3A_449 = tpu.memref_slice %arg9[%dma_wait3A_442, %dma_wait3A_448] : memref<8x128xi32, #tpu.memory_space<vmem>> -> memref<1x128xi32, #tpu.memory_space<vmem>>
      %dma_wait3A_450 = tpu.memref_squeeze %dma_wait3A_449 : memref<1x128xi32, #tpu.memory_space<vmem>> -> memref<128xi32, #tpu.memory_space<vmem>>
      %dma_wait3A_451 = arith.constant 0 : i32
      %dma_wait3A_452 = arith.constant 0 : i32
      %dma_wait3A_453 = tpu.memref_slice %arg4[%dma_wait3A_451, %dma_wait3A_452] : memref<50048x16xf32, #tpu.memory_space<hbm>> -> memref<50048x16xf32, #tpu.memory_space<hbm>>
      tpu.wait_indirect_dma semaphore(%arg17 : memref<!tpu.dma_semaphore, #tpu.memory_space<semaphore_mem>>) src(%dma_wait3A_453 : memref<50048x16xf32, #tpu.memory_space<hbm>>) dst(%dma_wait3A_447 : memref<128x16xf32, #tpu.memory_space<vmem>>)
      %dma_wait3A_454 = arith.constant 7 : i32
      %dma_wait3A_455 = arith.constant 7 : i32
      %dma_wait3A_456 = arith.constant 0 : i32
      %dma_wait3A_457 = arith.constant 0 : i32
      %dma_wait3A_458 = tpu.memref_slice %arg12[%dma_wait3A_455, %dma_wait3A_456, %dma_wait3A_457] : memref<8x128x16xf32, #tpu.memory_space<vmem>> -> memref<1x128x16xf32, #tpu.memory_space<vmem>>
      %dma_wait3A_459 = tpu.memref_squeeze %dma_wait3A_458 : memref<1x128x16xf32, #tpu.memory_space<vmem>> -> memref<128x16xf32, #tpu.memory_space<vmem>>
      %dma_wait3A_460 = arith.constant 0 : i32
      %dma_wait3A_461 = tpu.memref_slice %arg10[%dma_wait3A_454, %dma_wait3A_460] : memref<8x128xi32, #tpu.memory_space<vmem>> -> memref<1x128xi32, #tpu.memory_space<vmem>>
      %dma_wait3A_462 = tpu.memref_squeeze %dma_wait3A_461 : memref<1x128xi32, #tpu.memory_space<vmem>> -> memref<128xi32, #tpu.memory_space<vmem>>
      %dma_wait3A_463 = arith.constant 0 : i32
      %dma_wait3A_464 = arith.constant 0 : i32
      %dma_wait3A_465 = tpu.memref_slice %arg4[%dma_wait3A_463, %dma_wait3A_464] : memref<50048x16xf32, #tpu.memory_space<hbm>> -> memref<50048x16xf32, #tpu.memory_space<hbm>>
      tpu.wait_indirect_dma semaphore(%arg18 : memref<!tpu.dma_semaphore, #tpu.memory_space<semaphore_mem>>) src(%dma_wait3A_465 : memref<50048x16xf32, #tpu.memory_space<hbm>>) dst(%dma_wait3A_459 : memref<128x16xf32, #tpu.memory_space<vmem>>)
      %scan3A_466 = arith.constant 0 : i32
      %scan3A_467 = arith.constant 0 : i32
      %scan3A_468 = arith.constant 1024 : i32
      %scan3A_469 = arith.addi %scan3A_467, %scan3A_468 : i32
      %scan3A_470 = arith.constant 1 : i32
      %scan3A_471 = scf.for %scan3A_686 = %scan3A_467 to %scan3A_469 step %scan3A_470 iter_args(%scan3A_687 = %scan3A_466) -> (i32)  : i32 {
        %jit3A = arith.constant 128 : i32
        %div3A = arith.divsi %scan3A_686, %jit3A : i32
        %sign3A = arith.constant 0 : i32
        %sign3A_688 = arith.cmpi sgt, %scan3A_686, %sign3A : i32
        %sign3A_689 = arith.extui %sign3A_688 : i1 to i32
        %sign3A_690 = arith.constant 0 : i32
        %sign3A_691 = arith.cmpi slt, %scan3A_686, %sign3A_690 : i32
        %sign3A_692 = arith.extui %sign3A_691 : i1 to i32
        %sign3A_693 = arith.subi %sign3A_689, %sign3A_692 : i32
        %sign3A_694 = arith.constant 0 : i32
        %sign3A_695 = arith.cmpi sgt, %jit3A, %sign3A_694 : i32
        %sign3A_696 = arith.extui %sign3A_695 : i1 to i32
        %sign3A_697 = arith.constant 0 : i32
        %sign3A_698 = arith.cmpi slt, %jit3A, %sign3A_697 : i32
        %sign3A_699 = arith.extui %sign3A_698 : i1 to i32
        %sign3A_700 = arith.subi %sign3A_696, %sign3A_699 : i32
        %ne3A = arith.cmpi ne, %sign3A_693, %sign3A_700 : i32
        %rem3A = arith.remsi %scan3A_686, %jit3A : i32
        %ne3A_701 = arith.constant 0 : i32
        %ne3A_702 = arith.cmpi ne, %rem3A, %ne3A_701 : i32
        %and3A = arith.andi %ne3A, %ne3A_702 : i1
        %sub3A_703 = arith.constant 1 : i32
        %sub3A_704 = arith.subi %div3A, %sub3A_703 : i32
        %select_n3A_705 = arith.select %and3A, %sub3A_704, %div3A : i32
        %jit3A_706 = arith.constant 128 : i32
        %eq3A = arith.constant 0 : i32
        %eq3A_707 = arith.cmpi eq, %jit3A_706, %eq3A : i32
        %jit3A_708 = arith.constant 1 : i32
        %select_n3A_709 = arith.select %eq3A_707, %jit3A_708, %jit3A_706 : i32
        %rem3A_710 = arith.remsi %scan3A_686, %select_n3A_709 : i32
        %ne3A_711 = arith.constant 0 : i32
        %ne3A_712 = arith.cmpi ne, %rem3A_710, %ne3A_711 : i32
        %lt3A_713 = arith.constant 0 : i32
        %lt3A_714 = arith.cmpi slt, %rem3A_710, %lt3A_713 : i32
        %lt3A_715 = arith.constant 0 : i32
        %lt3A_716 = arith.cmpi slt, %select_n3A_709, %lt3A_715 : i32
        %ne3A_717 = arith.xori %lt3A_714, %lt3A_716 : i1
        %and3A_718 = arith.andi %ne3A_717, %ne3A_712 : i1
        %add3A_719 = arith.addi %rem3A_710, %select_n3A_709 : i32
        %select_n3A_720 = arith.select %and3A_718, %add3A_719, %rem3A_710 : i32
        %get3A = arith.index_cast %select_n3A_705 : i32 to index
        %get3A_721 = arith.index_cast %select_n3A_720 : i32 to index
        %get3A_722 = arith.constant 0 : index
        %get3A_723 = tpu.vector_load %arg11[%get3A, %get3A_721, %get3A_722] {strides = array<i32>} : memref<8x128x16xf32, #tpu.memory_space<vmem>>, vector<1x1x16xf32>,
        %get3A_724 = vector.shape_cast %get3A_723 : vector<1x1x16xf32> to vector<16xf32>
        %get3A_725 = arith.index_cast %select_n3A_705 : i32 to index
        %get3A_726 = arith.index_cast %select_n3A_720 : i32 to index
        %get3A_727 = arith.constant 0 : index
        %get3A_728 = tpu.vector_load %arg12[%get3A_725, %get3A_726, %get3A_727] {strides = array<i32>} : memref<8x128x16xf32, #tpu.memory_space<vmem>>, vector<1x1x16xf32>,
        %get3A_729 = vector.shape_cast %get3A_728 : vector<1x1x16xf32> to vector<16xf32>
        %broadcast_in_dim3A_730 = vector.shape_cast %select_n3A : vector<16xi32> to vector<16x1xi32>
        %gather3A = vector.shape_cast %broadcast_in_dim3A_730 : vector<16x1xi32> to vector<16xi32>
        %gather3A_731 = tpu.dynamic_gather %get3A_729[%gather3A] in [0] : vector<16xf32>, vector<16xi32> -> vector<16xf32>
        %add3A_732 = arith.addf %get3A_724, %gather3A_731 : vector<16xf32>
        %mul3A_733 = arith.constant 4 : i32
        %mul3A_734 = arith.muli %mul3A_733, %scan3A_686 : i32
        %get3A_735 = arith.index_cast %mul3A_734 : i32 to index
        %get3A_736 = tpu.vector_load %arg13[%get3A_735] {strides = array<i32>} : memref<4112xf32, #tpu.memory_space<vmem>>, vector<16xf32>,
        %get3A_737 = vector.shape_cast %get3A_736 : vector<16xf32> to vector<16xf32>
        %add3A_738 = arith.addf %add3A_732, %get3A_737 : vector<16xf32>
        %mul3A_739 = arith.constant 2.000000e-01 : f32
        %mul3A_740 = vector.broadcast %mul3A_739 : f32 to vector<16xf32>
        %mul3A_741 = arith.mulf %mul3A_740, %add3A_738 : vector<16xf32>
        %max3A = arith.maximumf %add3A_738, %mul3A_741 : vector<16xf32>
        %exp3A = math.exp %max3A : vector<16xf32>
        %swap3A_742 = arith.index_cast %select_n3A_705 : i32 to index
        %swap3A_743 = arith.index_cast %select_n3A_720 : i32 to index
        %swap3A_744 = arith.constant 0 : index
        %swap3A_745 = tpu.vector_load %arg14[%swap3A_742, %swap3A_743, %swap3A_744] {strides = array<i32>} : memref<8x128x16xf32, #tpu.memory_space<vmem>>, vector<1x1x16xf32>,
        %swap3A_746 = vector.shape_cast %swap3A_745 : vector<1x1x16xf32> to vector<16xf32>
        %swap3A_747 = vector.shape_cast %exp3A : vector<16xf32> to vector<1x1x16xf32>
        tpu.vector_store %arg14[%swap3A_742, %swap3A_743, %swap3A_744], %swap3A_747 {strides = array<i32>} : memref<8x128x16xf32, #tpu.memory_space<vmem>>, vector<1x1x16xf32>,
        %scan3A_748 = arith.constant 0 : i32
        scf.yield %scan3A_748 : i32
      }
      %scan3A_472 = arith.constant 1024 : i32
      %dma_start3A_473 = arith.constant 0 : i32
      %dma_start3A_474 = arith.constant 0 : i32
      %dma_start3A_475 = arith.constant 0 : i32
      %dma_start3A_476 = arith.constant 0 : i32
      %dma_start3A_477 = tpu.memref_slice %arg14[%dma_start3A_473, %dma_start3A_475, %dma_start3A_476] : memref<8x128x16xf32, #tpu.memory_space<vmem>> -> memref<1x128x16xf32, #tpu.memory_space<vmem>>
      %dma_start3A_478 = tpu.memref_squeeze %dma_start3A_477 : memref<1x128x16xf32, #tpu.memory_space<vmem>> -> memref<128x16xf32, #tpu.memory_space<vmem>>
      %dma_start3A_479 = arith.constant 0 : i32
      %dma_start3A_480 = tpu.memref_slice %arg10[%dma_start3A_474, %dma_start3A_479] : memref<8x128xi32, #tpu.memory_space<vmem>> -> memref<1x128xi32, #tpu.memory_space<vmem>>
      %dma_start3A_481 = tpu.memref_squeeze %dma_start3A_480 : memref<1x128xi32, #tpu.memory_space<vmem>> -> memref<128xi32, #tpu.memory_space<vmem>>
      %dma_start3A_482 = arith.constant 0 : i32
      %dma_start3A_483 = arith.constant 0 : i32
      %dma_start3A_484 = tpu.memref_slice %arg15[%dma_start3A_482, %dma_start3A_483] : memref<50048x16xf32, #tpu.memory_space<vmem_shared>> -> memref<50048x16xf32, #tpu.memory_space<vmem_shared>>
      tpu.enqueue_indirect_dma source(%dma_start3A_478 : memref<128x16xf32, #tpu.memory_space<vmem>>) target(%dma_start3A_484 : memref<50048x16xf32, #tpu.memory_space<vmem_shared>>) offsets(%dma_start3A_481 : memref<128xi32, #tpu.memory_space<vmem>>) semaphore(%arg19 : memref<!tpu.dma_semaphore, #tpu.memory_space<semaphore_mem>>) {add = true}
      %dma_start3A_485 = arith.constant 1 : i32
      %dma_start3A_486 = arith.constant 1 : i32
      %dma_start3A_487 = arith.constant 0 : i32
      %dma_start3A_488 = arith.constant 0 : i32
      %dma_start3A_489 = tpu.memref_slice %arg14[%dma_start3A_485, %dma_start3A_487, %dma_start3A_488] : memref<8x128x16xf32, #tpu.memory_space<vmem>> -> memref<1x128x16xf32, #tpu.memory_space<vmem>>
      %dma_start3A_490 = tpu.memref_squeeze %dma_start3A_489 : memref<1x128x16xf32, #tpu.memory_space<vmem>> -> memref<128x16xf32, #tpu.memory_space<vmem>>
      %dma_start3A_491 = arith.constant 0 : i32
      %dma_start3A_492 = tpu.memref_slice %arg10[%dma_start3A_486, %dma_start3A_491] : memref<8x128xi32, #tpu.memory_space<vmem>> -> memref<1x128xi32, #tpu.memory_space<vmem>>
      %dma_start3A_493 = tpu.memref_squeeze %dma_start3A_492 : memref<1x128xi32, #tpu.memory_space<vmem>> -> memref<128xi32, #tpu.memory_space<vmem>>
      %dma_start3A_494 = arith.constant 0 : i32
      %dma_start3A_495 = arith.constant 0 : i32
      %dma_start3A_496 = tpu.memref_slice %arg15[%dma_start3A_494, %dma_start3A_495] : memref<50048x16xf32, #tpu.memory_space<vmem_shared>> -> memref<50048x16xf32, #tpu.memory_space<vmem_shared>>
      tpu.enqueue_indirect_dma source(%dma_start3A_490 : memref<128x16xf32, #tpu.memory_space<vmem>>) target(%dma_start3A_496 : memref<50048x16xf32, #tpu.memory_space<vmem_shared>>) offsets(%dma_start3A_493 : memref<128xi32, #tpu.memory_space<vmem>>) semaphore(%arg19 : memref<!tpu.dma_semaphore, #tpu.memory_space<semaphore_mem>>) {add = true}
      %dma_start3A_497 = arith.constant 2 : i32
      %dma_start3A_498 = arith.constant 2 : i32
      %dma_start3A_499 = arith.constant 0 : i32
      %dma_start3A_500 = arith.constant 0 : i32
      %dma_start3A_501 = tpu.memref_slice %arg14[%dma_start3A_497, %dma_start3A_499, %dma_start3A_500] : memref<8x128x16xf32, #tpu.memory_space<vmem>> -> memref<1x128x16xf32, #tpu.memory_space<vmem>>
      %dma_start3A_502 = tpu.memref_squeeze %dma_start3A_501 : memref<1x128x16xf32, #tpu.memory_space<vmem>> -> memref<128x16xf32, #tpu.memory_space<vmem>>
      %dma_start3A_503 = arith.constant 0 : i32
      %dma_start3A_504 = tpu.memref_slice %arg10[%dma_start3A_498, %dma_start3A_503] : memref<8x128xi32, #tpu.memory_space<vmem>> -> memref<1x128xi32, #tpu.memory_space<vmem>>
      %dma_start3A_505 = tpu.memref_squeeze %dma_start3A_504 : memref<1x128xi32, #tpu.memory_space<vmem>> -> memref<128xi32, #tpu.memory_space<vmem>>
      %dma_start3A_506 = arith.constant 0 : i32
      %dma_start3A_507 = arith.constant 0 : i32
      %dma_start3A_508 = tpu.memref_slice %arg15[%dma_start3A_506, %dma_start3A_507] : memref<50048x16xf32, #tpu.memory_space<vmem_shared>> -> memref<50048x16xf32, #tpu.memory_space<vmem_shared>>
      tpu.enqueue_indirect_dma source(%dma_start3A_502 : memref<128x16xf32, #tpu.memory_space<vmem>>) target(%dma_start3A_508 : memref<50048x16xf32, #tpu.memory_space<vmem_shared>>) offsets(%dma_start3A_505 : memref<128xi32, #tpu.memory_space<vmem>>) semaphore(%arg19 : memref<!tpu.dma_semaphore, #tpu.memory_space<semaphore_mem>>) {add = true}
      %dma_start3A_509 = arith.constant 3 : i32
      %dma_start3A_510 = arith.constant 3 : i32
      %dma_start3A_511 = arith.constant 0 : i32
      %dma_start3A_512 = arith.constant 0 : i32
      %dma_start3A_513 = tpu.memref_slice %arg14[%dma_start3A_509, %dma_start3A_511, %dma_start3A_512] : memref<8x128x16xf32, #tpu.memory_space<vmem>> -> memref<1x128x16xf32, #tpu.memory_space<vmem>>
      %dma_start3A_514 = tpu.memref_squeeze %dma_start3A_513 : memref<1x128x16xf32, #tpu.memory_space<vmem>> -> memref<128x16xf32, #tpu.memory_space<vmem>>
      %dma_start3A_515 = arith.constant 0 : i32
      %dma_start3A_516 = tpu.memref_slice %arg10[%dma_start3A_510, %dma_start3A_515] : memref<8x128xi32, #tpu.memory_space<vmem>> -> memref<1x128xi32, #tpu.memory_space<vmem>>
      %dma_start3A_517 = tpu.memref_squeeze %dma_start3A_516 : memref<1x128xi32, #tpu.memory_space<vmem>> -> memref<128xi32, #tpu.memory_space<vmem>>
      %dma_start3A_518 = arith.constant 0 : i32
      %dma_start3A_519 = arith.constant 0 : i32
      %dma_start3A_520 = tpu.memref_slice %arg15[%dma_start3A_518, %dma_start3A_519] : memref<50048x16xf32, #tpu.memory_space<vmem_shared>> -> memref<50048x16xf32, #tpu.memory_space<vmem_shared>>
      tpu.enqueue_indirect_dma source(%dma_start3A_514 : memref<128x16xf32, #tpu.memory_space<vmem>>) target(%dma_start3A_520 : memref<50048x16xf32, #tpu.memory_space<vmem_shared>>) offsets(%dma_start3A_517 : memref<128xi32, #tpu.memory_space<vmem>>) semaphore(%arg19 : memref<!tpu.dma_semaphore, #tpu.memory_space<semaphore_mem>>) {add = true}
      %dma_start3A_521 = arith.constant 4 : i32
      %dma_start3A_522 = arith.constant 4 : i32
      %dma_start3A_523 = arith.constant 0 : i32
      %dma_start3A_524 = arith.constant 0 : i32
      %dma_start3A_525 = tpu.memref_slice %arg14[%dma_start3A_521, %dma_start3A_523, %dma_start3A_524] : memref<8x128x16xf32, #tpu.memory_space<vmem>> -> memref<1x128x16xf32, #tpu.memory_space<vmem>>
      %dma_start3A_526 = tpu.memref_squeeze %dma_start3A_525 : memref<1x128x16xf32, #tpu.memory_space<vmem>> -> memref<128x16xf32, #tpu.memory_space<vmem>>
      %dma_start3A_527 = arith.constant 0 : i32
      %dma_start3A_528 = tpu.memref_slice %arg10[%dma_start3A_522, %dma_start3A_527] : memref<8x128xi32, #tpu.memory_space<vmem>> -> memref<1x128xi32, #tpu.memory_space<vmem>>
      %dma_start3A_529 = tpu.memref_squeeze %dma_start3A_528 : memref<1x128xi32, #tpu.memory_space<vmem>> -> memref<128xi32, #tpu.memory_space<vmem>>
      %dma_start3A_530 = arith.constant 0 : i32
      %dma_start3A_531 = arith.constant 0 : i32
      %dma_start3A_532 = tpu.memref_slice %arg15[%dma_start3A_530, %dma_start3A_531] : memref<50048x16xf32, #tpu.memory_space<vmem_shared>> -> memref<50048x16xf32, #tpu.memory_space<vmem_shared>>
      tpu.enqueue_indirect_dma source(%dma_start3A_526 : memref<128x16xf32, #tpu.memory_space<vmem>>) target(%dma_start3A_532 : memref<50048x16xf32, #tpu.memory_space<vmem_shared>>) offsets(%dma_start3A_529 : memref<128xi32, #tpu.memory_space<vmem>>) semaphore(%arg19 : memref<!tpu.dma_semaphore, #tpu.memory_space<semaphore_mem>>) {add = true}
      %dma_start3A_533 = arith.constant 5 : i32
      %dma_start3A_534 = arith.constant 5 : i32
      %dma_start3A_535 = arith.constant 0 : i32
      %dma_start3A_536 = arith.constant 0 : i32
      %dma_start3A_537 = tpu.memref_slice %arg14[%dma_start3A_533, %dma_start3A_535, %dma_start3A_536] : memref<8x128x16xf32, #tpu.memory_space<vmem>> -> memref<1x128x16xf32, #tpu.memory_space<vmem>>
      %dma_start3A_538 = tpu.memref_squeeze %dma_start3A_537 : memref<1x128x16xf32, #tpu.memory_space<vmem>> -> memref<128x16xf32, #tpu.memory_space<vmem>>
      %dma_start3A_539 = arith.constant 0 : i32
      %dma_start3A_540 = tpu.memref_slice %arg10[%dma_start3A_534, %dma_start3A_539] : memref<8x128xi32, #tpu.memory_space<vmem>> -> memref<1x128xi32, #tpu.memory_space<vmem>>
      %dma_start3A_541 = tpu.memref_squeeze %dma_start3A_540 : memref<1x128xi32, #tpu.memory_space<vmem>> -> memref<128xi32, #tpu.memory_space<vmem>>
      %dma_start3A_542 = arith.constant 0 : i32
      %dma_start3A_543 = arith.constant 0 : i32
      %dma_start3A_544 = tpu.memref_slice %arg15[%dma_start3A_542, %dma_start3A_543] : memref<50048x16xf32, #tpu.memory_space<vmem_shared>> -> memref<50048x16xf32, #tpu.memory_space<vmem_shared>>
      tpu.enqueue_indirect_dma source(%dma_start3A_538 : memref<128x16xf32, #tpu.memory_space<vmem>>) target(%dma_start3A_544 : memref<50048x16xf32, #tpu.memory_space<vmem_shared>>) offsets(%dma_start3A_541 : memref<128xi32, #tpu.memory_space<vmem>>) semaphore(%arg19 : memref<!tpu.dma_semaphore, #tpu.memory_space<semaphore_mem>>) {add = true}
      %dma_start3A_545 = arith.constant 6 : i32
      %dma_start3A_546 = arith.constant 6 : i32
      %dma_start3A_547 = arith.constant 0 : i32
      %dma_start3A_548 = arith.constant 0 : i32
      %dma_start3A_549 = tpu.memref_slice %arg14[%dma_start3A_545, %dma_start3A_547, %dma_start3A_548] : memref<8x128x16xf32, #tpu.memory_space<vmem>> -> memref<1x128x16xf32, #tpu.memory_space<vmem>>
      %dma_start3A_550 = tpu.memref_squeeze %dma_start3A_549 : memref<1x128x16xf32, #tpu.memory_space<vmem>> -> memref<128x16xf32, #tpu.memory_space<vmem>>
      %dma_start3A_551 = arith.constant 0 : i32
      %dma_start3A_552 = tpu.memref_slice %arg10[%dma_start3A_546, %dma_start3A_551] : memref<8x128xi32, #tpu.memory_space<vmem>> -> memref<1x128xi32, #tpu.memory_space<vmem>>
      %dma_start3A_553 = tpu.memref_squeeze %dma_start3A_552 : memref<1x128xi32, #tpu.memory_space<vmem>> -> memref<128xi32, #tpu.memory_space<vmem>>
      %dma_start3A_554 = arith.constant 0 : i32
      %dma_start3A_555 = arith.constant 0 : i32
      %dma_start3A_556 = tpu.memref_slice %arg15[%dma_start3A_554, %dma_start3A_555] : memref<50048x16xf32, #tpu.memory_space<vmem_shared>> -> memref<50048x16xf32, #tpu.memory_space<vmem_shared>>
      tpu.enqueue_indirect_dma source(%dma_start3A_550 : memref<128x16xf32, #tpu.memory_space<vmem>>) target(%dma_start3A_556 : memref<50048x16xf32, #tpu.memory_space<vmem_shared>>) offsets(%dma_start3A_553 : memref<128xi32, #tpu.memory_space<vmem>>) semaphore(%arg19 : memref<!tpu.dma_semaphore, #tpu.memory_space<semaphore_mem>>) {add = true}
      %dma_start3A_557 = arith.constant 7 : i32
      %dma_start3A_558 = arith.constant 7 : i32
      %dma_start3A_559 = arith.constant 0 : i32
      %dma_start3A_560 = arith.constant 0 : i32
      %dma_start3A_561 = tpu.memref_slice %arg14[%dma_start3A_557, %dma_start3A_559, %dma_start3A_560] : memref<8x128x16xf32, #tpu.memory_space<vmem>> -> memref<1x128x16xf32, #tpu.memory_space<vmem>>
      %dma_start3A_562 = tpu.memref_squeeze %dma_start3A_561 : memref<1x128x16xf32, #tpu.memory_space<vmem>> -> memref<128x16xf32, #tpu.memory_space<vmem>>
      %dma_start3A_563 = arith.constant 0 : i32
      %dma_start3A_564 = tpu.memref_slice %arg10[%dma_start3A_558, %dma_start3A_563] : memref<8x128xi32, #tpu.memory_space<vmem>> -> memref<1x128xi32, #tpu.memory_space<vmem>>
      %dma_start3A_565 = tpu.memref_squeeze %dma_start3A_564 : memref<1x128xi32, #tpu.memory_space<vmem>> -> memref<128xi32, #tpu.memory_space<vmem>>
      %dma_start3A_566 = arith.constant 0 : i32
      %dma_start3A_567 = arith.constant 0 : i32
      %dma_start3A_568 = tpu.memref_slice %arg15[%dma_start3A_566, %dma_start3A_567] : memref<50048x16xf32, #tpu.memory_space<vmem_shared>> -> memref<50048x16xf32, #tpu.memory_space<vmem_shared>>
      tpu.enqueue_indirect_dma source(%dma_start3A_562 : memref<128x16xf32, #tpu.memory_space<vmem>>) target(%dma_start3A_568 : memref<50048x16xf32, #tpu.memory_space<vmem_shared>>) offsets(%dma_start3A_565 : memref<128xi32, #tpu.memory_space<vmem>>) semaphore(%arg19 : memref<!tpu.dma_semaphore, #tpu.memory_space<semaphore_mem>>) {add = true}
      %dma_start3A_569 = arith.constant 0 : i32
      %dma_start3A_570 = arith.constant 0 : i32
      %dma_start3A_571 = arith.constant 0 : i32
      %dma_start3A_572 = tpu.memref_slice %arg8[%add3A_31, %dma_start3A_569, %dma_start3A_570, %dma_start3A_571] : memref<800x8x128x16xf32, #tpu.memory_space<hbm>> -> memref<1x8x128x16xf32, #tpu.memory_space<hbm>>
      %dma_start3A_573 = tpu.memref_squeeze %dma_start3A_572 : memref<1x8x128x16xf32, #tpu.memory_space<hbm>> -> memref<8x128x16xf32, #tpu.memory_space<hbm>>
      %dma_start3A_574 = arith.constant 0 : i32
      %dma_start3A_575 = arith.constant 0 : i32
      %dma_start3A_576 = arith.constant 0 : i32
      %dma_start3A_577 = tpu.memref_slice %arg8[%add3A_31, %dma_start3A_574, %dma_start3A_575, %dma_start3A_576] : memref<800x8x128x16xf32, #tpu.memory_space<hbm>> -> memref<1x8x128x16xf32, #tpu.memory_space<hbm>>
      %dma_start3A_578 = tpu.memref_squeeze %dma_start3A_577 : memref<1x8x128x16xf32, #tpu.memory_space<hbm>> -> memref<8x128x16xf32, #tpu.memory_space<hbm>>
      tpu.enqueue_dma source(%arg14 : memref<8x128x16xf32, #tpu.memory_space<vmem>>) target(%dma_start3A_578 : memref<8x128x16xf32, #tpu.memory_space<hbm>>) target_semaphore(%arg16 : memref<!tpu.dma_semaphore, #tpu.memory_space<semaphore_mem>>)
      %dma_wait3A_579 = arith.constant 0 : i32
      %dma_wait3A_580 = arith.constant 0 : i32
      %dma_wait3A_581 = arith.constant 0 : i32
      %dma_wait3A_582 = arith.constant 0 : i32
      %dma_wait3A_583 = tpu.memref_slice %arg14[%dma_wait3A_579, %dma_wait3A_581, %dma_wait3A_582] : memref<8x128x16xf32, #tpu.memory_space<vmem>> -> memref<1x128x16xf32, #tpu.memory_space<vmem>>
      %dma_wait3A_584 = tpu.memref_squeeze %dma_wait3A_583 : memref<1x128x16xf32, #tpu.memory_space<vmem>> -> memref<128x16xf32, #tpu.memory_space<vmem>>
      %dma_wait3A_585 = arith.constant 0 : i32
      %dma_wait3A_586 = tpu.memref_slice %arg10[%dma_wait3A_580, %dma_wait3A_585] : memref<8x128xi32, #tpu.memory_space<vmem>> -> memref<1x128xi32, #tpu.memory_space<vmem>>
      %dma_wait3A_587 = tpu.memref_squeeze %dma_wait3A_586 : memref<1x128xi32, #tpu.memory_space<vmem>> -> memref<128xi32, #tpu.memory_space<vmem>>
      %dma_wait3A_588 = arith.constant 0 : i32
      %dma_wait3A_589 = arith.constant 0 : i32
      %dma_wait3A_590 = tpu.memref_slice %arg15[%dma_wait3A_588, %dma_wait3A_589] : memref<50048x16xf32, #tpu.memory_space<vmem_shared>> -> memref<50048x16xf32, #tpu.memory_space<vmem_shared>>
      tpu.wait_indirect_dma semaphore(%arg19 : memref<!tpu.dma_semaphore, #tpu.memory_space<semaphore_mem>>) src(%dma_wait3A_584 : memref<128x16xf32, #tpu.memory_space<vmem>>) dst(%dma_wait3A_590 : memref<50048x16xf32, #tpu.memory_space<vmem_shared>>)
      %dma_wait3A_591 = arith.constant 1 : i32
      %dma_wait3A_592 = arith.constant 1 : i32
      %dma_wait3A_593 = arith.constant 0 : i32
      %dma_wait3A_594 = arith.constant 0 : i32
      %dma_wait3A_595 = tpu.memref_slice %arg14[%dma_wait3A_591, %dma_wait3A_593, %dma_wait3A_594] : memref<8x128x16xf32, #tpu.memory_space<vmem>> -> memref<1x128x16xf32, #tpu.memory_space<vmem>>
      %dma_wait3A_596 = tpu.memref_squeeze %dma_wait3A_595 : memref<1x128x16xf32, #tpu.memory_space<vmem>> -> memref<128x16xf32, #tpu.memory_space<vmem>>
      %dma_wait3A_597 = arith.constant 0 : i32
      %dma_wait3A_598 = tpu.memref_slice %arg10[%dma_wait3A_592, %dma_wait3A_597] : memref<8x128xi32, #tpu.memory_space<vmem>> -> memref<1x128xi32, #tpu.memory_space<vmem>>
      %dma_wait3A_599 = tpu.memref_squeeze %dma_wait3A_598 : memref<1x128xi32, #tpu.memory_space<vmem>> -> memref<128xi32, #tpu.memory_space<vmem>>
      %dma_wait3A_600 = arith.constant 0 : i32
      %dma_wait3A_601 = arith.constant 0 : i32
      %dma_wait3A_602 = tpu.memref_slice %arg15[%dma_wait3A_600, %dma_wait3A_601] : memref<50048x16xf32, #tpu.memory_space<vmem_shared>> -> memref<50048x16xf32, #tpu.memory_space<vmem_shared>>
      tpu.wait_indirect_dma semaphore(%arg19 : memref<!tpu.dma_semaphore, #tpu.memory_space<semaphore_mem>>) src(%dma_wait3A_596 : memref<128x16xf32, #tpu.memory_space<vmem>>) dst(%dma_wait3A_602 : memref<50048x16xf32, #tpu.memory_space<vmem_shared>>)
      %dma_wait3A_603 = arith.constant 2 : i32
      %dma_wait3A_604 = arith.constant 2 : i32
      %dma_wait3A_605 = arith.constant 0 : i32
      %dma_wait3A_606 = arith.constant 0 : i32
      %dma_wait3A_607 = tpu.memref_slice %arg14[%dma_wait3A_603, %dma_wait3A_605, %dma_wait3A_606] : memref<8x128x16xf32, #tpu.memory_space<vmem>> -> memref<1x128x16xf32, #tpu.memory_space<vmem>>
      %dma_wait3A_608 = tpu.memref_squeeze %dma_wait3A_607 : memref<1x128x16xf32, #tpu.memory_space<vmem>> -> memref<128x16xf32, #tpu.memory_space<vmem>>
      %dma_wait3A_609 = arith.constant 0 : i32
      %dma_wait3A_610 = tpu.memref_slice %arg10[%dma_wait3A_604, %dma_wait3A_609] : memref<8x128xi32, #tpu.memory_space<vmem>> -> memref<1x128xi32, #tpu.memory_space<vmem>>
      %dma_wait3A_611 = tpu.memref_squeeze %dma_wait3A_610 : memref<1x128xi32, #tpu.memory_space<vmem>> -> memref<128xi32, #tpu.memory_space<vmem>>
      %dma_wait3A_612 = arith.constant 0 : i32
      %dma_wait3A_613 = arith.constant 0 : i32
      %dma_wait3A_614 = tpu.memref_slice %arg15[%dma_wait3A_612, %dma_wait3A_613] : memref<50048x16xf32, #tpu.memory_space<vmem_shared>> -> memref<50048x16xf32, #tpu.memory_space<vmem_shared>>
      tpu.wait_indirect_dma semaphore(%arg19 : memref<!tpu.dma_semaphore, #tpu.memory_space<semaphore_mem>>) src(%dma_wait3A_608 : memref<128x16xf32, #tpu.memory_space<vmem>>) dst(%dma_wait3A_614 : memref<50048x16xf32, #tpu.memory_space<vmem_shared>>)
      %dma_wait3A_615 = arith.constant 3 : i32
      %dma_wait3A_616 = arith.constant 3 : i32
      %dma_wait3A_617 = arith.constant 0 : i32
      %dma_wait3A_618 = arith.constant 0 : i32
      %dma_wait3A_619 = tpu.memref_slice %arg14[%dma_wait3A_615, %dma_wait3A_617, %dma_wait3A_618] : memref<8x128x16xf32, #tpu.memory_space<vmem>> -> memref<1x128x16xf32, #tpu.memory_space<vmem>>
      %dma_wait3A_620 = tpu.memref_squeeze %dma_wait3A_619 : memref<1x128x16xf32, #tpu.memory_space<vmem>> -> memref<128x16xf32, #tpu.memory_space<vmem>>
      %dma_wait3A_621 = arith.constant 0 : i32
      %dma_wait3A_622 = tpu.memref_slice %arg10[%dma_wait3A_616, %dma_wait3A_621] : memref<8x128xi32, #tpu.memory_space<vmem>> -> memref<1x128xi32, #tpu.memory_space<vmem>>
      %dma_wait3A_623 = tpu.memref_squeeze %dma_wait3A_622 : memref<1x128xi32, #tpu.memory_space<vmem>> -> memref<128xi32, #tpu.memory_space<vmem>>
      %dma_wait3A_624 = arith.constant 0 : i32
      %dma_wait3A_625 = arith.constant 0 : i32
      %dma_wait3A_626 = tpu.memref_slice %arg15[%dma_wait3A_624, %dma_wait3A_625] : memref<50048x16xf32, #tpu.memory_space<vmem_shared>> -> memref<50048x16xf32, #tpu.memory_space<vmem_shared>>
      tpu.wait_indirect_dma semaphore(%arg19 : memref<!tpu.dma_semaphore, #tpu.memory_space<semaphore_mem>>) src(%dma_wait3A_620 : memref<128x16xf32, #tpu.memory_space<vmem>>) dst(%dma_wait3A_626 : memref<50048x16xf32, #tpu.memory_space<vmem_shared>>)
      %dma_wait3A_627 = arith.constant 4 : i32
      %dma_wait3A_628 = arith.constant 4 : i32
      %dma_wait3A_629 = arith.constant 0 : i32
      %dma_wait3A_630 = arith.constant 0 : i32
      %dma_wait3A_631 = tpu.memref_slice %arg14[%dma_wait3A_627, %dma_wait3A_629, %dma_wait3A_630] : memref<8x128x16xf32, #tpu.memory_space<vmem>> -> memref<1x128x16xf32, #tpu.memory_space<vmem>>
      %dma_wait3A_632 = tpu.memref_squeeze %dma_wait3A_631 : memref<1x128x16xf32, #tpu.memory_space<vmem>> -> memref<128x16xf32, #tpu.memory_space<vmem>>
      %dma_wait3A_633 = arith.constant 0 : i32
      %dma_wait3A_634 = tpu.memref_slice %arg10[%dma_wait3A_628, %dma_wait3A_633] : memref<8x128xi32, #tpu.memory_space<vmem>> -> memref<1x128xi32, #tpu.memory_space<vmem>>
      %dma_wait3A_635 = tpu.memref_squeeze %dma_wait3A_634 : memref<1x128xi32, #tpu.memory_space<vmem>> -> memref<128xi32, #tpu.memory_space<vmem>>
      %dma_wait3A_636 = arith.constant 0 : i32
      %dma_wait3A_637 = arith.constant 0 : i32
      %dma_wait3A_638 = tpu.memref_slice %arg15[%dma_wait3A_636, %dma_wait3A_637] : memref<50048x16xf32, #tpu.memory_space<vmem_shared>> -> memref<50048x16xf32, #tpu.memory_space<vmem_shared>>
      tpu.wait_indirect_dma semaphore(%arg19 : memref<!tpu.dma_semaphore, #tpu.memory_space<semaphore_mem>>) src(%dma_wait3A_632 : memref<128x16xf32, #tpu.memory_space<vmem>>) dst(%dma_wait3A_638 : memref<50048x16xf32, #tpu.memory_space<vmem_shared>>)
      %dma_wait3A_639 = arith.constant 5 : i32
      %dma_wait3A_640 = arith.constant 5 : i32
      %dma_wait3A_641 = arith.constant 0 : i32
      %dma_wait3A_642 = arith.constant 0 : i32
      %dma_wait3A_643 = tpu.memref_slice %arg14[%dma_wait3A_639, %dma_wait3A_641, %dma_wait3A_642] : memref<8x128x16xf32, #tpu.memory_space<vmem>> -> memref<1x128x16xf32, #tpu.memory_space<vmem>>
      %dma_wait3A_644 = tpu.memref_squeeze %dma_wait3A_643 : memref<1x128x16xf32, #tpu.memory_space<vmem>> -> memref<128x16xf32, #tpu.memory_space<vmem>>
      %dma_wait3A_645 = arith.constant 0 : i32
      %dma_wait3A_646 = tpu.memref_slice %arg10[%dma_wait3A_640, %dma_wait3A_645] : memref<8x128xi32, #tpu.memory_space<vmem>> -> memref<1x128xi32, #tpu.memory_space<vmem>>
      %dma_wait3A_647 = tpu.memref_squeeze %dma_wait3A_646 : memref<1x128xi32, #tpu.memory_space<vmem>> -> memref<128xi32, #tpu.memory_space<vmem>>
      %dma_wait3A_648 = arith.constant 0 : i32
      %dma_wait3A_649 = arith.constant 0 : i32
      %dma_wait3A_650 = tpu.memref_slice %arg15[%dma_wait3A_648, %dma_wait3A_649] : memref<50048x16xf32, #tpu.memory_space<vmem_shared>> -> memref<50048x16xf32, #tpu.memory_space<vmem_shared>>
      tpu.wait_indirect_dma semaphore(%arg19 : memref<!tpu.dma_semaphore, #tpu.memory_space<semaphore_mem>>) src(%dma_wait3A_644 : memref<128x16xf32, #tpu.memory_space<vmem>>) dst(%dma_wait3A_650 : memref<50048x16xf32, #tpu.memory_space<vmem_shared>>)
      %dma_wait3A_651 = arith.constant 6 : i32
      %dma_wait3A_652 = arith.constant 6 : i32
      %dma_wait3A_653 = arith.constant 0 : i32
      %dma_wait3A_654 = arith.constant 0 : i32
      %dma_wait3A_655 = tpu.memref_slice %arg14[%dma_wait3A_651, %dma_wait3A_653, %dma_wait3A_654] : memref<8x128x16xf32, #tpu.memory_space<vmem>> -> memref<1x128x16xf32, #tpu.memory_space<vmem>>
      %dma_wait3A_656 = tpu.memref_squeeze %dma_wait3A_655 : memref<1x128x16xf32, #tpu.memory_space<vmem>> -> memref<128x16xf32, #tpu.memory_space<vmem>>
      %dma_wait3A_657 = arith.constant 0 : i32
      %dma_wait3A_658 = tpu.memref_slice %arg10[%dma_wait3A_652, %dma_wait3A_657] : memref<8x128xi32, #tpu.memory_space<vmem>> -> memref<1x128xi32, #tpu.memory_space<vmem>>
      %dma_wait3A_659 = tpu.memref_squeeze %dma_wait3A_658 : memref<1x128xi32, #tpu.memory_space<vmem>> -> memref<128xi32, #tpu.memory_space<vmem>>
      %dma_wait3A_660 = arith.constant 0 : i32
      %dma_wait3A_661 = arith.constant 0 : i32
      %dma_wait3A_662 = tpu.memref_slice %arg15[%dma_wait3A_660, %dma_wait3A_661] : memref<50048x16xf32, #tpu.memory_space<vmem_shared>> -> memref<50048x16xf32, #tpu.memory_space<vmem_shared>>
      tpu.wait_indirect_dma semaphore(%arg19 : memref<!tpu.dma_semaphore, #tpu.memory_space<semaphore_mem>>) src(%dma_wait3A_656 : memref<128x16xf32, #tpu.memory_space<vmem>>) dst(%dma_wait3A_662 : memref<50048x16xf32, #tpu.memory_space<vmem_shared>>)
      %dma_wait3A_663 = arith.constant 7 : i32
      %dma_wait3A_664 = arith.constant 7 : i32
      %dma_wait3A_665 = arith.constant 0 : i32
      %dma_wait3A_666 = arith.constant 0 : i32
      %dma_wait3A_667 = tpu.memref_slice %arg14[%dma_wait3A_663, %dma_wait3A_665, %dma_wait3A_666] : memref<8x128x16xf32, #tpu.memory_space<vmem>> -> memref<1x128x16xf32, #tpu.memory_space<vmem>>
      %dma_wait3A_668 = tpu.memref_squeeze %dma_wait3A_667 : memref<1x128x16xf32, #tpu.memory_space<vmem>> -> memref<128x16xf32, #tpu.memory_space<vmem>>
      %dma_wait3A_669 = arith.constant 0 : i32
      %dma_wait3A_670 = tpu.memref_slice %arg10[%dma_wait3A_664, %dma_wait3A_669] : memref<8x128xi32, #tpu.memory_space<vmem>> -> memref<1x128xi32, #tpu.memory_space<vmem>>
      %dma_wait3A_671 = tpu.memref_squeeze %dma_wait3A_670 : memref<1x128xi32, #tpu.memory_space<vmem>> -> memref<128xi32, #tpu.memory_space<vmem>>
      %dma_wait3A_672 = arith.constant 0 : i32
      %dma_wait3A_673 = arith.constant 0 : i32
      %dma_wait3A_674 = tpu.memref_slice %arg15[%dma_wait3A_672, %dma_wait3A_673] : memref<50048x16xf32, #tpu.memory_space<vmem_shared>> -> memref<50048x16xf32, #tpu.memory_space<vmem_shared>>
      tpu.wait_indirect_dma semaphore(%arg19 : memref<!tpu.dma_semaphore, #tpu.memory_space<semaphore_mem>>) src(%dma_wait3A_668 : memref<128x16xf32, #tpu.memory_space<vmem>>) dst(%dma_wait3A_674 : memref<50048x16xf32, #tpu.memory_space<vmem_shared>>)
      %dma_wait3A_675 = arith.constant 0 : i32
      %dma_wait3A_676 = arith.constant 0 : i32
      %dma_wait3A_677 = arith.constant 0 : i32
      %dma_wait3A_678 = tpu.memref_slice %arg8[%add3A_31, %dma_wait3A_675, %dma_wait3A_676, %dma_wait3A_677] : memref<800x8x128x16xf32, #tpu.memory_space<hbm>> -> memref<1x8x128x16xf32, #tpu.memory_space<hbm>>
      %dma_wait3A_679 = tpu.memref_squeeze %dma_wait3A_678 : memref<1x8x128x16xf32, #tpu.memory_space<hbm>> -> memref<8x128x16xf32, #tpu.memory_space<hbm>>
      %dma_wait3A_680 = arith.constant 0 : i32
      %dma_wait3A_681 = arith.constant 0 : i32
      %dma_wait3A_682 = arith.constant 0 : i32
      %dma_wait3A_683 = tpu.memref_slice %arg8[%add3A_31, %dma_wait3A_680, %dma_wait3A_681, %dma_wait3A_682] : memref<800x8x128x16xf32, #tpu.memory_space<hbm>> -> memref<1x8x128x16xf32, #tpu.memory_space<hbm>>
      %dma_wait3A_684 = tpu.memref_squeeze %dma_wait3A_683 : memref<1x8x128x16xf32, #tpu.memory_space<hbm>> -> memref<8x128x16xf32, #tpu.memory_space<hbm>>
      tpu.wait_dma2 semaphore(%arg16 : memref<!tpu.dma_semaphore, #tpu.memory_space<semaphore_mem>>) src(%arg14 : memref<8x128x16xf32, #tpu.memory_space<vmem>>) dst(%dma_wait3A_684 : memref<8x128x16xf32, #tpu.memory_space<hbm>>)
      %scan3A_685 = arith.constant 0 : i32
      scf.yield %scan3A_685 : i32
    }
    %scan3A_19 = arith.constant 25 : i32
    %barrier3A_20 = arith.constant 0 : index
    tpu.barrier barrier_id(%barrier3A_20)
    %mul3A_21 = arith.constant 3128 : i32
    %mul3A_22 = arith.muli %arg1, %mul3A_21 : i32
    %multiple_of3A_23 = tpu.assume_multiple %mul3A_22, 8 : i32
    %mul3A_24 = arith.constant 3128 : i32
    %mul3A_25 = arith.muli %arg1, %mul3A_24 : i32
    %multiple_of3A_26 = tpu.assume_multiple %mul3A_25, 8 : i32
    "tpu.region"() ({
      %run_scoped3A = tpu.sem_alloc : memref<!tpu.dma_semaphore, #tpu.memory_space<semaphore_mem>>
      %dma_start3A = arith.constant 0 : i32
      %dma_start3A_27 = arith.constant 0 : i32
      %dma_start3A_28 = tpu.memref_slice %arg7[%arg0, %dma_start3A, %dma_start3A_27] : memref<2x50048x16xf32, #tpu.memory_space<hbm>> -> memref<1x50048x16xf32, #tpu.memory_space<hbm>>
      %dma_start3A_29 = tpu.memref_squeeze %dma_start3A_28 : memref<1x50048x16xf32, #tpu.memory_space<hbm>> -> memref<50048x16xf32, #tpu.memory_space<hbm>>
      %dma_start3A_30 = arith.constant 0 : i32
      %dma_start3A_31 = tpu.memref_slice %dma_start3A_29[%multiple_of3A_26, %dma_start3A_30] : memref<50048x16xf32, #tpu.memory_space<hbm>> -> memref<3128x16xf32, #tpu.memory_space<hbm>>
      %dma_start3A_32 = arith.constant 0 : i32
      %dma_start3A_33 = tpu.memref_slice %arg15[%multiple_of3A_23, %dma_start3A_32] : memref<50048x16xf32, #tpu.memory_space<vmem_shared>> -> memref<3128x16xf32, #tpu.memory_space<vmem_shared>>
      tpu.enqueue_dma source(%dma_start3A_33 : memref<3128x16xf32, #tpu.memory_space<vmem_shared>>) target(%dma_start3A_31 : memref<3128x16xf32, #tpu.memory_space<hbm>>) target_semaphore(%run_scoped3A : memref<!tpu.dma_semaphore, #tpu.memory_space<semaphore_mem>>)
      %dma_wait3A = arith.constant 0 : i32
      %dma_wait3A_34 = arith.constant 0 : i32
      %dma_wait3A_35 = tpu.memref_slice %arg7[%arg0, %dma_wait3A, %dma_wait3A_34] : memref<2x50048x16xf32, #tpu.memory_space<hbm>> -> memref<1x50048x16xf32, #tpu.memory_space<hbm>>
      %dma_wait3A_36 = tpu.memref_squeeze %dma_wait3A_35 : memref<1x50048x16xf32, #tpu.memory_space<hbm>> -> memref<50048x16xf32, #tpu.memory_space<hbm>>
      %dma_wait3A_37 = arith.constant 0 : i32
      %dma_wait3A_38 = tpu.memref_slice %dma_wait3A_36[%multiple_of3A_26, %dma_wait3A_37] : memref<50048x16xf32, #tpu.memory_space<hbm>> -> memref<3128x16xf32, #tpu.memory_space<hbm>>
      %dma_wait3A_39 = arith.constant 0 : i32
      %dma_wait3A_40 = tpu.memref_slice %arg15[%multiple_of3A_23, %dma_wait3A_39] : memref<50048x16xf32, #tpu.memory_space<vmem_shared>> -> memref<3128x16xf32, #tpu.memory_space<vmem_shared>>
      tpu.wait_dma2 semaphore(%run_scoped3A : memref<!tpu.dma_semaphore, #tpu.memory_space<semaphore_mem>>) src(%dma_wait3A_40 : memref<3128x16xf32, #tpu.memory_space<vmem_shared>>) dst(%dma_wait3A_38 : memref<3128x16xf32, #tpu.memory_space<hbm>>)
      tpu.yield
    }) : () -> ()
    return
  }
}

#map = affine_map<(d0, d1) -> (0, 0, 0)>
#map1 = affine_map<(d0, d1) -> (0, 0)>
#map2 = affine_map<(d0, d1) -> (0, 0, 0, 0)>
module attributes {stable_mosaic.version = 14 : i64} {
  func.func @_stage_b2_body(%arg0: i32, %arg1: i32, %arg2: memref<3200x2x128xi32, #tpu.memory_space<hbm>>, %arg3: memref<3200x2x128xi32, #tpu.memory_space<hbm>>, %arg4: memref<50000x32xf32, #tpu.memory_space<hbm>>, %arg5: memref<3200x2x128x32xf32, #tpu.memory_space<hbm>>, %arg6: memref<50048x16xf32, #tpu.memory_space<hbm>>, %arg7: memref<3200x2x128x16xf32, #tpu.memory_space<hbm>>, %arg8: memref<3128x32xf32, #tpu.memory_space<hbm>>, %arg9: memref<2x50048x32xf32, #tpu.memory_space<hbm>>, %arg10: memref<2x128xi32, #tpu.memory_space<vmem>>, %arg11: memref<2x128xi32, #tpu.memory_space<vmem>>, %arg12: memref<2x128x32xf32, #tpu.memory_space<vmem>>, %arg13: memref<2x128x32xf32, #tpu.memory_space<vmem>>, %arg14: memref<2x128x16xf32, #tpu.memory_space<vmem>>, %arg15: memref<2x128x16xf32, #tpu.memory_space<vmem>>, %arg16: memref<50048x32xf32, #tpu.memory_space<vmem_shared>>, %arg17: memref<!tpu.dma_semaphore, #tpu.memory_space<semaphore_mem>>, %arg18: memref<!tpu.dma_semaphore, #tpu.memory_space<semaphore_mem>>, %arg19: memref<!tpu.dma_semaphore, #tpu.memory_space<semaphore_mem>>, %arg20: memref<!tpu.dma_semaphore, #tpu.memory_space<semaphore_mem>>) attributes {dimension_semantics = [#tpu.dimension_semantics<core_parallel>, #tpu.dimension_semantics<subcore_parallel>], iteration_bounds = array<i64: 2, 16>, scalar_prefetch = 0 : i64, scratch_operands = 11 : i64, tpu.core_type = #tpu.core_type<sc_vector_subcore>, window_params = [{transform_indices = #map}, {transform_indices = #map}, {transform_indices = #map1}, {transform_indices = #map2}, {transform_indices = #map1}, {transform_indices = #map2}, {transform_indices = #map1}, {transform_indices = #map}]} {
    %mul3A = arith.constant 16 : i32
    %mul3A_0 = arith.muli %arg0, %mul3A : i32
    %add3A = arith.addi %mul3A_0, %arg1 : i32
    %mul3A_1 = arith.constant 3128 : i32
    %mul3A_2 = arith.muli %arg1, %mul3A_1 : i32
    %multiple_of3A = tpu.assume_multiple %mul3A_2, 8 : i32
    "tpu.region"() ({
      %run_scoped3A = tpu.sem_alloc : memref<!tpu.dma_semaphore, #tpu.memory_space<semaphore_mem>>
      %dma_start3A = arith.constant 0 : i32
      %dma_start3A_23 = tpu.memref_slice %arg16[%multiple_of3A, %dma_start3A] : memref<50048x32xf32, #tpu.memory_space<vmem_shared>> -> memref<3128x32xf32, #tpu.memory_space<vmem_shared>>
      tpu.enqueue_dma source(%arg8 : memref<3128x32xf32, #tpu.memory_space<hbm>>) target(%dma_start3A_23 : memref<3128x32xf32, #tpu.memory_space<vmem_shared>>) target_semaphore(%run_scoped3A : memref<!tpu.dma_semaphore, #tpu.memory_space<semaphore_mem>>)
      %dma_wait3A = arith.constant 0 : i32
      %dma_wait3A_24 = tpu.memref_slice %arg16[%multiple_of3A, %dma_wait3A] : memref<50048x32xf32, #tpu.memory_space<vmem_shared>> -> memref<3128x32xf32, #tpu.memory_space<vmem_shared>>
      tpu.wait_dma2 semaphore(%run_scoped3A : memref<!tpu.dma_semaphore, #tpu.memory_space<semaphore_mem>>) src(%arg8 : memref<3128x32xf32, #tpu.memory_space<hbm>>) dst(%dma_wait3A_24 : memref<3128x32xf32, #tpu.memory_space<vmem_shared>>)
      tpu.yield
    }) : () -> ()
    %barrier3A = arith.constant 0 : index
    tpu.barrier barrier_id(%barrier3A)
    %iota3A = tpu.iota {dimensions = array<i32: 0>} : vector<16xi32>
    %ge3A = arith.constant 8 : i32
    %ge3A_3 = vector.broadcast %ge3A : i32 to vector<16xi32>
    %ge3A_4 = arith.cmpi sge, %iota3A, %ge3A_3 : vector<16xi32>
    %jit3A = arith.constant 1 : i32
    %jit3A_5 = arith.constant 0 : i32
    %broadcast_in_dim3A = vector.broadcast %jit3A : i32 to vector<16xi32>
    %broadcast_in_dim3A_6 = vector.broadcast %jit3A_5 : i32 to vector<16xi32>
    %select_n3A = arith.select %ge3A_4, %broadcast_in_dim3A, %broadcast_in_dim3A_6 : vector<16xi1>, vector<16xi32>
    %add3A_7 = arith.constant 2 : i32
    %add3A_8 = vector.broadcast %add3A_7 : i32 to vector<16xi32>
    %add3A_9 = arith.addi %select_n3A, %add3A_8 : vector<16xi32>
    %scan3A = arith.constant 0 : i32
    %scan3A_10 = arith.constant 0 : i32
    %scan3A_11 = arith.constant 100 : i32
    %scan3A_12 = arith.addi %scan3A_10, %scan3A_11 : i32
    %scan3A_13 = arith.constant 1 : i32
    %scan3A_14 = scf.for %scan3A_23 = %scan3A_10 to %scan3A_12 step %scan3A_13 iter_args(%scan3A_24 = %scan3A) -> (i32)  : i32 {
      %mul3A_25 = arith.constant 100 : i32
      %mul3A_26 = arith.muli %add3A, %mul3A_25 : i32
      %add3A_27 = arith.addi %mul3A_26, %scan3A_23 : i32
      %dma_start3A = arith.constant 0 : i32
      %dma_start3A_28 = arith.constant 0 : i32
      %dma_start3A_29 = tpu.memref_slice %arg2[%add3A_27, %dma_start3A, %dma_start3A_28] : memref<3200x2x128xi32, #tpu.memory_space<hbm>> -> memref<1x2x128xi32, #tpu.memory_space<hbm>>
      %dma_start3A_30 = tpu.memref_squeeze %dma_start3A_29 : memref<1x2x128xi32, #tpu.memory_space<hbm>> -> memref<2x128xi32, #tpu.memory_space<hbm>>
      %dma_start3A_31 = arith.constant 0 : i32
      %dma_start3A_32 = arith.constant 0 : i32
      %dma_start3A_33 = tpu.memref_slice %arg2[%add3A_27, %dma_start3A_31, %dma_start3A_32] : memref<3200x2x128xi32, #tpu.memory_space<hbm>> -> memref<1x2x128xi32, #tpu.memory_space<hbm>>
      %dma_start3A_34 = tpu.memref_squeeze %dma_start3A_33 : memref<1x2x128xi32, #tpu.memory_space<hbm>> -> memref<2x128xi32, #tpu.memory_space<hbm>>
      tpu.enqueue_dma source(%dma_start3A_34 : memref<2x128xi32, #tpu.memory_space<hbm>>) target(%arg10 : memref<2x128xi32, #tpu.memory_space<vmem>>) target_semaphore(%arg17 : memref<!tpu.dma_semaphore, #tpu.memory_space<semaphore_mem>>)
      %dma_start3A_35 = arith.constant 0 : i32
      %dma_start3A_36 = arith.constant 0 : i32
      %dma_start3A_37 = tpu.memref_slice %arg3[%add3A_27, %dma_start3A_35, %dma_start3A_36] : memref<3200x2x128xi32, #tpu.memory_space<hbm>> -> memref<1x2x128xi32, #tpu.memory_space<hbm>>
      %dma_start3A_38 = tpu.memref_squeeze %dma_start3A_37 : memref<1x2x128xi32, #tpu.memory_space<hbm>> -> memref<2x128xi32, #tpu.memory_space<hbm>>
      %dma_start3A_39 = arith.constant 0 : i32
      %dma_start3A_40 = arith.constant 0 : i32
      %dma_start3A_41 = tpu.memref_slice %arg3[%add3A_27, %dma_start3A_39, %dma_start3A_40] : memref<3200x2x128xi32, #tpu.memory_space<hbm>> -> memref<1x2x128xi32, #tpu.memory_space<hbm>>
      %dma_start3A_42 = tpu.memref_squeeze %dma_start3A_41 : memref<1x2x128xi32, #tpu.memory_space<hbm>> -> memref<2x128xi32, #tpu.memory_space<hbm>>
      tpu.enqueue_dma source(%dma_start3A_42 : memref<2x128xi32, #tpu.memory_space<hbm>>) target(%arg11 : memref<2x128xi32, #tpu.memory_space<vmem>>) target_semaphore(%arg17 : memref<!tpu.dma_semaphore, #tpu.memory_space<semaphore_mem>>)
      %dma_start3A_43 = arith.constant 0 : i32
      %dma_start3A_44 = arith.constant 0 : i32
      %dma_start3A_45 = arith.constant 0 : i32
      %dma_start3A_46 = tpu.memref_slice %arg7[%add3A_27, %dma_start3A_43, %dma_start3A_44, %dma_start3A_45] : memref<3200x2x128x16xf32, #tpu.memory_space<hbm>> -> memref<1x2x128x16xf32, #tpu.memory_space<hbm>>
      %dma_start3A_47 = tpu.memref_squeeze %dma_start3A_46 : memref<1x2x128x16xf32, #tpu.memory_space<hbm>> -> memref<2x128x16xf32, #tpu.memory_space<hbm>>
      %dma_start3A_48 = arith.constant 0 : i32
      %dma_start3A_49 = arith.constant 0 : i32
      %dma_start3A_50 = arith.constant 0 : i32
      %dma_start3A_51 = tpu.memref_slice %arg7[%add3A_27, %dma_start3A_48, %dma_start3A_49, %dma_start3A_50] : memref<3200x2x128x16xf32, #tpu.memory_space<hbm>> -> memref<1x2x128x16xf32, #tpu.memory_space<hbm>>
      %dma_start3A_52 = tpu.memref_squeeze %dma_start3A_51 : memref<1x2x128x16xf32, #tpu.memory_space<hbm>> -> memref<2x128x16xf32, #tpu.memory_space<hbm>>
      tpu.enqueue_dma source(%dma_start3A_52 : memref<2x128x16xf32, #tpu.memory_space<hbm>>) target(%arg15 : memref<2x128x16xf32, #tpu.memory_space<vmem>>) target_semaphore(%arg20 : memref<!tpu.dma_semaphore, #tpu.memory_space<semaphore_mem>>)
      %dma_start3A_53 = arith.constant 0 : i32
      %dma_start3A_54 = arith.constant 0 : i32
      %dma_start3A_55 = arith.constant 0 : i32
      %dma_start3A_56 = tpu.memref_slice %arg5[%add3A_27, %dma_start3A_53, %dma_start3A_54, %dma_start3A_55] : memref<3200x2x128x32xf32, #tpu.memory_space<hbm>> -> memref<1x2x128x32xf32, #tpu.memory_space<hbm>>
      %dma_start3A_57 = tpu.memref_squeeze %dma_start3A_56 : memref<1x2x128x32xf32, #tpu.memory_space<hbm>> -> memref<2x128x32xf32, #tpu.memory_space<hbm>>
      %dma_start3A_58 = arith.constant 0 : i32
      %dma_start3A_59 = arith.constant 0 : i32
      %dma_start3A_60 = arith.constant 0 : i32
      %dma_start3A_61 = tpu.memref_slice %arg5[%add3A_27, %dma_start3A_58, %dma_start3A_59, %dma_start3A_60] : memref<3200x2x128x32xf32, #tpu.memory_space<hbm>> -> memref<1x2x128x32xf32, #tpu.memory_space<hbm>>
      %dma_start3A_62 = tpu.memref_squeeze %dma_start3A_61 : memref<1x2x128x32xf32, #tpu.memory_space<hbm>> -> memref<2x128x32xf32, #tpu.memory_space<hbm>>
      tpu.enqueue_dma source(%dma_start3A_62 : memref<2x128x32xf32, #tpu.memory_space<hbm>>) target(%arg13 : memref<2x128x32xf32, #tpu.memory_space<vmem>>) target_semaphore(%arg20 : memref<!tpu.dma_semaphore, #tpu.memory_space<semaphore_mem>>)
      %dma_wait3A = arith.constant 0 : i32
      %dma_wait3A_63 = arith.constant 0 : i32
      %dma_wait3A_64 = tpu.memref_slice %arg2[%add3A_27, %dma_wait3A, %dma_wait3A_63] : memref<3200x2x128xi32, #tpu.memory_space<hbm>> -> memref<1x2x128xi32, #tpu.memory_space<hbm>>
      %dma_wait3A_65 = tpu.memref_squeeze %dma_wait3A_64 : memref<1x2x128xi32, #tpu.memory_space<hbm>> -> memref<2x128xi32, #tpu.memory_space<hbm>>
      %dma_wait3A_66 = arith.constant 0 : i32
      %dma_wait3A_67 = arith.constant 0 : i32
      %dma_wait3A_68 = tpu.memref_slice %arg2[%add3A_27, %dma_wait3A_66, %dma_wait3A_67] : memref<3200x2x128xi32, #tpu.memory_space<hbm>> -> memref<1x2x128xi32, #tpu.memory_space<hbm>>
      %dma_wait3A_69 = tpu.memref_squeeze %dma_wait3A_68 : memref<1x2x128xi32, #tpu.memory_space<hbm>> -> memref<2x128xi32, #tpu.memory_space<hbm>>
      tpu.wait_dma2 semaphore(%arg17 : memref<!tpu.dma_semaphore, #tpu.memory_space<semaphore_mem>>) src(%dma_wait3A_69 : memref<2x128xi32, #tpu.memory_space<hbm>>) dst(%arg10 : memref<2x128xi32, #tpu.memory_space<vmem>>)
      %dma_wait3A_70 = arith.constant 0 : i32
      %dma_wait3A_71 = arith.constant 0 : i32
      %dma_wait3A_72 = tpu.memref_slice %arg3[%add3A_27, %dma_wait3A_70, %dma_wait3A_71] : memref<3200x2x128xi32, #tpu.memory_space<hbm>> -> memref<1x2x128xi32, #tpu.memory_space<hbm>>
      %dma_wait3A_73 = tpu.memref_squeeze %dma_wait3A_72 : memref<1x2x128xi32, #tpu.memory_space<hbm>> -> memref<2x128xi32, #tpu.memory_space<hbm>>
      %dma_wait3A_74 = arith.constant 0 : i32
      %dma_wait3A_75 = arith.constant 0 : i32
      %dma_wait3A_76 = tpu.memref_slice %arg3[%add3A_27, %dma_wait3A_74, %dma_wait3A_75] : memref<3200x2x128xi32, #tpu.memory_space<hbm>> -> memref<1x2x128xi32, #tpu.memory_space<hbm>>
      %dma_wait3A_77 = tpu.memref_squeeze %dma_wait3A_76 : memref<1x2x128xi32, #tpu.memory_space<hbm>> -> memref<2x128xi32, #tpu.memory_space<hbm>>
      tpu.wait_dma2 semaphore(%arg17 : memref<!tpu.dma_semaphore, #tpu.memory_space<semaphore_mem>>) src(%dma_wait3A_77 : memref<2x128xi32, #tpu.memory_space<hbm>>) dst(%arg11 : memref<2x128xi32, #tpu.memory_space<vmem>>)
      %dma_start3A_78 = arith.constant 0 : i32
      %dma_start3A_79 = arith.constant 0 : i32
      %dma_start3A_80 = arith.constant 0 : i32
      %dma_start3A_81 = arith.constant 0 : i32
      %dma_start3A_82 = tpu.memref_slice %arg12[%dma_start3A_79, %dma_start3A_80, %dma_start3A_81] : memref<2x128x32xf32, #tpu.memory_space<vmem>> -> memref<1x128x32xf32, #tpu.memory_space<vmem>>
      %dma_start3A_83 = tpu.memref_squeeze %dma_start3A_82 : memref<1x128x32xf32, #tpu.memory_space<vmem>> -> memref<128x32xf32, #tpu.memory_space<vmem>>
      %dma_start3A_84 = arith.constant 0 : i32
      %dma_start3A_85 = tpu.memref_slice %arg10[%dma_start3A_78, %dma_start3A_84] : memref<2x128xi32, #tpu.memory_space<vmem>> -> memref<1x128xi32, #tpu.memory_space<vmem>>
      %dma_start3A_86 = tpu.memref_squeeze %dma_start3A_85 : memref<1x128xi32, #tpu.memory_space<vmem>> -> memref<128xi32, #tpu.memory_space<vmem>>
      %dma_start3A_87 = arith.constant 0 : i32
      %dma_start3A_88 = arith.constant 0 : i32
      %dma_start3A_89 = tpu.memref_slice %arg4[%dma_start3A_87, %dma_start3A_88] : memref<50000x32xf32, #tpu.memory_space<hbm>> -> memref<50000x32xf32, #tpu.memory_space<hbm>>
      tpu.enqueue_indirect_dma source(%dma_start3A_89 : memref<50000x32xf32, #tpu.memory_space<hbm>>) target(%dma_start3A_83 : memref<128x32xf32, #tpu.memory_space<vmem>>) offsets(%dma_start3A_86 : memref<128xi32, #tpu.memory_space<vmem>>) semaphore(%arg18 : memref<!tpu.dma_semaphore, #tpu.memory_space<semaphore_mem>>)
      %dma_start3A_90 = arith.constant 1 : i32
      %dma_start3A_91 = arith.constant 1 : i32
      %dma_start3A_92 = arith.constant 0 : i32
      %dma_start3A_93 = arith.constant 0 : i32
      %dma_start3A_94 = tpu.memref_slice %arg12[%dma_start3A_91, %dma_start3A_92, %dma_start3A_93] : memref<2x128x32xf32, #tpu.memory_space<vmem>> -> memref<1x128x32xf32, #tpu.memory_space<vmem>>
      %dma_start3A_95 = tpu.memref_squeeze %dma_start3A_94 : memref<1x128x32xf32, #tpu.memory_space<vmem>> -> memref<128x32xf32, #tpu.memory_space<vmem>>
      %dma_start3A_96 = arith.constant 0 : i32
      %dma_start3A_97 = tpu.memref_slice %arg10[%dma_start3A_90, %dma_start3A_96] : memref<2x128xi32, #tpu.memory_space<vmem>> -> memref<1x128xi32, #tpu.memory_space<vmem>>
      %dma_start3A_98 = tpu.memref_squeeze %dma_start3A_97 : memref<1x128xi32, #tpu.memory_space<vmem>> -> memref<128xi32, #tpu.memory_space<vmem>>
      %dma_start3A_99 = arith.constant 0 : i32
      %dma_start3A_100 = arith.constant 0 : i32
      %dma_start3A_101 = tpu.memref_slice %arg4[%dma_start3A_99, %dma_start3A_100] : memref<50000x32xf32, #tpu.memory_space<hbm>> -> memref<50000x32xf32, #tpu.memory_space<hbm>>
      tpu.enqueue_indirect_dma source(%dma_start3A_101 : memref<50000x32xf32, #tpu.memory_space<hbm>>) target(%dma_start3A_95 : memref<128x32xf32, #tpu.memory_space<vmem>>) offsets(%dma_start3A_98 : memref<128xi32, #tpu.memory_space<vmem>>) semaphore(%arg18 : memref<!tpu.dma_semaphore, #tpu.memory_space<semaphore_mem>>)
      %dma_start3A_102 = arith.constant 0 : i32
      %dma_start3A_103 = arith.constant 0 : i32
      %dma_start3A_104 = arith.constant 0 : i32
      %dma_start3A_105 = arith.constant 0 : i32
      %dma_start3A_106 = tpu.memref_slice %arg14[%dma_start3A_103, %dma_start3A_104, %dma_start3A_105] : memref<2x128x16xf32, #tpu.memory_space<vmem>> -> memref<1x128x16xf32, #tpu.memory_space<vmem>>
      %dma_start3A_107 = tpu.memref_squeeze %dma_start3A_106 : memref<1x128x16xf32, #tpu.memory_space<vmem>> -> memref<128x16xf32, #tpu.memory_space<vmem>>
      %dma_start3A_108 = arith.constant 0 : i32
      %dma_start3A_109 = tpu.memref_slice %arg11[%dma_start3A_102, %dma_start3A_108] : memref<2x128xi32, #tpu.memory_space<vmem>> -> memref<1x128xi32, #tpu.memory_space<vmem>>
      %dma_start3A_110 = tpu.memref_squeeze %dma_start3A_109 : memref<1x128xi32, #tpu.memory_space<vmem>> -> memref<128xi32, #tpu.memory_space<vmem>>
      %dma_start3A_111 = arith.constant 0 : i32
      %dma_start3A_112 = arith.constant 0 : i32
      %dma_start3A_113 = tpu.memref_slice %arg6[%dma_start3A_111, %dma_start3A_112] : memref<50048x16xf32, #tpu.memory_space<hbm>> -> memref<50048x16xf32, #tpu.memory_space<hbm>>
      tpu.enqueue_indirect_dma source(%dma_start3A_113 : memref<50048x16xf32, #tpu.memory_space<hbm>>) target(%dma_start3A_107 : memref<128x16xf32, #tpu.memory_space<vmem>>) offsets(%dma_start3A_110 : memref<128xi32, #tpu.memory_space<vmem>>) semaphore(%arg19 : memref<!tpu.dma_semaphore, #tpu.memory_space<semaphore_mem>>)
      %dma_start3A_114 = arith.constant 1 : i32
      %dma_start3A_115 = arith.constant 1 : i32
      %dma_start3A_116 = arith.constant 0 : i32
      %dma_start3A_117 = arith.constant 0 : i32
      %dma_start3A_118 = tpu.memref_slice %arg14[%dma_start3A_115, %dma_start3A_116, %dma_start3A_117] : memref<2x128x16xf32, #tpu.memory_space<vmem>> -> memref<1x128x16xf32, #tpu.memory_space<vmem>>
      %dma_start3A_119 = tpu.memref_squeeze %dma_start3A_118 : memref<1x128x16xf32, #tpu.memory_space<vmem>> -> memref<128x16xf32, #tpu.memory_space<vmem>>
      %dma_start3A_120 = arith.constant 0 : i32
      %dma_start3A_121 = tpu.memref_slice %arg11[%dma_start3A_114, %dma_start3A_120] : memref<2x128xi32, #tpu.memory_space<vmem>> -> memref<1x128xi32, #tpu.memory_space<vmem>>
      %dma_start3A_122 = tpu.memref_squeeze %dma_start3A_121 : memref<1x128xi32, #tpu.memory_space<vmem>> -> memref<128xi32, #tpu.memory_space<vmem>>
      %dma_start3A_123 = arith.constant 0 : i32
      %dma_start3A_124 = arith.constant 0 : i32
      %dma_start3A_125 = tpu.memref_slice %arg6[%dma_start3A_123, %dma_start3A_124] : memref<50048x16xf32, #tpu.memory_space<hbm>> -> memref<50048x16xf32, #tpu.memory_space<hbm>>
      tpu.enqueue_indirect_dma source(%dma_start3A_125 : memref<50048x16xf32, #tpu.memory_space<hbm>>) target(%dma_start3A_119 : memref<128x16xf32, #tpu.memory_space<vmem>>) offsets(%dma_start3A_122 : memref<128xi32, #tpu.memory_space<vmem>>) semaphore(%arg19 : memref<!tpu.dma_semaphore, #tpu.memory_space<semaphore_mem>>)
      %dma_wait3A_126 = arith.constant 0 : i32
      %dma_wait3A_127 = arith.constant 0 : i32
      %dma_wait3A_128 = arith.constant 0 : i32
      %dma_wait3A_129 = tpu.memref_slice %arg7[%add3A_27, %dma_wait3A_126, %dma_wait3A_127, %dma_wait3A_128] : memref<3200x2x128x16xf32, #tpu.memory_space<hbm>> -> memref<1x2x128x16xf32, #tpu.memory_space<hbm>>
      %dma_wait3A_130 = tpu.memref_squeeze %dma_wait3A_129 : memref<1x2x128x16xf32, #tpu.memory_space<hbm>> -> memref<2x128x16xf32, #tpu.memory_space<hbm>>
      %dma_wait3A_131 = arith.constant 0 : i32
      %dma_wait3A_132 = arith.constant 0 : i32
      %dma_wait3A_133 = arith.constant 0 : i32
      %dma_wait3A_134 = tpu.memref_slice %arg7[%add3A_27, %dma_wait3A_131, %dma_wait3A_132, %dma_wait3A_133] : memref<3200x2x128x16xf32, #tpu.memory_space<hbm>> -> memref<1x2x128x16xf32, #tpu.memory_space<hbm>>
      %dma_wait3A_135 = tpu.memref_squeeze %dma_wait3A_134 : memref<1x2x128x16xf32, #tpu.memory_space<hbm>> -> memref<2x128x16xf32, #tpu.memory_space<hbm>>
      tpu.wait_dma2 semaphore(%arg20 : memref<!tpu.dma_semaphore, #tpu.memory_space<semaphore_mem>>) src(%dma_wait3A_135 : memref<2x128x16xf32, #tpu.memory_space<hbm>>) dst(%arg15 : memref<2x128x16xf32, #tpu.memory_space<vmem>>)
      %dma_wait3A_136 = arith.constant 0 : i32
      %dma_wait3A_137 = arith.constant 0 : i32
      %dma_wait3A_138 = arith.constant 0 : i32
      %dma_wait3A_139 = tpu.memref_slice %arg5[%add3A_27, %dma_wait3A_136, %dma_wait3A_137, %dma_wait3A_138] : memref<3200x2x128x32xf32, #tpu.memory_space<hbm>> -> memref<1x2x128x32xf32, #tpu.memory_space<hbm>>
      %dma_wait3A_140 = tpu.memref_squeeze %dma_wait3A_139 : memref<1x2x128x32xf32, #tpu.memory_space<hbm>> -> memref<2x128x32xf32, #tpu.memory_space<hbm>>
      %dma_wait3A_141 = arith.constant 0 : i32
      %dma_wait3A_142 = arith.constant 0 : i32
      %dma_wait3A_143 = arith.constant 0 : i32
      %dma_wait3A_144 = tpu.memref_slice %arg5[%add3A_27, %dma_wait3A_141, %dma_wait3A_142, %dma_wait3A_143] : memref<3200x2x128x32xf32, #tpu.memory_space<hbm>> -> memref<1x2x128x32xf32, #tpu.memory_space<hbm>>
      %dma_wait3A_145 = tpu.memref_squeeze %dma_wait3A_144 : memref<1x2x128x32xf32, #tpu.memory_space<hbm>> -> memref<2x128x32xf32, #tpu.memory_space<hbm>>
      tpu.wait_dma2 semaphore(%arg20 : memref<!tpu.dma_semaphore, #tpu.memory_space<semaphore_mem>>) src(%dma_wait3A_145 : memref<2x128x32xf32, #tpu.memory_space<hbm>>) dst(%arg13 : memref<2x128x32xf32, #tpu.memory_space<vmem>>)
      %dma_wait3A_146 = arith.constant 0 : i32
      %dma_wait3A_147 = arith.constant 0 : i32
      %dma_wait3A_148 = arith.constant 0 : i32
      %dma_wait3A_149 = arith.constant 0 : i32
      %dma_wait3A_150 = tpu.memref_slice %arg12[%dma_wait3A_147, %dma_wait3A_148, %dma_wait3A_149] : memref<2x128x32xf32, #tpu.memory_space<vmem>> -> memref<1x128x32xf32, #tpu.memory_space<vmem>>
      %dma_wait3A_151 = tpu.memref_squeeze %dma_wait3A_150 : memref<1x128x32xf32, #tpu.memory_space<vmem>> -> memref<128x32xf32, #tpu.memory_space<vmem>>
      %dma_wait3A_152 = arith.constant 0 : i32
      %dma_wait3A_153 = tpu.memref_slice %arg10[%dma_wait3A_146, %dma_wait3A_152] : memref<2x128xi32, #tpu.memory_space<vmem>> -> memref<1x128xi32, #tpu.memory_space<vmem>>
      %dma_wait3A_154 = tpu.memref_squeeze %dma_wait3A_153 : memref<1x128xi32, #tpu.memory_space<vmem>> -> memref<128xi32, #tpu.memory_space<vmem>>
      %dma_wait3A_155 = arith.constant 0 : i32
      %dma_wait3A_156 = arith.constant 0 : i32
      %dma_wait3A_157 = tpu.memref_slice %arg4[%dma_wait3A_155, %dma_wait3A_156] : memref<50000x32xf32, #tpu.memory_space<hbm>> -> memref<50000x32xf32, #tpu.memory_space<hbm>>
      tpu.wait_indirect_dma semaphore(%arg18 : memref<!tpu.dma_semaphore, #tpu.memory_space<semaphore_mem>>) src(%dma_wait3A_157 : memref<50000x32xf32, #tpu.memory_space<hbm>>) dst(%dma_wait3A_151 : memref<128x32xf32, #tpu.memory_space<vmem>>)
      %dma_wait3A_158 = arith.constant 1 : i32
      %dma_wait3A_159 = arith.constant 1 : i32
      %dma_wait3A_160 = arith.constant 0 : i32
      %dma_wait3A_161 = arith.constant 0 : i32
      %dma_wait3A_162 = tpu.memref_slice %arg12[%dma_wait3A_159, %dma_wait3A_160, %dma_wait3A_161] : memref<2x128x32xf32, #tpu.memory_space<vmem>> -> memref<1x128x32xf32, #tpu.memory_space<vmem>>
      %dma_wait3A_163 = tpu.memref_squeeze %dma_wait3A_162 : memref<1x128x32xf32, #tpu.memory_space<vmem>> -> memref<128x32xf32, #tpu.memory_space<vmem>>
      %dma_wait3A_164 = arith.constant 0 : i32
      %dma_wait3A_165 = tpu.memref_slice %arg10[%dma_wait3A_158, %dma_wait3A_164] : memref<2x128xi32, #tpu.memory_space<vmem>> -> memref<1x128xi32, #tpu.memory_space<vmem>>
      %dma_wait3A_166 = tpu.memref_squeeze %dma_wait3A_165 : memref<1x128xi32, #tpu.memory_space<vmem>> -> memref<128xi32, #tpu.memory_space<vmem>>
      %dma_wait3A_167 = arith.constant 0 : i32
      %dma_wait3A_168 = arith.constant 0 : i32
      %dma_wait3A_169 = tpu.memref_slice %arg4[%dma_wait3A_167, %dma_wait3A_168] : memref<50000x32xf32, #tpu.memory_space<hbm>> -> memref<50000x32xf32, #tpu.memory_space<hbm>>
      tpu.wait_indirect_dma semaphore(%arg18 : memref<!tpu.dma_semaphore, #tpu.memory_space<semaphore_mem>>) src(%dma_wait3A_169 : memref<50000x32xf32, #tpu.memory_space<hbm>>) dst(%dma_wait3A_163 : memref<128x32xf32, #tpu.memory_space<vmem>>)
      %dma_wait3A_170 = arith.constant 0 : i32
      %dma_wait3A_171 = arith.constant 0 : i32
      %dma_wait3A_172 = arith.constant 0 : i32
      %dma_wait3A_173 = arith.constant 0 : i32
      %dma_wait3A_174 = tpu.memref_slice %arg14[%dma_wait3A_171, %dma_wait3A_172, %dma_wait3A_173] : memref<2x128x16xf32, #tpu.memory_space<vmem>> -> memref<1x128x16xf32, #tpu.memory_space<vmem>>
      %dma_wait3A_175 = tpu.memref_squeeze %dma_wait3A_174 : memref<1x128x16xf32, #tpu.memory_space<vmem>> -> memref<128x16xf32, #tpu.memory_space<vmem>>
      %dma_wait3A_176 = arith.constant 0 : i32
      %dma_wait3A_177 = tpu.memref_slice %arg11[%dma_wait3A_170, %dma_wait3A_176] : memref<2x128xi32, #tpu.memory_space<vmem>> -> memref<1x128xi32, #tpu.memory_space<vmem>>
      %dma_wait3A_178 = tpu.memref_squeeze %dma_wait3A_177 : memref<1x128xi32, #tpu.memory_space<vmem>> -> memref<128xi32, #tpu.memory_space<vmem>>
      %dma_wait3A_179 = arith.constant 0 : i32
      %dma_wait3A_180 = arith.constant 0 : i32
      %dma_wait3A_181 = tpu.memref_slice %arg6[%dma_wait3A_179, %dma_wait3A_180] : memref<50048x16xf32, #tpu.memory_space<hbm>> -> memref<50048x16xf32, #tpu.memory_space<hbm>>
      tpu.wait_indirect_dma semaphore(%arg19 : memref<!tpu.dma_semaphore, #tpu.memory_space<semaphore_mem>>) src(%dma_wait3A_181 : memref<50048x16xf32, #tpu.memory_space<hbm>>) dst(%dma_wait3A_175 : memref<128x16xf32, #tpu.memory_space<vmem>>)
      %dma_wait3A_182 = arith.constant 1 : i32
      %dma_wait3A_183 = arith.constant 1 : i32
      %dma_wait3A_184 = arith.constant 0 : i32
      %dma_wait3A_185 = arith.constant 0 : i32
      %dma_wait3A_186 = tpu.memref_slice %arg14[%dma_wait3A_183, %dma_wait3A_184, %dma_wait3A_185] : memref<2x128x16xf32, #tpu.memory_space<vmem>> -> memref<1x128x16xf32, #tpu.memory_space<vmem>>
      %dma_wait3A_187 = tpu.memref_squeeze %dma_wait3A_186 : memref<1x128x16xf32, #tpu.memory_space<vmem>> -> memref<128x16xf32, #tpu.memory_space<vmem>>
      %dma_wait3A_188 = arith.constant 0 : i32
      %dma_wait3A_189 = tpu.memref_slice %arg11[%dma_wait3A_182, %dma_wait3A_188] : memref<2x128xi32, #tpu.memory_space<vmem>> -> memref<1x128xi32, #tpu.memory_space<vmem>>
      %dma_wait3A_190 = tpu.memref_squeeze %dma_wait3A_189 : memref<1x128xi32, #tpu.memory_space<vmem>> -> memref<128xi32, #tpu.memory_space<vmem>>
      %dma_wait3A_191 = arith.constant 0 : i32
      %dma_wait3A_192 = arith.constant 0 : i32
      %dma_wait3A_193 = tpu.memref_slice %arg6[%dma_wait3A_191, %dma_wait3A_192] : memref<50048x16xf32, #tpu.memory_space<hbm>> -> memref<50048x16xf32, #tpu.memory_space<hbm>>
      tpu.wait_indirect_dma semaphore(%arg19 : memref<!tpu.dma_semaphore, #tpu.memory_space<semaphore_mem>>) src(%dma_wait3A_193 : memref<50048x16xf32, #tpu.memory_space<hbm>>) dst(%dma_wait3A_187 : memref<128x16xf32, #tpu.memory_space<vmem>>)
      %scan3A_194 = arith.constant 0 : i32
      %scan3A_195 = arith.constant 0 : i32
      %scan3A_196 = arith.constant 256 : i32
      %scan3A_197 = arith.addi %scan3A_195, %scan3A_196 : i32
      %scan3A_198 = arith.constant 1 : i32
      %scan3A_199 = scf.for %scan3A_250 = %scan3A_195 to %scan3A_197 step %scan3A_198 iter_args(%scan3A_251 = %scan3A_194) -> (i32)  : i32 {
        %jit3A_252 = arith.constant 128 : i32
        %div3A = arith.divsi %scan3A_250, %jit3A_252 : i32
        %sign3A = arith.constant 0 : i32
        %sign3A_253 = arith.cmpi sgt, %scan3A_250, %sign3A : i32
        %sign3A_254 = arith.extui %sign3A_253 : i1 to i32
        %sign3A_255 = arith.constant 0 : i32
        %sign3A_256 = arith.cmpi slt, %scan3A_250, %sign3A_255 : i32
        %sign3A_257 = arith.extui %sign3A_256 : i1 to i32
        %sign3A_258 = arith.subi %sign3A_254, %sign3A_257 : i32
        %sign3A_259 = arith.constant 0 : i32
        %sign3A_260 = arith.cmpi sgt, %jit3A_252, %sign3A_259 : i32
        %sign3A_261 = arith.extui %sign3A_260 : i1 to i32
        %sign3A_262 = arith.constant 0 : i32
        %sign3A_263 = arith.cmpi slt, %jit3A_252, %sign3A_262 : i32
        %sign3A_264 = arith.extui %sign3A_263 : i1 to i32
        %sign3A_265 = arith.subi %sign3A_261, %sign3A_264 : i32
        %ne3A = arith.cmpi ne, %sign3A_258, %sign3A_265 : i32
        %rem3A = arith.remsi %scan3A_250, %jit3A_252 : i32
        %ne3A_266 = arith.constant 0 : i32
        %ne3A_267 = arith.cmpi ne, %rem3A, %ne3A_266 : i32
        %and3A = arith.andi %ne3A, %ne3A_267 : i1
        %sub3A = arith.constant 1 : i32
        %sub3A_268 = arith.subi %div3A, %sub3A : i32
        %select_n3A_269 = arith.select %and3A, %sub3A_268, %div3A : i32
        %jit3A_270 = arith.constant 128 : i32
        %eq3A = arith.constant 0 : i32
        %eq3A_271 = arith.cmpi eq, %jit3A_270, %eq3A : i32
        %jit3A_272 = arith.constant 1 : i32
        %select_n3A_273 = arith.select %eq3A_271, %jit3A_272, %jit3A_270 : i32
        %rem3A_274 = arith.remsi %scan3A_250, %select_n3A_273 : i32
        %ne3A_275 = arith.constant 0 : i32
        %ne3A_276 = arith.cmpi ne, %rem3A_274, %ne3A_275 : i32
        %lt3A = arith.constant 0 : i32
        %lt3A_277 = arith.cmpi slt, %rem3A_274, %lt3A : i32
        %lt3A_278 = arith.constant 0 : i32
        %lt3A_279 = arith.cmpi slt, %select_n3A_273, %lt3A_278 : i32
        %ne3A_280 = arith.xori %lt3A_277, %lt3A_279 : i1
        %and3A_281 = arith.andi %ne3A_280, %ne3A_276 : i1
        %add3A_282 = arith.addi %rem3A_274, %select_n3A_273 : i32
        %select_n3A_283 = arith.select %and3A_281, %add3A_282, %rem3A_274 : i32
        %get3A = arith.index_cast %select_n3A_269 : i32 to index
        %get3A_284 = arith.index_cast %select_n3A_283 : i32 to index
        %get3A_285 = arith.constant 0 : index
        %get3A_286 = tpu.vector_load %arg15[%get3A, %get3A_284, %get3A_285] {strides = array<i32>} : memref<2x128x16xf32, #tpu.memory_space<vmem>>, vector<1x1x16xf32>,
        %get3A_287 = vector.shape_cast %get3A_286 : vector<1x1x16xf32> to vector<16xf32>
        %get3A_288 = arith.index_cast %select_n3A_269 : i32 to index
        %get3A_289 = arith.index_cast %select_n3A_283 : i32 to index
        %get3A_290 = arith.constant 0 : index
        %get3A_291 = tpu.vector_load %arg14[%get3A_288, %get3A_289, %get3A_290] {strides = array<i32>} : memref<2x128x16xf32, #tpu.memory_space<vmem>>, vector<1x1x16xf32>,
        %get3A_292 = vector.shape_cast %get3A_291 : vector<1x1x16xf32> to vector<16xf32>
        %add3A_293 = arith.constant 1.000000e-16 : f32
        %add3A_294 = vector.broadcast %add3A_293 : f32 to vector<16xf32>
        %add3A_295 = arith.addf %get3A_292, %add3A_294 : vector<16xf32>
        %div3A_296 = arith.divf %get3A_287, %add3A_295 : vector<16xf32>
        %broadcast_in_dim3A_297 = vector.shape_cast %select_n3A : vector<16xi32> to vector<16x1xi32>
        %gather3A = vector.shape_cast %broadcast_in_dim3A_297 : vector<16x1xi32> to vector<16xi32>
        %gather3A_298 = tpu.dynamic_gather %div3A_296[%gather3A] in [0] : vector<16xf32>, vector<16xi32> -> vector<16xf32>
        %broadcast_in_dim3A_299 = vector.shape_cast %add3A_9 : vector<16xi32> to vector<16x1xi32>
        %gather3A_300 = vector.shape_cast %broadcast_in_dim3A_299 : vector<16x1xi32> to vector<16xi32>
        %gather3A_301 = tpu.dynamic_gather %div3A_296[%gather3A_300] in [0] : vector<16xf32>, vector<16xi32> -> vector<16xf32>
        %get3A_302 = arith.index_cast %select_n3A_269 : i32 to index
        %get3A_303 = arith.index_cast %select_n3A_283 : i32 to index
        %get3A_304 = arith.constant 0 : index
        %get3A_305 = tpu.vector_load %arg12[%get3A_302, %get3A_303, %get3A_304] {strides = array<i32>} : memref<2x128x32xf32, #tpu.memory_space<vmem>>, vector<1x1x16xf32>,
        %get3A_306 = vector.shape_cast %get3A_305 : vector<1x1x16xf32> to vector<16xf32>
        %get3A_307 = arith.index_cast %select_n3A_269 : i32 to index
        %get3A_308 = arith.index_cast %select_n3A_283 : i32 to index
        %get3A_309 = arith.constant 0 : index
        %get3A_310 = tpu.vector_load %arg13[%get3A_307, %get3A_308, %get3A_309] {strides = array<i32>} : memref<2x128x32xf32, #tpu.memory_space<vmem>>, vector<1x1x16xf32>,
        %get3A_311 = vector.shape_cast %get3A_310 : vector<1x1x16xf32> to vector<16xf32>
        %add3A_312 = arith.addf %get3A_306, %get3A_311 : vector<16xf32>
        %mul3A_313 = arith.mulf %gather3A_298, %add3A_312 : vector<16xf32>
        %swap3A = arith.index_cast %select_n3A_269 : i32 to index
        %swap3A_314 = arith.index_cast %select_n3A_283 : i32 to index
        %swap3A_315 = arith.constant 0 : index
        %swap3A_316 = tpu.vector_load %arg13[%swap3A, %swap3A_314, %swap3A_315] {strides = array<i32>} : memref<2x128x32xf32, #tpu.memory_space<vmem>>, vector<1x1x16xf32>,
        %swap3A_317 = vector.shape_cast %swap3A_316 : vector<1x1x16xf32> to vector<16xf32>
        %swap3A_318 = vector.shape_cast %mul3A_313 : vector<16xf32> to vector<1x1x16xf32>
        tpu.vector_store %arg13[%swap3A, %swap3A_314, %swap3A_315], %swap3A_318 {strides = array<i32>} : memref<2x128x32xf32, #tpu.memory_space<vmem>>, vector<1x1x16xf32>,
        %get3A_319 = arith.index_cast %select_n3A_269 : i32 to index
        %get3A_320 = arith.index_cast %select_n3A_283 : i32 to index
        %get3A_321 = arith.constant 16 : index
        %get3A_322 = tpu.vector_load %arg12[%get3A_319, %get3A_320, %get3A_321] {strides = array<i32>} : memref<2x128x32xf32, #tpu.memory_space<vmem>>, vector<1x1x16xf32>,
        %get3A_323 = vector.shape_cast %get3A_322 : vector<1x1x16xf32> to vector<16xf32>
        %get3A_324 = arith.index_cast %select_n3A_269 : i32 to index
        %get3A_325 = arith.index_cast %select_n3A_283 : i32 to index
        %get3A_326 = arith.constant 16 : index
        %get3A_327 = tpu.vector_load %arg13[%get3A_324, %get3A_325, %get3A_326] {strides = array<i32>} : memref<2x128x32xf32, #tpu.memory_space<vmem>>, vector<1x1x16xf32>,
        %get3A_328 = vector.shape_cast %get3A_327 : vector<1x1x16xf32> to vector<16xf32>
        %add3A_329 = arith.addf %get3A_323, %get3A_328 : vector<16xf32>
        %mul3A_330 = arith.mulf %gather3A_301, %add3A_329 : vector<16xf32>
        %swap3A_331 = arith.index_cast %select_n3A_269 : i32 to index
        %swap3A_332 = arith.index_cast %select_n3A_283 : i32 to index
        %swap3A_333 = arith.constant 16 : index
        %swap3A_334 = tpu.vector_load %arg13[%swap3A_331, %swap3A_332, %swap3A_333] {strides = array<i32>} : memref<2x128x32xf32, #tpu.memory_space<vmem>>, vector<1x1x16xf32>,
        %swap3A_335 = vector.shape_cast %swap3A_334 : vector<1x1x16xf32> to vector<16xf32>
        %swap3A_336 = vector.shape_cast %mul3A_330 : vector<16xf32> to vector<1x1x16xf32>
        tpu.vector_store %arg13[%swap3A_331, %swap3A_332, %swap3A_333], %swap3A_336 {strides = array<i32>} : memref<2x128x32xf32, #tpu.memory_space<vmem>>, vector<1x1x16xf32>,
        %scan3A_337 = arith.constant 0 : i32
        scf.yield %scan3A_337 : i32
      }
      %scan3A_200 = arith.constant 256 : i32
      %dma_start3A_201 = arith.constant 0 : i32
      %dma_start3A_202 = arith.constant 0 : i32
      %dma_start3A_203 = arith.constant 0 : i32
      %dma_start3A_204 = arith.constant 0 : i32
      %dma_start3A_205 = tpu.memref_slice %arg13[%dma_start3A_201, %dma_start3A_203, %dma_start3A_204] : memref<2x128x32xf32, #tpu.memory_space<vmem>> -> memref<1x128x32xf32, #tpu.memory_space<vmem>>
      %dma_start3A_206 = tpu.memref_squeeze %dma_start3A_205 : memref<1x128x32xf32, #tpu.memory_space<vmem>> -> memref<128x32xf32, #tpu.memory_space<vmem>>
      %dma_start3A_207 = arith.constant 0 : i32
      %dma_start3A_208 = tpu.memref_slice %arg11[%dma_start3A_202, %dma_start3A_207] : memref<2x128xi32, #tpu.memory_space<vmem>> -> memref<1x128xi32, #tpu.memory_space<vmem>>
      %dma_start3A_209 = tpu.memref_squeeze %dma_start3A_208 : memref<1x128xi32, #tpu.memory_space<vmem>> -> memref<128xi32, #tpu.memory_space<vmem>>
      %dma_start3A_210 = arith.constant 0 : i32
      %dma_start3A_211 = arith.constant 0 : i32
      %dma_start3A_212 = tpu.memref_slice %arg16[%dma_start3A_210, %dma_start3A_211] : memref<50048x32xf32, #tpu.memory_space<vmem_shared>> -> memref<50048x32xf32, #tpu.memory_space<vmem_shared>>
      tpu.enqueue_indirect_dma source(%dma_start3A_206 : memref<128x32xf32, #tpu.memory_space<vmem>>) target(%dma_start3A_212 : memref<50048x32xf32, #tpu.memory_space<vmem_shared>>) offsets(%dma_start3A_209 : memref<128xi32, #tpu.memory_space<vmem>>) semaphore(%arg20 : memref<!tpu.dma_semaphore, #tpu.memory_space<semaphore_mem>>) {add = true}
      %dma_start3A_213 = arith.constant 1 : i32
      %dma_start3A_214 = arith.constant 1 : i32
      %dma_start3A_215 = arith.constant 0 : i32
      %dma_start3A_216 = arith.constant 0 : i32
      %dma_start3A_217 = tpu.memref_slice %arg13[%dma_start3A_213, %dma_start3A_215, %dma_start3A_216] : memref<2x128x32xf32, #tpu.memory_space<vmem>> -> memref<1x128x32xf32, #tpu.memory_space<vmem>>
      %dma_start3A_218 = tpu.memref_squeeze %dma_start3A_217 : memref<1x128x32xf32, #tpu.memory_space<vmem>> -> memref<128x32xf32, #tpu.memory_space<vmem>>
      %dma_start3A_219 = arith.constant 0 : i32
      %dma_start3A_220 = tpu.memref_slice %arg11[%dma_start3A_214, %dma_start3A_219] : memref<2x128xi32, #tpu.memory_space<vmem>> -> memref<1x128xi32, #tpu.memory_space<vmem>>
      %dma_start3A_221 = tpu.memref_squeeze %dma_start3A_220 : memref<1x128xi32, #tpu.memory_space<vmem>> -> memref<128xi32, #tpu.memory_space<vmem>>
      %dma_start3A_222 = arith.constant 0 : i32
      %dma_start3A_223 = arith.constant 0 : i32
      %dma_start3A_224 = tpu.memref_slice %arg16[%dma_start3A_222, %dma_start3A_223] : memref<50048x32xf32, #tpu.memory_space<vmem_shared>> -> memref<50048x32xf32, #tpu.memory_space<vmem_shared>>
      tpu.enqueue_indirect_dma source(%dma_start3A_218 : memref<128x32xf32, #tpu.memory_space<vmem>>) target(%dma_start3A_224 : memref<50048x32xf32, #tpu.memory_space<vmem_shared>>) offsets(%dma_start3A_221 : memref<128xi32, #tpu.memory_space<vmem>>) semaphore(%arg20 : memref<!tpu.dma_semaphore, #tpu.memory_space<semaphore_mem>>) {add = true}
      %dma_wait3A_225 = arith.constant 0 : i32
      %dma_wait3A_226 = arith.constant 0 : i32
      %dma_wait3A_227 = arith.constant 0 : i32
      %dma_wait3A_228 = arith.constant 0 : i32
      %dma_wait3A_229 = tpu.memref_slice %arg13[%dma_wait3A_225, %dma_wait3A_227, %dma_wait3A_228] : memref<2x128x32xf32, #tpu.memory_space<vmem>> -> memref<1x128x32xf32, #tpu.memory_space<vmem>>
      %dma_wait3A_230 = tpu.memref_squeeze %dma_wait3A_229 : memref<1x128x32xf32, #tpu.memory_space<vmem>> -> memref<128x32xf32, #tpu.memory_space<vmem>>
      %dma_wait3A_231 = arith.constant 0 : i32
      %dma_wait3A_232 = tpu.memref_slice %arg11[%dma_wait3A_226, %dma_wait3A_231] : memref<2x128xi32, #tpu.memory_space<vmem>> -> memref<1x128xi32, #tpu.memory_space<vmem>>
      %dma_wait3A_233 = tpu.memref_squeeze %dma_wait3A_232 : memref<1x128xi32, #tpu.memory_space<vmem>> -> memref<128xi32, #tpu.memory_space<vmem>>
      %dma_wait3A_234 = arith.constant 0 : i32
      %dma_wait3A_235 = arith.constant 0 : i32
      %dma_wait3A_236 = tpu.memref_slice %arg16[%dma_wait3A_234, %dma_wait3A_235] : memref<50048x32xf32, #tpu.memory_space<vmem_shared>> -> memref<50048x32xf32, #tpu.memory_space<vmem_shared>>
      tpu.wait_indirect_dma semaphore(%arg20 : memref<!tpu.dma_semaphore, #tpu.memory_space<semaphore_mem>>) src(%dma_wait3A_230 : memref<128x32xf32, #tpu.memory_space<vmem>>) dst(%dma_wait3A_236 : memref<50048x32xf32, #tpu.memory_space<vmem_shared>>)
      %dma_wait3A_237 = arith.constant 1 : i32
      %dma_wait3A_238 = arith.constant 1 : i32
      %dma_wait3A_239 = arith.constant 0 : i32
      %dma_wait3A_240 = arith.constant 0 : i32
      %dma_wait3A_241 = tpu.memref_slice %arg13[%dma_wait3A_237, %dma_wait3A_239, %dma_wait3A_240] : memref<2x128x32xf32, #tpu.memory_space<vmem>> -> memref<1x128x32xf32, #tpu.memory_space<vmem>>
      %dma_wait3A_242 = tpu.memref_squeeze %dma_wait3A_241 : memref<1x128x32xf32, #tpu.memory_space<vmem>> -> memref<128x32xf32, #tpu.memory_space<vmem>>
      %dma_wait3A_243 = arith.constant 0 : i32
      %dma_wait3A_244 = tpu.memref_slice %arg11[%dma_wait3A_238, %dma_wait3A_243] : memref<2x128xi32, #tpu.memory_space<vmem>> -> memref<1x128xi32, #tpu.memory_space<vmem>>
      %dma_wait3A_245 = tpu.memref_squeeze %dma_wait3A_244 : memref<1x128xi32, #tpu.memory_space<vmem>> -> memref<128xi32, #tpu.memory_space<vmem>>
      %dma_wait3A_246 = arith.constant 0 : i32
      %dma_wait3A_247 = arith.constant 0 : i32
      %dma_wait3A_248 = tpu.memref_slice %arg16[%dma_wait3A_246, %dma_wait3A_247] : memref<50048x32xf32, #tpu.memory_space<vmem_shared>> -> memref<50048x32xf32, #tpu.memory_space<vmem_shared>>
      tpu.wait_indirect_dma semaphore(%arg20 : memref<!tpu.dma_semaphore, #tpu.memory_space<semaphore_mem>>) src(%dma_wait3A_242 : memref<128x32xf32, #tpu.memory_space<vmem>>) dst(%dma_wait3A_248 : memref<50048x32xf32, #tpu.memory_space<vmem_shared>>)
      %scan3A_249 = arith.constant 0 : i32
      scf.yield %scan3A_249 : i32
    }
    %scan3A_15 = arith.constant 100 : i32
    %barrier3A_16 = arith.constant 0 : index
    tpu.barrier barrier_id(%barrier3A_16)
    %mul3A_17 = arith.constant 3128 : i32
    %mul3A_18 = arith.muli %arg1, %mul3A_17 : i32
    %multiple_of3A_19 = tpu.assume_multiple %mul3A_18, 8 : i32
    %mul3A_20 = arith.constant 3128 : i32
    %mul3A_21 = arith.muli %arg1, %mul3A_20 : i32
    %multiple_of3A_22 = tpu.assume_multiple %mul3A_21, 8 : i32
    "tpu.region"() ({
      %run_scoped3A = tpu.sem_alloc : memref<!tpu.dma_semaphore, #tpu.memory_space<semaphore_mem>>
      %dma_start3A = arith.constant 0 : i32
      %dma_start3A_23 = arith.constant 0 : i32
      %dma_start3A_24 = tpu.memref_slice %arg9[%arg0, %dma_start3A, %dma_start3A_23] : memref<2x50048x32xf32, #tpu.memory_space<hbm>> -> memref<1x50048x32xf32, #tpu.memory_space<hbm>>
      %dma_start3A_25 = tpu.memref_squeeze %dma_start3A_24 : memref<1x50048x32xf32, #tpu.memory_space<hbm>> -> memref<50048x32xf32, #tpu.memory_space<hbm>>
      %dma_start3A_26 = arith.constant 0 : i32
      %dma_start3A_27 = tpu.memref_slice %dma_start3A_25[%multiple_of3A_22, %dma_start3A_26] : memref<50048x32xf32, #tpu.memory_space<hbm>> -> memref<3128x32xf32, #tpu.memory_space<hbm>>
      %dma_start3A_28 = arith.constant 0 : i32
      %dma_start3A_29 = tpu.memref_slice %arg16[%multiple_of3A_19, %dma_start3A_28] : memref<50048x32xf32, #tpu.memory_space<vmem_shared>> -> memref<3128x32xf32, #tpu.memory_space<vmem_shared>>
      tpu.enqueue_dma source(%dma_start3A_29 : memref<3128x32xf32, #tpu.memory_space<vmem_shared>>) target(%dma_start3A_27 : memref<3128x32xf32, #tpu.memory_space<hbm>>) target_semaphore(%run_scoped3A : memref<!tpu.dma_semaphore, #tpu.memory_space<semaphore_mem>>)
      %dma_wait3A = arith.constant 0 : i32
      %dma_wait3A_30 = arith.constant 0 : i32
      %dma_wait3A_31 = tpu.memref_slice %arg9[%arg0, %dma_wait3A, %dma_wait3A_30] : memref<2x50048x32xf32, #tpu.memory_space<hbm>> -> memref<1x50048x32xf32, #tpu.memory_space<hbm>>
      %dma_wait3A_32 = tpu.memref_squeeze %dma_wait3A_31 : memref<1x50048x32xf32, #tpu.memory_space<hbm>> -> memref<50048x32xf32, #tpu.memory_space<hbm>>
      %dma_wait3A_33 = arith.constant 0 : i32
      %dma_wait3A_34 = tpu.memref_slice %dma_wait3A_32[%multiple_of3A_22, %dma_wait3A_33] : memref<50048x32xf32, #tpu.memory_space<hbm>> -> memref<3128x32xf32, #tpu.memory_space<hbm>>
      %dma_wait3A_35 = arith.constant 0 : i32
      %dma_wait3A_36 = tpu.memref_slice %arg16[%multiple_of3A_19, %dma_wait3A_35] : memref<50048x32xf32, #tpu.memory_space<vmem_shared>> -> memref<3128x32xf32, #tpu.memory_space<vmem_shared>>
      tpu.wait_dma2 semaphore(%run_scoped3A : memref<!tpu.dma_semaphore, #tpu.memory_space<semaphore_mem>>) src(%dma_wait3A_36 : memref<3128x32xf32, #tpu.memory_space<vmem_shared>>) dst(%dma_wait3A_34 : memref<3128x32xf32, #tpu.memory_space<hbm>>)
      tpu.yield
    }) : () -> ()
    return
  }
}

module attributes {stable_mosaic.version = 14 : i64} {
  func.func @_edgeproj_body(%arg0: i32, %arg1: memref<1024x16xf32, #tpu.memory_space<vmem>>, %arg2: memref<16x64xf32, #tpu.memory_space<vmem>>, %arg3: memref<1x64xf32, #tpu.memory_space<vmem>>, %arg4: memref<64x4xf32, #tpu.memory_space<vmem>>, %arg5: memref<16x32xf32, #tpu.memory_space<vmem>>, %arg6: memref<1x32xf32, #tpu.memory_space<vmem>>, %arg7: memref<32x4xf32, #tpu.memory_space<vmem>>, %arg8: memref<1024x32xf32, #tpu.memory_space<vmem>>, %arg9: memref<1024x32xf32, #tpu.memory_space<vmem>>, %arg10: memref<1024x4xf32, #tpu.memory_space<vmem>>, %arg11: memref<1024x32xf32, #tpu.memory_space<vmem>>, %arg12: memref<1024x4xf32, #tpu.memory_space<vmem>>) attributes {dimension_semantics = [#tpu.dimension_semantics<arbitrary>], iteration_bounds = array<i64: 800>, scalar_prefetch = 0 : i64, scratch_operands = 0 : i64, tpu.core_type = #tpu.core_type<tc>, window_params = [{transform_indices = @transform_0, window_bounds = array<i64: 1024, 16>}, {pipeline_mode = #tpu.pipeline_mode<synchronous>, transform_indices = @transform_1, window_bounds = array<i64: 16, 64>}, {pipeline_mode = #tpu.pipeline_mode<synchronous>, transform_indices = @transform_2, window_bounds = array<i64: 1, 64>}, {pipeline_mode = #tpu.pipeline_mode<synchronous>, transform_indices = @transform_3, window_bounds = array<i64: 64, 4>}, {pipeline_mode = #tpu.pipeline_mode<synchronous>, transform_indices = @transform_4, window_bounds = array<i64: 16, 32>}, {pipeline_mode = #tpu.pipeline_mode<synchronous>, transform_indices = @transform_5, window_bounds = array<i64: 1, 32>}, {pipeline_mode = #tpu.pipeline_mode<synchronous>, transform_indices = @transform_6, window_bounds = array<i64: 32, 4>}, {transform_indices = @transform_7, window_bounds = array<i64: 1024, 32>}, {transform_indices = @transform_8, window_bounds = array<i64: 1024, 32>}, {transform_indices = @transform_9, window_bounds = array<i64: 1024, 4>}, {transform_indices = @transform_10, window_bounds = array<i64: 1024, 32>}, {transform_indices = @transform_11, window_bounds = array<i64: 1024, 4>}]} {
    %get3A = arith.constant 0 : index
    %get3A_0 = arith.constant 0 : index
    %get3A_1 = vector.load %arg1[%get3A, %get3A_0] : memref<1024x16xf32, #tpu.memory_space<vmem>>, vector<1024x16xf32>
    %get3A_2 = arith.constant 0 : index
    %get3A_3 = arith.constant 0 : index
    %get3A_4 = vector.load %arg2[%get3A_2, %get3A_3] : memref<16x64xf32, #tpu.memory_space<vmem>>, vector<16x64xf32>
    %dot_general3A = arith.constant dense<0.000000e+00> : vector<1024x64xf32>
    %dot_general3A_5 = tpu.matmul %get3A_1, %get3A_4, %dot_general3A {dimension_numbers = #tpu.dot_dimension_numbers<[1], [0], [0], [1], [0, 0, 1, 1], [], []>, transpose_lhs_hint = false} : vector<1024x16xf32>, vector<16x64xf32>, vector<1024x64xf32> -> vector<1024x64xf32>
    %get3A_6 = arith.constant 0 : index
    %get3A_7 = arith.constant 0 : index
    %get3A_8 = vector.load %arg3[%get3A_6, %get3A_7] : memref<1x64xf32, #tpu.memory_space<vmem>>, vector<1x64xf32>
    %add3A = vector.broadcast %get3A_8 : vector<1x64xf32> to vector<1024x64xf32>
    %add3A_9 = arith.addf %dot_general3A_5, %add3A : vector<1024x64xf32>
    %slice3A = vector.extract_strided_slice %add3A_9 {offsets = [0, 0], sizes = [1024, 32], strides = [1, 1]} : vector<1024x64xf32> to vector<1024x32xf32>
    %swap3A = arith.constant 0 : index
    %swap3A_10 = arith.constant 0 : index
    %swap3A_11 = vector.load %arg8[%swap3A, %swap3A_10] : memref<1024x32xf32, #tpu.memory_space<vmem>>, vector<1024x32xf32>
    tpu.vector_store %arg8[%swap3A, %swap3A_10], %slice3A {strides = array<i32>} : memref<1024x32xf32, #tpu.memory_space<vmem>>, vector<1024x32xf32>,
    %slice3A_12 = vector.extract_strided_slice %add3A_9 {offsets = [0, 32], sizes = [1024, 32], strides = [1, 1]} : vector<1024x64xf32> to vector<1024x32xf32>
    %swap3A_13 = arith.constant 0 : index
    %swap3A_14 = arith.constant 0 : index
    %swap3A_15 = vector.load %arg9[%swap3A_13, %swap3A_14] : memref<1024x32xf32, #tpu.memory_space<vmem>>, vector<1024x32xf32>
    tpu.vector_store %arg9[%swap3A_13, %swap3A_14], %slice3A_12 {strides = array<i32>} : memref<1024x32xf32, #tpu.memory_space<vmem>>, vector<1024x32xf32>,
    %get3A_16 = arith.constant 0 : index
    %get3A_17 = arith.constant 0 : index
    %get3A_18 = vector.load %arg4[%get3A_16, %get3A_17] : memref<64x4xf32, #tpu.memory_space<vmem>>, vector<64x4xf32>
    %dot_general3A_19 = arith.constant dense<0.000000e+00> : vector<1024x4xf32>
    %dot_general3A_20 = tpu.matmul %add3A_9, %get3A_18, %dot_general3A_19 {dimension_numbers = #tpu.dot_dimension_numbers<[1], [0], [0], [1], [0, 0, 1, 1], [], []>, transpose_lhs_hint = false} : vector<1024x64xf32>, vector<64x4xf32>, vector<1024x4xf32> -> vector<1024x4xf32>
    %swap3A_21 = arith.constant 0 : index
    %swap3A_22 = arith.constant 0 : index
    %swap3A_23 = vector.load %arg10[%swap3A_21, %swap3A_22] : memref<1024x4xf32, #tpu.memory_space<vmem>>, vector<1024x4xf32>
    tpu.vector_store %arg10[%swap3A_21, %swap3A_22], %dot_general3A_20 {strides = array<i32>} : memref<1024x4xf32, #tpu.memory_space<vmem>>, vector<1024x4xf32>,
    %get3A_24 = arith.constant 0 : index
    %get3A_25 = arith.constant 0 : index
    %get3A_26 = vector.load %arg1[%get3A_24, %get3A_25] : memref<1024x16xf32, #tpu.memory_space<vmem>>, vector<1024x16xf32>
    %get3A_27 = arith.constant 0 : index
    %get3A_28 = arith.constant 0 : index
    %get3A_29 = vector.load %arg5[%get3A_27, %get3A_28] : memref<16x32xf32, #tpu.memory_space<vmem>>, vector<16x32xf32>
    %dot_general3A_30 = arith.constant dense<0.000000e+00> : vector<1024x32xf32>
    %dot_general3A_31 = tpu.matmul %get3A_26, %get3A_29, %dot_general3A_30 {dimension_numbers = #tpu.dot_dimension_numbers<[1], [0], [0], [1], [0, 0, 1, 1], [], []>, transpose_lhs_hint = false} : vector<1024x16xf32>, vector<16x32xf32>, vector<1024x32xf32> -> vector<1024x32xf32>
    %get3A_32 = arith.constant 0 : index
    %get3A_33 = arith.constant 0 : index
    %get3A_34 = vector.load %arg6[%get3A_32, %get3A_33] : memref<1x32xf32, #tpu.memory_space<vmem>>, vector<1x32xf32>
    %add3A_35 = vector.broadcast %get3A_34 : vector<1x32xf32> to vector<1024x32xf32>
    %add3A_36 = arith.addf %dot_general3A_31, %add3A_35 : vector<1024x32xf32>
    %swap3A_37 = arith.constant 0 : index
    %swap3A_38 = arith.constant 0 : index
    %swap3A_39 = vector.load %arg11[%swap3A_37, %swap3A_38] : memref<1024x32xf32, #tpu.memory_space<vmem>>, vector<1024x32xf32>
    tpu.vector_store %arg11[%swap3A_37, %swap3A_38], %add3A_36 {strides = array<i32>} : memref<1024x32xf32, #tpu.memory_space<vmem>>, vector<1024x32xf32>,
    %get3A_40 = arith.constant 0 : index
    %get3A_41 = arith.constant 0 : index
    %get3A_42 = vector.load %arg7[%get3A_40, %get3A_41] : memref<32x4xf32, #tpu.memory_space<vmem>>, vector<32x4xf32>
    %dot_general3A_43 = arith.constant dense<0.000000e+00> : vector<1024x4xf32>
    %dot_general3A_44 = tpu.matmul %add3A_36, %get3A_42, %dot_general3A_43 {dimension_numbers = #tpu.dot_dimension_numbers<[1], [0], [0], [1], [0, 0, 1, 1], [], []>, transpose_lhs_hint = false} : vector<1024x32xf32>, vector<32x4xf32>, vector<1024x4xf32> -> vector<1024x4xf32>
    %swap3A_45 = arith.constant 0 : index
    %swap3A_46 = arith.constant 0 : index
    %swap3A_47 = vector.load %arg12[%swap3A_45, %swap3A_46] : memref<1024x4xf32, #tpu.memory_space<vmem>>, vector<1024x4xf32>
    tpu.vector_store %arg12[%swap3A_45, %swap3A_46], %dot_general3A_44 {strides = array<i32>} : memref<1024x4xf32, #tpu.memory_space<vmem>>, vector<1024x4xf32>,
    return
  }
  func.func @transform_0(%arg0: i32) -> (i32, i32) {
    %c0_i32 = arith.constant 0 : i32
    %c0_i32_0 = arith.constant 0 : i32
    return %arg0, %c0_i32 : i32, i32
  }
  func.func @transform_1(%arg0: i32) -> (i32, i32) {
    %c0_i32 = arith.constant 0 : i32
    %c0_i32_0 = arith.constant 0 : i32
    %c0_i32_1 = arith.constant 0 : i32
    return %c0_i32, %c0_i32_0 : i32, i32
  }
  func.func @transform_2(%arg0: i32) -> (i32, i32) {
    %c0_i32 = arith.constant 0 : i32
    %c0_i32_0 = arith.constant 0 : i32
    %c0_i32_1 = arith.constant 0 : i32
    return %c0_i32, %c0_i32_0 : i32, i32
  }
  func.func @transform_3(%arg0: i32) -> (i32, i32) {
    %c0_i32 = arith.constant 0 : i32
    %c0_i32_0 = arith.constant 0 : i32
    %c0_i32_1 = arith.constant 0 : i32
    return %c0_i32, %c0_i32_0 : i32, i32
  }
  func.func @transform_4(%arg0: i32) -> (i32, i32) {
    %c0_i32 = arith.constant 0 : i32
    %c0_i32_0 = arith.constant 0 : i32
    %c0_i32_1 = arith.constant 0 : i32
    return %c0_i32, %c0_i32_0 : i32, i32
  }
  func.func @transform_5(%arg0: i32) -> (i32, i32) {
    %c0_i32 = arith.constant 0 : i32
    %c0_i32_0 = arith.constant 0 : i32
    %c0_i32_1 = arith.constant 0 : i32
    return %c0_i32, %c0_i32_0 : i32, i32
  }
  func.func @transform_6(%arg0: i32) -> (i32, i32) {
    %c0_i32 = arith.constant 0 : i32
    %c0_i32_0 = arith.constant 0 : i32
    %c0_i32_1 = arith.constant 0 : i32
    return %c0_i32, %c0_i32_0 : i32, i32
  }
  func.func @transform_7(%arg0: i32) -> (i32, i32) {
    %c0_i32 = arith.constant 0 : i32
    %c0_i32_0 = arith.constant 0 : i32
    return %arg0, %c0_i32 : i32, i32
  }
  func.func @transform_8(%arg0: i32) -> (i32, i32) {
    %c0_i32 = arith.constant 0 : i32
    %c0_i32_0 = arith.constant 0 : i32
    return %arg0, %c0_i32 : i32, i32
  }
  func.func @transform_9(%arg0: i32) -> (i32, i32) {
    %c0_i32 = arith.constant 0 : i32
    %c0_i32_0 = arith.constant 0 : i32
    return %arg0, %c0_i32 : i32, i32
  }
  func.func @transform_10(%arg0: i32) -> (i32, i32) {
    %c0_i32 = arith.constant 0 : i32
    %c0_i32_0 = arith.constant 0 : i32
    return %arg0, %c0_i32 : i32, i32
  }
  func.func @transform_11(%arg0: i32) -> (i32, i32) {
    %c0_i32 = arith.constant 0 : i32
    %c0_i32_0 = arith.constant 0 : i32
    return %arg0, %c0_i32 : i32, i32
  }
}

module attributes {stable_mosaic.version = 14 : i64} {
  func.func @_inproj_body(%arg0: i32, %arg1: memref<400x153xf32, #tpu.memory_space<vmem>>, %arg2: memref<153x64xf32, #tpu.memory_space<vmem>>, %arg3: memref<384x64xf32, #tpu.memory_space<vmem>>, %arg4: memref<1x384xf32, #tpu.memory_space<vmem>>, %arg5: memref<1x64xf32, #tpu.memory_space<vmem>>, %arg6: memref<400x64xf32, #tpu.memory_space<vmem>>) attributes {dimension_semantics = [#tpu.dimension_semantics<arbitrary>], iteration_bounds = array<i64: 125>, scalar_prefetch = 0 : i64, scratch_operands = 0 : i64, tpu.core_type = #tpu.core_type<tc>, window_params = [{transform_indices = @transform_0, window_bounds = array<i64: 400, 153>}, {pipeline_mode = #tpu.pipeline_mode<synchronous>, transform_indices = @transform_1, window_bounds = array<i64: 153, 64>}, {pipeline_mode = #tpu.pipeline_mode<synchronous>, transform_indices = @transform_2, window_bounds = array<i64: 384, 64>}, {pipeline_mode = #tpu.pipeline_mode<synchronous>, transform_indices = @transform_3, window_bounds = array<i64: 1, 384>}, {pipeline_mode = #tpu.pipeline_mode<synchronous>, transform_indices = @transform_4, window_bounds = array<i64: 1, 64>}, {transform_indices = @transform_5, window_bounds = array<i64: 400, 64>}]} {
    %get3A = arith.constant 0 : index
    %get3A_0 = arith.constant 0 : index
    %get3A_1 = vector.load %arg4[%get3A, %get3A_0] : memref<1x384xf32, #tpu.memory_space<vmem>>, vector<1x384xf32>
    %get3A_2 = arith.constant 0 : index
    %get3A_3 = arith.constant 0 : index
    %get3A_4 = vector.load %arg3[%get3A_2, %get3A_3] : memref<384x64xf32, #tpu.memory_space<vmem>>, vector<384x64xf32>
    %dot_general3A = arith.constant dense<0.000000e+00> : vector<1x64xf32>
    %dot_general3A_5 = tpu.matmul %get3A_1, %get3A_4, %dot_general3A {dimension_numbers = #tpu.dot_dimension_numbers<[1], [0], [0], [1], [0, 0, 1, 1], [], []>, transpose_lhs_hint = false} : vector<1x384xf32>, vector<384x64xf32>, vector<1x64xf32> -> vector<1x64xf32>
    %get3A_6 = arith.constant 0 : index
    %get3A_7 = arith.constant 0 : index
    %get3A_8 = vector.load %arg1[%get3A_6, %get3A_7] : memref<400x153xf32, #tpu.memory_space<vmem>>, vector<400x153xf32>
    %get3A_9 = arith.constant 0 : index
    %get3A_10 = arith.constant 0 : index
    %get3A_11 = vector.load %arg2[%get3A_9, %get3A_10] : memref<153x64xf32, #tpu.memory_space<vmem>>, vector<153x64xf32>
    %dot_general3A_12 = arith.constant dense<0.000000e+00> : vector<400x64xf32>
    %dot_general3A_13 = tpu.matmul %get3A_8, %get3A_11, %dot_general3A_12 {dimension_numbers = #tpu.dot_dimension_numbers<[1], [0], [0], [1], [0, 0, 1, 1], [], []>, transpose_lhs_hint = false} : vector<400x153xf32>, vector<153x64xf32>, vector<400x64xf32> -> vector<400x64xf32>
    %add3A = vector.broadcast %dot_general3A_5 : vector<1x64xf32> to vector<400x64xf32>
    %add3A_14 = arith.addf %dot_general3A_13, %add3A : vector<400x64xf32>
    %get3A_15 = arith.constant 0 : index
    %get3A_16 = arith.constant 0 : index
    %get3A_17 = vector.load %arg5[%get3A_15, %get3A_16] : memref<1x64xf32, #tpu.memory_space<vmem>>, vector<1x64xf32>
    %add3A_18 = vector.broadcast %get3A_17 : vector<1x64xf32> to vector<400x64xf32>
    %add3A_19 = arith.addf %add3A_14, %add3A_18 : vector<400x64xf32>
    %max3A = arith.constant 0.000000e+00 : f32
    %max3A_20 = vector.broadcast %max3A : f32 to vector<400x64xf32>
    %max3A_21 = arith.maximumf %add3A_19, %max3A_20 : vector<400x64xf32>
    %swap3A = arith.constant 0 : index
    %swap3A_22 = arith.constant 0 : index
    %swap3A_23 = vector.load %arg6[%swap3A, %swap3A_22] : memref<400x64xf32, #tpu.memory_space<vmem>>, vector<400x64xf32>
    tpu.vector_store %arg6[%swap3A, %swap3A_22], %max3A_21 {strides = array<i32>} : memref<400x64xf32, #tpu.memory_space<vmem>>, vector<400x64xf32>,
    return
  }
  func.func @transform_0(%arg0: i32) -> (i32, i32) {
    %c0_i32 = arith.constant 0 : i32
    %c0_i32_0 = arith.constant 0 : i32
    return %arg0, %c0_i32 : i32, i32
  }
  func.func @transform_1(%arg0: i32) -> (i32, i32) {
    %c0_i32 = arith.constant 0 : i32
    %c0_i32_0 = arith.constant 0 : i32
    %c0_i32_1 = arith.constant 0 : i32
    return %c0_i32, %c0_i32_0 : i32, i32
  }
  func.func @transform_2(%arg0: i32) -> (i32, i32) {
    %c0_i32 = arith.constant 0 : i32
    %c0_i32_0 = arith.constant 0 : i32
    %c0_i32_1 = arith.constant 0 : i32
    return %c0_i32, %c0_i32_0 : i32, i32
  }
  func.func @transform_3(%arg0: i32) -> (i32, i32) {
    %c0_i32 = arith.constant 0 : i32
    %c0_i32_0 = arith.constant 0 : i32
    %c0_i32_1 = arith.constant 0 : i32
    return %c0_i32, %c0_i32_0 : i32, i32
  }
  func.func @transform_4(%arg0: i32) -> (i32, i32) {
    %c0_i32 = arith.constant 0 : i32
    %c0_i32_0 = arith.constant 0 : i32
    %c0_i32_1 = arith.constant 0 : i32
    return %c0_i32, %c0_i32_0 : i32, i32
  }
  func.func @transform_5(%arg0: i32) -> (i32, i32) {
    %c0_i32 = arith.constant 0 : i32
    %c0_i32_0 = arith.constant 0 : i32
    return %arg0, %c0_i32 : i32, i32
  }
}

module attributes {stable_mosaic.version = 14 : i64} {
  func.func @_nodeproj1_body(%arg0: i32, %arg1: memref<400x64xf32, #tpu.memory_space<vmem>>, %arg2: memref<64x64xf32, #tpu.memory_space<vmem>>, %arg3: memref<1x64xf32, #tpu.memory_space<vmem>>, %arg4: memref<64x16xf32, #tpu.memory_space<vmem>>, %arg5: memref<400x32xf32, #tpu.memory_space<vmem>>, %arg6: memref<400x32xf32, #tpu.memory_space<vmem>>, %arg7: memref<400x16xf32, #tpu.memory_space<vmem>>) attributes {dimension_semantics = [#tpu.dimension_semantics<arbitrary>], iteration_bounds = array<i64: 125>, scalar_prefetch = 0 : i64, scratch_operands = 0 : i64, tpu.core_type = #tpu.core_type<tc>, window_params = [{transform_indices = @transform_0, window_bounds = array<i64: 400, 64>}, {pipeline_mode = #tpu.pipeline_mode<synchronous>, transform_indices = @transform_1, window_bounds = array<i64: 64, 64>}, {pipeline_mode = #tpu.pipeline_mode<synchronous>, transform_indices = @transform_2, window_bounds = array<i64: 1, 64>}, {pipeline_mode = #tpu.pipeline_mode<synchronous>, transform_indices = @transform_3, window_bounds = array<i64: 64, 16>}, {transform_indices = @transform_4, window_bounds = array<i64: 400, 32>}, {transform_indices = @transform_5, window_bounds = array<i64: 400, 32>}, {transform_indices = @transform_6, window_bounds = array<i64: 400, 16>}]} {
    %get3A = arith.constant 0 : index
    %get3A_0 = arith.constant 0 : index
    %get3A_1 = vector.load %arg1[%get3A, %get3A_0] : memref<400x64xf32, #tpu.memory_space<vmem>>, vector<400x64xf32>
    %get3A_2 = arith.constant 0 : index
    %get3A_3 = arith.constant 0 : index
    %get3A_4 = vector.load %arg2[%get3A_2, %get3A_3] : memref<64x64xf32, #tpu.memory_space<vmem>>, vector<64x64xf32>
    %dot_general3A = arith.constant dense<0.000000e+00> : vector<400x64xf32>
    %dot_general3A_5 = tpu.matmul %get3A_1, %get3A_4, %dot_general3A {dimension_numbers = #tpu.dot_dimension_numbers<[1], [0], [0], [1], [0, 0, 1, 1], [], []>, transpose_lhs_hint = false} : vector<400x64xf32>, vector<64x64xf32>, vector<400x64xf32> -> vector<400x64xf32>
    %get3A_6 = arith.constant 0 : index
    %get3A_7 = arith.constant 0 : index
    %get3A_8 = vector.load %arg3[%get3A_6, %get3A_7] : memref<1x64xf32, #tpu.memory_space<vmem>>, vector<1x64xf32>
    %add3A = vector.broadcast %get3A_8 : vector<1x64xf32> to vector<400x64xf32>
    %add3A_9 = arith.addf %dot_general3A_5, %add3A : vector<400x64xf32>
    %slice3A = vector.extract_strided_slice %add3A_9 {offsets = [0, 0], sizes = [400, 32], strides = [1, 1]} : vector<400x64xf32> to vector<400x32xf32>
    %swap3A = arith.constant 0 : index
    %swap3A_10 = arith.constant 0 : index
    %swap3A_11 = vector.load %arg5[%swap3A, %swap3A_10] : memref<400x32xf32, #tpu.memory_space<vmem>>, vector<400x32xf32>
    tpu.vector_store %arg5[%swap3A, %swap3A_10], %slice3A {strides = array<i32>} : memref<400x32xf32, #tpu.memory_space<vmem>>, vector<400x32xf32>,
    %slice3A_12 = vector.extract_strided_slice %add3A_9 {offsets = [0, 32], sizes = [400, 32], strides = [1, 1]} : vector<400x64xf32> to vector<400x32xf32>
    %swap3A_13 = arith.constant 0 : index
    %swap3A_14 = arith.constant 0 : index
    %swap3A_15 = vector.load %arg6[%swap3A_13, %swap3A_14] : memref<400x32xf32, #tpu.memory_space<vmem>>, vector<400x32xf32>
    tpu.vector_store %arg6[%swap3A_13, %swap3A_14], %slice3A_12 {strides = array<i32>} : memref<400x32xf32, #tpu.memory_space<vmem>>, vector<400x32xf32>,
    %get3A_16 = arith.constant 0 : index
    %get3A_17 = arith.constant 0 : index
    %get3A_18 = vector.load %arg4[%get3A_16, %get3A_17] : memref<64x16xf32, #tpu.memory_space<vmem>>, vector<64x16xf32>
    %dot_general3A_19 = arith.constant dense<0.000000e+00> : vector<400x16xf32>
    %dot_general3A_20 = tpu.matmul %add3A_9, %get3A_18, %dot_general3A_19 {dimension_numbers = #tpu.dot_dimension_numbers<[1], [0], [0], [1], [0, 0, 1, 1], [], []>, transpose_lhs_hint = false} : vector<400x64xf32>, vector<64x16xf32>, vector<400x16xf32> -> vector<400x16xf32>
    %swap3A_21 = arith.constant 0 : index
    %swap3A_22 = arith.constant 0 : index
    %swap3A_23 = vector.load %arg7[%swap3A_21, %swap3A_22] : memref<400x16xf32, #tpu.memory_space<vmem>>, vector<400x16xf32>
    tpu.vector_store %arg7[%swap3A_21, %swap3A_22], %dot_general3A_20 {strides = array<i32>} : memref<400x16xf32, #tpu.memory_space<vmem>>, vector<400x16xf32>,
    return
  }
  func.func @transform_0(%arg0: i32) -> (i32, i32) {
    %c0_i32 = arith.constant 0 : i32
    %c0_i32_0 = arith.constant 0 : i32
    return %arg0, %c0_i32 : i32, i32
  }
  func.func @transform_1(%arg0: i32) -> (i32, i32) {
    %c0_i32 = arith.constant 0 : i32
    %c0_i32_0 = arith.constant 0 : i32
    %c0_i32_1 = arith.constant 0 : i32
    return %c0_i32, %c0_i32_0 : i32, i32
  }
  func.func @transform_2(%arg0: i32) -> (i32, i32) {
    %c0_i32 = arith.constant 0 : i32
    %c0_i32_0 = arith.constant 0 : i32
    %c0_i32_1 = arith.constant 0 : i32
    return %c0_i32, %c0_i32_0 : i32, i32
  }
  func.func @transform_3(%arg0: i32) -> (i32, i32) {
    %c0_i32 = arith.constant 0 : i32
    %c0_i32_0 = arith.constant 0 : i32
    %c0_i32_1 = arith.constant 0 : i32
    return %c0_i32, %c0_i32_0 : i32, i32
  }
  func.func @transform_4(%arg0: i32) -> (i32, i32) {
    %c0_i32 = arith.constant 0 : i32
    %c0_i32_0 = arith.constant 0 : i32
    return %arg0, %c0_i32 : i32, i32
  }
  func.func @transform_5(%arg0: i32) -> (i32, i32) {
    %c0_i32 = arith.constant 0 : i32
    %c0_i32_0 = arith.constant 0 : i32
    return %arg0, %c0_i32 : i32, i32
  }
  func.func @transform_6(%arg0: i32) -> (i32, i32) {
    %c0_i32 = arith.constant 0 : i32
    %c0_i32_0 = arith.constant 0 : i32
    return %arg0, %c0_i32 : i32, i32
  }
}

module attributes {stable_mosaic.version = 14 : i64} {
  func.func @_combine_body(%arg0: i32, %arg1: memref<2x3128x16xf32, #tpu.memory_space<vmem>>, %arg2: memref<3128x16xf32, #tpu.memory_space<vmem>>) attributes {dimension_semantics = [#tpu.dimension_semantics<arbitrary>], iteration_bounds = array<i64: 16>, scalar_prefetch = 0 : i64, scratch_operands = 0 : i64, tpu.core_type = #tpu.core_type<tc>, window_params = [{transform_indices = @transform_0, window_bounds = array<i64: 2, 3128, 16>}, {transform_indices = @transform_1, window_bounds = array<i64: 3128, 16>}]} {
    %get3A = arith.constant 0 : index
    %get3A_0 = arith.constant 0 : index
    %get3A_1 = arith.constant 0 : index
    %get3A_2 = vector.load %arg1[%get3A, %get3A_0, %get3A_1] : memref<2x3128x16xf32, #tpu.memory_space<vmem>>, vector<1x3128x16xf32>
    %get3A_3 = vector.shape_cast %get3A_2 : vector<1x3128x16xf32> to vector<3128x16xf32>
    %get3A_4 = arith.constant 1 : index
    %get3A_5 = arith.constant 0 : index
    %get3A_6 = arith.constant 0 : index
    %get3A_7 = vector.load %arg1[%get3A_4, %get3A_5, %get3A_6] : memref<2x3128x16xf32, #tpu.memory_space<vmem>>, vector<1x3128x16xf32>
    %get3A_8 = vector.shape_cast %get3A_7 : vector<1x3128x16xf32> to vector<3128x16xf32>
    %add3A = arith.addf %get3A_3, %get3A_8 : vector<3128x16xf32>
    %swap3A = arith.constant 0 : index
    %swap3A_9 = arith.constant 0 : index
    %swap3A_10 = vector.load %arg2[%swap3A, %swap3A_9] : memref<3128x16xf32, #tpu.memory_space<vmem>>, vector<3128x16xf32>
    tpu.vector_store %arg2[%swap3A, %swap3A_9], %add3A {strides = array<i32>} : memref<3128x16xf32, #tpu.memory_space<vmem>>, vector<3128x16xf32>,
    return
  }
  func.func @transform_0(%arg0: i32) -> (i32, i32, i32) {
    %c0_i32 = arith.constant 0 : i32
    %c0_i32_0 = arith.constant 0 : i32
    %c0_i32_1 = arith.constant 0 : i32
    return %c0_i32, %arg0, %c0_i32_0 : i32, i32, i32
  }
  func.func @transform_1(%arg0: i32) -> (i32, i32) {
    %c0_i32 = arith.constant 0 : i32
    %c0_i32_0 = arith.constant 0 : i32
    return %arg0, %c0_i32 : i32, i32
  }
}

module attributes {stable_mosaic.version = 14 : i64} {
  func.func @_nodeproj2_body(%arg0: i32, %arg1: memref<2x2x400x32xf32, #tpu.memory_space<vmem>>, %arg2: memref<64x32xf32, #tpu.memory_space<vmem>>, %arg3: memref<1x32xf32, #tpu.memory_space<vmem>>, %arg4: memref<32x16xf32, #tpu.memory_space<vmem>>, %arg5: memref<400x32xf32, #tpu.memory_space<vmem>>, %arg6: memref<400x16xf32, #tpu.memory_space<vmem>>) attributes {dimension_semantics = [#tpu.dimension_semantics<arbitrary>], iteration_bounds = array<i64: 125>, scalar_prefetch = 0 : i64, scratch_operands = 0 : i64, tpu.core_type = #tpu.core_type<tc>, window_params = [{transform_indices = @transform_0, window_bounds = array<i64: 2, 2, 400, 32>}, {pipeline_mode = #tpu.pipeline_mode<synchronous>, transform_indices = @transform_1, window_bounds = array<i64: 64, 32>}, {pipeline_mode = #tpu.pipeline_mode<synchronous>, transform_indices = @transform_2, window_bounds = array<i64: 1, 32>}, {pipeline_mode = #tpu.pipeline_mode<synchronous>, transform_indices = @transform_3, window_bounds = array<i64: 32, 16>}, {transform_indices = @transform_4, window_bounds = array<i64: 400, 32>}, {transform_indices = @transform_5, window_bounds = array<i64: 400, 16>}]} {
    %get3A = arith.constant 0 : index
    %get3A_0 = arith.constant 0 : index
    %get3A_1 = arith.constant 0 : index
    %get3A_2 = arith.constant 0 : index
    %get3A_3 = vector.load %arg1[%get3A, %get3A_0, %get3A_1, %get3A_2] : memref<2x2x400x32xf32, #tpu.memory_space<vmem>>, vector<1x1x400x32xf32>
    %get3A_4 = vector.shape_cast %get3A_3 : vector<1x1x400x32xf32> to vector<400x32xf32>
    %get3A_5 = arith.constant 1 : index
    %get3A_6 = arith.constant 0 : index
    %get3A_7 = arith.constant 0 : index
    %get3A_8 = arith.constant 0 : index
    %get3A_9 = vector.load %arg1[%get3A_5, %get3A_6, %get3A_7, %get3A_8] : memref<2x2x400x32xf32, #tpu.memory_space<vmem>>, vector<1x1x400x32xf32>
    %get3A_10 = vector.shape_cast %get3A_9 : vector<1x1x400x32xf32> to vector<400x32xf32>
    %add3A = arith.addf %get3A_4, %get3A_10 : vector<400x32xf32>
    %max3A = arith.constant 0.000000e+00 : f32
    %max3A_11 = vector.broadcast %max3A : f32 to vector<400x32xf32>
    %max3A_12 = arith.maximumf %add3A, %max3A_11 : vector<400x32xf32>
    %get3A_13 = arith.constant 0 : index
    %get3A_14 = arith.constant 1 : index
    %get3A_15 = arith.constant 0 : index
    %get3A_16 = arith.constant 0 : index
    %get3A_17 = vector.load %arg1[%get3A_13, %get3A_14, %get3A_15, %get3A_16] : memref<2x2x400x32xf32, #tpu.memory_space<vmem>>, vector<1x1x400x32xf32>
    %get3A_18 = vector.shape_cast %get3A_17 : vector<1x1x400x32xf32> to vector<400x32xf32>
    %get3A_19 = arith.constant 1 : index
    %get3A_20 = arith.constant 1 : index
    %get3A_21 = arith.constant 0 : index
    %get3A_22 = arith.constant 0 : index
    %get3A_23 = vector.load %arg1[%get3A_19, %get3A_20, %get3A_21, %get3A_22] : memref<2x2x400x32xf32, #tpu.memory_space<vmem>>, vector<1x1x400x32xf32>
    %get3A_24 = vector.shape_cast %get3A_23 : vector<1x1x400x32xf32> to vector<400x32xf32>
    %add3A_25 = arith.addf %get3A_18, %get3A_24 : vector<400x32xf32>
    %max3A_26 = arith.constant 0.000000e+00 : f32
    %max3A_27 = vector.broadcast %max3A_26 : f32 to vector<400x32xf32>
    %max3A_28 = arith.maximumf %add3A_25, %max3A_27 : vector<400x32xf32>
    %concatenate3A = tpu.concatenate %max3A_12, %max3A_28 in 1 : vector<400x32xf32>, vector<400x32xf32> -> vector<400x64xf32>
    %get3A_29 = arith.constant 0 : index
    %get3A_30 = arith.constant 0 : index
    %get3A_31 = vector.load %arg2[%get3A_29, %get3A_30] : memref<64x32xf32, #tpu.memory_space<vmem>>, vector<64x32xf32>
    %dot_general3A = arith.constant dense<0.000000e+00> : vector<400x32xf32>
    %dot_general3A_32 = tpu.matmul %concatenate3A, %get3A_31, %dot_general3A {dimension_numbers = #tpu.dot_dimension_numbers<[1], [0], [0], [1], [0, 0, 1, 1], [], []>, transpose_lhs_hint = false} : vector<400x64xf32>, vector<64x32xf32>, vector<400x32xf32> -> vector<400x32xf32>
    %get3A_33 = arith.constant 0 : index
    %get3A_34 = arith.constant 0 : index
    %get3A_35 = vector.load %arg3[%get3A_33, %get3A_34] : memref<1x32xf32, #tpu.memory_space<vmem>>, vector<1x32xf32>
    %add3A_36 = vector.broadcast %get3A_35 : vector<1x32xf32> to vector<400x32xf32>
    %add3A_37 = arith.addf %dot_general3A_32, %add3A_36 : vector<400x32xf32>
    %swap3A = arith.constant 0 : index
    %swap3A_38 = arith.constant 0 : index
    %swap3A_39 = vector.load %arg5[%swap3A, %swap3A_38] : memref<400x32xf32, #tpu.memory_space<vmem>>, vector<400x32xf32>
    tpu.vector_store %arg5[%swap3A, %swap3A_38], %add3A_37 {strides = array<i32>} : memref<400x32xf32, #tpu.memory_space<vmem>>, vector<400x32xf32>,
    %get3A_40 = arith.constant 0 : index
    %get3A_41 = arith.constant 0 : index
    %get3A_42 = vector.load %arg4[%get3A_40, %get3A_41] : memref<32x16xf32, #tpu.memory_space<vmem>>, vector<32x16xf32>
    %dot_general3A_43 = arith.constant dense<0.000000e+00> : vector<400x16xf32>
    %dot_general3A_44 = tpu.matmul %add3A_37, %get3A_42, %dot_general3A_43 {dimension_numbers = #tpu.dot_dimension_numbers<[1], [0], [0], [1], [0, 0, 1, 1], [], []>, transpose_lhs_hint = false} : vector<400x32xf32>, vector<32x16xf32>, vector<400x16xf32> -> vector<400x16xf32>
    %swap3A_45 = arith.constant 0 : index
    %swap3A_46 = arith.constant 0 : index
    %swap3A_47 = vector.load %arg6[%swap3A_45, %swap3A_46] : memref<400x16xf32, #tpu.memory_space<vmem>>, vector<400x16xf32>
    tpu.vector_store %arg6[%swap3A_45, %swap3A_46], %dot_general3A_44 {strides = array<i32>} : memref<400x16xf32, #tpu.memory_space<vmem>>, vector<400x16xf32>,
    return
  }
  func.func @transform_0(%arg0: i32) -> (i32, i32, i32, i32) {
    %c0_i32 = arith.constant 0 : i32
    %c0_i32_0 = arith.constant 0 : i32
    %c0_i32_1 = arith.constant 0 : i32
    %c0_i32_2 = arith.constant 0 : i32
    return %c0_i32, %c0_i32_0, %arg0, %c0_i32_1 : i32, i32, i32, i32
  }
  func.func @transform_1(%arg0: i32) -> (i32, i32) {
    %c0_i32 = arith.constant 0 : i32
    %c0_i32_0 = arith.constant 0 : i32
    %c0_i32_1 = arith.constant 0 : i32
    return %c0_i32, %c0_i32_0 : i32, i32
  }
  func.func @transform_2(%arg0: i32) -> (i32, i32) {
    %c0_i32 = arith.constant 0 : i32
    %c0_i32_0 = arith.constant 0 : i32
    %c0_i32_1 = arith.constant 0 : i32
    return %c0_i32, %c0_i32_0 : i32, i32
  }
  func.func @transform_3(%arg0: i32) -> (i32, i32) {
    %c0_i32 = arith.constant 0 : i32
    %c0_i32_0 = arith.constant 0 : i32
    %c0_i32_1 = arith.constant 0 : i32
    return %c0_i32, %c0_i32_0 : i32, i32
  }
  func.func @transform_4(%arg0: i32) -> (i32, i32) {
    %c0_i32 = arith.constant 0 : i32
    %c0_i32_0 = arith.constant 0 : i32
    return %arg0, %c0_i32 : i32, i32
  }
  func.func @transform_5(%arg0: i32) -> (i32, i32) {
    %c0_i32 = arith.constant 0 : i32
    %c0_i32_0 = arith.constant 0 : i32
    return %arg0, %c0_i32 : i32, i32
  }
}

module attributes {stable_mosaic.version = 14 : i64} {
  func.func @_final_body(%arg0: i32, %arg1: memref<2x400x32xf32, #tpu.memory_space<vmem>>, %arg2: memref<32x32xf32, #tpu.memory_space<vmem>>, %arg3: memref<1x32xf32, #tpu.memory_space<vmem>>, %arg4: memref<32x1xf32, #tpu.memory_space<vmem>>, %arg5: memref<1x1xf32, #tpu.memory_space<vmem>>, %arg6: memref<400x32xf32, #tpu.memory_space<vmem>>, %arg7: memref<400x1xf32, #tpu.memory_space<vmem>>) attributes {dimension_semantics = [#tpu.dimension_semantics<arbitrary>], iteration_bounds = array<i64: 125>, scalar_prefetch = 0 : i64, scratch_operands = 0 : i64, tpu.core_type = #tpu.core_type<tc>, window_params = [{transform_indices = @transform_0, window_bounds = array<i64: 2, 400, 32>}, {pipeline_mode = #tpu.pipeline_mode<synchronous>, transform_indices = @transform_1, window_bounds = array<i64: 32, 32>}, {pipeline_mode = #tpu.pipeline_mode<synchronous>, transform_indices = @transform_2, window_bounds = array<i64: 1, 32>}, {pipeline_mode = #tpu.pipeline_mode<synchronous>, transform_indices = @transform_3, window_bounds = array<i64: 32, 1>}, {pipeline_mode = #tpu.pipeline_mode<synchronous>, transform_indices = @transform_4, window_bounds = array<i64: 1, 1>}, {transform_indices = @transform_5, window_bounds = array<i64: 400, 32>}, {transform_indices = @transform_6, window_bounds = array<i64: 400, 1>}]} {
    %get3A = arith.constant 0 : index
    %get3A_0 = arith.constant 0 : index
    %get3A_1 = arith.constant 0 : index
    %get3A_2 = vector.load %arg1[%get3A, %get3A_0, %get3A_1] : memref<2x400x32xf32, #tpu.memory_space<vmem>>, vector<1x400x32xf32>
    %get3A_3 = vector.shape_cast %get3A_2 : vector<1x400x32xf32> to vector<400x32xf32>
    %get3A_4 = arith.constant 1 : index
    %get3A_5 = arith.constant 0 : index
    %get3A_6 = arith.constant 0 : index
    %get3A_7 = vector.load %arg1[%get3A_4, %get3A_5, %get3A_6] : memref<2x400x32xf32, #tpu.memory_space<vmem>>, vector<1x400x32xf32>
    %get3A_8 = vector.shape_cast %get3A_7 : vector<1x400x32xf32> to vector<400x32xf32>
    %add3A = arith.addf %get3A_3, %get3A_8 : vector<400x32xf32>
    %swap3A = arith.constant 0 : index
    %swap3A_9 = arith.constant 0 : index
    %swap3A_10 = vector.load %arg6[%swap3A, %swap3A_9] : memref<400x32xf32, #tpu.memory_space<vmem>>, vector<400x32xf32>
    tpu.vector_store %arg6[%swap3A, %swap3A_9], %add3A {strides = array<i32>} : memref<400x32xf32, #tpu.memory_space<vmem>>, vector<400x32xf32>,
    %get3A_11 = arith.constant 0 : index
    %get3A_12 = arith.constant 0 : index
    %get3A_13 = vector.load %arg2[%get3A_11, %get3A_12] : memref<32x32xf32, #tpu.memory_space<vmem>>, vector<32x32xf32>
    %dot_general3A = arith.constant dense<0.000000e+00> : vector<400x32xf32>
    %dot_general3A_14 = tpu.matmul %add3A, %get3A_13, %dot_general3A {dimension_numbers = #tpu.dot_dimension_numbers<[1], [0], [0], [1], [0, 0, 1, 1], [], []>, transpose_lhs_hint = false} : vector<400x32xf32>, vector<32x32xf32>, vector<400x32xf32> -> vector<400x32xf32>
    %get3A_15 = arith.constant 0 : index
    %get3A_16 = arith.constant 0 : index
    %get3A_17 = vector.load %arg3[%get3A_15, %get3A_16] : memref<1x32xf32, #tpu.memory_space<vmem>>, vector<1x32xf32>
    %add3A_18 = vector.broadcast %get3A_17 : vector<1x32xf32> to vector<400x32xf32>
    %add3A_19 = arith.addf %dot_general3A_14, %add3A_18 : vector<400x32xf32>
    %max3A = arith.constant 0.000000e+00 : f32
    %max3A_20 = vector.broadcast %max3A : f32 to vector<400x32xf32>
    %max3A_21 = arith.maximumf %add3A_19, %max3A_20 : vector<400x32xf32>
    %get3A_22 = arith.constant 0 : index
    %get3A_23 = arith.constant 0 : index
    %get3A_24 = vector.load %arg4[%get3A_22, %get3A_23] : memref<32x1xf32, #tpu.memory_space<vmem>>, vector<32x1xf32>
    %dot_general3A_25 = arith.constant dense<0.000000e+00> : vector<400x1xf32>
    %dot_general3A_26 = tpu.matmul %max3A_21, %get3A_24, %dot_general3A_25 {dimension_numbers = #tpu.dot_dimension_numbers<[1], [0], [0], [1], [0, 0, 1, 1], [], []>, transpose_lhs_hint = false} : vector<400x32xf32>, vector<32x1xf32>, vector<400x1xf32> -> vector<400x1xf32>
    %get3A_27 = arith.constant 0 : index
    %get3A_28 = arith.constant 0 : index
    %get3A_29 = vector.load %arg5[%get3A_27, %get3A_28] : memref<1x1xf32, #tpu.memory_space<vmem>>, vector<1x1xf32>
    %add3A_30 = vector.broadcast %get3A_29 : vector<1x1xf32> to vector<400x1xf32>
    %add3A_31 = arith.addf %dot_general3A_26, %add3A_30 : vector<400x1xf32>
    %swap3A_32 = arith.constant 0 : index
    %swap3A_33 = arith.constant 0 : index
    %swap3A_34 = vector.load %arg7[%swap3A_32, %swap3A_33] : memref<400x1xf32, #tpu.memory_space<vmem>>, vector<400x1xf32>
    tpu.vector_store %arg7[%swap3A_32, %swap3A_33], %add3A_31 {strides = array<i32>} : memref<400x1xf32, #tpu.memory_space<vmem>>, vector<400x1xf32>,
    return
  }
  func.func @transform_0(%arg0: i32) -> (i32, i32, i32) {
    %c0_i32 = arith.constant 0 : i32
    %c0_i32_0 = arith.constant 0 : i32
    %c0_i32_1 = arith.constant 0 : i32
    return %c0_i32, %arg0, %c0_i32_0 : i32, i32, i32
  }
  func.func @transform_1(%arg0: i32) -> (i32, i32) {
    %c0_i32 = arith.constant 0 : i32
    %c0_i32_0 = arith.constant 0 : i32
    %c0_i32_1 = arith.constant 0 : i32
    return %c0_i32, %c0_i32_0 : i32, i32
  }
  func.func @transform_2(%arg0: i32) -> (i32, i32) {
    %c0_i32 = arith.constant 0 : i32
    %c0_i32_0 = arith.constant 0 : i32
    %c0_i32_1 = arith.constant 0 : i32
    return %c0_i32, %c0_i32_0 : i32, i32
  }
  func.func @transform_3(%arg0: i32) -> (i32, i32) {
    %c0_i32 = arith.constant 0 : i32
    %c0_i32_0 = arith.constant 0 : i32
    %c0_i32_1 = arith.constant 0 : i32
    return %c0_i32, %c0_i32_0 : i32, i32
  }
  func.func @transform_4(%arg0: i32) -> (i32, i32) {
    %c0_i32 = arith.constant 0 : i32
    %c0_i32_0 = arith.constant 0 : i32
    %c0_i32_1 = arith.constant 0 : i32
    return %c0_i32, %c0_i32_0 : i32, i32
  }
  func.func @transform_5(%arg0: i32) -> (i32, i32) {
    %c0_i32 = arith.constant 0 : i32
    %c0_i32_0 = arith.constant 0 : i32
    return %arg0, %c0_i32 : i32, i32
  }
  func.func @transform_6(%arg0: i32) -> (i32, i32) {
    %c0_i32 = arith.constant 0 : i32
    %c0_i32_0 = arith.constant 0 : i32
    return %arg0, %c0_i32 : i32, i32
  }
}

</mosaic_0001>

<sc_bundles>
// kernel: kernel.13.cloned.1.call-start
scs
__scs_entry_jumppad:
0x0: {  	(pc) =	sbr.rel $0x88, $3  }
0x1: {  	(tag) =	ssettag $0x0;
	lr =	simm.s32 $0x1  }
0x2: {  	[smem:$0x3F89] =	sst lr;
	_ =	strace $0xD0000000  }
0x3: {  	_ = 	snop  }
0x4: {  	_ = 	snop  }
0x5: {  	_ = 	snop  }
0x6: {  	_ = 	snop  }
0x7: {  	_ = 	snop  }
__scs_overlays_trampoline_lowered:
0x8: {  	[smem:$0x3F98] =	sst s0  }
0x9: {  	[smem:$0x3F99] =	sst s1  }
0xa: {  	[smem:$0x3F9A] =	sst s2  }
0xb: {  	[smem:$0x3F9B] =	sst s3  }
0xc: {  	[smem:$0x3F9C] =	sst s4  }
0xd: {  	[smem:$0x3F9D] =	sst s5  }
0xe: {  	[smem:$0x3F9E] =	sst s6  }
0xf: {  	[smem:$0x3F9F] =	sst s7  }
0x10: {  	[smem:$0x3FA0] =	sst s8  }
0x11: {  	[smem:$0x3FA1] =	sst s9;
	s0 =	simm.s32 @!p0 $0x0  }
0x12: {  	s1 =	sld [smem:$0x3F87];
	s0 =	simm.s32 @p0 $0x1  }
0x13: {  	[smem:$0x3FA2] =	sst s0;
	s0 =	simm.s32 @!p1 $0x0  }
0x14: {  	s2 =	sld [smem:$0x3F86];
	s0 =	simm.s32 @p1 $0x1  }
0x15: {  	[smem:$0x3FA3] =	sst s0;
	s0 =	simm.s32 @!p2 $0x0  }
0x16: {  	s3 =	sld [smem:$0x3FDB];
	s0 =	simm.s32 @p2 $0x1  }
0x17: {  	s4 =	simm.s32 $0x1BF5;
	[smem:$0x3FA5] =	sst s0  }
0x18: {  	s0 =	sld [smem:$0x3F88];
	_ =	swait.ge [sflag:s4], $0x0  }
0x19: {  	s7 =	sld [smem:$0x3F89]  }
0x1a: {  	s8 =	sadd.s32 $0xFFFFE003, lr  }
0x1b: {  	s9 =	sadd.s32 $0xFFFFFEF7, lr;
	s5 =	simm.s32 $0xFFFFFFFF;
	p2 =	slt.u32 s8, $0xFFFFF086  }
0x1c: {  	p1 =	slt.u32 s9, $0xF7A;
	s5 =	simm.s32 @!p2 $0x0  }
0x1d: {  	s5 =	simm.s32 @p1 $0x1;
	p0 =	seq.s32 s7, s2  }
0x1e: {  	s7 =	smul.u32 @!p0 $0xF7A, s2;
	p2 =	seq.s32 @!p0 s5, $0x0  }
0x1f: {  	s9 =	smul.u32 $0xF7A, s1;
	s8 =	simm.s32 @!p0 $0x1BF5;
	p2 =	por !p2, p0  }
0x20: {  	[sflag:s8] =	ssyncset.s32 @!p0 $0xFFFFF086;
	s6 =	sadd.s32 @!p0 s3, s7;
	s7 =	simm.s32 @!p0 $0x108  }
0x21: {  	s3 =	sadd.s32 s3, s9;
	s6 =	sadd.s32 @!p0 $0x88, s6;
	s7 =	simm.s32 @p2 $0x1082  }
0x22: {  	[simem:s7], [sflag:s8] =	dma.local @!p0 [hbm:s6], $0xF7A  }
0x23: {  	s9 =	sor.u32 $0xD0000000, s2;
	s6 =	simm.s32 $0x108;
	_ =	swait.ge @!p0 [sflag:s8], $0x0  }
0x24: {  	s3 =	sadd.s32 $0x88, s3;
	s6 =	simm.s32 @!p1 $0x1082;
	[sflag:s4] =	ssyncset.s32 $0xFFFFF086  }
0x25: {  	[simem:s6], [sflag:s4] =	dma.local [hbm:s3], $0xF7A  }
0x26: {  	[smem:$0x3F89] =	sst s1;
	(tag) =	ssettag s2;
	_ =	strace s9  }
0x27: {  	s1 =	sld [smem:$0x3F99]  }
0x28: {  	s2 =	sld [smem:$0x3F9A]  }
0x29: {  	s4 =	sld [smem:$0x3F9C]  }
0x2a: {  	p0 =	seq.s32 s5, $0x0;
	s5 =	sld [smem:$0x3F9D]  }
0x2b: {  	s6 =	sld [smem:$0x3F9E]  }
0x2c: {  	s7 =	sld [smem:$0x3F9F]  }
0x2d: {  	s3 =	simm.s32 $0x108;
	s8 =	sld [smem:$0x3FA0]  }
0x2e: {  	s3 =	simm.s32 @!p0 $0x1082;
	s9 =	sld [smem:$0x3FA1]  }
0x2f: {  	lr =	sadd.s32 s0, s3;
	s0 =	sld [smem:$0x3F98]  }
0x30: {  	s3 =	sld [smem:$0x3F9B]  }
0x31: {  	[smem:$0x3FA4] =	sst s10  }
0x32: {  	s10 =	sld [smem:$0x3FA2];
	_ =	sdelay $0x3  }
0x33: {  	p0 =	seq.s32 s10, $0x1;
	s10 =	sld [smem:$0x3FA4];
	_ =	sdelay $0x3  }
0x34: {  	[smem:$0x3FA4] =	sst s10  }
0x35: {  	s10 =	sld [smem:$0x3FA3];
	_ =	sdelay $0x3  }
0x36: {  	p1 =	seq.s32 s10, $0x1;
	s10 =	sld [smem:$0x3FA4];
	_ =	sdelay $0x3  }
0x37: {  	[smem:$0x3FA4] =	sst s10  }
0x38: {  	s10 =	sld [smem:$0x3FA5]  }
0x39: {  	_ = 	snop;
	(pc) =	sbr.ind lr, $3  }
0x3a: {  	_ = 	snop  }
0x3b: {  	_ = 	snop  }
0x3c: {  	p2 =	seq.s32 s10, $0x1;
	s10 =	sld [smem:$0x3FA4]  }
0x3d: {  	_ =	shalt  }
0x3e: {  	_ =	shalt  }
0x3f: {  	_ =	shalt  }
0x40: {  	_ =	shalt  }
0x41: {  	_ =	shalt  }
0x42: {  	_ =	shalt  }
0x43: {  	_ =	shalt  }
0x44: {  	_ =	shalt  }
0x45: {  	_ =	shalt  }
0x46: {  	_ =	shalt  }
0x47: {  	_ =	shalt  }
0x48: {  	_ =	shalt  }
0x49: {  	_ =	shalt  }
0x4a: {  	_ =	shalt  }
0x4b: {  	_ =	shalt  }
0x4c: {  	_ =	shalt  }
0x4d: {  	_ =	shalt  }
0x4e: {  	_ =	shalt  }
0x4f: {  	_ =	shalt  }
0x50: {  	_ =	shalt  }
0x51: {  	_ =	shalt  }
0x52: {  	_ =	shalt  }
0x53: {  	_ =	shalt  }
0x54: {  	_ =	shalt  }
0x55: {  	_ =	shalt  }
0x56: {  	_ =	shalt  }
0x57: {  	_ =	shalt  }
0x58: {  	_ =	shalt  }
0x59: {  	_ =	shalt  }
0x5a: {  	_ =	shalt  }
0x5b: {  	_ =	shalt  }
0x5c: {  	_ =	shalt  }
0x5d: {  	_ =	shalt  }
0x5e: {  	_ =	shalt  }
0x5f: {  	_ =	shalt  }
0x60: {  	_ =	shalt  }
0x61: {  	_ =	shalt  }
0x62: {  	_ =	shalt  }
0x63: {  	_ =	shalt  }
0x64: {  	_ =	shalt  }
0x65: {  	_ =	shalt  }
0x66: {  	_ =	shalt  }
0x67: {  	_ =	shalt  }
0x68: {  	_ =	shalt  }
0x69: {  	_ =	shalt  }
0x6a: {  	_ =	shalt  }
0x6b: {  	_ =	shalt  }
0x6c: {  	_ =	shalt  }
0x6d: {  	_ =	shalt  }
0x6e: {  	_ =	shalt  }
0x6f: {  	_ =	shalt  }
0x70: {  	_ =	shalt  }
0x71: {  	_ =	shalt  }
0x72: {  	_ =	shalt  }
0x73: {  	_ =	shalt  }
0x74: {  	_ =	shalt  }
0x75: {  	_ =	shalt  }
0x76: {  	_ =	shalt  }
0x77: {  	_ =	shalt  }
0x78: {  	_ =	shalt  }
0x79: {  	_ =	shalt  }
0x7a: {  	_ =	shalt  }
0x7b: {  	_ =	shalt  }
0x7c: {  	_ =	shalt  }
0x7d: {  	_ =	shalt  }
0x7e: {  	_ =	shalt  }
0x7f: {  	_ =	shalt  }
0x80: {  	_ =	shalt  }
0x81: {  	_ =	shalt  }
0x82: {  	_ =	shalt  }
0x83: {  	_ =	shalt  }
0x84: {  	_ =	shalt  }
0x85: {  	_ =	shalt  }
0x86: {  	_ =	shalt  }
0x87: {  	_ =	shalt  }
.Lfunc_end0:
.L_simem_size_0:
called_computation_lowered:
.L_overlay_start_0:
0x88: {  	s2 =	sld [smem:$0x3FD9]  }
0x89: {  	s3 =	sld [smem:$0x3FFE];
	_ =	sdelay $0x1  }
0x8a: {  	s1 =	srdreg.scid  }
0x8b: {  	s0 =	sand.u32 $0x1, s1  }
0x8c: {  	s14 =	sshll.u32 s0, $0xA;
	s2 =	sadd.s32 s3, s2  }
0x8d: {  	s2 =	sadd.s32 s2, s14  }
0x8e: {  	[smem:$0x3FB0] =	sst s2  }
0x8f: {  	_ = 	snop  }
0x90: {  	s2 =	sld [smem:$0x3FD0];
	_ =	sdelay $0x2  }
0x91: {  	s15 =	simm.s32 $0xA;
	s4 =	simm.s32 $0x10  }
0x92: {  	[smem:s4], [sflag:s15] =	dma.local [hbm:s2], $0x1  }
0x93: {  	_ =	swait.eq [sflag:s15], $0x1  }
0x94: {  	[sflag:s15] =	ssyncset.done $0x0  }
0x95: {  	s16 =	sld [smem:$0x10];
	[sflag:s15] =	ssyncadd.s32 $0xFFFFFFFF  }
0x96: {  	s17 =	sld [smem:$0x11];
	(tm) =	ssettm $0x1  }
0x97: {  	s18 =	sld [smem:$0x3FFB];
	_ =	sdelay $0x3  }
0x98: {  	_ =	strace s18  }
0x99: {  	s4 =	sld [smem:$0x3FFC];
	_ =	sdelay $0x3  }
0x9a: {  	_ =	strace s4  }
0x9b: {  	s4 =	sld [smem:$0x3FFD];
	_ =	sdelay $0x3  }
0x9c: {  	_ =	strace s4  }
0x9d: {  	_ =	strace $0x8FFFFFFF  }
0x9e: {  	s19 =	sld [smem:$0x3FDB];
	_ =	sdelay $0x1  }
0x9f: {  	s5 =	simm.s32 $_scs_section_size  }
0xa0: {  	s6 =	simm.s32 $_size__tile_overlayer_lowered;
	s7 =	simm.s32 $_tile_overlayer_lowered  }
0xa1: {  	s22 =	simm.s32 $0x1BFF;
	s21 =	sshll.u32 s7, $0x1;
	s4 =	sadd.s32 s5, s19  }
0xa2: {  	s8 =	simm.s32 $0x0;
	s20 =	sshll.u32 s6, $0x1;
	s6 =	sadd.s32 s21, s4  }
0xa3: {  	[timem:s8], [sflag:s22] =	dma.local [hbm:s6], s20  }
0xa4: {  	_ =	swait.ge [sflag:s22], s20  }
0xa5: {  	s5 =	ssub.s32 $0x0, s20;
	[sflag:s22] =	ssyncset.done $0x0  }
0xa6: {  	[sflag:s22] =	ssyncadd.s32 s5;
	_ =	sdelay $0x1  }
0xa7: {  	s23 =	simm.s32 $0x1B8B  }
0xa8: {  	_ =	swait.ge [sflag:s23], $0x1  }
0xa9: {  	[sflag:s23] =	ssyncset.done $0x0  }
0xaa: {  	s25 =	simm.s32 $0x1B8E;
	s24 =	sld [smem:$0x3FFE];
	[sflag:s23] =	ssyncadd.s32 $0xFFFFFFFF  }
0xab: {  	s26 =	simm.s32 $execute0_lowered;
	[smem:$0x3FD2] =	sst s25  }
0xac: {  	s6 =	sshll.u32 s26, $0x1;
	_ =	strace $0x80000046;
	[dreg:$0x1] =	wrdreg $0xFFFFFFFF  }
0xad: {  	s28 =	simm.s32 $_size_execute0_lowered;
	s4 =	sadd.s32 s4, s6;
	[dreg:$0x0] =	wrdreg $0x0  }
0xae: {  	s6 =	sshll.u32 s28, $0x1;
	[dreg:$0x2] =	wrdreg s4  }
0xaf: {  	[dreg:$0x3] =	wrdreg s6  }
0xb0: {  	[dreg:$0x4] =	wrdreg $0xC0  }
0xb1: {  	_ =	task [dreg:s8], $0x5FFFF  }
0xb2: {  	[dreg:$0x1] =	wrdreg $0xFFFFFFFF  }
0xb3: {  	[dreg:$0x0] =	wrdreg $0x60  }
0xb4: {  	[dreg:$0x2] =	wrdreg s24  }
0xb5: {  	[dreg:$0x3] =	wrdreg s16  }
0xb6: {  	[dreg:$0x4] =	wrdreg s17  }
0xb7: {  	[dreg:$0x5] =	wrdreg $0xD8100  }
0xb8: {  	[dreg:$0x6] =	wrdreg $0x9  }
0xb9: {  	_ =	task.clear_ibuf [dreg:s8], $0x7FFFF;
	_ =	strace $0x90000046  }
0xba: {  	s29 =	simm.s32 $0x9;
	_ =	strace $0x80000048  }
0xbb: {  	_ =	swait.ge [sflag:s29], $0x1  }
0xbc: {  	[sflag:s29] =	ssyncadd.s32 $0xFFFFFFFF  }
0xbd: {  	_ =	strace $0x90000048  }
0xbe: {  	_ =	sfence  }
0xbf: {  	s30 =	sld [smem:$0x0];
	_ =	sdelay $0x2  }
0xc0: {  	s31 =	sshll.u32 s1, $0xD;
	s1 =	sshrl.u32 s1, $0x2  }
0xc1: {  	s3 =	sand.u32 $0x4000, s31;
	s1 =	sadd.s32 s1, s30  }
0xc2: {  	s0 =	sor.u32 s3, s0;
	s1 =	sshll.u32 s1, $0x11  }
0xc3: {  	s0 =	sor.u32 s1, s0  }
0xc4: {  	s0 =	sadd.s32 $0x8F2B, s0  }
0xc5: {  	[sflag:s0] =	ssyncadd.remote.s32 $0x1  }
0xc6: {  	_ =	sfence.sel $0xFFFF  }
0xc7: {  	[dreg:$0x0] =	wrdreg $0xFFFFFFFF;
	(pc) =	sbr.abs _section_cstart, $3  }
0xc8: {  	[dreg:$0x1] =	wrdreg $0xFFFFFFFF  }
0xc9: {  	_ =	task.clear_ibuf [dreg:s8], $0x2FFFF;
	_ =	strace $0x9FFFFFFF  }
0xca: {  	(tm) =	ssettm $0x7FFFFFFF  }
0xcb: {  	_ =	shalt  }
tec
execute0_lowered:
.L_overlay_start_1:
0x0: {  	(tag) =	ssettag $0x1  }
0x1: {  	s0 =	rddreg [dreg:$0x0]  }
0x2: {  	s1 =	rddreg [dreg:$0x2]  }
0x3: {  	s2 =	rddreg [dreg:$0x3]  }
0x4: {  	s3 =	simm.s32 $0x0;
	s20 =	srdreg.scid;
	s12 =	stileid.u32  }
0x5: {  	s26 =	simm.s32 $0x5;
	s15 =	simm.s32 $0x400;
	s16 =	simm.s32 $0x1  }
0x6: {  	s17 =	simm.s32 $0x4;
	s18 =	simm.s32 $0x80;
	s28 =	simm.s32 $0x500  }
0x7: {  	s30 =	simm.s32 $0x780;
	s19 =	simm.s32 $0xB810;
	s29 =	simm.s32 $0x0  }
0x8: {  	[smem:$0x7FF] =	sst s3;
	s4 =	sadd.s32 $0x9C400, s0;
	s3 =	sand.u32 $0x1, s20  }
0x9: {  	s6 =	sadd.s32 $0x83400, s0;
	s7 =	sadd.s32 $0x6AC00, s0;
	s8 =	sadd.s32 $0x6C00, s0  }
0xa: {  	s9 =	sadd.s32 $0xB5400, s0;
	s22 =	smul.u32 $0xC380, s12;
	s11 =	sshll.u32 s12, $0x6  }
0xb: {  	s20 =	simm.s32 $0xC010;
	_ =	strace $0x80000047;
	s5 =	ssub.s32 $0x2, s3  }
0xc: {  	s23 =	sshll.u32 s3, $0x4;
	s3 =	smul.u32 $0x18700, s3;
	s13 =	sor.u32 $0x1C05, s11  }
0xd: {  	s10 =	sshrl.u32 s5, $0x1;
	s24 =	sadd.s32 s22, s2;
	s25 =	sshrl.u32 s22, $0x3  }
0xe: {  	s22 =	simm.s32 $0x480;
	[dreg:$0x5] =	wrdreg s13;
	s21 =	ssub.s32 s5, s10  }
0xf: {  	v0 =	vimm.s32 $0x3210FEDC;
	v1 =	vimm.s32 $0xBA987654;
	s10 =	sor.u32 s12, s23;
	s1 =	sadd.s32 s1, s3;
	s14 =	sshrl.u32 s24, $0x3  }
0x10: {  	v0 =	vunpack.c.l.s4.s8 v0;
	v1 =	vunpack.c.l.s4.s8 v1;
	s24 =	simm.s32 $0x600;
	s3 =	simm.s32 $0x680;
	s23 =	simm.s32 $0x700  }
0x11: {  	s5 =	simm.s32 $0x2;
	s12 =	simm.s32 $0x9810;
	s11 =	smul.u32 $0x19, s10  }
0x12: {  	v2 =	vunpack.c.0.s8.s32 v0;
	v1 =	vunpack.c.0.s8.s32 v1;
	s0 =	smax.u32 s21, $0x1;
	s31 =	sadd.s32 s25, s1;
	[dreg:$0x7] =	wrdreg s14  }
0x13: {  	s1 =	simm.s32 $0x3;
	s21 =	simm.s32 $0xC810;
	[dreg:$0x6] =	wrdreg s0  }
0x14: {  	v0 =	vimm.f32 $0.0e+00;
	v1 =	vcombine.low v1, v2;
	s25 =	simm.s32 $0xD010;
	[dreg:$0x8] =	wrdreg s31;
	s0 =	simm.s32 $0x580  }
.LBB2_1:
0x15: {  	[dreg:$0x9] =	wrdreg s29  }
0x16: {  	s10 =	rddreg [dreg:$0x1]  }
0x17: {  	[spmem:s14], [sflag:s13] =	dma.local [hbm:s10], $0x1870  }
0x18: {  	_ =	swait.ge [sflag:s26], $0x1870  }
0x19: {  	[sflag:s26] =	ssyncset.done $0x0  }
0x1a: {  	[sflag:s26] =	ssyncadd.s32 $0xFFFFE790  }
0x1b: {  	[tilespmem:$0x9800] =	vst v0  }
0x1c: {  	s26 =	simm.s32 $0x0;
	[bflag:$0x0] =	sbarrier.arrive $0xFFFF  }
.LBB2_2:
0x1d: {  	s29 =	sadd.s32 s11, s26  }
0x1e: {  	s10 =	sshll.u32 s29, $0x7  }
0x1f: {  	s14 =	simm.s32 $0x0;
	s13 =	sadd.s32 s4, s10  }
0x20: {  	[tilespmem:s14], [sflag:$0x1] =	stream.linear.gather [hbm4b:s13+s14], $0x400, $0x38;
	[tilespmem:$0x19B90] =	vst v63  }
0x21: {  	s10 =	sadd.s32 s6, s10;
	s13 =	sshll.u32 s29, $0x9  }
0x22: {  	[tilespmem:s15], [sflag:$0x1] =	stream.linear.gather [hbm4b:s10+s14], $0x400, $0x38;
	[tilespmem:$0x19B90] =	vst v63  }
0x23: {  	s31 =	simm.s32 $0x8800;
	s10 =	sadd.s32 s8, s13  }
0x24: {  	[tilespmem:s31], [sflag:$0x4] =	stream.linear.gather [hbm4b:s10+s14], $0x1000, $0x38;
	[tilespmem:$0x19B90] =	vst v63  }
0x25: {  	_ =	swait.ge [sflag:s16], $0x400  }
0x26: {  	[sflag:s16] =	ssyncset.done $0x0  }
0x27: {  	[sflag:s16] =	ssyncadd.s32 $0xFFFFFC00  }
0x28: {  	_ =	swait.ge [sflag:s16], $0x400  }
0x29: {  	[sflag:s16] =	ssyncset.done $0x0  }
0x2a: {  	[sflag:s16] =	ssyncadd.s32 $0xFFFFFC00  }
0x2b: {  	_ =	swait.ge [sflag:s17], $0x1000  }
0x2c: {  	[sflag:s17] =	ssyncset.done $0x0  }
0x2d: {  	s13 =	simm.s32 $0x800;
	[sflag:s17] =	ssyncadd.s32 $0xFFFFF000  }
0x2e: {  	[tilespmem:s13], [sflag:$0x2] =	stream.indirect.gather [hbm4b:s7+s18], $0x10, s14, s18, $0xb8;
	[tilespmem:$0x19B90] =	vst v63  }
0x2f: {  	s14 =	simm.s32 $0x4800  }
0x30: {  	[tilespmem:s14], [sflag:$0x3] =	stream.indirect.gather [hbm4b:s7+s18], $0x10, s15, s18, $0xb8;
	[tilespmem:$0x19B90] =	vst v63  }
0x31: {  	s13 =	simm.s32 $0x1000  }
0x32: {  	[tilespmem:s13], [sflag:$0x2] =	stream.indirect.gather [hbm4b:s7+s18], $0x10, s18, s18, $0xb8;
	[tilespmem:$0x19B90] =	vst v63  }
0x33: {  	s14 =	simm.s32 $0x5000  }
0x34: {  	[tilespmem:s14], [sflag:$0x3] =	stream.indirect.gather [hbm4b:s7+s18], $0x10, s22, s18, $0xb8;
	[tilespmem:$0x19B90] =	vst v63  }
0x35: {  	s13 =	simm.s32 $0x100;
	s14 =	simm.s32 $0x1800  }
0x36: {  	[tilespmem:s14], [sflag:$0x2] =	stream.indirect.gather [hbm4b:s7+s18], $0x10, s13, s18, $0xb8;
	[tilespmem:$0x19B90] =	vst v63  }
0x37: {  	s14 =	simm.s32 $0x5800  }
0x38: {  	[tilespmem:s14], [sflag:$0x3] =	stream.indirect.gather [hbm4b:s7+s18], $0x10, s28, s18, $0xb8;
	[tilespmem:$0x19B90] =	vst v63  }
0x39: {  	s13 =	simm.s32 $0x180;
	s14 =	simm.s32 $0x2000  }
0x3a: {  	[tilespmem:s14], [sflag:$0x2] =	stream.indirect.gather [hbm4b:s7+s18], $0x10, s13, s18, $0xb8;
	[tilespmem:$0x19B90] =	vst v63  }
0x3b: {  	s14 =	simm.s32 $0x6000  }
0x3c: {  	[tilespmem:s14], [sflag:$0x3] =	stream.indirect.gather [hbm4b:s7+s18], $0x10, s0, s18, $0xb8;
	[tilespmem:$0x19B90] =	vst v63  }
0x3d: {  	s13 =	simm.s32 $0x200;
	s14 =	simm.s32 $0x2800  }
0x3e: {  	[tilespmem:s14], [sflag:$0x2] =	stream.indirect.gather [hbm4b:s7+s18], $0x10, s13, s18, $0xb8;
	[tilespmem:$0x19B90] =	vst v63  }
0x3f: {  	s14 =	simm.s32 $0x6800  }
0x40: {  	[tilespmem:s14], [sflag:$0x3] =	stream.indirect.gather [hbm4b:s7+s18], $0x10, s24, s18, $0xb8;
	[tilespmem:$0x19B90] =	vst v63  }
0x41: {  	s13 =	simm.s32 $0x280;
	s14 =	simm.s32 $0x3000  }
0x42: {  	[tilespmem:s14], [sflag:$0x2] =	stream.indirect.gather [hbm4b:s7+s18], $0x10, s13, s18, $0xb8;
	[tilespmem:$0x19B90] =	vst v63  }
0x43: {  	s14 =	simm.s32 $0x7000  }
0x44: {  	[tilespmem:s14], [sflag:$0x3] =	stream.indirect.gather [hbm4b:s7+s18], $0x10, s3, s18, $0xb8;
	[tilespmem:$0x19B90] =	vst v63  }
0x45: {  	s13 =	simm.s32 $0x300;
	s14 =	simm.s32 $0x3800  }
0x46: {  	[tilespmem:s14], [sflag:$0x2] =	stream.indirect.gather [hbm4b:s7+s18], $0x10, s13, s18, $0xb8;
	[tilespmem:$0x19B90] =	vst v63  }
0x47: {  	s14 =	simm.s32 $0x7800  }
0x48: {  	[tilespmem:s14], [sflag:$0x3] =	stream.indirect.gather [hbm4b:s7+s18], $0x10, s23, s18, $0xb8;
	[tilespmem:$0x19B90] =	vst v63  }
0x49: {  	s13 =	simm.s32 $0x380;
	s14 =	simm.s32 $0x4000  }
0x4a: {  	[tilespmem:s14], [sflag:$0x2] =	stream.indirect.gather [hbm4b:s7+s18], $0x10, s13, s18, $0xb8;
	[tilespmem:$0x19B90] =	vst v63  }
0x4b: {  	s14 =	simm.s32 $0x8000  }
0x4c: {  	[tilespmem:s14], [sflag:$0x3] =	stream.indirect.gather [hbm4b:s7+s18], $0x10, s30, s18, $0xb8;
	[tilespmem:$0x19B90] =	vst v63  }
0x4d: {  	_ =	swait.ge [sflag:s5], $0x800  }
0x4e: {  	[sflag:s5] =	ssyncset.done $0x0  }
0x4f: {  	[sflag:s5] =	ssyncadd.s32 $0xFFFFF800  }
0x50: {  	_ =	swait.ge [sflag:s1], $0x800  }
0x51: {  	[sflag:s1] =	ssyncset.done $0x0  }
0x52: {  	[sflag:s1] =	ssyncadd.s32 $0xFFFFF800  }
0x53: {  	_ =	swait.ge [sflag:s5], $0x800  }
0x54: {  	[sflag:s5] =	ssyncset.done $0x0  }
0x55: {  	[sflag:s5] =	ssyncadd.s32 $0xFFFFF800  }
0x56: {  	_ =	swait.ge [sflag:s1], $0x800  }
0x57: {  	[sflag:s1] =	ssyncset.done $0x0  }
0x58: {  	[sflag:s1] =	ssyncadd.s32 $0xFFFFF800  }
0x59: {  	_ =	swait.ge [sflag:s5], $0x800  }
0x5a: {  	[sflag:s5] =	ssyncset.done $0x0  }
0x5b: {  	[sflag:s5] =	ssyncadd.s32 $0xFFFFF800  }
0x5c: {  	_ =	swait.ge [sflag:s1], $0x800  }
0x5d: {  	[sflag:s1] =	ssyncset.done $0x0  }
0x5e: {  	[sflag:s1] =	ssyncadd.s32 $0xFFFFF800  }
0x5f: {  	_ =	swait.ge [sflag:s5], $0x800  }
0x60: {  	[sflag:s5] =	ssyncset.done $0x0  }
0x61: {  	[sflag:s5] =	ssyncadd.s32 $0xFFFFF800  }
0x62: {  	_ =	swait.ge [sflag:s1], $0x800  }
0x63: {  	[sflag:s1] =	ssyncset.done $0x0  }
0x64: {  	[sflag:s1] =	ssyncadd.s32 $0xFFFFF800  }
0x65: {  	_ =	swait.ge [sflag:s5], $0x800  }
0x66: {  	[sflag:s5] =	ssyncset.done $0x0  }
0x67: {  	[sflag:s5] =	ssyncadd.s32 $0xFFFFF800  }
0x68: {  	_ =	swait.ge [sflag:s1], $0x800  }
0x69: {  	[sflag:s1] =	ssyncset.done $0x0  }
0x6a: {  	[sflag:s1] =	ssyncadd.s32 $0xFFFFF800  }
0x6b: {  	_ =	swait.ge [sflag:s5], $0x800  }
0x6c: {  	[sflag:s5] =	ssyncset.done $0x0  }
0x6d: {  	[sflag:s5] =	ssyncadd.s32 $0xFFFFF800  }
0x6e: {  	_ =	swait.ge [sflag:s1], $0x800  }
0x6f: {  	[sflag:s1] =	ssyncset.done $0x0  }
0x70: {  	[sflag:s1] =	ssyncadd.s32 $0xFFFFF800  }
0x71: {  	_ =	swait.ge [sflag:s5], $0x800  }
0x72: {  	[sflag:s5] =	ssyncset.done $0x0  }
0x73: {  	[sflag:s5] =	ssyncadd.s32 $0xFFFFF800  }
0x74: {  	_ =	swait.ge [sflag:s1], $0x800  }
0x75: {  	[sflag:s1] =	ssyncset.done $0x0  }
0x76: {  	[sflag:s1] =	ssyncadd.s32 $0xFFFFF800  }
0x77: {  	_ =	swait.ge [sflag:s5], $0x800  }
0x78: {  	[sflag:s5] =	ssyncset.done $0x0  }
0x79: {  	[sflag:s5] =	ssyncadd.s32 $0xFFFFF800  }
0x7a: {  	_ =	swait.ge [sflag:s1], $0x800  }
0x7b: {  	[sflag:s1] =	ssyncset.done $0x0  }
0x7c: {  	s10 =	simm.s32 $0x0;
	[sflag:s1] =	ssyncadd.s32 $0xFFFFF800  }
0x7d: {  	v2 =	vld [tilespmem:s10+$0x4800];
	_ =	sdelay $0x1  }
0x7e: {  	v3 =	vld [tilespmem:s10+$0x800];
	_ =	sdelay $0x1  }
0x7f: {  	v4 =	vld [tilespmem:s31+$0x0]  }
0x80: {  	v2 =	vperm.xlane v2, v1;
	_ =	sdelay $0x1  }
0x81: {  	v2 =	vadd.f32 v2, v3;
	_ =	sdelay $0x1  }
0x82: {  	v2 =	vadd.f32 v4, v2;
	_ =	sdelay $0x1  }
0x83: {  	v3 =	vmul.f32 $2.000000030e-01, v2;
	_ =	sdelay $0x1  }
0x84: {  	v2 =	vmax.f32 v2, v3  }
0x85: {  	v2 =	vmul.f32 $1.442695020e+00, v2;
	_ =	sdelay $0x1  }
0x86: {  	(erf) = vpow2.f32 v2;
	_ =	sdelay $0x5  }
0x87: {  	s13 =	simm.s32 $0x80;
	s14 =	simm.s32 $0x10  }
.LBB2_3:
0x88: {  	p0 =	sne.s32 s13, $0xFFC0;
	v2 =	vld [tilespmem:s14+$0x4800];
	_ =	sdelay $0x1  }
0x89: {  	v3 =	vld [tilespmem:s14+$0x800];
	v4 =	vpop (erf)  }
0x8a: {  	s31 =	sadd.s32 $0x4, s31;
	[tilespmem:s10+$0x9810] =	vst v4;
	s10 =	smov.u32 s14  }
0x8b: {  	v4 =	vld [tilespmem:s31+$0x0]  }
0x8c: {  	v2 =	vperm.xlane v2, v1;
	_ =	sdelay $0x1  }
0x8d: {  	v2 =	vadd.f32 v2, v3;
	_ =	sdelay $0x1  }
0x8e: {  	v2 =	vadd.f32 v4, v2;
	_ =	sdelay $0x1  }
0x8f: {  	v3 =	vmul.f32 $2.000000030e-01, v2;
	_ =	sdelay $0x1  }
0x90: {  	v2 =	vmax.f32 v2, v3  }
0x91: {  	v2 =	vmul.f32 $1.442695020e+00, v2;
	_ =	sdelay $0x1  }
0x92: {  	(erf) = vpow2.f32 v2;
	_ =	sdelay $0x1  }
.Ltmp0:
0x93: {  	(pc) =	sbr.rel @p0 .LBB2_3-.Ltmp0, $2  }
0x94: {  	_ =	sdelay $0x2  }
0x95: {  	s14 =	sshra.s32 s13, $0x2;
	s13 =	sadd.s32 $0x40, s13  }
0x96: {  	v2 =	vld [tilespmem:s14+$0x4800];
	_ =	sdelay $0x1  }
0x97: {  	v3 =	vld [tilespmem:s14+$0x800];
	v4 =	vpop (erf)  }
0x98: {  	s13 =	sadd.s32 $0x4, s31;
	[tilespmem:s10+$0x9810] =	vst v4  }
0x99: {  	v4 =	vld [tilespmem:s13+$0x0]  }
0x9a: {  	v2 =	vperm.xlane v2, v1;
	_ =	sdelay $0x1  }
0x9b: {  	v2 =	vadd.f32 v2, v3;
	_ =	sdelay $0x1  }
0x9c: {  	v2 =	vadd.f32 v4, v2;
	_ =	sdelay $0x1  }
0x9d: {  	v3 =	vmul.f32 $2.000000030e-01, v2;
	_ =	sdelay $0x1  }
0x9e: {  	v2 =	vmax.f32 v2, v3  }
0x9f: {  	v2 =	vmul.f32 $1.442695020e+00, v2;
	_ =	sdelay $0x1  }
0xa0: {  	(erf) = vpow2.f32 v2;
	_ =	sdelay $0x8  }
0xa1: {  	v2 =	vpop (erf)  }
0xa2: {  	[tilespmem:s14+$0x9810] =	vst v2  }
0xa3: {  	[spmem:s2] =	stream.indirect.scatter.add.f32 [tilespmem:s12], [sflag:$0x4], $0x10, s15, s18, $0xb8;
	[tilespmem:$0x19B90] =	vst v63  }
0xa4: {  	s31 =	simm.s32 $0xA010  }
0xa5: {  	[spmem:s2] =	stream.indirect.scatter.add.f32 [tilespmem:s31], [sflag:$0x4], $0x10, s22, s18, $0xb8;
	[tilespmem:$0x19B90] =	vst v63  }
0xa6: {  	s13 =	simm.s32 $0xA810  }
0xa7: {  	[spmem:s2] =	stream.indirect.scatter.add.f32 [tilespmem:s13], [sflag:$0x4], $0x10, s28, s18, $0xb8;
	[tilespmem:$0x19B90] =	vst v63  }
0xa8: {  	s14 =	simm.s32 $0xB010  }
0xa9: {  	[spmem:s2] =	stream.indirect.scatter.add.f32 [tilespmem:s14], [sflag:$0x4], $0x10, s0, s18, $0xb8;
	[tilespmem:$0x19B90] =	vst v63  }
0xaa: {  	_ = 	snop  }
0xab: {  	[spmem:s2] =	stream.indirect.scatter.add.f32 [tilespmem:s19], [sflag:$0x4], $0x10, s24, s18, $0xb8;
	[tilespmem:$0x19B90] =	vst v63  }
0xac: {  	_ = 	snop  }
0xad: {  	[spmem:s2] =	stream.indirect.scatter.add.f32 [tilespmem:s20], [sflag:$0x4], $0x10, s3, s18, $0xb8;
	[tilespmem:$0x19B90] =	vst v63  }
0xae: {  	_ = 	snop  }
0xaf: {  	[spmem:s2] =	stream.indirect.scatter.add.f32 [tilespmem:s21], [sflag:$0x4], $0x10, s23, s18, $0xb8;
	[tilespmem:$0x19B90] =	vst v63  }
0xb0: {  	s31 =	sshll.u32 s29, $0xB  }
0xb1: {  	[spmem:s2] =	stream.indirect.scatter.add.f32 [tilespmem:s25], [sflag:$0x4], $0x10, s30, s18, $0xb8;
	[tilespmem:$0x19B90] =	vst v63  }
0xb2: {  	s10 =	sadd.s32 s9, s31;
	s13 =	simm.s32 $0x0  }
0xb3: {  	[hbm4b:s10+s13] =	stream.linear.scatter [tilespmem:s12], [sflag:$0x1], $0x4000, $0x38;
	[tilespmem:$0x19B90] =	vst v63  }
0xb4: {  	_ =	swait.ge [sflag:s17], $0x800  }
0xb5: {  	[sflag:s17] =	ssyncset.done $0x0  }
0xb6: {  	[sflag:s17] =	ssyncadd.s32 $0xFFFFF800  }
0xb7: {  	_ =	swait.ge [sflag:s17], $0x800  }
0xb8: {  	[sflag:s17] =	ssyncset.done $0x0  }
0xb9: {  	[sflag:s17] =	ssyncadd.s32 $0xFFFFF800  }
0xba: {  	_ =	swait.ge [sflag:s17], $0x800  }
0xbb: {  	[sflag:s17] =	ssyncset.done $0x0  }
0xbc: {  	[sflag:s17] =	ssyncadd.s32 $0xFFFFF800  }
0xbd: {  	_ =	swait.ge [sflag:s17], $0x800  }
0xbe: {  	[sflag:s17] =	ssyncset.done $0x0  }
0xbf: {  	[sflag:s17] =	ssyncadd.s32 $0xFFFFF800  }
0xc0: {  	_ =	swait.ge [sflag:s17], $0x800  }
0xc1: {  	[sflag:s17] =	ssyncset.done $0x0  }
0xc2: {  	[sflag:s17] =	ssyncadd.s32 $0xFFFFF800  }
0xc3: {  	_ =	swait.ge [sflag:s17], $0x800  }
0xc4: {  	[sflag:s17] =	ssyncset.done $0x0  }
0xc5: {  	[sflag:s17] =	ssyncadd.s32 $0xFFFFF800  }
0xc6: {  	_ =	swait.ge [sflag:s17], $0x800  }
0xc7: {  	[sflag:s17] =	ssyncset.done $0x0  }
0xc8: {  	s26 =	sadd.s32 $0x1, s26;
	[sflag:s17] =	ssyncadd.s32 $0xFFFFF800  }
0xc9: {  	p0 =	sne.s32 s26, $0x19;
	_ =	swait.ge [sflag:s17], $0x800  }
.Ltmp1:
0xca: {  	[sflag:s17] =	ssyncset.done $0x0;
	(pc) =	sbr.rel @p0 .LBB2_2-.Ltmp1, $4  }
0xcb: {  	[sflag:s17] =	ssyncadd.s32 $0xFFFFF800  }
0xcc: {  	_ =	swait.ge [sflag:s16], $0x4000  }
0xcd: {  	[sflag:s16] =	ssyncset.done $0x0  }
0xce: {  	[sflag:s16] =	ssyncadd.s32 $0xFFFFC000  }
0xcf: {  	[bflag:$0x0] =	sbarrier.arrive $0xFFFF  }
0xd0: {  	s13 =	rddreg [dreg:$0x5]  }
0xd1: {  	s14 =	rddreg [dreg:$0x7]  }
0xd2: {  	s26 =	simm.s32 $0x5;
	s10 =	rddreg [dreg:$0x8]  }
0xd3: {  	[hbm:s10], [sflag:s13] =	dma.local [spmem:s14], $0x1870  }
0xd4: {  	_ =	swait.ge [sflag:s26], $0x1870  }
0xd5: {  	s29 =	rddreg [dreg:$0x9]  }
0xd6: {  	s31 =	rddreg [dreg:$0x6];
	s29 =	sadd.s32 $0x1, s29  }
0xd7: {  	p0 =	sne.s32 s29, s31  }
.Ltmp2:
0xd8: {  	_ = 	snop;
	(pc) =	sbr.rel @p0 .LBB2_1-.Ltmp2, $3  }
0xd9: {  	_ =	sdelay $0x1  }
0xda: {  	[sflag:s26] =	ssyncset.done $0x0  }
0xdb: {  	[sflag:s26] =	ssyncadd.s32 $0xFFFFE790  }
0xdc: {  	_ =	sfence.sel $0x180000  }
0xdd: {  	[bflag:$0x0] =	sbarrier.arrive $0xFFFF  }
0xde: {  	_ =	strace $0x90000047  }
0xdf: {  	s0 =	stileid.u32;
	[bflag:$0x2] =	sbarrier.arrive $0xFFFF  }
0xe0: {  	p0 =	sne.s32 s0, $0x0;
	s0 =	rddreg [dreg:$0x4]  }
0xe1: {  	s0 =	sadd.s32 @!p0 $0x100000, s0  }
0xe2: {  	[sflag:s0] =	ssyncadd.tile.s32 @!p0 $0x1;
	_ =	shalt  }
.Lfunc_end2:
_tile_overlayer_lowered:
.L_overlay_start_2:
0xe3: {  	(tag) =	ssettag $0x2  }
0xe4: {  	s0 =	rddreg [dreg:$0x0];
	s2 =	stileid.u32  }
0xe5: {  	s1 =	rddreg [dreg:$0x1];
	p0 =	sne.s32 s2, $0x0  }
0xe6: {  	s3 =	rddreg [dreg:$0x2];
	[bflag:$0x3] =	sbarrier.arrive $0xFFFF;
	s2 =	simm.s32 @!p0 $0x1C05  }
0xe7: {  	[timem:s3], [sflag:s2] =	dma.local @!p0 [hbm:s0], s1  }
0xe8: {  	s0 =	simm.s32 @!p0 $0x5  }
0xe9: {  	_ =	swait.ge @!p0 [sflag:s0], s1  }
0xea: {  	s1 =	ssub.s32 @!p0 $0x0, s1;
	[sflag:s0] =	ssyncset.done @!p0 $0x0  }
0xeb: {  	[sflag:s0] =	ssyncadd.s32 @!p0 s1  }
0xec: {  	[bflag:$0x3] =	sbarrier.arrive $0xFFFF  }
0xed: {  	_ =	shalt  }

// kernel: kernel.16.cloned.1.call-start
scs
__scs_entry_jumppad:
0x0: {  	(pc) =	sbr.rel $0x88, $3  }
0x1: {  	(tag) =	ssettag $0x0;
	lr =	simm.s32 $0x1  }
0x2: {  	[smem:$0x3F89] =	sst lr;
	_ =	strace $0xD0000000  }
0x3: {  	_ = 	snop  }
0x4: {  	_ = 	snop  }
0x5: {  	_ = 	snop  }
0x6: {  	_ = 	snop  }
0x7: {  	_ = 	snop  }
__scs_overlays_trampoline_lowered:
0x8: {  	[smem:$0x3F98] =	sst s0  }
0x9: {  	[smem:$0x3F99] =	sst s1  }
0xa: {  	[smem:$0x3F9A] =	sst s2  }
0xb: {  	[smem:$0x3F9B] =	sst s3  }
0xc: {  	[smem:$0x3F9C] =	sst s4  }
0xd: {  	[smem:$0x3F9D] =	sst s5  }
0xe: {  	[smem:$0x3F9E] =	sst s6  }
0xf: {  	[smem:$0x3F9F] =	sst s7  }
0x10: {  	[smem:$0x3FA0] =	sst s8  }
0x11: {  	[smem:$0x3FA1] =	sst s9;
	s0 =	simm.s32 @!p0 $0x0  }
0x12: {  	s1 =	sld [smem:$0x3F87];
	s0 =	simm.s32 @p0 $0x1  }
0x13: {  	[smem:$0x3FA2] =	sst s0;
	s0 =	simm.s32 @!p1 $0x0  }
0x14: {  	s2 =	sld [smem:$0x3F86];
	s0 =	simm.s32 @p1 $0x1  }
0x15: {  	[smem:$0x3FA3] =	sst s0;
	s0 =	simm.s32 @!p2 $0x0  }
0x16: {  	s3 =	sld [smem:$0x3FDB];
	s0 =	simm.s32 @p2 $0x1  }
0x17: {  	s4 =	simm.s32 $0x1BF5;
	[smem:$0x3FA5] =	sst s0  }
0x18: {  	s0 =	sld [smem:$0x3F88];
	_ =	swait.ge [sflag:s4], $0x0  }
0x19: {  	s7 =	sld [smem:$0x3F89]  }
0x1a: {  	s8 =	sadd.s32 $0xFFFFE003, lr  }
0x1b: {  	s9 =	sadd.s32 $0xFFFFFEF7, lr;
	s5 =	simm.s32 $0xFFFFFFFF;
	p2 =	slt.u32 s8, $0xFFFFF086  }
0x1c: {  	p1 =	slt.u32 s9, $0xF7A;
	s5 =	simm.s32 @!p2 $0x0  }
0x1d: {  	s5 =	simm.s32 @p1 $0x1;
	p0 =	seq.s32 s7, s2  }
0x1e: {  	s7 =	smul.u32 @!p0 $0xF7A, s2;
	p2 =	seq.s32 @!p0 s5, $0x0  }
0x1f: {  	s9 =	smul.u32 $0xF7A, s1;
	s8 =	simm.s32 @!p0 $0x1BF5;
	p2 =	por !p2, p0  }
0x20: {  	[sflag:s8] =	ssyncset.s32 @!p0 $0xFFFFF086;
	s6 =	sadd.s32 @!p0 s3, s7;
	s7 =	simm.s32 @!p0 $0x108  }
0x21: {  	s3 =	sadd.s32 s3, s9;
	s6 =	sadd.s32 @!p0 $0x88, s6;
	s7 =	simm.s32 @p2 $0x1082  }
0x22: {  	[simem:s7], [sflag:s8] =	dma.local @!p0 [hbm:s6], $0xF7A  }
0x23: {  	s9 =	sor.u32 $0xD0000000, s2;
	s6 =	simm.s32 $0x108;
	_ =	swait.ge @!p0 [sflag:s8], $0x0  }
0x24: {  	s3 =	sadd.s32 $0x88, s3;
	s6 =	simm.s32 @!p1 $0x1082;
	[sflag:s4] =	ssyncset.s32 $0xFFFFF086  }
0x25: {  	[simem:s6], [sflag:s4] =	dma.local [hbm:s3], $0xF7A  }
0x26: {  	[smem:$0x3F89] =	sst s1;
	(tag) =	ssettag s2;
	_ =	strace s9  }
0x27: {  	s1 =	sld [smem:$0x3F99]  }
0x28: {  	s2 =	sld [smem:$0x3F9A]  }
0x29: {  	s4 =	sld [smem:$0x3F9C]  }
0x2a: {  	p0 =	seq.s32 s5, $0x0;
	s5 =	sld [smem:$0x3F9D]  }
0x2b: {  	s6 =	sld [smem:$0x3F9E]  }
0x2c: {  	s7 =	sld [smem:$0x3F9F]  }
0x2d: {  	s3 =	simm.s32 $0x108;
	s8 =	sld [smem:$0x3FA0]  }
0x2e: {  	s3 =	simm.s32 @!p0 $0x1082;
	s9 =	sld [smem:$0x3FA1]  }
0x2f: {  	lr =	sadd.s32 s0, s3;
	s0 =	sld [smem:$0x3F98]  }
0x30: {  	s3 =	sld [smem:$0x3F9B]  }
0x31: {  	[smem:$0x3FA4] =	sst s10  }
0x32: {  	s10 =	sld [smem:$0x3FA2];
	_ =	sdelay $0x3  }
0x33: {  	p0 =	seq.s32 s10, $0x1;
	s10 =	sld [smem:$0x3FA4];
	_ =	sdelay $0x3  }
0x34: {  	[smem:$0x3FA4] =	sst s10  }
0x35: {  	s10 =	sld [smem:$0x3FA3];
	_ =	sdelay $0x3  }
0x36: {  	p1 =	seq.s32 s10, $0x1;
	s10 =	sld [smem:$0x3FA4];
	_ =	sdelay $0x3  }
0x37: {  	[smem:$0x3FA4] =	sst s10  }
0x38: {  	s10 =	sld [smem:$0x3FA5]  }
0x39: {  	_ = 	snop;
	(pc) =	sbr.ind lr, $3  }
0x3a: {  	_ = 	snop  }
0x3b: {  	_ = 	snop  }
0x3c: {  	p2 =	seq.s32 s10, $0x1;
	s10 =	sld [smem:$0x3FA4]  }
0x3d: {  	_ =	shalt  }
0x3e: {  	_ =	shalt  }
0x3f: {  	_ =	shalt  }
0x40: {  	_ =	shalt  }
0x41: {  	_ =	shalt  }
0x42: {  	_ =	shalt  }
0x43: {  	_ =	shalt  }
0x44: {  	_ =	shalt  }
0x45: {  	_ =	shalt  }
0x46: {  	_ =	shalt  }
0x47: {  	_ =	shalt  }
0x48: {  	_ =	shalt  }
0x49: {  	_ =	shalt  }
0x4a: {  	_ =	shalt  }
0x4b: {  	_ =	shalt  }
0x4c: {  	_ =	shalt  }
0x4d: {  	_ =	shalt  }
0x4e: {  	_ =	shalt  }
0x4f: {  	_ =	shalt  }
0x50: {  	_ =	shalt  }
0x51: {  	_ =	shalt  }
0x52: {  	_ =	shalt  }
0x53: {  	_ =	shalt  }
0x54: {  	_ =	shalt  }
0x55: {  	_ =	shalt  }
0x56: {  	_ =	shalt  }
0x57: {  	_ =	shalt  }
0x58: {  	_ =	shalt  }
0x59: {  	_ =	shalt  }
0x5a: {  	_ =	shalt  }
0x5b: {  	_ =	shalt  }
0x5c: {  	_ =	shalt  }
0x5d: {  	_ =	shalt  }
0x5e: {  	_ =	shalt  }
0x5f: {  	_ =	shalt  }
0x60: {  	_ =	shalt  }
0x61: {  	_ =	shalt  }
0x62: {  	_ =	shalt  }
0x63: {  	_ =	shalt  }
0x64: {  	_ =	shalt  }
0x65: {  	_ =	shalt  }
0x66: {  	_ =	shalt  }
0x67: {  	_ =	shalt  }
0x68: {  	_ =	shalt  }
0x69: {  	_ =	shalt  }
0x6a: {  	_ =	shalt  }
0x6b: {  	_ =	shalt  }
0x6c: {  	_ =	shalt  }
0x6d: {  	_ =	shalt  }
0x6e: {  	_ =	shalt  }
0x6f: {  	_ =	shalt  }
0x70: {  	_ =	shalt  }
0x71: {  	_ =	shalt  }
0x72: {  	_ =	shalt  }
0x73: {  	_ =	shalt  }
0x74: {  	_ =	shalt  }
0x75: {  	_ =	shalt  }
0x76: {  	_ =	shalt  }
0x77: {  	_ =	shalt  }
0x78: {  	_ =	shalt  }
0x79: {  	_ =	shalt  }
0x7a: {  	_ =	shalt  }
0x7b: {  	_ =	shalt  }
0x7c: {  	_ =	shalt  }
0x7d: {  	_ =	shalt  }
0x7e: {  	_ =	shalt  }
0x7f: {  	_ =	shalt  }
0x80: {  	_ =	shalt  }
0x81: {  	_ =	shalt  }
0x82: {  	_ =	shalt  }
0x83: {  	_ =	shalt  }
0x84: {  	_ =	shalt  }
0x85: {  	_ =	shalt  }
0x86: {  	_ =	shalt  }
0x87: {  	_ =	shalt  }
.Lfunc_end0:
.L_simem_size_0:
called_computation.1_lowered:
.L_overlay_start_0:
0x88: {  	s2 =	sld [smem:$0x3FD9]  }
0x89: {  	s3 =	sld [smem:$0x3FFE];
	_ =	sdelay $0x1  }
0x8a: {  	s1 =	srdreg.scid  }
0x8b: {  	s0 =	sand.u32 $0x1, s1  }
0x8c: {  	s14 =	sshll.u32 s0, $0xA;
	s2 =	sadd.s32 s3, s2  }
0x8d: {  	s2 =	sadd.s32 s2, s14  }
0x8e: {  	[smem:$0x3FB0] =	sst s2  }
0x8f: {  	_ = 	snop  }
0x90: {  	s2 =	sld [smem:$0x3FD0];
	_ =	sdelay $0x2  }
0x91: {  	s15 =	simm.s32 $0xA;
	s4 =	simm.s32 $0x10  }
0x92: {  	[smem:s4], [sflag:s15] =	dma.local [hbm:s2], $0x1  }
0x93: {  	_ =	swait.eq [sflag:s15], $0x1  }
0x94: {  	[sflag:s15] =	ssyncset.done $0x0  }
0x95: {  	[sflag:s15] =	ssyncadd.s32 $0xFFFFFFFF  }
0x96: {  	s16 =	sld [smem:$0x11];
	(tm) =	ssettm $0x1  }
0x97: {  	s17 =	sld [smem:$0x3FFB];
	_ =	sdelay $0x3  }
0x98: {  	_ =	strace s17  }
0x99: {  	s3 =	sld [smem:$0x3FFC];
	_ =	sdelay $0x3  }
0x9a: {  	_ =	strace s3  }
0x9b: {  	s3 =	sld [smem:$0x3FFD];
	_ =	sdelay $0x3  }
0x9c: {  	_ =	strace s3  }
0x9d: {  	_ =	strace $0x8FFFFFFF  }
0x9e: {  	s18 =	sld [smem:$0x3FDB];
	_ =	sdelay $0x1  }
0x9f: {  	s19 =	simm.s32 $_scs_section_size  }
0xa0: {  	s5 =	simm.s32 $_size__tile_overlayer_lowered;
	s6 =	simm.s32 $_tile_overlayer_lowered  }
0xa1: {  	s22 =	simm.s32 $0x1BFF;
	s21 =	sshll.u32 s6, $0x1;
	s3 =	sadd.s32 s19, s18  }
0xa2: {  	s7 =	simm.s32 $0x0;
	s20 =	sshll.u32 s5, $0x1;
	s5 =	sadd.s32 s21, s3  }
0xa3: {  	[timem:s7], [sflag:s22] =	dma.local [hbm:s5], s20  }
0xa4: {  	_ =	swait.ge [sflag:s22], s20  }
0xa5: {  	s4 =	ssub.s32 $0x0, s20;
	[sflag:s22] =	ssyncset.done $0x0  }
0xa6: {  	[sflag:s22] =	ssyncadd.s32 s4;
	_ =	sdelay $0x1  }
0xa7: {  	s23 =	simm.s32 $0x1B8B  }
0xa8: {  	_ =	swait.ge [sflag:s23], $0x1  }
0xa9: {  	[sflag:s23] =	ssyncset.done $0x0  }
0xaa: {  	s25 =	simm.s32 $0x1B8E;
	s24 =	sld [smem:$0x3FFE];
	[sflag:s23] =	ssyncadd.s32 $0xFFFFFFFF  }
0xab: {  	s26 =	simm.s32 $execute0_lowered;
	[smem:$0x3FD2] =	sst s25  }
0xac: {  	s5 =	sshll.u32 s26, $0x1;
	_ =	strace $0x80000049;
	[dreg:$0x1] =	wrdreg $0xFFFFFFFF  }
0xad: {  	s28 =	simm.s32 $_size_execute0_lowered;
	s3 =	sadd.s32 s3, s5;
	[dreg:$0x0] =	wrdreg $0x0  }
0xae: {  	s5 =	sshll.u32 s28, $0x1;
	[dreg:$0x2] =	wrdreg s3  }
0xaf: {  	[dreg:$0x3] =	wrdreg s5  }
0xb0: {  	[dreg:$0x4] =	wrdreg $0xC0  }
0xb1: {  	_ =	task [dreg:s7], $0x5FFFF  }
0xb2: {  	[dreg:$0x1] =	wrdreg $0xFFFFFFFF  }
0xb3: {  	[dreg:$0x0] =	wrdreg $0x60  }
0xb4: {  	[dreg:$0x2] =	wrdreg s24  }
0xb5: {  	[dreg:$0x3] =	wrdreg s16  }
0xb6: {  	[dreg:$0x4] =	wrdreg $0x62000  }
0xb7: {  	[dreg:$0x5] =	wrdreg $0x9  }
0xb8: {  	_ =	task.clear_ibuf [dreg:s7], $0x6FFFF;
	_ =	strace $0x90000049  }
0xb9: {  	s29 =	simm.s32 $0x9;
	_ =	strace $0x8000004B  }
0xba: {  	_ =	swait.ge [sflag:s29], $0x1  }
0xbb: {  	[sflag:s29] =	ssyncadd.s32 $0xFFFFFFFF  }
0xbc: {  	_ =	strace $0x9000004B  }
0xbd: {  	_ =	sfence  }
0xbe: {  	s30 =	sld [smem:$0x0];
	_ =	sdelay $0x2  }
0xbf: {  	s31 =	sshll.u32 s1, $0xD;
	s1 =	sshrl.u32 s1, $0x2  }
0xc0: {  	s3 =	sand.u32 $0x4000, s31;
	s1 =	sadd.s32 s1, s30  }
0xc1: {  	s0 =	sor.u32 s3, s0;
	s1 =	sshll.u32 s1, $0x11  }
0xc2: {  	s0 =	sor.u32 s1, s0  }
0xc3: {  	s0 =	sadd.s32 $0x8F2B, s0  }
0xc4: {  	[sflag:s0] =	ssyncadd.remote.s32 $0x1  }
0xc5: {  	_ =	sfence.sel $0xFFFF  }
0xc6: {  	[dreg:$0x0] =	wrdreg $0xFFFFFFFF;
	(pc) =	sbr.abs _section_cstart, $3  }
0xc7: {  	[dreg:$0x1] =	wrdreg $0xFFFFFFFF  }
0xc8: {  	_ =	task.clear_ibuf [dreg:s7], $0x2FFFF;
	_ =	strace $0x9FFFFFFF  }
0xc9: {  	(tm) =	ssettm $0x7FFFFFFF  }
tec
execute0_lowered:
.L_overlay_start_1:
0x0: {  	(tag) =	ssettag $0x1  }
0x1: {  	s0 =	rddreg [dreg:$0x0]  }
0x2: {  	s1 =	rddreg [dreg:$0x1]  }
0x3: {  	s2 =	rddreg [dreg:$0x2];
	s3 =	simm.s32 $0x0;
	s9 =	srdreg.scid  }
0x4: {  	s16 =	stileid.u32;
	s18 =	simm.s32 $0x100;
	s19 =	simm.s32 $0x5200  }
0x5: {  	s20 =	simm.s32 $0x2200;
	s21 =	simm.s32 $0x1;
	s28 =	simm.s32 $0x4200  }
0x6: {  	s29 =	simm.s32 $0x180;
	s30 =	simm.s32 $0x4A00;
	[smem:$0x7FF] =	sst s3  }
0x7: {  	s4 =	sadd.s32 $0x9C400, s0;
	s5 =	sadd.s32 $0x83400, s0;
	s6 =	sadd.s32 $0x276200, s0  }
0x8: {  	s31 =	simm.s32 $0x4;
	s7 =	sadd.s32 $0x245400, s0;
	s8 =	sadd.s32 $0x75B800, s0  }
0x9: {  	s9 =	sand.u32 $0x1, s9;
	s10 =	sadd.s32 $0x43B800, s0;
	s11 =	sadd.s32 $0xB5400, s0  }
0xa: {  	s13 =	sadd.s32 $0x6C00, s0;
	s15 =	smul.u32 $0x18700, s16;
	s25 =	sshll.u32 s16, $0x6  }
0xb: {  	_ =	strace $0x8000004A;
	s12 =	smul.u32 $0x30E000, s9;
	[dreg:$0x6] =	wrdreg s13  }
0xc: {  	s22 =	ssub.s32 $0x2, s9;
	s9 =	sshll.u32 s9, $0x4;
	s13 =	simm.s32 $0x5  }
0xd: {  	[dreg:$0x5] =	wrdreg s8;
	s14 =	sshrl.u32 s22, $0x1;
	s9 =	sor.u32 s16, s9  }
0xe: {  	s24 =	sadd.s32 s15, s2;
	s16 =	sor.u32 $0x1C05, s25;
	s15 =	sshrl.u32 s15, $0x3  }
0xf: {  	s25 =	simm.s32 $0x200;
	s12 =	sshrl.u32 s12, $0x3;
	s23 =	ssub.s32 s22, s14  }
0x10: {  	s14 =	smul.u32 $0x64, s9;
	s22 =	simm.s32 $0x80;
	s0 =	sadd.s32 s12, s0  }
0x11: {  	[dreg:$0x7] =	wrdreg s16;
	s12 =	smax.u32 s23, $0x1;
	s26 =	sadd.s32 $0x2A7000, s0  }
0x12: {  	s0 =	sadd.s32 $0x2D7E00, s0;
	[dreg:$0x8] =	wrdreg s12;
	s12 =	sshrl.u32 s24, $0x3  }
0x13: {  	s9 =	sadd.s32 s15, s26;
	s0 =	sadd.s32 s15, s0;
	[dreg:$0x9] =	wrdreg s12  }
0x14: {  	v0 =	vimm.s32 $0x0;
	s26 =	simm.s32 $0x1200;
	s15 =	simm.s32 $0x3200;
	[dreg:$0xa] =	wrdreg s9  }
0x15: {  	v1 =	vimm.s32 $0x1;
	v2 =	vimm.s32 $0x2;
	v3 =	vimm.s32 $0x3;
	[dreg:$0xb] =	wrdreg s0;
	s0 =	simm.s32 $0x2;
	s9 =	simm.s32 $0x3  }
.LBB2_1:
0x16: {  	[dreg:$0x4] =	wrdreg s3  }
0x17: {  	s24 =	rddreg [dreg:$0x6]  }
0x18: {  	[spmem:s12], [sflag:s16] =	dma.local [hbm:s24], $0x30E0  }
0x19: {  	_ =	swait.ge [sflag:s13], $0x30E0  }
0x1a: {  	[sflag:s13] =	ssyncset.done $0x0  }
0x1b: {  	[sflag:s13] =	ssyncadd.s32 $0xFFFFCF20  }
0x1c: {  	s23 =	simm.s32 $0x0;
	[bflag:$0x0] =	sbarrier.arrive $0xFFFF  }
.LBB2_2:
0x1d: {  	s12 =	sadd.s32 s14, s23  }
0x1e: {  	s13 =	sshll.u32 s12, $0x5  }
0x1f: {  	s17 =	simm.s32 $0x0;
	s16 =	sadd.s32 s4, s13  }
0x20: {  	[tilespmem:s17], [sflag:$0x1] =	stream.linear.gather [hbm4b:s16+s17], $0x100, $0x38;
	[tilespmem:$0x1E900] =	vst v63  }
0x21: {  	s13 =	sadd.s32 s5, s13;
	s16 =	sshll.u32 s12, $0x9  }
0x22: {  	[tilespmem:s18], [sflag:$0x1] =	stream.linear.gather [hbm4b:s13+s17], $0x100, $0x38;
	[tilespmem:$0x1E900] =	vst v63  }
0x23: {  	s12 =	sshll.u32 s12, $0xA;
	s13 =	sadd.s32 s11, s16  }
0x24: {  	[tilespmem:s19], [sflag:$0x4] =	stream.linear.gather [hbm4b:s13+s17], $0x1000, $0x38;
	[tilespmem:$0x1E900] =	vst v63  }
0x25: {  	s12 =	sadd.s32 s8, s12  }
0x26: {  	[tilespmem:s20], [sflag:$0x4] =	stream.linear.gather [hbm4b:s12+s17], $0x2000, $0x38;
	[tilespmem:$0x1E900] =	vst v63  }
0x27: {  	_ =	swait.ge [sflag:s21], $0x100  }
0x28: {  	[sflag:s21] =	ssyncset.done $0x0  }
0x29: {  	[sflag:s21] =	ssyncadd.s32 $0xFFFFFF00  }
0x2a: {  	_ =	swait.ge [sflag:s21], $0x100  }
0x2b: {  	[sflag:s21] =	ssyncset.done $0x0  }
0x2c: {  	[sflag:s21] =	ssyncadd.s32 $0xFFFFFF00  }
0x2d: {  	[tilespmem:s25], [sflag:$0x2] =	stream.indirect.gather [hbm4b:s6+s22], $0x20, s17, s22, $0xb8;
	[tilespmem:$0x1E900] =	vst v63  }
0x2e: {  	_ = 	snop  }
0x2f: {  	[tilespmem:s26], [sflag:$0x2] =	stream.indirect.gather [hbm4b:s6+s22], $0x20, s22, s22, $0xb8;
	[tilespmem:$0x1E900] =	vst v63  }
0x30: {  	_ = 	snop  }
0x31: {  	[tilespmem:s28], [sflag:$0x3] =	stream.indirect.gather [hbm4b:s1+s22], $0x10, s18, s22, $0xb8;
	[tilespmem:$0x1E900] =	vst v63  }
0x32: {  	_ = 	snop  }
0x33: {  	[tilespmem:s30], [sflag:$0x3] =	stream.indirect.gather [hbm4b:s1+s22], $0x10, s29, s22, $0xb8;
	[tilespmem:$0x1E900] =	vst v63  }
0x34: {  	_ =	swait.ge [sflag:s31], $0x1000  }
0x35: {  	[sflag:s31] =	ssyncset.done $0x0  }
0x36: {  	[sflag:s31] =	ssyncadd.s32 $0xFFFFF000  }
0x37: {  	_ =	swait.ge [sflag:s31], $0x2000  }
0x38: {  	[sflag:s31] =	ssyncset.done $0x0  }
0x39: {  	[sflag:s31] =	ssyncadd.s32 $0xFFFFE000  }
0x3a: {  	_ =	swait.ge [sflag:s0], $0x1000  }
0x3b: {  	[sflag:s0] =	ssyncset.done $0x0  }
0x3c: {  	[sflag:s0] =	ssyncadd.s32 $0xFFFFF000  }
0x3d: {  	_ =	swait.ge [sflag:s0], $0x1000  }
0x3e: {  	[sflag:s0] =	ssyncset.done $0x0  }
0x3f: {  	[sflag:s0] =	ssyncadd.s32 $0xFFFFF000  }
0x40: {  	_ =	swait.ge [sflag:s9], $0x800  }
0x41: {  	[sflag:s9] =	ssyncset.done $0x0  }
0x42: {  	[sflag:s9] =	ssyncadd.s32 $0xFFFFF800  }
0x43: {  	s12 =	sand.u32 $0x7F, s17;
	_ =	swait.ge [sflag:s9], $0x800  }
0x44: {  	s24 =	sshll.u32 s12, $0x4;
	s17 =	simm.s32 $0x0;
	[sflag:s9] =	ssyncset.done $0x0  }
0x45: {  	s13 =	sor.u32 s24, s17;
	[sflag:s9] =	ssyncadd.s32 $0xFFFFF800  }
0x46: {  	v4 =	vld [tilespmem:s13+$0x4200];
	_ =	sdelay $0x4  }
0x47: {  	v4 =	vadd.f32 $1.000000020e-16, v4;
	_ =	sdelay $0x1  }
0x48: {  	(erf) = vrcp.f32 v4  }
0x49: {  	s3 =	simm.s32 $0x0;
	s12 =	sshll.u32 s12, $0x5  }
0x4a: {  	s24 =	sor.u32 s12, s3  }
0x4b: {  	v5 =	vld [tilespmem:s24+$0x200]  }
0x4c: {  	v6 =	vld [tilespmem:s24+$0x210]  }
0x4d: {  	v4 =	vld [tilespmem:s13+$0x5200]  }
0x4e: {  	v7 =	vld [tilespmem:s24+$0x2210]  }
0x4f: {  	v8 =	vld [tilespmem:s24+$0x2200];
	_ =	sdelay $0x1  }
0x50: {  	v9 =	vpop (erf)  }
0x51: {  	v4 =	vmul.f32 v9, v4;
	_ =	sdelay $0x1  }
0x52: {  	v6 =	vadd.f32 v7, v6;
	v5 =	vadd.f32 v8, v5;
	v7 =	vperm.xlane v4, v0  }
0x53: {  	v4 =	vperm.xlane v4, v1  }
0x54: {  	s17 =	simm.s32 $0x1;
	v5 =	vmul.f32 v5, v7  }
0x55: {  	s12 =	simm.s32 $0x2;
	s16 =	sand.u32 $0x7F, s17;
	s13 =	simm.s32 $0x0;
	v4 =	vmul.f32 v6, v4  }
.LBB2_3:
0x56: {  	p0 =	sne.s32 s12, $0xFF;
	s17 =	sshll.u32 s13, $0xB;
	s3 =	sshll.u32 s16, $0x4;
	[tilespmem:s24+$0x2200] =	vst v5  }
0x57: {  	s3 =	sor.u32 s3, s17;
	[tilespmem:s24+$0x2210] =	vst v4  }
0x58: {  	v4 =	vld [tilespmem:s3+$0x4200]  }
0x59: {  	v5 =	vld [tilespmem:s3+$0x5200];
	_ =	sdelay $0x3  }
0x5a: {  	v4 =	vadd.f32 $1.000000020e-16, v4;
	_ =	sdelay $0x1  }
0x5b: {  	(erf) = vrcp.f32 v4;
	_ =	sdelay $0x1  }
0x5c: {  	s3 =	sshll.u32 s13, $0xC;
	s13 =	sshll.u32 s16, $0x5  }
0x5d: {  	s24 =	sor.u32 s13, s3  }
0x5e: {  	v4 =	vld [tilespmem:s24+$0x200]  }
0x5f: {  	v6 =	vld [tilespmem:s24+$0x210]  }
0x60: {  	v7 =	vld [tilespmem:s24+$0x2210]  }
0x61: {  	v8 =	vld [tilespmem:s24+$0x2200];
	_ =	sdelay $0x1  }
0x62: {  	v9 =	vpop (erf)  }
0x63: {  	v5 =	vmul.f32 v9, v5  }
.Ltmp0:
0x64: {  	v6 =	vadd.f32 v7, v6;
	(pc) =	sbr.rel @p0 .LBB2_3-.Ltmp0, $3  }
0x65: {  	v7 =	vperm.xlane v5, v0;
	v9 =	vperm.xlane v5, v1;
	v4 =	vadd.f32 v8, v4;
	_ =	sdelay $0x1  }
0x66: {  	v5 =	vmul.f32 v4, v7;
	v4 =	vmul.f32 v6, v9  }
0x67: {  	s16 =	sand.u32 $0x7F, s12;
	s13 =	sshrl.u32 s12, $0x7;
	s12 =	sadd.s32 $0x1, s12  }
0x68: {  	s3 =	sshll.u32 s13, $0xB;
	s12 =	sshll.u32 s16, $0x4;
	[tilespmem:s24+$0x2200] =	vst v5  }
0x69: {  	[tilespmem:s24+$0x2210] =	vst v4;
	s3 =	sor.u32 s12, s3  }
0x6a: {  	v4 =	vld [tilespmem:s3+$0x4200];
	_ =	sdelay $0x4  }
0x6b: {  	v4 =	vadd.f32 $1.000000020e-16, v4;
	_ =	sdelay $0x1  }
0x6c: {  	(erf) = vrcp.f32 v4;
	_ =	sdelay $0x1  }
0x6d: {  	s13 =	sshll.u32 s13, $0xC;
	s17 =	sshll.u32 s16, $0x5  }
0x6e: {  	s24 =	sor.u32 s17, s13  }
0x6f: {  	v5 =	vld [tilespmem:s24+$0x200]  }
0x70: {  	v4 =	vld [tilespmem:s3+$0x5200]  }
0x71: {  	v6 =	vld [tilespmem:s24+$0x210]  }
0x72: {  	v7 =	vld [tilespmem:s24+$0x2200]  }
0x73: {  	v8 =	vld [tilespmem:s24+$0x2210]  }
0x74: {  	v9 =	vpop (erf)  }
0x75: {  	v4 =	vmul.f32 v9, v4;
	_ =	sdelay $0x1  }
0x76: {  	v5 =	vadd.f32 v7, v5;
	v9 =	vperm.xlane v4, v0  }
0x77: {  	v6 =	vadd.f32 v8, v6;
	v4 =	vperm.xlane v4, v1  }
0x78: {  	v5 =	vmul.f32 v5, v9  }
0x79: {  	v4 =	vmul.f32 v6, v4  }
0x7a: {  	[tilespmem:s24+$0x2200] =	vst v5  }
0x7b: {  	[tilespmem:s24+$0x2210] =	vst v4  }
0x7c: {  	[spmem:s2] =	stream.indirect.scatter.add.f32 [tilespmem:s20], [sflag:$0x4], $0x20, s18, s22, $0xb8;
	[tilespmem:$0x1E900] =	vst v63  }
0x7d: {  	s23 =	sadd.s32 $0x1, s23  }
0x7e: {  	[spmem:s2] =	stream.indirect.scatter.add.f32 [tilespmem:s15], [sflag:$0x4], $0x20, s29, s22, $0xb8;
	[tilespmem:$0x1E900] =	vst v63  }
0x7f: {  	p0 =	sne.s32 s23, $0x64;
	_ =	swait.ge [sflag:s31], $0x1000  }
.Ltmp1:
0x80: {  	[sflag:s31] =	ssyncset.done $0x0;
	(pc) =	sbr.rel @p0 .LBB2_2-.Ltmp1, $4  }
0x81: {  	[sflag:s31] =	ssyncadd.s32 $0xFFFFF000  }
0x82: {  	_ =	swait.ge [sflag:s31], $0x1000  }
0x83: {  	[sflag:s31] =	ssyncset.done $0x0  }
0x84: {  	[sflag:s31] =	ssyncadd.s32 $0xFFFFF000  }
0x85: {  	[bflag:$0x0] =	sbarrier.arrive $0xFFFF  }
0x86: {  	s8 =	rddreg [dreg:$0x7]  }
0x87: {  	s12 =	rddreg [dreg:$0x9]  }
0x88: {  	s13 =	simm.s32 $0x5;
	s3 =	rddreg [dreg:$0xa]  }
0x89: {  	[hbm:s3], [sflag:s8] =	dma.local [spmem:s12], $0x30E0  }
0x8a: {  	_ =	swait.ge [sflag:s13], $0x30E0  }
0x8b: {  	[sflag:s13] =	ssyncset.done $0x0  }
0x8c: {  	[sflag:s13] =	ssyncadd.s32 $0xFFFFCF20  }
0x8d: {  	[bflag:$0x0] =	sbarrier.arrive $0xFFFF  }
0x8e: {  	s24 =	rddreg [dreg:$0x6]  }
0x8f: {  	[spmem:s12], [sflag:s8] =	dma.local [hbm:s24], $0x30E0  }
0x90: {  	_ =	swait.ge [sflag:s13], $0x30E0  }
0x91: {  	[sflag:s13] =	ssyncset.done $0x0  }
0x92: {  	[sflag:s13] =	ssyncadd.s32 $0xFFFFCF20  }
0x93: {  	s23 =	simm.s32 $0x0;
	s24 =	simm.s32 $0x0;
	[bflag:$0x0] =	sbarrier.arrive $0xFFFF  }
.LBB2_6:
0x94: {  	s3 =	sadd.s32 s14, s24  }
0x95: {  	s12 =	sshll.u32 s3, $0x5  }
0x96: {  	s13 =	sadd.s32 s4, s12  }
0x97: {  	[tilespmem:s23], [sflag:$0x1] =	stream.linear.gather [hbm4b:s13+s23], $0x100, $0x38;
	[tilespmem:$0x1E900] =	vst v63  }
0x98: {  	s16 =	sshll.u32 s3, $0x9;
	s12 =	sadd.s32 s5, s12  }
0x99: {  	[tilespmem:s18], [sflag:$0x1] =	stream.linear.gather [hbm4b:s12+s23], $0x100, $0x38;
	[tilespmem:$0x1E900] =	vst v63  }
0x9a: {  	s3 =	sshll.u32 s3, $0xA;
	s12 =	sadd.s32 s11, s16  }
0x9b: {  	[tilespmem:s19], [sflag:$0x4] =	stream.linear.gather [hbm4b:s12+s23], $0x1000, $0x38;
	[tilespmem:$0x1E900] =	vst v63  }
0x9c: {  	s3 =	sadd.s32 s10, s3  }
0x9d: {  	[tilespmem:s20], [sflag:$0x4] =	stream.linear.gather [hbm4b:s3+s23], $0x2000, $0x38;
	[tilespmem:$0x1E900] =	vst v63  }
0x9e: {  	_ =	swait.ge [sflag:s21], $0x100  }
0x9f: {  	[sflag:s21] =	ssyncset.done $0x0  }
0xa0: {  	[sflag:s21] =	ssyncadd.s32 $0xFFFFFF00  }
0xa1: {  	_ =	swait.ge [sflag:s21], $0x100  }
0xa2: {  	[sflag:s21] =	ssyncset.done $0x0  }
0xa3: {  	[sflag:s21] =	ssyncadd.s32 $0xFFFFFF00  }
0xa4: {  	[tilespmem:s25], [sflag:$0x2] =	stream.indirect.gather [hbm4b:s7+s22], $0x20, s23, s22, $0xb8;
	[tilespmem:$0x1E900] =	vst v63  }
0xa5: {  	_ = 	snop  }
0xa6: {  	[tilespmem:s26], [sflag:$0x2] =	stream.indirect.gather [hbm4b:s7+s22], $0x20, s22, s22, $0xb8;
	[tilespmem:$0x1E900] =	vst v63  }
0xa7: {  	_ = 	snop  }
0xa8: {  	[tilespmem:s28], [sflag:$0x3] =	stream.indirect.gather [hbm4b:s1+s22], $0x10, s18, s22, $0xb8;
	[tilespmem:$0x1E900] =	vst v63  }
0xa9: {  	_ = 	snop  }
0xaa: {  	[tilespmem:s30], [sflag:$0x3] =	stream.indirect.gather [hbm4b:s1+s22], $0x10, s29, s22, $0xb8;
	[tilespmem:$0x1E900] =	vst v63  }
0xab: {  	_ =	swait.ge [sflag:s31], $0x1000  }
0xac: {  	[sflag:s31] =	ssyncset.done $0x0  }
0xad: {  	[sflag:s31] =	ssyncadd.s32 $0xFFFFF000  }
0xae: {  	_ =	swait.ge [sflag:s31], $0x2000  }
0xaf: {  	[sflag:s31] =	ssyncset.done $0x0  }
0xb0: {  	[sflag:s31] =	ssyncadd.s32 $0xFFFFE000  }
0xb1: {  	_ =	swait.ge [sflag:s0], $0x1000  }
0xb2: {  	[sflag:s0] =	ssyncset.done $0x0  }
0xb3: {  	[sflag:s0] =	ssyncadd.s32 $0xFFFFF000  }
0xb4: {  	_ =	swait.ge [sflag:s0], $0x1000  }
0xb5: {  	[sflag:s0] =	ssyncset.done $0x0  }
0xb6: {  	[sflag:s0] =	ssyncadd.s32 $0xFFFFF000  }
0xb7: {  	_ =	swait.ge [sflag:s9], $0x800  }
0xb8: {  	[sflag:s9] =	ssyncset.done $0x0  }
0xb9: {  	[sflag:s9] =	ssyncadd.s32 $0xFFFFF800  }
0xba: {  	s3 =	sand.u32 $0x7F, s23;
	_ =	swait.ge [sflag:s9], $0x800  }
0xbb: {  	s17 =	simm.s32 $0x0;
	s8 =	sshll.u32 s3, $0x4;
	[sflag:s9] =	ssyncset.done $0x0  }
0xbc: {  	s12 =	sor.u32 s8, s17;
	[sflag:s9] =	ssyncadd.s32 $0xFFFFF800  }
0xbd: {  	v4 =	vld [tilespmem:s12+$0x4200];
	_ =	sdelay $0x4  }
0xbe: {  	v4 =	vadd.f32 $1.000000020e-16, v4;
	_ =	sdelay $0x1  }
0xbf: {  	(erf) = vrcp.f32 v4;
	_ =	sdelay $0x1  }
0xc0: {  	s16 =	simm.s32 $0x0;
	s3 =	sshll.u32 s3, $0x5  }
0xc1: {  	v4 =	vld [tilespmem:s12+$0x5200];
	s12 =	sor.u32 s3, s16  }
0xc2: {  	v5 =	vld [tilespmem:s12+$0x200]  }
0xc3: {  	v6 =	vld [tilespmem:s12+$0x210]  }
0xc4: {  	v7 =	vld [tilespmem:s12+$0x2210]  }
0xc5: {  	v8 =	vld [tilespmem:s12+$0x2200];
	_ =	sdelay $0x1  }
0xc6: {  	v9 =	vpop (erf)  }
0xc7: {  	v4 =	vmul.f32 v9, v4;
	_ =	sdelay $0x1  }
0xc8: {  	v6 =	vadd.f32 v7, v6;
	v5 =	vadd.f32 v8, v5;
	v7 =	vperm.xlane v4, v2  }
0xc9: {  	v4 =	vperm.xlane v4, v3  }
0xca: {  	s17 =	simm.s32 $0x1;
	v5 =	vmul.f32 v5, v7  }
0xcb: {  	s13 =	simm.s32 $0x2;
	s17 =	sand.u32 $0x7F, s17;
	s16 =	simm.s32 $0x0;
	v4 =	vmul.f32 v6, v4  }
.LBB2_7:
0xcc: {  	p0 =	sne.s32 s13, $0xFF;
	s3 =	sshll.u32 s16, $0xB;
	s8 =	sshll.u32 s17, $0x4;
	[tilespmem:s12+$0x2200] =	vst v5  }
0xcd: {  	s3 =	sor.u32 s8, s3;
	[tilespmem:s12+$0x2210] =	vst v4  }
0xce: {  	v4 =	vld [tilespmem:s3+$0x4200]  }
0xcf: {  	v5 =	vld [tilespmem:s3+$0x5200];
	_ =	sdelay $0x3  }
0xd0: {  	v4 =	vadd.f32 $1.000000020e-16, v4;
	_ =	sdelay $0x1  }
0xd1: {  	(erf) = vrcp.f32 v4;
	_ =	sdelay $0x1  }
0xd2: {  	s8 =	sshll.u32 s17, $0x5;
	s3 =	sshll.u32 s16, $0xC  }
0xd3: {  	s12 =	sor.u32 s8, s3  }
0xd4: {  	v4 =	vld [tilespmem:s12+$0x200]  }
0xd5: {  	v6 =	vld [tilespmem:s12+$0x210]  }
0xd6: {  	v7 =	vld [tilespmem:s12+$0x2210]  }
0xd7: {  	v8 =	vld [tilespmem:s12+$0x2200];
	_ =	sdelay $0x1  }
0xd8: {  	v9 =	vpop (erf)  }
0xd9: {  	v5 =	vmul.f32 v9, v5  }
.Ltmp2:
0xda: {  	v6 =	vadd.f32 v7, v6;
	(pc) =	sbr.rel @p0 .LBB2_7-.Ltmp2, $3  }
0xdb: {  	v7 =	vperm.xlane v5, v2;
	v9 =	vperm.xlane v5, v3;
	v4 =	vadd.f32 v8, v4;
	_ =	sdelay $0x1  }
0xdc: {  	v5 =	vmul.f32 v4, v7;
	v4 =	vmul.f32 v6, v9  }
0xdd: {  	s17 =	sand.u32 $0x7F, s13;
	s16 =	sshrl.u32 s13, $0x7;
	s13 =	sadd.s32 $0x1, s13  }
0xde: {  	s3 =	sshll.u32 s16, $0xB;
	s8 =	sshll.u32 s17, $0x4;
	[tilespmem:s12+$0x2200] =	vst v5  }
0xdf: {  	[tilespmem:s12+$0x2210] =	vst v4;
	s3 =	sor.u32 s8, s3  }
0xe0: {  	v4 =	vld [tilespmem:s3+$0x4200];
	_ =	sdelay $0x4  }
0xe1: {  	v4 =	vadd.f32 $1.000000020e-16, v4;
	_ =	sdelay $0x1  }
0xe2: {  	(erf) = vrcp.f32 v4;
	_ =	sdelay $0x1  }
0xe3: {  	s13 =	sshll.u32 s16, $0xC;
	s16 =	sshll.u32 s17, $0x5  }
0xe4: {  	s17 =	sor.u32 s16, s13  }
0xe5: {  	v5 =	vld [tilespmem:s17+$0x200]  }
0xe6: {  	v4 =	vld [tilespmem:s3+$0x5200]  }
0xe7: {  	v6 =	vld [tilespmem:s17+$0x210]  }
0xe8: {  	v7 =	vld [tilespmem:s17+$0x2200]  }
0xe9: {  	v8 =	vld [tilespmem:s17+$0x2210]  }
0xea: {  	v9 =	vpop (erf)  }
0xeb: {  	v4 =	vmul.f32 v9, v4;
	_ =	sdelay $0x1  }
0xec: {  	v5 =	vadd.f32 v7, v5;
	v9 =	vperm.xlane v4, v2  }
0xed: {  	v6 =	vadd.f32 v8, v6;
	v4 =	vperm.xlane v4, v3  }
0xee: {  	v5 =	vmul.f32 v5, v9  }
0xef: {  	v4 =	vmul.f32 v6, v4  }
0xf0: {  	[tilespmem:s17+$0x2200] =	vst v5  }
0xf1: {  	[tilespmem:s17+$0x2210] =	vst v4  }
0xf2: {  	[spmem:s2] =	stream.indirect.scatter.add.f32 [tilespmem:s20], [sflag:$0x4], $0x20, s18, s22, $0xb8;
	[tilespmem:$0x1E900] =	vst v63  }
0xf3: {  	s24 =	sadd.s32 $0x1, s24  }
0xf4: {  	[spmem:s2] =	stream.indirect.scatter.add.f32 [tilespmem:s15], [sflag:$0x4], $0x20, s29, s22, $0xb8;
	[tilespmem:$0x1E900] =	vst v63  }
0xf5: {  	p0 =	sne.s32 s24, $0x64;
	_ =	swait.ge [sflag:s31], $0x1000  }
.Ltmp3:
0xf6: {  	[sflag:s31] =	ssyncset.done $0x0;
	(pc) =	sbr.rel @p0 .LBB2_6-.Ltmp3, $4  }
0xf7: {  	[sflag:s31] =	ssyncadd.s32 $0xFFFFF000  }
0xf8: {  	_ =	swait.ge [sflag:s31], $0x1000  }
0xf9: {  	[sflag:s31] =	ssyncset.done $0x0  }
0xfa: {  	[sflag:s31] =	ssyncadd.s32 $0xFFFFF000  }
0xfb: {  	[bflag:$0x0] =	sbarrier.arrive $0xFFFF  }
0xfc: {  	s16 =	rddreg [dreg:$0x7]  }
0xfd: {  	s12 =	rddreg [dreg:$0x9]  }
0xfe: {  	s13 =	simm.s32 $0x5;
	s3 =	rddreg [dreg:$0xb]  }
0xff: {  	[hbm:s3], [sflag:s16] =	dma.local [spmem:s12], $0x30E0  }
0x100: {  	_ =	swait.ge [sflag:s13], $0x30E0  }
0x101: {  	s24 =	rddreg [dreg:$0x4]  }
0x102: {  	s8 =	rddreg [dreg:$0x8];
	s3 =	sadd.s32 $0x1, s24  }
0x103: {  	p0 =	sne.s32 s3, s8  }
.Ltmp4:
0x104: {  	_ = 	snop;
	(pc) =	sbr.rel @p0 .LBB2_1-.Ltmp4, $4  }
0x105: {  	[sflag:s13] =	ssyncset.done $0x0  }
0x106: {  	[sflag:s13] =	ssyncadd.s32 $0xFFFFCF20  }
0x107: {  	[bflag:$0x0] =	sbarrier.arrive $0xFFFF  }
0x108: {  	s8 =	rddreg [dreg:$0x5]  }
0x109: {  	_ =	sfence.sel $0x180000  }
0x10a: {  	[bflag:$0x0] =	sbarrier.arrive $0xFFFF  }
0x10b: {  	_ =	strace $0x9000004A  }
0x10c: {  	s0 =	stileid.u32;
	[bflag:$0x2] =	sbarrier.arrive $0xFFFF  }
0x10d: {  	p0 =	sne.s32 s0, $0x0;
	s0 =	rddreg [dreg:$0x3]  }
0x10e: {  	s0 =	sadd.s32 @!p0 $0x100000, s0  }
0x10f: {  	[sflag:s0] =	ssyncadd.tile.s32 @!p0 $0x1;
	_ =	shalt  }
.Lfunc_end2:
_tile_overlayer_lowered:
.L_overlay_start_2:
0x110: {  	(tag) =	ssettag $0x2  }
0x111: {  	s0 =	rddreg [dreg:$0x0];
	s2 =	stileid.u32  }
0x112: {  	s1 =	rddreg [dreg:$0x1];
	p0 =	sne.s32 s2, $0x0  }
0x113: {  	s3 =	rddreg [dreg:$0x2];
	[bflag:$0x3] =	sbarrier.arrive $0xFFFF;
	s2 =	simm.s32 @!p0 $0x1C05  }
0x114: {  	[timem:s3], [sflag:s2] =	dma.local @!p0 [hbm:s0], s1  }
0x115: {  	s0 =	simm.s32 @!p0 $0x5  }
0x116: {  	_ =	swait.ge @!p0 [sflag:s0], s1  }
0x117: {  	s1 =	ssub.s32 @!p0 $0x0, s1;
	[sflag:s0] =	ssyncset.done @!p0 $0x0  }
0x118: {  	[sflag:s0] =	ssyncadd.s32 @!p0 s1  }
0x119: {  	[bflag:$0x3] =	sbarrier.arrive $0xFFFF  }
0x11a: {  	_ =	shalt  }

// kernel: kernel.19.cloned.1.call-start
scs
__scs_entry_jumppad:
0x0: {  	(pc) =	sbr.rel $0x88, $3  }
0x1: {  	(tag) =	ssettag $0x0;
	lr =	simm.s32 $0x1  }
0x2: {  	[smem:$0x3F89] =	sst lr;
	_ =	strace $0xD0000000  }
0x3: {  	_ = 	snop  }
0x4: {  	_ = 	snop  }
0x5: {  	_ = 	snop  }
0x6: {  	_ = 	snop  }
0x7: {  	_ = 	snop  }
__scs_overlays_trampoline_lowered:
0x8: {  	[smem:$0x3F98] =	sst s0  }
0x9: {  	[smem:$0x3F99] =	sst s1  }
0xa: {  	[smem:$0x3F9A] =	sst s2  }
0xb: {  	[smem:$0x3F9B] =	sst s3  }
0xc: {  	[smem:$0x3F9C] =	sst s4  }
0xd: {  	[smem:$0x3F9D] =	sst s5  }
0xe: {  	[smem:$0x3F9E] =	sst s6  }
0xf: {  	[smem:$0x3F9F] =	sst s7  }
0x10: {  	[smem:$0x3FA0] =	sst s8  }
0x11: {  	[smem:$0x3FA1] =	sst s9;
	s0 =	simm.s32 @!p0 $0x0  }
0x12: {  	s1 =	sld [smem:$0x3F87];
	s0 =	simm.s32 @p0 $0x1  }
0x13: {  	[smem:$0x3FA2] =	sst s0;
	s0 =	simm.s32 @!p1 $0x0  }
0x14: {  	s2 =	sld [smem:$0x3F86];
	s0 =	simm.s32 @p1 $0x1  }
0x15: {  	[smem:$0x3FA3] =	sst s0;
	s0 =	simm.s32 @!p2 $0x0  }
0x16: {  	s3 =	sld [smem:$0x3FDB];
	s0 =	simm.s32 @p2 $0x1  }
0x17: {  	s4 =	simm.s32 $0x1BF5;
	[smem:$0x3FA5] =	sst s0  }
0x18: {  	s0 =	sld [smem:$0x3F88];
	_ =	swait.ge [sflag:s4], $0x0  }
0x19: {  	s7 =	sld [smem:$0x3F89]  }
0x1a: {  	s8 =	sadd.s32 $0xFFFFE003, lr  }
0x1b: {  	s9 =	sadd.s32 $0xFFFFFEF7, lr;
	s5 =	simm.s32 $0xFFFFFFFF;
	p2 =	slt.u32 s8, $0xFFFFF086  }
0x1c: {  	p1 =	slt.u32 s9, $0xF7A;
	s5 =	simm.s32 @!p2 $0x0  }
0x1d: {  	s5 =	simm.s32 @p1 $0x1;
	p0 =	seq.s32 s7, s2  }
0x1e: {  	s7 =	smul.u32 @!p0 $0xF7A, s2;
	p2 =	seq.s32 @!p0 s5, $0x0  }
0x1f: {  	s9 =	smul.u32 $0xF7A, s1;
	s8 =	simm.s32 @!p0 $0x1BF5;
	p2 =	por !p2, p0  }
0x20: {  	[sflag:s8] =	ssyncset.s32 @!p0 $0xFFFFF086;
	s6 =	sadd.s32 @!p0 s3, s7;
	s7 =	simm.s32 @!p0 $0x108  }
0x21: {  	s3 =	sadd.s32 s3, s9;
	s6 =	sadd.s32 @!p0 $0x88, s6;
	s7 =	simm.s32 @p2 $0x1082  }
0x22: {  	[simem:s7], [sflag:s8] =	dma.local @!p0 [hbm:s6], $0xF7A  }
0x23: {  	s9 =	sor.u32 $0xD0000000, s2;
	s6 =	simm.s32 $0x108;
	_ =	swait.ge @!p0 [sflag:s8], $0x0  }
0x24: {  	s3 =	sadd.s32 $0x88, s3;
	s6 =	simm.s32 @!p1 $0x1082;
	[sflag:s4] =	ssyncset.s32 $0xFFFFF086  }
0x25: {  	[simem:s6], [sflag:s4] =	dma.local [hbm:s3], $0xF7A  }
0x26: {  	[smem:$0x3F89] =	sst s1;
	(tag) =	ssettag s2;
	_ =	strace s9  }
0x27: {  	s1 =	sld [smem:$0x3F99]  }
0x28: {  	s2 =	sld [smem:$0x3F9A]  }
0x29: {  	s4 =	sld [smem:$0x3F9C]  }
0x2a: {  	p0 =	seq.s32 s5, $0x0;
	s5 =	sld [smem:$0x3F9D]  }
0x2b: {  	s6 =	sld [smem:$0x3F9E]  }
0x2c: {  	s7 =	sld [smem:$0x3F9F]  }
0x2d: {  	s3 =	simm.s32 $0x108;
	s8 =	sld [smem:$0x3FA0]  }
0x2e: {  	s3 =	simm.s32 @!p0 $0x1082;
	s9 =	sld [smem:$0x3FA1]  }
0x2f: {  	lr =	sadd.s32 s0, s3;
	s0 =	sld [smem:$0x3F98]  }
0x30: {  	s3 =	sld [smem:$0x3F9B]  }
0x31: {  	[smem:$0x3FA4] =	sst s10  }
0x32: {  	s10 =	sld [smem:$0x3FA2];
	_ =	sdelay $0x3  }
0x33: {  	p0 =	seq.s32 s10, $0x1;
	s10 =	sld [smem:$0x3FA4];
	_ =	sdelay $0x3  }
0x34: {  	[smem:$0x3FA4] =	sst s10  }
0x35: {  	s10 =	sld [smem:$0x3FA3];
	_ =	sdelay $0x3  }
0x36: {  	p1 =	seq.s32 s10, $0x1;
	s10 =	sld [smem:$0x3FA4];
	_ =	sdelay $0x3  }
0x37: {  	[smem:$0x3FA4] =	sst s10  }
0x38: {  	s10 =	sld [smem:$0x3FA5]  }
0x39: {  	_ = 	snop;
	(pc) =	sbr.ind lr, $3  }
0x3a: {  	_ = 	snop  }
0x3b: {  	_ = 	snop  }
0x3c: {  	p2 =	seq.s32 s10, $0x1;
	s10 =	sld [smem:$0x3FA4]  }
0x3d: {  	_ =	shalt  }
0x3e: {  	_ =	shalt  }
0x3f: {  	_ =	shalt  }
0x40: {  	_ =	shalt  }
0x41: {  	_ =	shalt  }
0x42: {  	_ =	shalt  }
0x43: {  	_ =	shalt  }
0x44: {  	_ =	shalt  }
0x45: {  	_ =	shalt  }
0x46: {  	_ =	shalt  }
0x47: {  	_ =	shalt  }
0x48: {  	_ =	shalt  }
0x49: {  	_ =	shalt  }
0x4a: {  	_ =	shalt  }
0x4b: {  	_ =	shalt  }
0x4c: {  	_ =	shalt  }
0x4d: {  	_ =	shalt  }
0x4e: {  	_ =	shalt  }
0x4f: {  	_ =	shalt  }
0x50: {  	_ =	shalt  }
0x51: {  	_ =	shalt  }
0x52: {  	_ =	shalt  }
0x53: {  	_ =	shalt  }
0x54: {  	_ =	shalt  }
0x55: {  	_ =	shalt  }
0x56: {  	_ =	shalt  }
0x57: {  	_ =	shalt  }
0x58: {  	_ =	shalt  }
0x59: {  	_ =	shalt  }
0x5a: {  	_ =	shalt  }
0x5b: {  	_ =	shalt  }
0x5c: {  	_ =	shalt  }
0x5d: {  	_ =	shalt  }
0x5e: {  	_ =	shalt  }
0x5f: {  	_ =	shalt  }
0x60: {  	_ =	shalt  }
0x61: {  	_ =	shalt  }
0x62: {  	_ =	shalt  }
0x63: {  	_ =	shalt  }
0x64: {  	_ =	shalt  }
0x65: {  	_ =	shalt  }
0x66: {  	_ =	shalt  }
0x67: {  	_ =	shalt  }
0x68: {  	_ =	shalt  }
0x69: {  	_ =	shalt  }
0x6a: {  	_ =	shalt  }
0x6b: {  	_ =	shalt  }
0x6c: {  	_ =	shalt  }
0x6d: {  	_ =	shalt  }
0x6e: {  	_ =	shalt  }
0x6f: {  	_ =	shalt  }
0x70: {  	_ =	shalt  }
0x71: {  	_ =	shalt  }
0x72: {  	_ =	shalt  }
0x73: {  	_ =	shalt  }
0x74: {  	_ =	shalt  }
0x75: {  	_ =	shalt  }
0x76: {  	_ =	shalt  }
0x77: {  	_ =	shalt  }
0x78: {  	_ =	shalt  }
0x79: {  	_ =	shalt  }
0x7a: {  	_ =	shalt  }
0x7b: {  	_ =	shalt  }
0x7c: {  	_ =	shalt  }
0x7d: {  	_ =	shalt  }
0x7e: {  	_ =	shalt  }
0x7f: {  	_ =	shalt  }
0x80: {  	_ =	shalt  }
0x81: {  	_ =	shalt  }
0x82: {  	_ =	shalt  }
0x83: {  	_ =	shalt  }
0x84: {  	_ =	shalt  }
0x85: {  	_ =	shalt  }
0x86: {  	_ =	shalt  }
0x87: {  	_ =	shalt  }
.Lfunc_end0:
.L_simem_size_0:
called_computation.2_lowered:
.L_overlay_start_0:
0x88: {  	s2 =	sld [smem:$0x3FD9]  }
0x89: {  	s3 =	sld [smem:$0x3FFE];
	_ =	sdelay $0x1  }
0x8a: {  	s1 =	srdreg.scid  }
0x8b: {  	s0 =	sand.u32 $0x1, s1  }
0x8c: {  	s14 =	sshll.u32 s0, $0xA;
	s2 =	sadd.s32 s3, s2  }
0x8d: {  	s2 =	sadd.s32 s2, s14  }
0x8e: {  	[smem:$0x3FB0] =	sst s2  }
0x8f: {  	_ = 	snop  }
0x90: {  	s2 =	sld [smem:$0x3FD0];
	_ =	sdelay $0x2  }
0x91: {  	s15 =	simm.s32 $0xA;
	s4 =	simm.s32 $0x10  }
0x92: {  	[smem:s4], [sflag:s15] =	dma.local [hbm:s2], $0x1  }
0x93: {  	_ =	swait.eq [sflag:s15], $0x1  }
0x94: {  	[sflag:s15] =	ssyncset.done $0x0  }
0x95: {  	s16 =	sld [smem:$0x10];
	[sflag:s15] =	ssyncadd.s32 $0xFFFFFFFF  }
0x96: {  	s17 =	sld [smem:$0x11];
	(tm) =	ssettm $0x1  }
0x97: {  	s18 =	sld [smem:$0x3FFB];
	_ =	sdelay $0x3  }
0x98: {  	_ =	strace s18  }
0x99: {  	s4 =	sld [smem:$0x3FFC];
	_ =	sdelay $0x3  }
0x9a: {  	_ =	strace s4  }
0x9b: {  	s4 =	sld [smem:$0x3FFD];
	_ =	sdelay $0x3  }
0x9c: {  	_ =	strace s4  }
0x9d: {  	_ =	strace $0x8FFFFFFF  }
0x9e: {  	s19 =	sld [smem:$0x3FDB];
	_ =	sdelay $0x1  }
0x9f: {  	s5 =	simm.s32 $_scs_section_size  }
0xa0: {  	s6 =	simm.s32 $_size__tile_overlayer_lowered;
	s7 =	simm.s32 $_tile_overlayer_lowered  }
0xa1: {  	s22 =	simm.s32 $0x1BFF;
	s21 =	sshll.u32 s7, $0x1;
	s4 =	sadd.s32 s5, s19  }
0xa2: {  	s8 =	simm.s32 $0x0;
	s20 =	sshll.u32 s6, $0x1;
	s6 =	sadd.s32 s21, s4  }
0xa3: {  	[timem:s8], [sflag:s22] =	dma.local [hbm:s6], s20  }
0xa4: {  	_ =	swait.ge [sflag:s22], s20  }
0xa5: {  	s5 =	ssub.s32 $0x0, s20;
	[sflag:s22] =	ssyncset.done $0x0  }
0xa6: {  	[sflag:s22] =	ssyncadd.s32 s5;
	_ =	sdelay $0x1  }
0xa7: {  	s23 =	simm.s32 $0x1B8B  }
0xa8: {  	_ =	swait.ge [sflag:s23], $0x1  }
0xa9: {  	[sflag:s23] =	ssyncset.done $0x0  }
0xaa: {  	s25 =	simm.s32 $0x1B8E;
	s24 =	sld [smem:$0x3FFE];
	[sflag:s23] =	ssyncadd.s32 $0xFFFFFFFF  }
0xab: {  	s26 =	simm.s32 $execute0_lowered;
	[smem:$0x3FD2] =	sst s25  }
0xac: {  	s6 =	sshll.u32 s26, $0x1;
	_ =	strace $0x8000004C;
	[dreg:$0x1] =	wrdreg $0xFFFFFFFF  }
0xad: {  	s28 =	simm.s32 $_size_execute0_lowered;
	s4 =	sadd.s32 s4, s6;
	[dreg:$0x0] =	wrdreg $0x0  }
0xae: {  	s6 =	sshll.u32 s28, $0x1;
	[dreg:$0x2] =	wrdreg s4  }
0xaf: {  	[dreg:$0x3] =	wrdreg s6  }
0xb0: {  	[dreg:$0x4] =	wrdreg $0xC0  }
0xb1: {  	_ =	task [dreg:s8], $0x5FFFF  }
0xb2: {  	[dreg:$0x1] =	wrdreg $0xFFFFFFFF  }
0xb3: {  	[dreg:$0x0] =	wrdreg $0x60  }
0xb4: {  	[dreg:$0x2] =	wrdreg s24  }
0xb5: {  	[dreg:$0x3] =	wrdreg s16  }
0xb6: {  	[dreg:$0x4] =	wrdreg s17  }
0xb7: {  	[dreg:$0x5] =	wrdreg $0xD8100  }
0xb8: {  	[dreg:$0x6] =	wrdreg $0x9  }
0xb9: {  	_ =	task.clear_ibuf [dreg:s8], $0x7FFFF;
	_ =	strace $0x9000004C  }
0xba: {  	s29 =	simm.s32 $0x9;
	_ =	strace $0x8000004E  }
0xbb: {  	_ =	swait.ge [sflag:s29], $0x1  }
0xbc: {  	[sflag:s29] =	ssyncadd.s32 $0xFFFFFFFF  }
0xbd: {  	_ =	strace $0x9000004E  }
0xbe: {  	_ =	sfence  }
0xbf: {  	s30 =	sld [smem:$0x0];
	_ =	sdelay $0x2  }
0xc0: {  	s31 =	sshll.u32 s1, $0xD;
	s1 =	sshrl.u32 s1, $0x2  }
0xc1: {  	s3 =	sand.u32 $0x4000, s31;
	s1 =	sadd.s32 s1, s30  }
0xc2: {  	s0 =	sor.u32 s3, s0;
	s1 =	sshll.u32 s1, $0x11  }
0xc3: {  	s0 =	sor.u32 s1, s0  }
0xc4: {  	s0 =	sadd.s32 $0x8F2B, s0  }
0xc5: {  	[sflag:s0] =	ssyncadd.remote.s32 $0x1  }
0xc6: {  	_ =	sfence.sel $0xFFFF  }
0xc7: {  	[dreg:$0x0] =	wrdreg $0xFFFFFFFF;
	(pc) =	sbr.abs _section_cstart, $3  }
0xc8: {  	[dreg:$0x1] =	wrdreg $0xFFFFFFFF  }
0xc9: {  	_ =	task.clear_ibuf [dreg:s8], $0x2FFFF;
	_ =	strace $0x9FFFFFFF  }
0xca: {  	(tm) =	ssettm $0x7FFFFFFF  }
0xcb: {  	_ =	shalt  }
tec
execute0_lowered:
.L_overlay_start_1:
0x0: {  	(tag) =	ssettag $0x1  }
0x1: {  	s0 =	rddreg [dreg:$0x0]  }
0x2: {  	s1 =	rddreg [dreg:$0x2]  }
0x3: {  	s2 =	rddreg [dreg:$0x3]  }
0x4: {  	s3 =	simm.s32 $0x0;
	s20 =	srdreg.scid;
	s12 =	stileid.u32  }
0x5: {  	s26 =	simm.s32 $0x5;
	s15 =	simm.s32 $0x400;
	s16 =	simm.s32 $0x1  }
0x6: {  	s17 =	simm.s32 $0x4;
	s18 =	simm.s32 $0x80;
	s28 =	simm.s32 $0x500  }
0x7: {  	s30 =	simm.s32 $0x780;
	s19 =	simm.s32 $0xB810;
	s29 =	simm.s32 $0x0  }
0x8: {  	[smem:$0x7FF] =	sst s3;
	s4 =	sadd.s32 $0x9C400, s0;
	s3 =	sand.u32 $0x1, s20  }
0x9: {  	s6 =	sadd.s32 $0x83400, s0;
	s7 =	sadd.s32 $0xB5400, s0;
	s8 =	sadd.s32 $0x9E00, s0  }
0xa: {  	s9 =	sadd.s32 $0x23C000, s0;
	s22 =	smul.u32 $0xC380, s12;
	s11 =	sshll.u32 s12, $0x6  }
0xb: {  	s20 =	simm.s32 $0xC010;
	_ =	strace $0x8000004D;
	s5 =	ssub.s32 $0x2, s3  }
0xc: {  	s23 =	sshll.u32 s3, $0x4;
	s3 =	smul.u32 $0x18700, s3;
	s13 =	sor.u32 $0x1C05, s11  }
0xd: {  	s10 =	sshrl.u32 s5, $0x1;
	s24 =	sadd.s32 s22, s2;
	s25 =	sshrl.u32 s22, $0x3  }
0xe: {  	s22 =	simm.s32 $0x480;
	[dreg:$0x5] =	wrdreg s13;
	s21 =	ssub.s32 s5, s10  }
0xf: {  	v0 =	vimm.s32 $0x3210FEDC;
	v1 =	vimm.s32 $0xBA987654;
	s10 =	sor.u32 s12, s23;
	s1 =	sadd.s32 s1, s3;
	s14 =	sshrl.u32 s24, $0x3  }
0x10: {  	v0 =	vunpack.c.l.s4.s8 v0;
	v1 =	vunpack.c.l.s4.s8 v1;
	s24 =	simm.s32 $0x600;
	s3 =	simm.s32 $0x680;
	s23 =	simm.s32 $0x700  }
0x11: {  	s5 =	simm.s32 $0x2;
	s12 =	simm.s32 $0x9810;
	s11 =	smul.u32 $0x19, s10  }
0x12: {  	v2 =	vunpack.c.0.s8.s32 v0;
	v1 =	vunpack.c.0.s8.s32 v1;
	s0 =	smax.u32 s21, $0x1;
	s31 =	sadd.s32 s25, s1;
	[dreg:$0x7] =	wrdreg s14  }
0x13: {  	s1 =	simm.s32 $0x3;
	s21 =	simm.s32 $0xC810;
	[dreg:$0x6] =	wrdreg s0  }
0x14: {  	v0 =	vimm.f32 $0.0e+00;
	v1 =	vcombine.low v1, v2;
	s25 =	simm.s32 $0xD010;
	[dreg:$0x8] =	wrdreg s31;
	s0 =	simm.s32 $0x580  }
.LBB2_1:
0x15: {  	[dreg:$0x9] =	wrdreg s29  }
0x16: {  	s10 =	rddreg [dreg:$0x1]  }
0x17: {  	[spmem:s14], [sflag:s13] =	dma.local [hbm:s10], $0x1870  }
0x18: {  	_ =	swait.ge [sflag:s26], $0x1870  }
0x19: {  	[sflag:s26] =	ssyncset.done $0x0  }
0x1a: {  	[sflag:s26] =	ssyncadd.s32 $0xFFFFE790  }
0x1b: {  	[tilespmem:$0x9800] =	vst v0  }
0x1c: {  	s26 =	simm.s32 $0x0;
	[bflag:$0x0] =	sbarrier.arrive $0xFFFF  }
.LBB2_2:
0x1d: {  	s29 =	sadd.s32 s11, s26  }
0x1e: {  	s10 =	sshll.u32 s29, $0x7  }
0x1f: {  	s14 =	simm.s32 $0x0;
	s13 =	sadd.s32 s4, s10  }
0x20: {  	[tilespmem:s14], [sflag:$0x1] =	stream.linear.gather [hbm4b:s13+s14], $0x400, $0x38;
	[tilespmem:$0x19B90] =	vst v63  }
0x21: {  	s10 =	sadd.s32 s6, s10;
	s13 =	sshll.u32 s29, $0x9  }
0x22: {  	[tilespmem:s15], [sflag:$0x1] =	stream.linear.gather [hbm4b:s10+s14], $0x400, $0x38;
	[tilespmem:$0x19B90] =	vst v63  }
0x23: {  	s31 =	simm.s32 $0x8800;
	s10 =	sadd.s32 s8, s13  }
0x24: {  	[tilespmem:s31], [sflag:$0x4] =	stream.linear.gather [hbm4b:s10+s14], $0x1000, $0x38;
	[tilespmem:$0x19B90] =	vst v63  }
0x25: {  	_ =	swait.ge [sflag:s16], $0x400  }
0x26: {  	[sflag:s16] =	ssyncset.done $0x0  }
0x27: {  	[sflag:s16] =	ssyncadd.s32 $0xFFFFFC00  }
0x28: {  	_ =	swait.ge [sflag:s16], $0x400  }
0x29: {  	[sflag:s16] =	ssyncset.done $0x0  }
0x2a: {  	[sflag:s16] =	ssyncadd.s32 $0xFFFFFC00  }
0x2b: {  	_ =	swait.ge [sflag:s17], $0x1000  }
0x2c: {  	[sflag:s17] =	ssyncset.done $0x0  }
0x2d: {  	s13 =	simm.s32 $0x800;
	[sflag:s17] =	ssyncadd.s32 $0xFFFFF000  }
0x2e: {  	[tilespmem:s13], [sflag:$0x2] =	stream.indirect.gather [hbm4b:s7+s18], $0x10, s14, s18, $0xb8;
	[tilespmem:$0x19B90] =	vst v63  }
0x2f: {  	s14 =	simm.s32 $0x4800  }
0x30: {  	[tilespmem:s14], [sflag:$0x3] =	stream.indirect.gather [hbm4b:s7+s18], $0x10, s15, s18, $0xb8;
	[tilespmem:$0x19B90] =	vst v63  }
0x31: {  	s13 =	simm.s32 $0x1000  }
0x32: {  	[tilespmem:s13], [sflag:$0x2] =	stream.indirect.gather [hbm4b:s7+s18], $0x10, s18, s18, $0xb8;
	[tilespmem:$0x19B90] =	vst v63  }
0x33: {  	s14 =	simm.s32 $0x5000  }
0x34: {  	[tilespmem:s14], [sflag:$0x3] =	stream.indirect.gather [hbm4b:s7+s18], $0x10, s22, s18, $0xb8;
	[tilespmem:$0x19B90] =	vst v63  }
0x35: {  	s13 =	simm.s32 $0x100;
	s14 =	simm.s32 $0x1800  }
0x36: {  	[tilespmem:s14], [sflag:$0x2] =	stream.indirect.gather [hbm4b:s7+s18], $0x10, s13, s18, $0xb8;
	[tilespmem:$0x19B90] =	vst v63  }
0x37: {  	s14 =	simm.s32 $0x5800  }
0x38: {  	[tilespmem:s14], [sflag:$0x3] =	stream.indirect.gather [hbm4b:s7+s18], $0x10, s28, s18, $0xb8;
	[tilespmem:$0x19B90] =	vst v63  }
0x39: {  	s13 =	simm.s32 $0x180;
	s14 =	simm.s32 $0x2000  }
0x3a: {  	[tilespmem:s14], [sflag:$0x2] =	stream.indirect.gather [hbm4b:s7+s18], $0x10, s13, s18, $0xb8;
	[tilespmem:$0x19B90] =	vst v63  }
0x3b: {  	s14 =	simm.s32 $0x6000  }
0x3c: {  	[tilespmem:s14], [sflag:$0x3] =	stream.indirect.gather [hbm4b:s7+s18], $0x10, s0, s18, $0xb8;
	[tilespmem:$0x19B90] =	vst v63  }
0x3d: {  	s13 =	simm.s32 $0x200;
	s14 =	simm.s32 $0x2800  }
0x3e: {  	[tilespmem:s14], [sflag:$0x2] =	stream.indirect.gather [hbm4b:s7+s18], $0x10, s13, s18, $0xb8;
	[tilespmem:$0x19B90] =	vst v63  }
0x3f: {  	s14 =	simm.s32 $0x6800  }
0x40: {  	[tilespmem:s14], [sflag:$0x3] =	stream.indirect.gather [hbm4b:s7+s18], $0x10, s24, s18, $0xb8;
	[tilespmem:$0x19B90] =	vst v63  }
0x41: {  	s13 =	simm.s32 $0x280;
	s14 =	simm.s32 $0x3000  }
0x42: {  	[tilespmem:s14], [sflag:$0x2] =	stream.indirect.gather [hbm4b:s7+s18], $0x10, s13, s18, $0xb8;
	[tilespmem:$0x19B90] =	vst v63  }
0x43: {  	s14 =	simm.s32 $0x7000  }
0x44: {  	[tilespmem:s14], [sflag:$0x3] =	stream.indirect.gather [hbm4b:s7+s18], $0x10, s3, s18, $0xb8;
	[tilespmem:$0x19B90] =	vst v63  }
0x45: {  	s13 =	simm.s32 $0x300;
	s14 =	simm.s32 $0x3800  }
0x46: {  	[tilespmem:s14], [sflag:$0x2] =	stream.indirect.gather [hbm4b:s7+s18], $0x10, s13, s18, $0xb8;
	[tilespmem:$0x19B90] =	vst v63  }
0x47: {  	s14 =	simm.s32 $0x7800  }
0x48: {  	[tilespmem:s14], [sflag:$0x3] =	stream.indirect.gather [hbm4b:s7+s18], $0x10, s23, s18, $0xb8;
	[tilespmem:$0x19B90] =	vst v63  }
0x49: {  	s13 =	simm.s32 $0x380;
	s14 =	simm.s32 $0x4000  }
0x4a: {  	[tilespmem:s14], [sflag:$0x2] =	stream.indirect.gather [hbm4b:s7+s18], $0x10, s13, s18, $0xb8;
	[tilespmem:$0x19B90] =	vst v63  }
0x4b: {  	s14 =	simm.s32 $0x8000  }
0x4c: {  	[tilespmem:s14], [sflag:$0x3] =	stream.indirect.gather [hbm4b:s7+s18], $0x10, s30, s18, $0xb8;
	[tilespmem:$0x19B90] =	vst v63  }
0x4d: {  	_ =	swait.ge [sflag:s5], $0x800  }
0x4e: {  	[sflag:s5] =	ssyncset.done $0x0  }
0x4f: {  	[sflag:s5] =	ssyncadd.s32 $0xFFFFF800  }
0x50: {  	_ =	swait.ge [sflag:s1], $0x800  }
0x51: {  	[sflag:s1] =	ssyncset.done $0x0  }
0x52: {  	[sflag:s1] =	ssyncadd.s32 $0xFFFFF800  }
0x53: {  	_ =	swait.ge [sflag:s5], $0x800  }
0x54: {  	[sflag:s5] =	ssyncset.done $0x0  }
0x55: {  	[sflag:s5] =	ssyncadd.s32 $0xFFFFF800  }
0x56: {  	_ =	swait.ge [sflag:s1], $0x800  }
0x57: {  	[sflag:s1] =	ssyncset.done $0x0  }
0x58: {  	[sflag:s1] =	ssyncadd.s32 $0xFFFFF800  }
0x59: {  	_ =	swait.ge [sflag:s5], $0x800  }
0x5a: {  	[sflag:s5] =	ssyncset.done $0x0  }
0x5b: {  	[sflag:s5] =	ssyncadd.s32 $0xFFFFF800  }
0x5c: {  	_ =	swait.ge [sflag:s1], $0x800  }
0x5d: {  	[sflag:s1] =	ssyncset.done $0x0  }
0x5e: {  	[sflag:s1] =	ssyncadd.s32 $0xFFFFF800  }
0x5f: {  	_ =	swait.ge [sflag:s5], $0x800  }
0x60: {  	[sflag:s5] =	ssyncset.done $0x0  }
0x61: {  	[sflag:s5] =	ssyncadd.s32 $0xFFFFF800  }
0x62: {  	_ =	swait.ge [sflag:s1], $0x800  }
0x63: {  	[sflag:s1] =	ssyncset.done $0x0  }
0x64: {  	[sflag:s1] =	ssyncadd.s32 $0xFFFFF800  }
0x65: {  	_ =	swait.ge [sflag:s5], $0x800  }
0x66: {  	[sflag:s5] =	ssyncset.done $0x0  }
0x67: {  	[sflag:s5] =	ssyncadd.s32 $0xFFFFF800  }
0x68: {  	_ =	swait.ge [sflag:s1], $0x800  }
0x69: {  	[sflag:s1] =	ssyncset.done $0x0  }
0x6a: {  	[sflag:s1] =	ssyncadd.s32 $0xFFFFF800  }
0x6b: {  	_ =	swait.ge [sflag:s5], $0x800  }
0x6c: {  	[sflag:s5] =	ssyncset.done $0x0  }
0x6d: {  	[sflag:s5] =	ssyncadd.s32 $0xFFFFF800  }
0x6e: {  	_ =	swait.ge [sflag:s1], $0x800  }
0x6f: {  	[sflag:s1] =	ssyncset.done $0x0  }
0x70: {  	[sflag:s1] =	ssyncadd.s32 $0xFFFFF800  }
0x71: {  	_ =	swait.ge [sflag:s5], $0x800  }
0x72: {  	[sflag:s5] =	ssyncset.done $0x0  }
0x73: {  	[sflag:s5] =	ssyncadd.s32 $0xFFFFF800  }
0x74: {  	_ =	swait.ge [sflag:s1], $0x800  }
0x75: {  	[sflag:s1] =	ssyncset.done $0x0  }
0x76: {  	[sflag:s1] =	ssyncadd.s32 $0xFFFFF800  }
0x77: {  	_ =	swait.ge [sflag:s5], $0x800  }
0x78: {  	[sflag:s5] =	ssyncset.done $0x0  }
0x79: {  	[sflag:s5] =	ssyncadd.s32 $0xFFFFF800  }
0x7a: {  	_ =	swait.ge [sflag:s1], $0x800  }
0x7b: {  	[sflag:s1] =	ssyncset.done $0x0  }
0x7c: {  	s10 =	simm.s32 $0x0;
	[sflag:s1] =	ssyncadd.s32 $0xFFFFF800  }
0x7d: {  	v2 =	vld [tilespmem:s10+$0x4800];
	_ =	sdelay $0x1  }
0x7e: {  	v3 =	vld [tilespmem:s10+$0x800];
	_ =	sdelay $0x1  }
0x7f: {  	v4 =	vld [tilespmem:s31+$0x0]  }
0x80: {  	v2 =	vperm.xlane v2, v1;
	_ =	sdelay $0x1  }
0x81: {  	v2 =	vadd.f32 v2, v3;
	_ =	sdelay $0x1  }
0x82: {  	v2 =	vadd.f32 v4, v2;
	_ =	sdelay $0x1  }
0x83: {  	v3 =	vmul.f32 $2.000000030e-01, v2;
	_ =	sdelay $0x1  }
0x84: {  	v2 =	vmax.f32 v2, v3  }
0x85: {  	v2 =	vmul.f32 $1.442695020e+00, v2;
	_ =	sdelay $0x1  }
0x86: {  	(erf) = vpow2.f32 v2;
	_ =	sdelay $0x5  }
0x87: {  	s13 =	simm.s32 $0x80;
	s14 =	simm.s32 $0x10  }
.LBB2_3:
0x88: {  	p0 =	sne.s32 s13, $0xFFC0;
	v2 =	vld [tilespmem:s14+$0x4800];
	_ =	sdelay $0x1  }
0x89: {  	v3 =	vld [tilespmem:s14+$0x800];
	v4 =	vpop (erf)  }
0x8a: {  	s31 =	sadd.s32 $0x4, s31;
	[tilespmem:s10+$0x9810] =	vst v4;
	s10 =	smov.u32 s14  }
0x8b: {  	v4 =	vld [tilespmem:s31+$0x0]  }
0x8c: {  	v2 =	vperm.xlane v2, v1;
	_ =	sdelay $0x1  }
0x8d: {  	v2 =	vadd.f32 v2, v3;
	_ =	sdelay $0x1  }
0x8e: {  	v2 =	vadd.f32 v4, v2;
	_ =	sdelay $0x1  }
0x8f: {  	v3 =	vmul.f32 $2.000000030e-01, v2;
	_ =	sdelay $0x1  }
0x90: {  	v2 =	vmax.f32 v2, v3  }
0x91: {  	v2 =	vmul.f32 $1.442695020e+00, v2;
	_ =	sdelay $0x1  }
0x92: {  	(erf) = vpow2.f32 v2;
	_ =	sdelay $0x1  }
.Ltmp0:
0x93: {  	(pc) =	sbr.rel @p0 .LBB2_3-.Ltmp0, $2  }
0x94: {  	_ =	sdelay $0x2  }
0x95: {  	s14 =	sshra.s32 s13, $0x2;
	s13 =	sadd.s32 $0x40, s13  }
0x96: {  	v2 =	vld [tilespmem:s14+$0x4800];
	_ =	sdelay $0x1  }
0x97: {  	v3 =	vld [tilespmem:s14+$0x800];
	v4 =	vpop (erf)  }
0x98: {  	s13 =	sadd.s32 $0x4, s31;
	[tilespmem:s10+$0x9810] =	vst v4  }
0x99: {  	v4 =	vld [tilespmem:s13+$0x0]  }
0x9a: {  	v2 =	vperm.xlane v2, v1;
	_ =	sdelay $0x1  }
0x9b: {  	v2 =	vadd.f32 v2, v3;
	_ =	sdelay $0x1  }
0x9c: {  	v2 =	vadd.f32 v4, v2;
	_ =	sdelay $0x1  }
0x9d: {  	v3 =	vmul.f32 $2.000000030e-01, v2;
	_ =	sdelay $0x1  }
0x9e: {  	v2 =	vmax.f32 v2, v3  }
0x9f: {  	v2 =	vmul.f32 $1.442695020e+00, v2;
	_ =	sdelay $0x1  }
0xa0: {  	(erf) = vpow2.f32 v2;
	_ =	sdelay $0x8  }
0xa1: {  	v2 =	vpop (erf)  }
0xa2: {  	[tilespmem:s14+$0x9810] =	vst v2  }
0xa3: {  	[spmem:s2] =	stream.indirect.scatter.add.f32 [tilespmem:s12], [sflag:$0x4], $0x10, s15, s18, $0xb8;
	[tilespmem:$0x19B90] =	vst v63  }
0xa4: {  	s31 =	simm.s32 $0xA010  }
0xa5: {  	[spmem:s2] =	stream.indirect.scatter.add.f32 [tilespmem:s31], [sflag:$0x4], $0x10, s22, s18, $0xb8;
	[tilespmem:$0x19B90] =	vst v63  }
0xa6: {  	s13 =	simm.s32 $0xA810  }
0xa7: {  	[spmem:s2] =	stream.indirect.scatter.add.f32 [tilespmem:s13], [sflag:$0x4], $0x10, s28, s18, $0xb8;
	[tilespmem:$0x19B90] =	vst v63  }
0xa8: {  	s14 =	simm.s32 $0xB010  }
0xa9: {  	[spmem:s2] =	stream.indirect.scatter.add.f32 [tilespmem:s14], [sflag:$0x4], $0x10, s0, s18, $0xb8;
	[tilespmem:$0x19B90] =	vst v63  }
0xaa: {  	_ = 	snop  }
0xab: {  	[spmem:s2] =	stream.indirect.scatter.add.f32 [tilespmem:s19], [sflag:$0x4], $0x10, s24, s18, $0xb8;
	[tilespmem:$0x19B90] =	vst v63  }
0xac: {  	_ = 	snop  }
0xad: {  	[spmem:s2] =	stream.indirect.scatter.add.f32 [tilespmem:s20], [sflag:$0x4], $0x10, s3, s18, $0xb8;
	[tilespmem:$0x19B90] =	vst v63  }
0xae: {  	_ = 	snop  }
0xaf: {  	[spmem:s2] =	stream.indirect.scatter.add.f32 [tilespmem:s21], [sflag:$0x4], $0x10, s23, s18, $0xb8;
	[tilespmem:$0x19B90] =	vst v63  }
0xb0: {  	s31 =	sshll.u32 s29, $0xB  }
0xb1: {  	[spmem:s2] =	stream.indirect.scatter.add.f32 [tilespmem:s25], [sflag:$0x4], $0x10, s30, s18, $0xb8;
	[tilespmem:$0x19B90] =	vst v63  }
0xb2: {  	s10 =	sadd.s32 s9, s31;
	s13 =	simm.s32 $0x0  }
0xb3: {  	[hbm4b:s10+s13] =	stream.linear.scatter [tilespmem:s12], [sflag:$0x1], $0x4000, $0x38;
	[tilespmem:$0x19B90] =	vst v63  }
0xb4: {  	_ =	swait.ge [sflag:s17], $0x800  }
0xb5: {  	[sflag:s17] =	ssyncset.done $0x0  }
0xb6: {  	[sflag:s17] =	ssyncadd.s32 $0xFFFFF800  }
0xb7: {  	_ =	swait.ge [sflag:s17], $0x800  }
0xb8: {  	[sflag:s17] =	ssyncset.done $0x0  }
0xb9: {  	[sflag:s17] =	ssyncadd.s32 $0xFFFFF800  }
0xba: {  	_ =	swait.ge [sflag:s17], $0x800  }
0xbb: {  	[sflag:s17] =	ssyncset.done $0x0  }
0xbc: {  	[sflag:s17] =	ssyncadd.s32 $0xFFFFF800  }
0xbd: {  	_ =	swait.ge [sflag:s17], $0x800  }
0xbe: {  	[sflag:s17] =	ssyncset.done $0x0  }
0xbf: {  	[sflag:s17] =	ssyncadd.s32 $0xFFFFF800  }
0xc0: {  	_ =	swait.ge [sflag:s17], $0x800  }
0xc1: {  	[sflag:s17] =	ssyncset.done $0x0  }
0xc2: {  	[sflag:s17] =	ssyncadd.s32 $0xFFFFF800  }
0xc3: {  	_ =	swait.ge [sflag:s17], $0x800  }
0xc4: {  	[sflag:s17] =	ssyncset.done $0x0  }
0xc5: {  	[sflag:s17] =	ssyncadd.s32 $0xFFFFF800  }
0xc6: {  	_ =	swait.ge [sflag:s17], $0x800  }
0xc7: {  	[sflag:s17] =	ssyncset.done $0x0  }
0xc8: {  	s26 =	sadd.s32 $0x1, s26;
	[sflag:s17] =	ssyncadd.s32 $0xFFFFF800  }
0xc9: {  	p0 =	sne.s32 s26, $0x19;
	_ =	swait.ge [sflag:s17], $0x800  }
.Ltmp1:
0xca: {  	[sflag:s17] =	ssyncset.done $0x0;
	(pc) =	sbr.rel @p0 .LBB2_2-.Ltmp1, $4  }
0xcb: {  	[sflag:s17] =	ssyncadd.s32 $0xFFFFF800  }
0xcc: {  	_ =	swait.ge [sflag:s16], $0x4000  }
0xcd: {  	[sflag:s16] =	ssyncset.done $0x0  }
0xce: {  	[sflag:s16] =	ssyncadd.s32 $0xFFFFC000  }
0xcf: {  	[bflag:$0x0] =	sbarrier.arrive $0xFFFF  }
0xd0: {  	s13 =	rddreg [dreg:$0x5]  }
0xd1: {  	s14 =	rddreg [dreg:$0x7]  }
0xd2: {  	s26 =	simm.s32 $0x5;
	s10 =	rddreg [dreg:$0x8]  }
0xd3: {  	[hbm:s10], [sflag:s13] =	dma.local [spmem:s14], $0x1870  }
0xd4: {  	_ =	swait.ge [sflag:s26], $0x1870  }
0xd5: {  	s29 =	rddreg [dreg:$0x9]  }
0xd6: {  	s31 =	rddreg [dreg:$0x6];
	s29 =	sadd.s32 $0x1, s29  }
0xd7: {  	p0 =	sne.s32 s29, s31  }
.Ltmp2:
0xd8: {  	_ = 	snop;
	(pc) =	sbr.rel @p0 .LBB2_1-.Ltmp2, $3  }
0xd9: {  	_ =	sdelay $0x1  }
0xda: {  	[sflag:s26] =	ssyncset.done $0x0  }
0xdb: {  	[sflag:s26] =	ssyncadd.s32 $0xFFFFE790  }
0xdc: {  	_ =	sfence.sel $0x180000  }
0xdd: {  	[bflag:$0x0] =	sbarrier.arrive $0xFFFF  }
0xde: {  	_ =	strace $0x9000004D  }
0xdf: {  	s0 =	stileid.u32;
	[bflag:$0x2] =	sbarrier.arrive $0xFFFF  }
0xe0: {  	p0 =	sne.s32 s0, $0x0;
	s0 =	rddreg [dreg:$0x4]  }
0xe1: {  	s0 =	sadd.s32 @!p0 $0x100000, s0  }
0xe2: {  	[sflag:s0] =	ssyncadd.tile.s32 @!p0 $0x1;
	_ =	shalt  }
.Lfunc_end2:
_tile_overlayer_lowered:
.L_overlay_start_2:
0xe3: {  	(tag) =	ssettag $0x2  }
0xe4: {  	s0 =	rddreg [dreg:$0x0];
	s2 =	stileid.u32  }
0xe5: {  	s1 =	rddreg [dreg:$0x1];
	p0 =	sne.s32 s2, $0x0  }
0xe6: {  	s3 =	rddreg [dreg:$0x2];
	[bflag:$0x3] =	sbarrier.arrive $0xFFFF;
	s2 =	simm.s32 @!p0 $0x1C05  }
0xe7: {  	[timem:s3], [sflag:s2] =	dma.local @!p0 [hbm:s0], s1  }
0xe8: {  	s0 =	simm.s32 @!p0 $0x5  }
0xe9: {  	_ =	swait.ge @!p0 [sflag:s0], s1  }
0xea: {  	s1 =	ssub.s32 @!p0 $0x0, s1;
	[sflag:s0] =	ssyncset.done @!p0 $0x0  }
0xeb: {  	[sflag:s0] =	ssyncadd.s32 @!p0 s1  }
0xec: {  	[bflag:$0x3] =	sbarrier.arrive $0xFFFF  }
0xed: {  	_ =	shalt  }

// kernel: kernel.22.cloned.1.call-start
scs
__scs_entry_jumppad:
0x0: {  	(pc) =	sbr.rel $0x88, $3  }
0x1: {  	(tag) =	ssettag $0x0;
	lr =	simm.s32 $0x1  }
0x2: {  	[smem:$0x3F89] =	sst lr;
	_ =	strace $0xD0000000  }
0x3: {  	_ = 	snop  }
0x4: {  	_ = 	snop  }
0x5: {  	_ = 	snop  }
0x6: {  	_ = 	snop  }
0x7: {  	_ = 	snop  }
__scs_overlays_trampoline_lowered:
0x8: {  	[smem:$0x3F98] =	sst s0  }
0x9: {  	[smem:$0x3F99] =	sst s1  }
0xa: {  	[smem:$0x3F9A] =	sst s2  }
0xb: {  	[smem:$0x3F9B] =	sst s3  }
0xc: {  	[smem:$0x3F9C] =	sst s4  }
0xd: {  	[smem:$0x3F9D] =	sst s5  }
0xe: {  	[smem:$0x3F9E] =	sst s6  }
0xf: {  	[smem:$0x3F9F] =	sst s7  }
0x10: {  	[smem:$0x3FA0] =	sst s8  }
0x11: {  	[smem:$0x3FA1] =	sst s9;
	s0 =	simm.s32 @!p0 $0x0  }
0x12: {  	s1 =	sld [smem:$0x3F87];
	s0 =	simm.s32 @p0 $0x1  }
0x13: {  	[smem:$0x3FA2] =	sst s0;
	s0 =	simm.s32 @!p1 $0x0  }
0x14: {  	s2 =	sld [smem:$0x3F86];
	s0 =	simm.s32 @p1 $0x1  }
0x15: {  	[smem:$0x3FA3] =	sst s0;
	s0 =	simm.s32 @!p2 $0x0  }
0x16: {  	s3 =	sld [smem:$0x3FDB];
	s0 =	simm.s32 @p2 $0x1  }
0x17: {  	s4 =	simm.s32 $0x1BF5;
	[smem:$0x3FA5] =	sst s0  }
0x18: {  	s0 =	sld [smem:$0x3F88];
	_ =	swait.ge [sflag:s4], $0x0  }
0x19: {  	s7 =	sld [smem:$0x3F89]  }
0x1a: {  	s8 =	sadd.s32 $0xFFFFE003, lr  }
0x1b: {  	s9 =	sadd.s32 $0xFFFFFEF7, lr;
	s5 =	simm.s32 $0xFFFFFFFF;
	p2 =	slt.u32 s8, $0xFFFFF086  }
0x1c: {  	p1 =	slt.u32 s9, $0xF7A;
	s5 =	simm.s32 @!p2 $0x0  }
0x1d: {  	s5 =	simm.s32 @p1 $0x1;
	p0 =	seq.s32 s7, s2  }
0x1e: {  	s7 =	smul.u32 @!p0 $0xF7A, s2;
	p2 =	seq.s32 @!p0 s5, $0x0  }
0x1f: {  	s9 =	smul.u32 $0xF7A, s1;
	s8 =	simm.s32 @!p0 $0x1BF5;
	p2 =	por !p2, p0  }
0x20: {  	[sflag:s8] =	ssyncset.s32 @!p0 $0xFFFFF086;
	s6 =	sadd.s32 @!p0 s3, s7;
	s7 =	simm.s32 @!p0 $0x108  }
0x21: {  	s3 =	sadd.s32 s3, s9;
	s6 =	sadd.s32 @!p0 $0x88, s6;
	s7 =	simm.s32 @p2 $0x1082  }
0x22: {  	[simem:s7], [sflag:s8] =	dma.local @!p0 [hbm:s6], $0xF7A  }
0x23: {  	s9 =	sor.u32 $0xD0000000, s2;
	s6 =	simm.s32 $0x108;
	_ =	swait.ge @!p0 [sflag:s8], $0x0  }
0x24: {  	s3 =	sadd.s32 $0x88, s3;
	s6 =	simm.s32 @!p1 $0x1082;
	[sflag:s4] =	ssyncset.s32 $0xFFFFF086  }
0x25: {  	[simem:s6], [sflag:s4] =	dma.local [hbm:s3], $0xF7A  }
0x26: {  	[smem:$0x3F89] =	sst s1;
	(tag) =	ssettag s2;
	_ =	strace s9  }
0x27: {  	s1 =	sld [smem:$0x3F99]  }
0x28: {  	s2 =	sld [smem:$0x3F9A]  }
0x29: {  	s4 =	sld [smem:$0x3F9C]  }
0x2a: {  	p0 =	seq.s32 s5, $0x0;
	s5 =	sld [smem:$0x3F9D]  }
0x2b: {  	s6 =	sld [smem:$0x3F9E]  }
0x2c: {  	s7 =	sld [smem:$0x3F9F]  }
0x2d: {  	s3 =	simm.s32 $0x108;
	s8 =	sld [smem:$0x3FA0]  }
0x2e: {  	s3 =	simm.s32 @!p0 $0x1082;
	s9 =	sld [smem:$0x3FA1]  }
0x2f: {  	lr =	sadd.s32 s0, s3;
	s0 =	sld [smem:$0x3F98]  }
0x30: {  	s3 =	sld [smem:$0x3F9B]  }
0x31: {  	[smem:$0x3FA4] =	sst s10  }
0x32: {  	s10 =	sld [smem:$0x3FA2];
	_ =	sdelay $0x3  }
0x33: {  	p0 =	seq.s32 s10, $0x1;
	s10 =	sld [smem:$0x3FA4];
	_ =	sdelay $0x3  }
0x34: {  	[smem:$0x3FA4] =	sst s10  }
0x35: {  	s10 =	sld [smem:$0x3FA3];
	_ =	sdelay $0x3  }
0x36: {  	p1 =	seq.s32 s10, $0x1;
	s10 =	sld [smem:$0x3FA4];
	_ =	sdelay $0x3  }
0x37: {  	[smem:$0x3FA4] =	sst s10  }
0x38: {  	s10 =	sld [smem:$0x3FA5]  }
0x39: {  	_ = 	snop;
	(pc) =	sbr.ind lr, $3  }
0x3a: {  	_ = 	snop  }
0x3b: {  	_ = 	snop  }
0x3c: {  	p2 =	seq.s32 s10, $0x1;
	s10 =	sld [smem:$0x3FA4]  }
0x3d: {  	_ =	shalt  }
0x3e: {  	_ =	shalt  }
0x3f: {  	_ =	shalt  }
0x40: {  	_ =	shalt  }
0x41: {  	_ =	shalt  }
0x42: {  	_ =	shalt  }
0x43: {  	_ =	shalt  }
0x44: {  	_ =	shalt  }
0x45: {  	_ =	shalt  }
0x46: {  	_ =	shalt  }
0x47: {  	_ =	shalt  }
0x48: {  	_ =	shalt  }
0x49: {  	_ =	shalt  }
0x4a: {  	_ =	shalt  }
0x4b: {  	_ =	shalt  }
0x4c: {  	_ =	shalt  }
0x4d: {  	_ =	shalt  }
0x4e: {  	_ =	shalt  }
0x4f: {  	_ =	shalt  }
0x50: {  	_ =	shalt  }
0x51: {  	_ =	shalt  }
0x52: {  	_ =	shalt  }
0x53: {  	_ =	shalt  }
0x54: {  	_ =	shalt  }
0x55: {  	_ =	shalt  }
0x56: {  	_ =	shalt  }
0x57: {  	_ =	shalt  }
0x58: {  	_ =	shalt  }
0x59: {  	_ =	shalt  }
0x5a: {  	_ =	shalt  }
0x5b: {  	_ =	shalt  }
0x5c: {  	_ =	shalt  }
0x5d: {  	_ =	shalt  }
0x5e: {  	_ =	shalt  }
0x5f: {  	_ =	shalt  }
0x60: {  	_ =	shalt  }
0x61: {  	_ =	shalt  }
0x62: {  	_ =	shalt  }
0x63: {  	_ =	shalt  }
0x64: {  	_ =	shalt  }
0x65: {  	_ =	shalt  }
0x66: {  	_ =	shalt  }
0x67: {  	_ =	shalt  }
0x68: {  	_ =	shalt  }
0x69: {  	_ =	shalt  }
0x6a: {  	_ =	shalt  }
0x6b: {  	_ =	shalt  }
0x6c: {  	_ =	shalt  }
0x6d: {  	_ =	shalt  }
0x6e: {  	_ =	shalt  }
0x6f: {  	_ =	shalt  }
0x70: {  	_ =	shalt  }
0x71: {  	_ =	shalt  }
0x72: {  	_ =	shalt  }
0x73: {  	_ =	shalt  }
0x74: {  	_ =	shalt  }
0x75: {  	_ =	shalt  }
0x76: {  	_ =	shalt  }
0x77: {  	_ =	shalt  }
0x78: {  	_ =	shalt  }
0x79: {  	_ =	shalt  }
0x7a: {  	_ =	shalt  }
0x7b: {  	_ =	shalt  }
0x7c: {  	_ =	shalt  }
0x7d: {  	_ =	shalt  }
0x7e: {  	_ =	shalt  }
0x7f: {  	_ =	shalt  }
0x80: {  	_ =	shalt  }
0x81: {  	_ =	shalt  }
0x82: {  	_ =	shalt  }
0x83: {  	_ =	shalt  }
0x84: {  	_ =	shalt  }
0x85: {  	_ =	shalt  }
0x86: {  	_ =	shalt  }
0x87: {  	_ =	shalt  }
.Lfunc_end0:
.L_simem_size_0:
called_computation.3_lowered:
.L_overlay_start_0:
0x88: {  	s2 =	sld [smem:$0x3FD9]  }
0x89: {  	s3 =	sld [smem:$0x3FFE];
	_ =	sdelay $0x1  }
0x8a: {  	s1 =	srdreg.scid  }
0x8b: {  	s0 =	sand.u32 $0x1, s1  }
0x8c: {  	s14 =	sshll.u32 s0, $0xA;
	s2 =	sadd.s32 s3, s2  }
0x8d: {  	s2 =	sadd.s32 s2, s14  }
0x8e: {  	[smem:$0x3FB0] =	sst s2  }
0x8f: {  	_ = 	snop  }
0x90: {  	s2 =	sld [smem:$0x3FD0];
	_ =	sdelay $0x2  }
0x91: {  	s15 =	simm.s32 $0xA;
	s4 =	simm.s32 $0x10  }
0x92: {  	[smem:s4], [sflag:s15] =	dma.local [hbm:s2], $0x1  }
0x93: {  	_ =	swait.eq [sflag:s15], $0x1  }
0x94: {  	[sflag:s15] =	ssyncset.done $0x0  }
0x95: {  	[sflag:s15] =	ssyncadd.s32 $0xFFFFFFFF  }
0x96: {  	s16 =	sld [smem:$0x11];
	(tm) =	ssettm $0x1  }
0x97: {  	s17 =	sld [smem:$0x3FFB];
	_ =	sdelay $0x3  }
0x98: {  	_ =	strace s17  }
0x99: {  	s3 =	sld [smem:$0x3FFC];
	_ =	sdelay $0x3  }
0x9a: {  	_ =	strace s3  }
0x9b: {  	s3 =	sld [smem:$0x3FFD];
	_ =	sdelay $0x3  }
0x9c: {  	_ =	strace s3  }
0x9d: {  	_ =	strace $0x8FFFFFFF  }
0x9e: {  	s18 =	sld [smem:$0x3FDB];
	_ =	sdelay $0x1  }
0x9f: {  	s19 =	simm.s32 $_scs_section_size  }
0xa0: {  	s5 =	simm.s32 $_size__tile_overlayer_lowered;
	s6 =	simm.s32 $_tile_overlayer_lowered  }
0xa1: {  	s22 =	simm.s32 $0x1BFF;
	s21 =	sshll.u32 s6, $0x1;
	s3 =	sadd.s32 s19, s18  }
0xa2: {  	s7 =	simm.s32 $0x0;
	s20 =	sshll.u32 s5, $0x1;
	s5 =	sadd.s32 s21, s3  }
0xa3: {  	[timem:s7], [sflag:s22] =	dma.local [hbm:s5], s20  }
0xa4: {  	_ =	swait.ge [sflag:s22], s20  }
0xa5: {  	s4 =	ssub.s32 $0x0, s20;
	[sflag:s22] =	ssyncset.done $0x0  }
0xa6: {  	[sflag:s22] =	ssyncadd.s32 s4;
	_ =	sdelay $0x1  }
0xa7: {  	s23 =	simm.s32 $0x1B8B  }
0xa8: {  	_ =	swait.ge [sflag:s23], $0x1  }
0xa9: {  	[sflag:s23] =	ssyncset.done $0x0  }
0xaa: {  	s25 =	simm.s32 $0x1B8E;
	s24 =	sld [smem:$0x3FFE];
	[sflag:s23] =	ssyncadd.s32 $0xFFFFFFFF  }
0xab: {  	s26 =	simm.s32 $execute0_lowered;
	[smem:$0x3FD2] =	sst s25  }
0xac: {  	s5 =	sshll.u32 s26, $0x1;
	_ =	strace $0x8000004F;
	[dreg:$0x1] =	wrdreg $0xFFFFFFFF  }
0xad: {  	s28 =	simm.s32 $_size_execute0_lowered;
	s3 =	sadd.s32 s3, s5;
	[dreg:$0x0] =	wrdreg $0x0  }
0xae: {  	s5 =	sshll.u32 s28, $0x1;
	[dreg:$0x2] =	wrdreg s3  }
0xaf: {  	[dreg:$0x3] =	wrdreg s5  }
0xb0: {  	[dreg:$0x4] =	wrdreg $0xC0  }
0xb1: {  	_ =	task [dreg:s7], $0x5FFFF  }
0xb2: {  	[dreg:$0x1] =	wrdreg $0xFFFFFFFF  }
0xb3: {  	[dreg:$0x0] =	wrdreg $0x60  }
0xb4: {  	[dreg:$0x2] =	wrdreg s24  }
0xb5: {  	[dreg:$0x3] =	wrdreg s16  }
0xb6: {  	[dreg:$0x4] =	wrdreg $0x62000  }
0xb7: {  	[dreg:$0x5] =	wrdreg $0x9  }
0xb8: {  	_ =	task.clear_ibuf [dreg:s7], $0x6FFFF;
	_ =	strace $0x9000004F  }
0xb9: {  	s29 =	simm.s32 $0x9;
	_ =	strace $0x80000051  }
0xba: {  	_ =	swait.ge [sflag:s29], $0x1  }
0xbb: {  	[sflag:s29] =	ssyncadd.s32 $0xFFFFFFFF  }
0xbc: {  	_ =	strace $0x90000051  }
0xbd: {  	_ =	sfence  }
0xbe: {  	s30 =	sld [smem:$0x0];
	_ =	sdelay $0x2  }
0xbf: {  	s31 =	sshll.u32 s1, $0xD;
	s1 =	sshrl.u32 s1, $0x2  }
0xc0: {  	s3 =	sand.u32 $0x4000, s31;
	s1 =	sadd.s32 s1, s30  }
0xc1: {  	s0 =	sor.u32 s3, s0;
	s1 =	sshll.u32 s1, $0x11  }
0xc2: {  	s0 =	sor.u32 s1, s0  }
0xc3: {  	s0 =	sadd.s32 $0x8F2B, s0  }
0xc4: {  	[sflag:s0] =	ssyncadd.remote.s32 $0x1  }
0xc5: {  	_ =	sfence.sel $0xFFFF  }
0xc6: {  	[dreg:$0x0] =	wrdreg $0xFFFFFFFF;
	(pc) =	sbr.abs _section_cstart, $3  }
0xc7: {  	[dreg:$0x1] =	wrdreg $0xFFFFFFFF  }
0xc8: {  	_ =	task.clear_ibuf [dreg:s7], $0x2FFFF;
	_ =	strace $0x9FFFFFFF  }
0xc9: {  	(tm) =	ssettm $0x7FFFFFFF  }
tec
execute0_lowered:
.L_overlay_start_1:
0x0: {  	(tag) =	ssettag $0x1  }
0x1: {  	s0 =	rddreg [dreg:$0x0]  }
0x2: {  	s1 =	rddreg [dreg:$0x1]  }
0x3: {  	s2 =	rddreg [dreg:$0x2];
	s3 =	simm.s32 $0x0  }
0x4: {  	s7 =	srdreg.scid;
	s12 =	stileid.u32;
	s15 =	simm.s32 $0x5  }
0x5: {  	s16 =	simm.s32 $0x100;
	s17 =	simm.s32 $0x5200;
	s18 =	simm.s32 $0x2200  }
0x6: {  	s19 =	simm.s32 $0x1;
	s20 =	simm.s32 $0x80;
	s21 =	simm.s32 $0x200  }
0x7: {  	s22 =	simm.s32 $0x1200;
	s28 =	simm.s32 $0x4;
	s29 =	simm.s32 $0x2  }
0x8: {  	s30 =	simm.s32 $0x3;
	s31 =	simm.s32 $0x3200;
	[smem:$0x7FF] =	sst s3  }
0x9: {  	s4 =	sadd.s32 $0x9C400, s0;
	s5 =	sadd.s32 $0x83400, s0;
	s6 =	sadd.s32 $0xCDC00, s0  }
0xa: {  	s7 =	sand.u32 $0x1, s7;
	s8 =	sadd.s32 $0x3CC000, s0;
	s9 =	sadd.s32 $0x23C000, s0  }
0xb: {  	s11 =	sadd.s32 $0x6C00, s0;
	s13 =	smul.u32 $0x18700, s12;
	s25 =	sshll.u32 s12, $0x6  }
0xc: {  	_ =	strace $0x80000050;
	s10 =	smul.u32 $0x30E00, s7;
	[dreg:$0x4] =	wrdreg s11  }
0xd: {  	s23 =	ssub.s32 $0x2, s7;
	s7 =	sshll.u32 s7, $0x4;
	s11 =	sor.u32 $0x1C05, s25  }
0xe: {  	s25 =	simm.s32 $0x180;
	s24 =	sshrl.u32 s23, $0x1;
	s7 =	sor.u32 s12, s7  }
0xf: {  	s26 =	sshrl.u32 s13, $0x3;
	s0 =	sadd.s32 s10, s0;
	s10 =	ssub.s32 s23, s24  }
0x10: {  	[dreg:$0x5] =	wrdreg s11;
	s0 =	sadd.s32 $0x9E00, s0;
	s10 =	smax.u32 s10, $0x1  }
0x11: {  	v0 =	vlaneseq.u32;
	s14 =	sadd.s32 s13, s2;
	[dreg:$0x6] =	wrdreg s10;
	s0 =	sadd.s32 s26, s0  }
0x12: {  	v0 =	vshrl.u32 v0, $0x3;
	s12 =	smul.u32 $0x64, s7;
	s10 =	sshrl.u32 s14, $0x3;
	[dreg:$0x8] =	wrdreg s0  }
0x13: {  	v1 =	vor.u32 $0x2, v0;
	s23 =	simm.s32 $0x4200;
	s26 =	simm.s32 $0x4A00;
	[dreg:$0x7] =	wrdreg s10  }
.LBB2_1:
0x14: {  	s0 =	rddreg [dreg:$0x4]  }
0x15: {  	[spmem:s10], [sflag:s11] =	dma.local [hbm:s0], $0x30E0  }
0x16: {  	_ =	swait.ge [sflag:s15], $0x30E0  }
0x17: {  	[sflag:s15] =	ssyncset.done $0x0  }
0x18: {  	[sflag:s15] =	ssyncadd.s32 $0xFFFFCF20  }
0x19: {  	s0 =	simm.s32 $0x0;
	[bflag:$0x0] =	sbarrier.arrive $0xFFFF  }
.LBB2_2:
0x1a: {  	s7 =	sadd.s32 s12, s0  }
0x1b: {  	s10 =	sshll.u32 s7, $0x5  }
0x1c: {  	s24 =	simm.s32 $0x0;
	s13 =	sadd.s32 s4, s10  }
0x1d: {  	[tilespmem:s24], [sflag:$0x1] =	stream.linear.gather [hbm4b:s13+s24], $0x100, $0x38;
	[tilespmem:$0x1E900] =	vst v63  }
0x1e: {  	s14 =	sshll.u32 s7, $0x9;
	s10 =	sadd.s32 s5, s10  }
0x1f: {  	[tilespmem:s16], [sflag:$0x1] =	stream.linear.gather [hbm4b:s10+s24], $0x100, $0x38;
	[tilespmem:$0x1E900] =	vst v63  }
0x20: {  	s7 =	sshll.u32 s7, $0xA;
	s10 =	sadd.s32 s9, s14  }
0x21: {  	[tilespmem:s17], [sflag:$0x4] =	stream.linear.gather [hbm4b:s10+s24], $0x1000, $0x38;
	[tilespmem:$0x1E900] =	vst v63  }
0x22: {  	s7 =	sadd.s32 s8, s7  }
0x23: {  	[tilespmem:s18], [sflag:$0x4] =	stream.linear.gather [hbm4b:s7+s24], $0x2000, $0x38;
	[tilespmem:$0x1E900] =	vst v63  }
0x24: {  	_ =	swait.ge [sflag:s19], $0x100  }
0x25: {  	[sflag:s19] =	ssyncset.done $0x0  }
0x26: {  	[sflag:s19] =	ssyncadd.s32 $0xFFFFFF00  }
0x27: {  	_ =	swait.ge [sflag:s19], $0x100  }
0x28: {  	[sflag:s19] =	ssyncset.done $0x0  }
0x29: {  	[sflag:s19] =	ssyncadd.s32 $0xFFFFFF00  }
0x2a: {  	[tilespmem:s21], [sflag:$0x2] =	stream.indirect.gather [hbm4b:s6+s20], $0x20, s24, s20, $0xb8;
	[tilespmem:$0x1E900] =	vst v63  }
0x2b: {  	_ = 	snop  }
0x2c: {  	[tilespmem:s22], [sflag:$0x2] =	stream.indirect.gather [hbm4b:s6+s20], $0x20, s20, s20, $0xb8;
	[tilespmem:$0x1E900] =	vst v63  }
0x2d: {  	_ = 	snop  }
0x2e: {  	[tilespmem:s23], [sflag:$0x3] =	stream.indirect.gather [hbm4b:s1+s20], $0x10, s16, s20, $0xb8;
	[tilespmem:$0x1E900] =	vst v63  }
0x2f: {  	_ = 	snop  }
0x30: {  	[tilespmem:s26], [sflag:$0x3] =	stream.indirect.gather [hbm4b:s1+s20], $0x10, s25, s20, $0xb8;
	[tilespmem:$0x1E900] =	vst v63  }
0x31: {  	_ =	swait.ge [sflag:s28], $0x1000  }
0x32: {  	[sflag:s28] =	ssyncset.done $0x0  }
0x33: {  	[sflag:s28] =	ssyncadd.s32 $0xFFFFF000  }
0x34: {  	_ =	swait.ge [sflag:s28], $0x2000  }
0x35: {  	[sflag:s28] =	ssyncset.done $0x0  }
0x36: {  	[sflag:s28] =	ssyncadd.s32 $0xFFFFE000  }
0x37: {  	_ =	swait.ge [sflag:s29], $0x1000  }
0x38: {  	[sflag:s29] =	ssyncset.done $0x0  }
0x39: {  	[sflag:s29] =	ssyncadd.s32 $0xFFFFF000  }
0x3a: {  	_ =	swait.ge [sflag:s29], $0x1000  }
0x3b: {  	[sflag:s29] =	ssyncset.done $0x0  }
0x3c: {  	[sflag:s29] =	ssyncadd.s32 $0xFFFFF000  }
0x3d: {  	_ =	swait.ge [sflag:s30], $0x800  }
0x3e: {  	[sflag:s30] =	ssyncset.done $0x0  }
0x3f: {  	[sflag:s30] =	ssyncadd.s32 $0xFFFFF800  }
0x40: {  	s7 =	sand.u32 $0x7F, s24;
	_ =	swait.ge [sflag:s30], $0x800  }
0x41: {  	s11 =	sshll.u32 s7, $0x4;
	s24 =	simm.s32 $0x0;
	[sflag:s30] =	ssyncset.done $0x0  }
0x42: {  	s10 =	sor.u32 s11, s24;
	[sflag:s30] =	ssyncadd.s32 $0xFFFFF800  }
0x43: {  	v2 =	vld [tilespmem:s10+$0x4200];
	_ =	sdelay $0x4  }
0x44: {  	v2 =	vadd.f32 $1.000000020e-16, v2;
	_ =	sdelay $0x1  }
0x45: {  	(erf) = vrcp.f32 v2  }
0x46: {  	s14 =	simm.s32 $0x0;
	s7 =	sshll.u32 s7, $0x5  }
0x47: {  	s7 =	sor.u32 s7, s14  }
0x48: {  	v3 =	vld [tilespmem:s7+$0x200]  }
0x49: {  	v4 =	vld [tilespmem:s7+$0x210]  }
0x4a: {  	v2 =	vld [tilespmem:s10+$0x5200]  }
0x4b: {  	v5 =	vld [tilespmem:s7+$0x2210]  }
0x4c: {  	v6 =	vld [tilespmem:s7+$0x2200];
	_ =	sdelay $0x1  }
0x4d: {  	v7 =	vpop (erf)  }
0x4e: {  	v2 =	vmul.f32 v7, v2;
	_ =	sdelay $0x1  }
0x4f: {  	v4 =	vadd.f32 v5, v4;
	v3 =	vadd.f32 v6, v3;
	v5 =	vperm.xlane v2, v0  }
0x50: {  	v2 =	vperm.xlane v2, v1  }
0x51: {  	s24 =	simm.s32 $0x1;
	v3 =	vmul.f32 v3, v5  }
0x52: {  	s13 =	simm.s32 $0x0;
	s24 =	sand.u32 $0x7F, s24;
	s10 =	simm.s32 $0x2;
	v2 =	vmul.f32 v4, v2  }
.LBB2_3:
0x53: {  	p0 =	sne.s32 s10, $0xFF;
	s11 =	sshll.u32 s13, $0xB;
	s14 =	sshll.u32 s24, $0x4;
	[tilespmem:s7+$0x2200] =	vst v3  }
0x54: {  	s11 =	sor.u32 s14, s11;
	[tilespmem:s7+$0x2210] =	vst v2  }
0x55: {  	v2 =	vld [tilespmem:s11+$0x4200]  }
0x56: {  	v3 =	vld [tilespmem:s11+$0x5200];
	_ =	sdelay $0x3  }
0x57: {  	v2 =	vadd.f32 $1.000000020e-16, v2;
	_ =	sdelay $0x1  }
0x58: {  	(erf) = vrcp.f32 v2;
	_ =	sdelay $0x1  }
0x59: {  	s7 =	sshll.u32 s13, $0xC;
	s11 =	sshll.u32 s24, $0x5  }
0x5a: {  	s7 =	sor.u32 s11, s7  }
0x5b: {  	v2 =	vld [tilespmem:s7+$0x200]  }
0x5c: {  	v4 =	vld [tilespmem:s7+$0x210]  }
0x5d: {  	v5 =	vld [tilespmem:s7+$0x2210]  }
0x5e: {  	v6 =	vld [tilespmem:s7+$0x2200];
	_ =	sdelay $0x1  }
0x5f: {  	v7 =	vpop (erf)  }
0x60: {  	v3 =	vmul.f32 v7, v3  }
.Ltmp0:
0x61: {  	v4 =	vadd.f32 v5, v4;
	(pc) =	sbr.rel @p0 .LBB2_3-.Ltmp0, $3  }
0x62: {  	v5 =	vperm.xlane v3, v0;
	v7 =	vperm.xlane v3, v1;
	v2 =	vadd.f32 v6, v2;
	_ =	sdelay $0x1  }
0x63: {  	v3 =	vmul.f32 v2, v5;
	v2 =	vmul.f32 v4, v7  }
0x64: {  	s13 =	sshrl.u32 s10, $0x7;
	s24 =	sand.u32 $0x7F, s10;
	s10 =	sadd.s32 $0x1, s10  }
0x65: {  	s10 =	sshll.u32 s13, $0xB;
	s11 =	sshll.u32 s24, $0x4;
	[tilespmem:s7+$0x2200] =	vst v3  }
0x66: {  	[tilespmem:s7+$0x2210] =	vst v2;
	s10 =	sor.u32 s11, s10  }
0x67: {  	v2 =	vld [tilespmem:s10+$0x4200];
	_ =	sdelay $0x4  }
0x68: {  	v2 =	vadd.f32 $1.000000020e-16, v2;
	_ =	sdelay $0x1  }
0x69: {  	(erf) = vrcp.f32 v2;
	_ =	sdelay $0x1  }
0x6a: {  	s14 =	sshll.u32 s13, $0xC;
	s24 =	sshll.u32 s24, $0x5  }
0x6b: {  	s7 =	sor.u32 s24, s14  }
0x6c: {  	v3 =	vld [tilespmem:s7+$0x200]  }
0x6d: {  	v2 =	vld [tilespmem:s10+$0x5200]  }
0x6e: {  	v4 =	vld [tilespmem:s7+$0x210]  }
0x6f: {  	v5 =	vld [tilespmem:s7+$0x2200]  }
0x70: {  	v6 =	vld [tilespmem:s7+$0x2210]  }
0x71: {  	v7 =	vpop (erf)  }
0x72: {  	v2 =	vmul.f32 v7, v2;
	_ =	sdelay $0x1  }
0x73: {  	v3 =	vadd.f32 v5, v3;
	v7 =	vperm.xlane v2, v0  }
0x74: {  	v4 =	vadd.f32 v6, v4;
	v2 =	vperm.xlane v2, v1  }
0x75: {  	v3 =	vmul.f32 v3, v7  }
0x76: {  	v2 =	vmul.f32 v4, v2  }
0x77: {  	[tilespmem:s7+$0x2200] =	vst v3  }
0x78: {  	[tilespmem:s7+$0x2210] =	vst v2  }
0x79: {  	[spmem:s2] =	stream.indirect.scatter.add.f32 [tilespmem:s18], [sflag:$0x4], $0x20, s16, s20, $0xb8;
	[tilespmem:$0x1E900] =	vst v63  }
0x7a: {  	s0 =	sadd.s32 $0x1, s0  }
0x7b: {  	[spmem:s2] =	stream.indirect.scatter.add.f32 [tilespmem:s31], [sflag:$0x4], $0x20, s25, s20, $0xb8;
	[tilespmem:$0x1E900] =	vst v63  }
0x7c: {  	p0 =	sne.s32 s0, $0x64;
	_ =	swait.ge [sflag:s28], $0x1000  }
.Ltmp1:
0x7d: {  	[sflag:s28] =	ssyncset.done $0x0;
	(pc) =	sbr.rel @p0 .LBB2_2-.Ltmp1, $4  }
0x7e: {  	[sflag:s28] =	ssyncadd.s32 $0xFFFFF000  }
0x7f: {  	_ =	swait.ge [sflag:s28], $0x1000  }
0x80: {  	[sflag:s28] =	ssyncset.done $0x0  }
0x81: {  	[sflag:s28] =	ssyncadd.s32 $0xFFFFF000  }
0x82: {  	[bflag:$0x0] =	sbarrier.arrive $0xFFFF  }
0x83: {  	s11 =	rddreg [dreg:$0x5]  }
0x84: {  	s10 =	rddreg [dreg:$0x7]  }
0x85: {  	s0 =	rddreg [dreg:$0x8]  }
0x86: {  	[hbm:s0], [sflag:s11] =	dma.local [spmem:s10], $0x30E0  }
0x87: {  	_ =	swait.ge [sflag:s15], $0x30E0  }
0x88: {  	s3 =	sadd.s32 $0x1, s3;
	s24 =	rddreg [dreg:$0x6]  }
0x89: {  	p0 =	sne.s32 s3, s24  }
.Ltmp2:
0x8a: {  	_ = 	snop;
	(pc) =	sbr.rel @p0 .LBB2_1-.Ltmp2, $3  }
0x8b: {  	_ =	sdelay $0x1  }
0x8c: {  	[sflag:s15] =	ssyncset.done $0x0  }
0x8d: {  	[sflag:s15] =	ssyncadd.s32 $0xFFFFCF20  }
0x8e: {  	_ =	sfence.sel $0x180000  }
0x8f: {  	[bflag:$0x0] =	sbarrier.arrive $0xFFFF  }
0x90: {  	_ =	strace $0x90000050  }
0x91: {  	s0 =	stileid.u32;
	[bflag:$0x2] =	sbarrier.arrive $0xFFFF  }
0x92: {  	p0 =	sne.s32 s0, $0x0;
	s0 =	rddreg [dreg:$0x3]  }
0x93: {  	s0 =	sadd.s32 @!p0 $0x100000, s0  }
0x94: {  	[sflag:s0] =	ssyncadd.tile.s32 @!p0 $0x1;
	_ =	shalt  }
.Lfunc_end2:
_tile_overlayer_lowered:
.L_overlay_start_2:
0x95: {  	(tag) =	ssettag $0x2  }
0x96: {  	s0 =	rddreg [dreg:$0x0];
	s2 =	stileid.u32  }
0x97: {  	s1 =	rddreg [dreg:$0x1];
	p0 =	sne.s32 s2, $0x0  }
0x98: {  	s3 =	rddreg [dreg:$0x2];
	[bflag:$0x3] =	sbarrier.arrive $0xFFFF;
	s2 =	simm.s32 @!p0 $0x1C05  }
0x99: {  	[timem:s3], [sflag:s2] =	dma.local @!p0 [hbm:s0], s1  }
0x9a: {  	s0 =	simm.s32 @!p0 $0x5  }
0x9b: {  	_ =	swait.ge @!p0 [sflag:s0], s1  }
0x9c: {  	s1 =	ssub.s32 @!p0 $0x0, s1;
	[sflag:s0] =	ssyncset.done @!p0 $0x0  }
0x9d: {  	[sflag:s0] =	ssyncadd.s32 @!p0 s1  }
0x9e: {  	[bflag:$0x3] =	sbarrier.arrive $0xFFFF  }
0x9f: {  	_ =	shalt  }

</sc_bundles>
